<compile_context>
chip_gen: v7x
topology: tpu7x:2x2x1
jax: 0.10.2.dev20260603
libtpu: 0.0.44.dev20260713+nightly
codegen_flags: <defaults>
</compile_context>

<pallas_src>
import jax
import jax.numpy as jnp
from jax import lax
from jax.experimental import pallas as pl
from jax.experimental.pallas import tpu as pltpu
from jax.experimental.pallas import tpu_sc as plsc

N = 10000
D = 128
DH = D // 2
E = 320000
K = 10
ALPHA = 0.1

NT = 16
N_PAD = 10240
RPT = N_PAD // NT
BLK = 64
NBLK = RPT // BLK
CHUNK = 128
E_FULL = E + N
GRP = 12
SG = 2 * GRP
CPT = (-(-E_FULL // (NT * CHUNK)) + SG - 1) // SG * SG
NSG = CPT // SG
E_PAD = NT * CPT * CHUNK


def _mlp_body(x_ref, w1_ref, b1_ref, w2_ref, b2_ref, o_ref):
    h = jnp.dot(x_ref[...], w1_ref[...], preferred_element_type=jnp.float32)
    h = jnp.maximum(h + b1_ref[...], 0.0)
    o = jnp.dot(h, w2_ref[...], preferred_element_type=jnp.float32)
    o_ref[...] = o + b2_ref[...]


def _mlp(x_pad, W1, b1, W2, b2):
    BM = 1024
    return pl.pallas_call(
        _mlp_body,
        grid=(N_PAD // BM,),
        in_specs=[
            pl.BlockSpec((BM, D), lambda i: (i, 0)),
            pl.BlockSpec((D, D), lambda i: (0, 0)),
            pl.BlockSpec((1, D), lambda i: (0, 0)),
            pl.BlockSpec((D, D), lambda i: (0, 0)),
            pl.BlockSpec((1, D), lambda i: (0, 0)),
        ],
        out_specs=pl.BlockSpec((BM, D), lambda i: (i, 0)),
        out_shape=jax.ShapeDtypeStruct((N_PAD, D), jnp.float32),
    )(x_pad, W1, b1.reshape(1, D), W2, b2.reshape(1, D))


NBUF = 6


def _sc_body(h_hbm, gsrcs_hbm, dsts_hbm, ones_hbm, zrow_hbm, z16_hbm,
             z_hbm, u_hbm,
             agg, dinv_sp, sidx, didx, row_vms,
             ones_vm, zb, zb16, blk, hblk, dvblk, gsems, ssems, isems):
    cid = lax.axis_index("c")
    tid = lax.axis_index("s")
    ebase = tid * CPT
    rbase = tid * RPT
    hbase = cid * N_PAD + rbase
    gebase = cid * NT * CPT + ebase

    def _idx_fetch(gb, half):
        pltpu.async_copy(gsrcs_hbm.at[pl.ds(gebase + gb, GRP)], sidx[half],
                         isems[half])
        pltpu.async_copy(dsts_hbm.at[pl.ds(ebase + gb, GRP)], didx[half],
                         isems[2 + half])

    def _idx_wait(gb, half):
        pltpu.make_async_copy(gsrcs_hbm.at[pl.ds(gebase + gb, GRP)],
                              sidx[half], isems[half]).wait()
        pltpu.make_async_copy(dsts_hbm.at[pl.ds(ebase + gb, GRP)],
                              didx[half], isems[2 + half]).wait()

    pltpu.sync_copy(ones_hbm, ones_vm)
    pltpu.sync_copy(zrow_hbm, zb)
    pltpu.sync_copy(z16_hbm, zb16)

    @pl.loop(0, NBLK)
    def _zero(b):
        off = rbase + b * BLK
        pltpu.sync_copy(zb16, dinv_sp.at[pl.ds(off, BLK)])
        pltpu.sync_copy(zb, agg.at[pl.ds(off, BLK)])

    plsc.subcore_barrier()

    _idx_fetch(0, 0)

    @pl.loop(0, NSG)
    def _deg(s):
        base = s * SG
        for half in range(2):
            gb = base + half * GRP
            _idx_wait(gb, half)

            @pl.when(gb + GRP < CPT)
            def _pf():
                _idx_fetch(gb + GRP, 1 - half)

            dV = didx[half]
            for k in range(0, GRP, NBUF):
                cps = [pltpu.async_copy(ones_vm,
                                        dinv_sp.at[dV.at[k + b]],
                                        ssems[b], add=True)
                       for b in range(NBUF)]
                for cp in cps:
                    cp.wait()

    plsc.subcore_barrier()

    @pl.loop(0, NBLK)
    def _dinv(b):
        off = rbase + b * BLK
        pltpu.sync_copy(dinv_sp.at[pl.ds(off, BLK)], dvblk)

        @pl.loop(0, BLK // 16)
        def _grp(g):
            for i in range(16):
                r = g * 16 + i
                d = dvblk[r, :]
                di = lax.bitcast_convert_type(d, jnp.int32)
                y = lax.bitcast_convert_type(
                    jnp.int32(0x5F3759DF) - (di >> 1), jnp.float32)
                for _ in range(3):
                    y = y * (1.5 - 0.5 * d * y * y)
                dvblk[r, :] = y

        pltpu.sync_copy(dvblk, dinv_sp.at[pl.ds(off, BLK)])

    @pl.loop(0, NBLK)
    def _u0(b):
        off = rbase + b * BLK
        pltpu.sync_copy(h_hbm.at[pl.ds(hbase + b * BLK, BLK)], hblk)
        pltpu.sync_copy(dinv_sp.at[pl.ds(off, BLK)], dvblk)

        @pl.loop(0, BLK)
        def _row(r):
            dvec = dvblk[r, :]
            for c in range(DH // 16):
                sl = pl.ds(c * 16, 16)
                hblk[r, sl] = hblk[r, sl] * dvec

        pltpu.sync_copy(hblk, u_hbm.at[pl.ds(hbase + b * BLK, BLK)])

    plsc.subcore_barrier()

    @pl.loop(0, K)
    def _iter(_k):
        _idx_fetch(0, 0)

        @pl.loop(0, NSG)
        def _sg(s):
            base = s * SG
            for half in range(2):
                gb = base + half * GRP
                _idx_wait(gb, half)

                @pl.when(gb + GRP < CPT)
                def _pf():
                    _idx_fetch(gb + GRP, 1 - half)

                sV = sidx[half]
                dV = didx[half]
                for b in range(NBUF):
                    pltpu.async_copy(u_hbm.at[sV.at[b]], row_vms[b],
                                     gsems[b])
                for k in range(0, GRP, NBUF):
                    for b in range(NBUF):
                        pltpu.make_async_copy(u_hbm.at[sV.at[k + b]],
                                              row_vms[b], gsems[b]).wait()
                        pltpu.async_copy(row_vms[b], agg.at[dV.at[k + b]],
                                         ssems[b], add=True)
                    if k + NBUF < GRP:
                        for b in range(NBUF):
                            pltpu.make_async_copy(
                                row_vms[b], agg.at[dV.at[k + b]],
                                ssems[b]).wait()
                            pltpu.async_copy(u_hbm.at[sV.at[k + NBUF + b]],
                                             row_vms[b], gsems[b])
                    else:
                        for b in range(NBUF):
                            pltpu.make_async_copy(
                                row_vms[b], agg.at[dV.at[k + b]],
                                ssems[b]).wait()

        plsc.subcore_barrier()

        @pl.loop(0, NBLK)
        def _upd(b):
            off = rbase + b * BLK
            pltpu.sync_copy(agg.at[pl.ds(off, BLK)], blk)
            pltpu.sync_copy(h_hbm.at[pl.ds(hbase + b * BLK, BLK)], hblk)
            pltpu.sync_copy(dinv_sp.at[pl.ds(off, BLK)], dvblk)

            @pl.loop(0, BLK)
            def _row(r):
                dvec = dvblk[r, :]
                svec = (1.0 - ALPHA) * dvec
                for c in range(DH // 16):
                    sl = pl.ds(c * 16, 16)
                    z = blk[r, sl] * svec + ALPHA * hblk[r, sl]
                    blk[r, sl] = z * dvec

            pltpu.sync_copy(blk, u_hbm.at[pl.ds(hbase + b * BLK, BLK)])
            pltpu.sync_copy(zb, agg.at[pl.ds(off, BLK)])

        plsc.subcore_barrier()

    @pl.loop(0, NBLK)
    def _fin(b):
        off = rbase + b * BLK
        pltpu.sync_copy(u_hbm.at[pl.ds(hbase + b * BLK, BLK)], hblk)
        pltpu.sync_copy(dinv_sp.at[pl.ds(off, BLK)], dvblk)

        @pl.loop(0, BLK)
        def _row(r):
            rvec = 1.0 / dvblk[r, :]
            for c in range(DH // 16):
                sl = pl.ds(c * 16, 16)
                hblk[r, sl] = hblk[r, sl] * rvec

        pltpu.sync_copy(hblk, z_hbm.at[pl.ds(hbase + b * BLK, BLK)])


_sc_call = pl.kernel(
    _sc_body,
    out_type=(jax.ShapeDtypeStruct((2 * N_PAD, DH), jnp.float32),
              jax.ShapeDtypeStruct((2 * N_PAD, DH), jnp.float32)),
    mesh=plsc.VectorSubcoreMesh(core_axis_name="c", subcore_axis_name="s"),
    compiler_params=pltpu.CompilerParams(use_tc_tiling_on_sc=False),
    scratch_types=[
        pltpu.VMEM_SHARED((N_PAD, DH), jnp.float32),
        pltpu.VMEM_SHARED((N_PAD, 16), jnp.float32),
        tuple(pltpu.VMEM((GRP, CHUNK), jnp.int32)
              for _ in range(2)),
        tuple(pltpu.VMEM((GRP, CHUNK), jnp.int32)
              for _ in range(2)),
        tuple(pltpu.VMEM((CHUNK, DH), jnp.float32)
              for _ in range(NBUF)),
        pltpu.VMEM((CHUNK, 16), jnp.float32),
        pltpu.VMEM((BLK, DH), jnp.float32),
        pltpu.VMEM((BLK, 16), jnp.float32),
        pltpu.VMEM((BLK, DH), jnp.float32),
        pltpu.VMEM((BLK, DH), jnp.float32),
        pltpu.VMEM((BLK, 16), jnp.float32),
        tuple(pltpu.SemaphoreType.DMA
              for _ in range(NBUF)),
        tuple(pltpu.SemaphoreType.DMA
              for _ in range(NBUF)),
        tuple(pltpu.SemaphoreType.DMA
              for _ in range(4)),
    ],
)


def kernel(x, edge_index, W1, b1, W2, b2):
    x_pad = jnp.pad(x, ((0, N_PAD - N), (0, 0)))
    h_pad = _mlp(x_pad, W1, b1, W2, b2)
    h_split = jnp.concatenate([h_pad[:, :DH], h_pad[:, DH:]], axis=0)

    src = edge_index[0]
    dst = edge_index[1]
    loop_idx = jnp.arange(N, dtype=jnp.int32)
    pad_idx = N + (jnp.arange(E_PAD - E_FULL, dtype=jnp.int32) % 16)
    srcs = jnp.concatenate([src, loop_idx, pad_idx]).reshape(NT * CPT, CHUNK)
    dsts = jnp.concatenate([dst, loop_idx, pad_idx]).reshape(NT * CPT, CHUNK)
    gsrcs = jnp.concatenate([srcs, srcs + N_PAD], axis=0)

    ones16 = jnp.ones((CHUNK, 16), jnp.float32)
    zrow = jnp.zeros((BLK, DH), jnp.float32)
    z16 = jnp.zeros((BLK, 16), jnp.float32)

    z_split, _ = _sc_call(h_split, gsrcs, dsts, ones16, zrow, z16)
    return jnp.concatenate([z_split[:N], z_split[N_PAD:N_PAD + N]], axis=1)

# --- scband reference (transcript-rebuilt; emitter-appended) ---
"""Pipeline reference for scband-graph-classifier-34067680592557 (READ-ONLY COPY).

The authoritative reference and input builder live on the scoring server;
editing this copy changes nothing except your own understanding.
"""

import jax, jax.numpy as jnp
import numpy as np

N = 10000
E = 320000
D_IN = 128
D_HID = 128
D_OUT = 128
K = 10
ALPHA = 0.1


def setup_inputs(seed: int = 0) -> dict:
    key = jax.random.key(seed)
    k1, k2, k3, k4, k5, k6 = jax.random.split(key, 6)
    x = jax.random.normal(k1, (N, D_IN), dtype=jnp.float32)
    edge_index = jax.random.randint(k2, (2, E), 0, N, dtype=jnp.int32)
    W1 = jax.random.normal(k3, (D_IN, D_HID), dtype=jnp.float32) * (1.0 / np.sqrt(D_IN))
    b1 = jnp.zeros((D_HID,), dtype=jnp.float32)
    W2 = jax.random.normal(k4, (D_HID, D_OUT), dtype=jnp.float32) * (1.0 / np.sqrt(D_HID))
    b2 = jnp.zeros((D_OUT,), dtype=jnp.float32)
    return {"x": x, "edge_index": edge_index, "W1": W1, "b1": b1, "W2": W2, "b2": b2}


def reference(x, edge_index, W1, b1, W2, b2):
    # MLP: Linear -> ReLU -> Linear
    h = jnp.maximum(x @ W1 + b1, 0.0) @ W2 + b2

    # gcn_norm with self-loops (PyG semantics)
    src = edge_index[0]
    dst = edge_index[1]
    loop = jnp.arange(N, dtype=src.dtype)
    src = jnp.concatenate([src, loop])
    dst = jnp.concatenate([dst, loop])
    w = jnp.ones((src.shape[0],), dtype=h.dtype)
    deg = jnp.zeros((N,), dtype=h.dtype).at[dst].add(w)
    deg_inv_sqrt = jnp.where(deg > 0, 1.0 / jnp.sqrt(deg), 0.0)
    norm = deg_inv_sqrt[src] * w * deg_inv_sqrt[dst]

    # APPNP: z_{k+1} = (1-alpha) * A_hat z_k + alpha * h
    z = h
    for _ in range(K):
        msg = z[src] * norm[:, None]
        agg = jnp.zeros_like(z).at[dst].add(msg)
        z = agg * (1.0 - ALPHA) + ALPHA * h
    return z

if __name__ == "__main__":
    import jax
    _d = setup_inputs()
    print(jax.jit(kernel)(*tuple(_d.values())))

</pallas_src>

<mosaic_0001>
#map = affine_map<(d0, d1) -> (0, 0)>
module attributes {stable_mosaic.version = 14 : i64} {
  func.func @_sc_body(%arg0: i32, %arg1: i32, %arg2: memref<20480x64xf32, #tpu.memory_space<hbm>>, %arg3: memref<5376x128xi32, #tpu.memory_space<hbm>>, %arg4: memref<2688x128xi32, #tpu.memory_space<hbm>>, %arg5: memref<128x16xf32, #tpu.memory_space<hbm>>, %arg6: memref<64x64xf32, #tpu.memory_space<hbm>>, %arg7: memref<64x16xf32, #tpu.memory_space<hbm>>, %arg8: memref<20480x64xf32, #tpu.memory_space<hbm>>, %arg9: memref<20480x64xf32, #tpu.memory_space<hbm>>, %arg10: memref<10240x64xf32, #tpu.memory_space<vmem_shared>>, %arg11: memref<10240x16xf32, #tpu.memory_space<vmem_shared>>, %arg12: memref<12x128xi32, #tpu.memory_space<vmem>>, %arg13: memref<12x128xi32, #tpu.memory_space<vmem>>, %arg14: memref<12x128xi32, #tpu.memory_space<vmem>>, %arg15: memref<12x128xi32, #tpu.memory_space<vmem>>, %arg16: memref<128x64xf32, #tpu.memory_space<vmem>>, %arg17: memref<128x64xf32, #tpu.memory_space<vmem>>, %arg18: memref<128x64xf32, #tpu.memory_space<vmem>>, %arg19: memref<128x64xf32, #tpu.memory_space<vmem>>, %arg20: memref<128x64xf32, #tpu.memory_space<vmem>>, %arg21: memref<128x64xf32, #tpu.memory_space<vmem>>, %arg22: memref<128x16xf32, #tpu.memory_space<vmem>>, %arg23: memref<64x64xf32, #tpu.memory_space<vmem>>, %arg24: memref<64x16xf32, #tpu.memory_space<vmem>>, %arg25: memref<64x64xf32, #tpu.memory_space<vmem>>, %arg26: memref<64x64xf32, #tpu.memory_space<vmem>>, %arg27: memref<64x16xf32, #tpu.memory_space<vmem>>, %arg28: memref<!tpu.dma_semaphore, #tpu.memory_space<semaphore_mem>>, %arg29: memref<!tpu.dma_semaphore, #tpu.memory_space<semaphore_mem>>, %arg30: memref<!tpu.dma_semaphore, #tpu.memory_space<semaphore_mem>>, %arg31: memref<!tpu.dma_semaphore, #tpu.memory_space<semaphore_mem>>, %arg32: memref<!tpu.dma_semaphore, #tpu.memory_space<semaphore_mem>>, %arg33: memref<!tpu.dma_semaphore, #tpu.memory_space<semaphore_mem>>, %arg34: memref<!tpu.dma_semaphore, #tpu.memory_space<semaphore_mem>>, %arg35: memref<!tpu.dma_semaphore, #tpu.memory_space<semaphore_mem>>, %arg36: memref<!tpu.dma_semaphore, #tpu.memory_space<semaphore_mem>>, %arg37: memref<!tpu.dma_semaphore, #tpu.memory_space<semaphore_mem>>, %arg38: memref<!tpu.dma_semaphore, #tpu.memory_space<semaphore_mem>>, %arg39: memref<!tpu.dma_semaphore, #tpu.memory_space<semaphore_mem>>, %arg40: memref<!tpu.dma_semaphore, #tpu.memory_space<semaphore_mem>>, %arg41: memref<!tpu.dma_semaphore, #tpu.memory_space<semaphore_mem>>, %arg42: memref<!tpu.dma_semaphore, #tpu.memory_space<semaphore_mem>>, %arg43: memref<!tpu.dma_semaphore, #tpu.memory_space<semaphore_mem>>) attributes {dimension_semantics = [#tpu.dimension_semantics<core_parallel>, #tpu.dimension_semantics<subcore_parallel>], iteration_bounds = array<i64: 2, 16>, scalar_prefetch = 0 : i64, scratch_operands = 34 : i64, tpu.core_type = #tpu.core_type<sc_vector_subcore>, window_params = [{transform_indices = #map}, {transform_indices = #map}, {transform_indices = #map}, {transform_indices = #map}, {transform_indices = #map}, {transform_indices = #map}, {transform_indices = #map}, {transform_indices = #map}]} {
    %mul3A = arith.constant 168 : i32
    %mul3A_0 = arith.muli %arg1, %mul3A : i32
    %mul3A_1 = arith.constant 640 : i32
    %mul3A_2 = arith.muli %arg1, %mul3A_1 : i32
    %mul3A_3 = arith.constant 10240 : i32
    %mul3A_4 = arith.muli %arg0, %mul3A_3 : i32
    %add3A = arith.addi %mul3A_4, %mul3A_2 : i32
    %mul3A_5 = arith.constant 16 : i32
    %mul3A_6 = arith.muli %arg0, %mul3A_5 : i32
    %mul3A_7 = arith.constant 168 : i32
    %mul3A_8 = arith.muli %mul3A_6, %mul3A_7 : i32
    %add3A_9 = arith.addi %mul3A_8, %mul3A_0 : i32
    "tpu.region"() ({
      %run_scoped3A = tpu.sem_alloc : memref<!tpu.dma_semaphore, #tpu.memory_space<semaphore_mem>>
      tpu.enqueue_dma source(%arg5 : memref<128x16xf32, #tpu.memory_space<hbm>>) target(%arg22 : memref<128x16xf32, #tpu.memory_space<vmem>>) target_semaphore(%run_scoped3A : memref<!tpu.dma_semaphore, #tpu.memory_space<semaphore_mem>>)
      tpu.wait_dma2 semaphore(%run_scoped3A : memref<!tpu.dma_semaphore, #tpu.memory_space<semaphore_mem>>) src(%arg5 : memref<128x16xf32, #tpu.memory_space<hbm>>) dst(%arg22 : memref<128x16xf32, #tpu.memory_space<vmem>>)
      tpu.yield
    }) : () -> ()
    "tpu.region"() ({
      %run_scoped3A = tpu.sem_alloc : memref<!tpu.dma_semaphore, #tpu.memory_space<semaphore_mem>>
      tpu.enqueue_dma source(%arg6 : memref<64x64xf32, #tpu.memory_space<hbm>>) target(%arg23 : memref<64x64xf32, #tpu.memory_space<vmem>>) target_semaphore(%run_scoped3A : memref<!tpu.dma_semaphore, #tpu.memory_space<semaphore_mem>>)
      tpu.wait_dma2 semaphore(%run_scoped3A : memref<!tpu.dma_semaphore, #tpu.memory_space<semaphore_mem>>) src(%arg6 : memref<64x64xf32, #tpu.memory_space<hbm>>) dst(%arg23 : memref<64x64xf32, #tpu.memory_space<vmem>>)
      tpu.yield
    }) : () -> ()
    "tpu.region"() ({
      %run_scoped3A = tpu.sem_alloc : memref<!tpu.dma_semaphore, #tpu.memory_space<semaphore_mem>>
      tpu.enqueue_dma source(%arg7 : memref<64x16xf32, #tpu.memory_space<hbm>>) target(%arg24 : memref<64x16xf32, #tpu.memory_space<vmem>>) target_semaphore(%run_scoped3A : memref<!tpu.dma_semaphore, #tpu.memory_space<semaphore_mem>>)
      tpu.wait_dma2 semaphore(%run_scoped3A : memref<!tpu.dma_semaphore, #tpu.memory_space<semaphore_mem>>) src(%arg7 : memref<64x16xf32, #tpu.memory_space<hbm>>) dst(%arg24 : memref<64x16xf32, #tpu.memory_space<vmem>>)
      tpu.yield
    }) : () -> ()
    %scan3A = arith.constant 0 : i32
    %scan3A_10 = arith.constant 10 : i32
    %scan3A_11 = arith.addi %scan3A, %scan3A_10 : i32
    %scan3A_12 = arith.constant 1 : i32
    scf.for %scan3A_52 = %scan3A to %scan3A_11 step %scan3A_12  : i32 {
      %mul3A_53 = arith.constant 1 : i32
      %mul3A_54 = arith.muli %scan3A_52, %mul3A_53 : i32
      %add3A_55 = arith.constant 0 : i32
      %add3A_56 = arith.addi %add3A_55, %mul3A_54 : i32
      %mul3A_57 = arith.constant 64 : i32
      %mul3A_58 = arith.muli %add3A_56, %mul3A_57 : i32
      %add3A_59 = arith.addi %mul3A_2, %mul3A_58 : i32
      "tpu.region"() ({
        %run_scoped3A = tpu.sem_alloc : memref<!tpu.dma_semaphore, #tpu.memory_space<semaphore_mem>>
        %dma_start3A_60 = arith.constant 0 : i32
        %dma_start3A_61 = tpu.memref_slice %arg11[%add3A_59, %dma_start3A_60] : memref<10240x16xf32, #tpu.memory_space<vmem_shared>> -> memref<64x16xf32, #tpu.memory_space<vmem_shared>>
        %dma_start3A_62 = arith.constant 0 : i32
        %dma_start3A_63 = tpu.memref_slice %arg11[%add3A_59, %dma_start3A_62] : memref<10240x16xf32, #tpu.memory_space<vmem_shared>> -> memref<64x16xf32, #tpu.memory_space<vmem_shared>>
        tpu.enqueue_dma source(%arg24 : memref<64x16xf32, #tpu.memory_space<vmem>>) target(%dma_start3A_63 : memref<64x16xf32, #tpu.memory_space<vmem_shared>>) target_semaphore(%run_scoped3A : memref<!tpu.dma_semaphore, #tpu.memory_space<semaphore_mem>>)
        %dma_wait3A = arith.constant 0 : i32
        %dma_wait3A_64 = tpu.memref_slice %arg11[%add3A_59, %dma_wait3A] : memref<10240x16xf32, #tpu.memory_space<vmem_shared>> -> memref<64x16xf32, #tpu.memory_space<vmem_shared>>
        %dma_wait3A_65 = arith.constant 0 : i32
        %dma_wait3A_66 = tpu.memref_slice %arg11[%add3A_59, %dma_wait3A_65] : memref<10240x16xf32, #tpu.memory_space<vmem_shared>> -> memref<64x16xf32, #tpu.memory_space<vmem_shared>>
        tpu.wait_dma2 semaphore(%run_scoped3A : memref<!tpu.dma_semaphore, #tpu.memory_space<semaphore_mem>>) src(%arg24 : memref<64x16xf32, #tpu.memory_space<vmem>>) dst(%dma_wait3A_66 : memref<64x16xf32, #tpu.memory_space<vmem_shared>>)
        tpu.yield
      }) : () -> ()
      "tpu.region"() ({
        %run_scoped3A = tpu.sem_alloc : memref<!tpu.dma_semaphore, #tpu.memory_space<semaphore_mem>>
        %dma_start3A_60 = arith.constant 0 : i32
        %dma_start3A_61 = tpu.memref_slice %arg10[%add3A_59, %dma_start3A_60] : memref<10240x64xf32, #tpu.memory_space<vmem_shared>> -> memref<64x64xf32, #tpu.memory_space<vmem_shared>>
        %dma_start3A_62 = arith.constant 0 : i32
        %dma_start3A_63 = tpu.memref_slice %arg10[%add3A_59, %dma_start3A_62] : memref<10240x64xf32, #tpu.memory_space<vmem_shared>> -> memref<64x64xf32, #tpu.memory_space<vmem_shared>>
        tpu.enqueue_dma source(%arg23 : memref<64x64xf32, #tpu.memory_space<vmem>>) target(%dma_start3A_63 : memref<64x64xf32, #tpu.memory_space<vmem_shared>>) target_semaphore(%run_scoped3A : memref<!tpu.dma_semaphore, #tpu.memory_space<semaphore_mem>>)
        %dma_wait3A = arith.constant 0 : i32
        %dma_wait3A_64 = tpu.memref_slice %arg10[%add3A_59, %dma_wait3A] : memref<10240x64xf32, #tpu.memory_space<vmem_shared>> -> memref<64x64xf32, #tpu.memory_space<vmem_shared>>
        %dma_wait3A_65 = arith.constant 0 : i32
        %dma_wait3A_66 = tpu.memref_slice %arg10[%add3A_59, %dma_wait3A_65] : memref<10240x64xf32, #tpu.memory_space<vmem_shared>> -> memref<64x64xf32, #tpu.memory_space<vmem_shared>>
        tpu.wait_dma2 semaphore(%run_scoped3A : memref<!tpu.dma_semaphore, #tpu.memory_space<semaphore_mem>>) src(%arg23 : memref<64x64xf32, #tpu.memory_space<vmem>>) dst(%dma_wait3A_66 : memref<64x64xf32, #tpu.memory_space<vmem_shared>>)
        tpu.yield
      }) : () -> ()
    }
    %scan3A_13 = arith.constant 10 : i32
    %barrier3A = arith.constant 0 : index
    tpu.barrier barrier_id(%barrier3A)
    %add3A_14 = arith.constant 0 : i32
    %add3A_15 = arith.addi %add3A_9, %add3A_14 : i32
    %dma_start3A = arith.constant 0 : i32
    %dma_start3A_16 = tpu.memref_slice %arg3[%add3A_15, %dma_start3A] : memref<5376x128xi32, #tpu.memory_space<hbm>> -> memref<12x128xi32, #tpu.memory_space<hbm>>
    %dma_start3A_17 = arith.constant 0 : i32
    %dma_start3A_18 = tpu.memref_slice %arg3[%add3A_15, %dma_start3A_17] : memref<5376x128xi32, #tpu.memory_space<hbm>> -> memref<12x128xi32, #tpu.memory_space<hbm>>
    tpu.enqueue_dma source(%dma_start3A_18 : memref<12x128xi32, #tpu.memory_space<hbm>>) target(%arg12 : memref<12x128xi32, #tpu.memory_space<vmem>>) target_semaphore(%arg40 : memref<!tpu.dma_semaphore, #tpu.memory_space<semaphore_mem>>)
    %add3A_19 = arith.constant 0 : i32
    %add3A_20 = arith.addi %mul3A_0, %add3A_19 : i32
    %dma_start3A_21 = arith.constant 0 : i32
    %dma_start3A_22 = tpu.memref_slice %arg4[%add3A_20, %dma_start3A_21] : memref<2688x128xi32, #tpu.memory_space<hbm>> -> memref<12x128xi32, #tpu.memory_space<hbm>>
    %dma_start3A_23 = arith.constant 0 : i32
    %dma_start3A_24 = tpu.memref_slice %arg4[%add3A_20, %dma_start3A_23] : memref<2688x128xi32, #tpu.memory_space<hbm>> -> memref<12x128xi32, #tpu.memory_space<hbm>>
    tpu.enqueue_dma source(%dma_start3A_24 : memref<12x128xi32, #tpu.memory_space<hbm>>) target(%arg14 : memref<12x128xi32, #tpu.memory_space<vmem>>) target_semaphore(%arg42 : memref<!tpu.dma_semaphore, #tpu.memory_space<semaphore_mem>>)
    %scan3A_25 = arith.constant 0 : i32
    %scan3A_26 = arith.constant 7 : i32
    %scan3A_27 = arith.addi %scan3A_25, %scan3A_26 : i32
    %scan3A_28 = arith.constant 1 : i32
    scf.for %scan3A_52 = %scan3A_25 to %scan3A_27 step %scan3A_28  : i32 {
      %mul3A_53 = arith.constant 1 : i32
      %mul3A_54 = arith.muli %scan3A_52, %mul3A_53 : i32
      %add3A_55 = arith.constant 0 : i32
      %add3A_56 = arith.addi %add3A_55, %mul3A_54 : i32
      %mul3A_57 = arith.constant 24 : i32
      %mul3A_58 = arith.muli %add3A_56, %mul3A_57 : i32
      %add3A_59 = arith.constant 0 : i32
      %add3A_60 = arith.addi %mul3A_58, %add3A_59 : i32
      %add3A_61 = arith.addi %add3A_9, %add3A_60 : i32
      %dma_wait3A = arith.constant 0 : i32
      %dma_wait3A_62 = tpu.memref_slice %arg3[%add3A_61, %dma_wait3A] : memref<5376x128xi32, #tpu.memory_space<hbm>> -> memref<12x128xi32, #tpu.memory_space<hbm>>
      %dma_wait3A_63 = arith.constant 0 : i32
      %dma_wait3A_64 = tpu.memref_slice %arg3[%add3A_61, %dma_wait3A_63] : memref<5376x128xi32, #tpu.memory_space<hbm>> -> memref<12x128xi32, #tpu.memory_space<hbm>>
      tpu.wait_dma2 semaphore(%arg40 : memref<!tpu.dma_semaphore, #tpu.memory_space<semaphore_mem>>) src(%dma_wait3A_64 : memref<12x128xi32, #tpu.memory_space<hbm>>) dst(%arg12 : memref<12x128xi32, #tpu.memory_space<vmem>>)
      %add3A_65 = arith.addi %mul3A_0, %add3A_60 : i32
      %dma_wait3A_66 = arith.constant 0 : i32
      %dma_wait3A_67 = tpu.memref_slice %arg4[%add3A_65, %dma_wait3A_66] : memref<2688x128xi32, #tpu.memory_space<hbm>> -> memref<12x128xi32, #tpu.memory_space<hbm>>
      %dma_wait3A_68 = arith.constant 0 : i32
      %dma_wait3A_69 = tpu.memref_slice %arg4[%add3A_65, %dma_wait3A_68] : memref<2688x128xi32, #tpu.memory_space<hbm>> -> memref<12x128xi32, #tpu.memory_space<hbm>>
      tpu.wait_dma2 semaphore(%arg42 : memref<!tpu.dma_semaphore, #tpu.memory_space<semaphore_mem>>) src(%dma_wait3A_69 : memref<12x128xi32, #tpu.memory_space<hbm>>) dst(%arg14 : memref<12x128xi32, #tpu.memory_space<vmem>>)
      %add3A_70 = arith.constant 12 : i32
      %add3A_71 = arith.addi %add3A_60, %add3A_70 : i32
      %lt3A = arith.constant 168 : i32
      %lt3A_72 = arith.cmpi slt, %add3A_71, %lt3A : i32
      %convert_element_type3A = arith.extui %lt3A_72 : i1 to i32
      %cond3A = arith.constant 0 : i32
      %cond3A_73 = arith.cmpi ne, %convert_element_type3A, %cond3A : i32
      scf.if %cond3A_73 {
        %add3A_429 = arith.constant 12 : i32
        %add3A_430 = arith.addi %add3A_60, %add3A_429 : i32
        %add3A_431 = arith.addi %add3A_9, %add3A_430 : i32
        %dma_start3A_432 = arith.constant 0 : i32
        %dma_start3A_433 = tpu.memref_slice %arg3[%add3A_431, %dma_start3A_432] : memref<5376x128xi32, #tpu.memory_space<hbm>> -> memref<12x128xi32, #tpu.memory_space<hbm>>
        %dma_start3A_434 = arith.constant 0 : i32
        %dma_start3A_435 = tpu.memref_slice %arg3[%add3A_431, %dma_start3A_434] : memref<5376x128xi32, #tpu.memory_space<hbm>> -> memref<12x128xi32, #tpu.memory_space<hbm>>
        tpu.enqueue_dma source(%dma_start3A_435 : memref<12x128xi32, #tpu.memory_space<hbm>>) target(%arg13 : memref<12x128xi32, #tpu.memory_space<vmem>>) target_semaphore(%arg41 : memref<!tpu.dma_semaphore, #tpu.memory_space<semaphore_mem>>)
        %add3A_436 = arith.addi %mul3A_0, %add3A_430 : i32
        %dma_start3A_437 = arith.constant 0 : i32
        %dma_start3A_438 = tpu.memref_slice %arg4[%add3A_436, %dma_start3A_437] : memref<2688x128xi32, #tpu.memory_space<hbm>> -> memref<12x128xi32, #tpu.memory_space<hbm>>
        %dma_start3A_439 = arith.constant 0 : i32
        %dma_start3A_440 = tpu.memref_slice %arg4[%add3A_436, %dma_start3A_439] : memref<2688x128xi32, #tpu.memory_space<hbm>> -> memref<12x128xi32, #tpu.memory_space<hbm>>
        tpu.enqueue_dma source(%dma_start3A_440 : memref<12x128xi32, #tpu.memory_space<hbm>>) target(%arg15 : memref<12x128xi32, #tpu.memory_space<vmem>>) target_semaphore(%arg43 : memref<!tpu.dma_semaphore, #tpu.memory_space<semaphore_mem>>)
      } else {
      }
      %dma_start3A_74 = arith.constant 0 : i32
      %dma_start3A_75 = arith.constant 0 : i32
      %dma_start3A_76 = tpu.memref_slice %arg14[%dma_start3A_74, %dma_start3A_75] : memref<12x128xi32, #tpu.memory_space<vmem>> -> memref<1x128xi32, #tpu.memory_space<vmem>>
      %dma_start3A_77 = tpu.memref_squeeze %dma_start3A_76 : memref<1x128xi32, #tpu.memory_space<vmem>> -> memref<128xi32, #tpu.memory_space<vmem>>
      %dma_start3A_78 = arith.constant 0 : i32
      %dma_start3A_79 = arith.constant 0 : i32
      %dma_start3A_80 = tpu.memref_slice %arg11[%dma_start3A_78, %dma_start3A_79] : memref<10240x16xf32, #tpu.memory_space<vmem_shared>> -> memref<10240x16xf32, #tpu.memory_space<vmem_shared>>
      tpu.enqueue_indirect_dma source(%arg22 : memref<128x16xf32, #tpu.memory_space<vmem>>) target(%dma_start3A_80 : memref<10240x16xf32, #tpu.memory_space<vmem_shared>>) offsets(%dma_start3A_77 : memref<128xi32, #tpu.memory_space<vmem>>) semaphore(%arg34 : memref<!tpu.dma_semaphore, #tpu.memory_space<semaphore_mem>>) {add = true}
      %dma_start3A_81 = arith.constant 1 : i32
      %dma_start3A_82 = arith.constant 0 : i32
      %dma_start3A_83 = tpu.memref_slice %arg14[%dma_start3A_81, %dma_start3A_82] : memref<12x128xi32, #tpu.memory_space<vmem>> -> memref<1x128xi32, #tpu.memory_space<vmem>>
      %dma_start3A_84 = tpu.memref_squeeze %dma_start3A_83 : memref<1x128xi32, #tpu.memory_space<vmem>> -> memref<128xi32, #tpu.memory_space<vmem>>
      %dma_start3A_85 = arith.constant 0 : i32
      %dma_start3A_86 = arith.constant 0 : i32
      %dma_start3A_87 = tpu.memref_slice %arg11[%dma_start3A_85, %dma_start3A_86] : memref<10240x16xf32, #tpu.memory_space<vmem_shared>> -> memref<10240x16xf32, #tpu.memory_space<vmem_shared>>
      tpu.enqueue_indirect_dma source(%arg22 : memref<128x16xf32, #tpu.memory_space<vmem>>) target(%dma_start3A_87 : memref<10240x16xf32, #tpu.memory_space<vmem_shared>>) offsets(%dma_start3A_84 : memref<128xi32, #tpu.memory_space<vmem>>) semaphore(%arg35 : memref<!tpu.dma_semaphore, #tpu.memory_space<semaphore_mem>>) {add = true}
      %dma_start3A_88 = arith.constant 2 : i32
      %dma_start3A_89 = arith.constant 0 : i32
      %dma_start3A_90 = tpu.memref_slice %arg14[%dma_start3A_88, %dma_start3A_89] : memref<12x128xi32, #tpu.memory_space<vmem>> -> memref<1x128xi32, #tpu.memory_space<vmem>>
      %dma_start3A_91 = tpu.memref_squeeze %dma_start3A_90 : memref<1x128xi32, #tpu.memory_space<vmem>> -> memref<128xi32, #tpu.memory_space<vmem>>
      %dma_start3A_92 = arith.constant 0 : i32
      %dma_start3A_93 = arith.constant 0 : i32
      %dma_start3A_94 = tpu.memref_slice %arg11[%dma_start3A_92, %dma_start3A_93] : memref<10240x16xf32, #tpu.memory_space<vmem_shared>> -> memref<10240x16xf32, #tpu.memory_space<vmem_shared>>
      tpu.enqueue_indirect_dma source(%arg22 : memref<128x16xf32, #tpu.memory_space<vmem>>) target(%dma_start3A_94 : memref<10240x16xf32, #tpu.memory_space<vmem_shared>>) offsets(%dma_start3A_91 : memref<128xi32, #tpu.memory_space<vmem>>) semaphore(%arg36 : memref<!tpu.dma_semaphore, #tpu.memory_space<semaphore_mem>>) {add = true}
      %dma_start3A_95 = arith.constant 3 : i32
      %dma_start3A_96 = arith.constant 0 : i32
      %dma_start3A_97 = tpu.memref_slice %arg14[%dma_start3A_95, %dma_start3A_96] : memref<12x128xi32, #tpu.memory_space<vmem>> -> memref<1x128xi32, #tpu.memory_space<vmem>>
      %dma_start3A_98 = tpu.memref_squeeze %dma_start3A_97 : memref<1x128xi32, #tpu.memory_space<vmem>> -> memref<128xi32, #tpu.memory_space<vmem>>
      %dma_start3A_99 = arith.constant 0 : i32
      %dma_start3A_100 = arith.constant 0 : i32
      %dma_start3A_101 = tpu.memref_slice %arg11[%dma_start3A_99, %dma_start3A_100] : memref<10240x16xf32, #tpu.memory_space<vmem_shared>> -> memref<10240x16xf32, #tpu.memory_space<vmem_shared>>
      tpu.enqueue_indirect_dma source(%arg22 : memref<128x16xf32, #tpu.memory_space<vmem>>) target(%dma_start3A_101 : memref<10240x16xf32, #tpu.memory_space<vmem_shared>>) offsets(%dma_start3A_98 : memref<128xi32, #tpu.memory_space<vmem>>) semaphore(%arg37 : memref<!tpu.dma_semaphore, #tpu.memory_space<semaphore_mem>>) {add = true}
      %dma_start3A_102 = arith.constant 4 : i32
      %dma_start3A_103 = arith.constant 0 : i32
      %dma_start3A_104 = tpu.memref_slice %arg14[%dma_start3A_102, %dma_start3A_103] : memref<12x128xi32, #tpu.memory_space<vmem>> -> memref<1x128xi32, #tpu.memory_space<vmem>>
      %dma_start3A_105 = tpu.memref_squeeze %dma_start3A_104 : memref<1x128xi32, #tpu.memory_space<vmem>> -> memref<128xi32, #tpu.memory_space<vmem>>
      %dma_start3A_106 = arith.constant 0 : i32
      %dma_start3A_107 = arith.constant 0 : i32
      %dma_start3A_108 = tpu.memref_slice %arg11[%dma_start3A_106, %dma_start3A_107] : memref<10240x16xf32, #tpu.memory_space<vmem_shared>> -> memref<10240x16xf32, #tpu.memory_space<vmem_shared>>
      tpu.enqueue_indirect_dma source(%arg22 : memref<128x16xf32, #tpu.memory_space<vmem>>) target(%dma_start3A_108 : memref<10240x16xf32, #tpu.memory_space<vmem_shared>>) offsets(%dma_start3A_105 : memref<128xi32, #tpu.memory_space<vmem>>) semaphore(%arg38 : memref<!tpu.dma_semaphore, #tpu.memory_space<semaphore_mem>>) {add = true}
      %dma_start3A_109 = arith.constant 5 : i32
      %dma_start3A_110 = arith.constant 0 : i32
      %dma_start3A_111 = tpu.memref_slice %arg14[%dma_start3A_109, %dma_start3A_110] : memref<12x128xi32, #tpu.memory_space<vmem>> -> memref<1x128xi32, #tpu.memory_space<vmem>>
      %dma_start3A_112 = tpu.memref_squeeze %dma_start3A_111 : memref<1x128xi32, #tpu.memory_space<vmem>> -> memref<128xi32, #tpu.memory_space<vmem>>
      %dma_start3A_113 = arith.constant 0 : i32
      %dma_start3A_114 = arith.constant 0 : i32
      %dma_start3A_115 = tpu.memref_slice %arg11[%dma_start3A_113, %dma_start3A_114] : memref<10240x16xf32, #tpu.memory_space<vmem_shared>> -> memref<10240x16xf32, #tpu.memory_space<vmem_shared>>
      tpu.enqueue_indirect_dma source(%arg22 : memref<128x16xf32, #tpu.memory_space<vmem>>) target(%dma_start3A_115 : memref<10240x16xf32, #tpu.memory_space<vmem_shared>>) offsets(%dma_start3A_112 : memref<128xi32, #tpu.memory_space<vmem>>) semaphore(%arg39 : memref<!tpu.dma_semaphore, #tpu.memory_space<semaphore_mem>>) {add = true}
      %dma_wait3A_116 = arith.constant 0 : i32
      %dma_wait3A_117 = arith.constant 0 : i32
      %dma_wait3A_118 = tpu.memref_slice %arg14[%dma_wait3A_116, %dma_wait3A_117] : memref<12x128xi32, #tpu.memory_space<vmem>> -> memref<1x128xi32, #tpu.memory_space<vmem>>
      %dma_wait3A_119 = tpu.memref_squeeze %dma_wait3A_118 : memref<1x128xi32, #tpu.memory_space<vmem>> -> memref<128xi32, #tpu.memory_space<vmem>>
      %dma_wait3A_120 = arith.constant 0 : i32
      %dma_wait3A_121 = arith.constant 0 : i32
      %dma_wait3A_122 = tpu.memref_slice %arg11[%dma_wait3A_120, %dma_wait3A_121] : memref<10240x16xf32, #tpu.memory_space<vmem_shared>> -> memref<10240x16xf32, #tpu.memory_space<vmem_shared>>
      tpu.wait_indirect_dma semaphore(%arg34 : memref<!tpu.dma_semaphore, #tpu.memory_space<semaphore_mem>>) src(%arg22 : memref<128x16xf32, #tpu.memory_space<vmem>>) dst(%dma_wait3A_122 : memref<10240x16xf32, #tpu.memory_space<vmem_shared>>)
      %dma_wait3A_123 = arith.constant 1 : i32
      %dma_wait3A_124 = arith.constant 0 : i32
      %dma_wait3A_125 = tpu.memref_slice %arg14[%dma_wait3A_123, %dma_wait3A_124] : memref<12x128xi32, #tpu.memory_space<vmem>> -> memref<1x128xi32, #tpu.memory_space<vmem>>
      %dma_wait3A_126 = tpu.memref_squeeze %dma_wait3A_125 : memref<1x128xi32, #tpu.memory_space<vmem>> -> memref<128xi32, #tpu.memory_space<vmem>>
      %dma_wait3A_127 = arith.constant 0 : i32
      %dma_wait3A_128 = arith.constant 0 : i32
      %dma_wait3A_129 = tpu.memref_slice %arg11[%dma_wait3A_127, %dma_wait3A_128] : memref<10240x16xf32, #tpu.memory_space<vmem_shared>> -> memref<10240x16xf32, #tpu.memory_space<vmem_shared>>
      tpu.wait_indirect_dma semaphore(%arg35 : memref<!tpu.dma_semaphore, #tpu.memory_space<semaphore_mem>>) src(%arg22 : memref<128x16xf32, #tpu.memory_space<vmem>>) dst(%dma_wait3A_129 : memref<10240x16xf32, #tpu.memory_space<vmem_shared>>)
      %dma_wait3A_130 = arith.constant 2 : i32
      %dma_wait3A_131 = arith.constant 0 : i32
      %dma_wait3A_132 = tpu.memref_slice %arg14[%dma_wait3A_130, %dma_wait3A_131] : memref<12x128xi32, #tpu.memory_space<vmem>> -> memref<1x128xi32, #tpu.memory_space<vmem>>
      %dma_wait3A_133 = tpu.memref_squeeze %dma_wait3A_132 : memref<1x128xi32, #tpu.memory_space<vmem>> -> memref<128xi32, #tpu.memory_space<vmem>>
      %dma_wait3A_134 = arith.constant 0 : i32
      %dma_wait3A_135 = arith.constant 0 : i32
      %dma_wait3A_136 = tpu.memref_slice %arg11[%dma_wait3A_134, %dma_wait3A_135] : memref<10240x16xf32, #tpu.memory_space<vmem_shared>> -> memref<10240x16xf32, #tpu.memory_space<vmem_shared>>
      tpu.wait_indirect_dma semaphore(%arg36 : memref<!tpu.dma_semaphore, #tpu.memory_space<semaphore_mem>>) src(%arg22 : memref<128x16xf32, #tpu.memory_space<vmem>>) dst(%dma_wait3A_136 : memref<10240x16xf32, #tpu.memory_space<vmem_shared>>)
      %dma_wait3A_137 = arith.constant 3 : i32
      %dma_wait3A_138 = arith.constant 0 : i32
      %dma_wait3A_139 = tpu.memref_slice %arg14[%dma_wait3A_137, %dma_wait3A_138] : memref<12x128xi32, #tpu.memory_space<vmem>> -> memref<1x128xi32, #tpu.memory_space<vmem>>
      %dma_wait3A_140 = tpu.memref_squeeze %dma_wait3A_139 : memref<1x128xi32, #tpu.memory_space<vmem>> -> memref<128xi32, #tpu.memory_space<vmem>>
      %dma_wait3A_141 = arith.constant 0 : i32
      %dma_wait3A_142 = arith.constant 0 : i32
      %dma_wait3A_143 = tpu.memref_slice %arg11[%dma_wait3A_141, %dma_wait3A_142] : memref<10240x16xf32, #tpu.memory_space<vmem_shared>> -> memref<10240x16xf32, #tpu.memory_space<vmem_shared>>
      tpu.wait_indirect_dma semaphore(%arg37 : memref<!tpu.dma_semaphore, #tpu.memory_space<semaphore_mem>>) src(%arg22 : memref<128x16xf32, #tpu.memory_space<vmem>>) dst(%dma_wait3A_143 : memref<10240x16xf32, #tpu.memory_space<vmem_shared>>)
      %dma_wait3A_144 = arith.constant 4 : i32
      %dma_wait3A_145 = arith.constant 0 : i32
      %dma_wait3A_146 = tpu.memref_slice %arg14[%dma_wait3A_144, %dma_wait3A_145] : memref<12x128xi32, #tpu.memory_space<vmem>> -> memref<1x128xi32, #tpu.memory_space<vmem>>
      %dma_wait3A_147 = tpu.memref_squeeze %dma_wait3A_146 : memref<1x128xi32, #tpu.memory_space<vmem>> -> memref<128xi32, #tpu.memory_space<vmem>>
      %dma_wait3A_148 = arith.constant 0 : i32
      %dma_wait3A_149 = arith.constant 0 : i32
      %dma_wait3A_150 = tpu.memref_slice %arg11[%dma_wait3A_148, %dma_wait3A_149] : memref<10240x16xf32, #tpu.memory_space<vmem_shared>> -> memref<10240x16xf32, #tpu.memory_space<vmem_shared>>
      tpu.wait_indirect_dma semaphore(%arg38 : memref<!tpu.dma_semaphore, #tpu.memory_space<semaphore_mem>>) src(%arg22 : memref<128x16xf32, #tpu.memory_space<vmem>>) dst(%dma_wait3A_150 : memref<10240x16xf32, #tpu.memory_space<vmem_shared>>)
      %dma_wait3A_151 = arith.constant 5 : i32
      %dma_wait3A_152 = arith.constant 0 : i32
      %dma_wait3A_153 = tpu.memref_slice %arg14[%dma_wait3A_151, %dma_wait3A_152] : memref<12x128xi32, #tpu.memory_space<vmem>> -> memref<1x128xi32, #tpu.memory_space<vmem>>
      %dma_wait3A_154 = tpu.memref_squeeze %dma_wait3A_153 : memref<1x128xi32, #tpu.memory_space<vmem>> -> memref<128xi32, #tpu.memory_space<vmem>>
      %dma_wait3A_155 = arith.constant 0 : i32
      %dma_wait3A_156 = arith.constant 0 : i32
      %dma_wait3A_157 = tpu.memref_slice %arg11[%dma_wait3A_155, %dma_wait3A_156] : memref<10240x16xf32, #tpu.memory_space<vmem_shared>> -> memref<10240x16xf32, #tpu.memory_space<vmem_shared>>
      tpu.wait_indirect_dma semaphore(%arg39 : memref<!tpu.dma_semaphore, #tpu.memory_space<semaphore_mem>>) src(%arg22 : memref<128x16xf32, #tpu.memory_space<vmem>>) dst(%dma_wait3A_157 : memref<10240x16xf32, #tpu.memory_space<vmem_shared>>)
      %dma_start3A_158 = arith.constant 6 : i32
      %dma_start3A_159 = arith.constant 0 : i32
      %dma_start3A_160 = tpu.memref_slice %arg14[%dma_start3A_158, %dma_start3A_159] : memref<12x128xi32, #tpu.memory_space<vmem>> -> memref<1x128xi32, #tpu.memory_space<vmem>>
      %dma_start3A_161 = tpu.memref_squeeze %dma_start3A_160 : memref<1x128xi32, #tpu.memory_space<vmem>> -> memref<128xi32, #tpu.memory_space<vmem>>
      %dma_start3A_162 = arith.constant 0 : i32
      %dma_start3A_163 = arith.constant 0 : i32
      %dma_start3A_164 = tpu.memref_slice %arg11[%dma_start3A_162, %dma_start3A_163] : memref<10240x16xf32, #tpu.memory_space<vmem_shared>> -> memref<10240x16xf32, #tpu.memory_space<vmem_shared>>
      tpu.enqueue_indirect_dma source(%arg22 : memref<128x16xf32, #tpu.memory_space<vmem>>) target(%dma_start3A_164 : memref<10240x16xf32, #tpu.memory_space<vmem_shared>>) offsets(%dma_start3A_161 : memref<128xi32, #tpu.memory_space<vmem>>) semaphore(%arg34 : memref<!tpu.dma_semaphore, #tpu.memory_space<semaphore_mem>>) {add = true}
      %dma_start3A_165 = arith.constant 7 : i32
      %dma_start3A_166 = arith.constant 0 : i32
      %dma_start3A_167 = tpu.memref_slice %arg14[%dma_start3A_165, %dma_start3A_166] : memref<12x128xi32, #tpu.memory_space<vmem>> -> memref<1x128xi32, #tpu.memory_space<vmem>>
      %dma_start3A_168 = tpu.memref_squeeze %dma_start3A_167 : memref<1x128xi32, #tpu.memory_space<vmem>> -> memref<128xi32, #tpu.memory_space<vmem>>
      %dma_start3A_169 = arith.constant 0 : i32
      %dma_start3A_170 = arith.constant 0 : i32
      %dma_start3A_171 = tpu.memref_slice %arg11[%dma_start3A_169, %dma_start3A_170] : memref<10240x16xf32, #tpu.memory_space<vmem_shared>> -> memref<10240x16xf32, #tpu.memory_space<vmem_shared>>
      tpu.enqueue_indirect_dma source(%arg22 : memref<128x16xf32, #tpu.memory_space<vmem>>) target(%dma_start3A_171 : memref<10240x16xf32, #tpu.memory_space<vmem_shared>>) offsets(%dma_start3A_168 : memref<128xi32, #tpu.memory_space<vmem>>) semaphore(%arg35 : memref<!tpu.dma_semaphore, #tpu.memory_space<semaphore_mem>>) {add = true}
      %dma_start3A_172 = arith.constant 8 : i32
      %dma_start3A_173 = arith.constant 0 : i32
      %dma_start3A_174 = tpu.memref_slice %arg14[%dma_start3A_172, %dma_start3A_173] : memref<12x128xi32, #tpu.memory_space<vmem>> -> memref<1x128xi32, #tpu.memory_space<vmem>>
      %dma_start3A_175 = tpu.memref_squeeze %dma_start3A_174 : memref<1x128xi32, #tpu.memory_space<vmem>> -> memref<128xi32, #tpu.memory_space<vmem>>
      %dma_start3A_176 = arith.constant 0 : i32
      %dma_start3A_177 = arith.constant 0 : i32
      %dma_start3A_178 = tpu.memref_slice %arg11[%dma_start3A_176, %dma_start3A_177] : memref<10240x16xf32, #tpu.memory_space<vmem_shared>> -> memref<10240x16xf32, #tpu.memory_space<vmem_shared>>
      tpu.enqueue_indirect_dma source(%arg22 : memref<128x16xf32, #tpu.memory_space<vmem>>) target(%dma_start3A_178 : memref<10240x16xf32, #tpu.memory_space<vmem_shared>>) offsets(%dma_start3A_175 : memref<128xi32, #tpu.memory_space<vmem>>) semaphore(%arg36 : memref<!tpu.dma_semaphore, #tpu.memory_space<semaphore_mem>>) {add = true}
      %dma_start3A_179 = arith.constant 9 : i32
      %dma_start3A_180 = arith.constant 0 : i32
      %dma_start3A_181 = tpu.memref_slice %arg14[%dma_start3A_179, %dma_start3A_180] : memref<12x128xi32, #tpu.memory_space<vmem>> -> memref<1x128xi32, #tpu.memory_space<vmem>>
      %dma_start3A_182 = tpu.memref_squeeze %dma_start3A_181 : memref<1x128xi32, #tpu.memory_space<vmem>> -> memref<128xi32, #tpu.memory_space<vmem>>
      %dma_start3A_183 = arith.constant 0 : i32
      %dma_start3A_184 = arith.constant 0 : i32
      %dma_start3A_185 = tpu.memref_slice %arg11[%dma_start3A_183, %dma_start3A_184] : memref<10240x16xf32, #tpu.memory_space<vmem_shared>> -> memref<10240x16xf32, #tpu.memory_space<vmem_shared>>
      tpu.enqueue_indirect_dma source(%arg22 : memref<128x16xf32, #tpu.memory_space<vmem>>) target(%dma_start3A_185 : memref<10240x16xf32, #tpu.memory_space<vmem_shared>>) offsets(%dma_start3A_182 : memref<128xi32, #tpu.memory_space<vmem>>) semaphore(%arg37 : memref<!tpu.dma_semaphore, #tpu.memory_space<semaphore_mem>>) {add = true}
      %dma_start3A_186 = arith.constant 10 : i32
      %dma_start3A_187 = arith.constant 0 : i32
      %dma_start3A_188 = tpu.memref_slice %arg14[%dma_start3A_186, %dma_start3A_187] : memref<12x128xi32, #tpu.memory_space<vmem>> -> memref<1x128xi32, #tpu.memory_space<vmem>>
      %dma_start3A_189 = tpu.memref_squeeze %dma_start3A_188 : memref<1x128xi32, #tpu.memory_space<vmem>> -> memref<128xi32, #tpu.memory_space<vmem>>
      %dma_start3A_190 = arith.constant 0 : i32
      %dma_start3A_191 = arith.constant 0 : i32
      %dma_start3A_192 = tpu.memref_slice %arg11[%dma_start3A_190, %dma_start3A_191] : memref<10240x16xf32, #tpu.memory_space<vmem_shared>> -> memref<10240x16xf32, #tpu.memory_space<vmem_shared>>
      tpu.enqueue_indirect_dma source(%arg22 : memref<128x16xf32, #tpu.memory_space<vmem>>) target(%dma_start3A_192 : memref<10240x16xf32, #tpu.memory_space<vmem_shared>>) offsets(%dma_start3A_189 : memref<128xi32, #tpu.memory_space<vmem>>) semaphore(%arg38 : memref<!tpu.dma_semaphore, #tpu.memory_space<semaphore_mem>>) {add = true}
      %dma_start3A_193 = arith.constant 11 : i32
      %dma_start3A_194 = arith.constant 0 : i32
      %dma_start3A_195 = tpu.memref_slice %arg14[%dma_start3A_193, %dma_start3A_194] : memref<12x128xi32, #tpu.memory_space<vmem>> -> memref<1x128xi32, #tpu.memory_space<vmem>>
      %dma_start3A_196 = tpu.memref_squeeze %dma_start3A_195 : memref<1x128xi32, #tpu.memory_space<vmem>> -> memref<128xi32, #tpu.memory_space<vmem>>
      %dma_start3A_197 = arith.constant 0 : i32
      %dma_start3A_198 = arith.constant 0 : i32
      %dma_start3A_199 = tpu.memref_slice %arg11[%dma_start3A_197, %dma_start3A_198] : memref<10240x16xf32, #tpu.memory_space<vmem_shared>> -> memref<10240x16xf32, #tpu.memory_space<vmem_shared>>
      tpu.enqueue_indirect_dma source(%arg22 : memref<128x16xf32, #tpu.memory_space<vmem>>) target(%dma_start3A_199 : memref<10240x16xf32, #tpu.memory_space<vmem_shared>>) offsets(%dma_start3A_196 : memref<128xi32, #tpu.memory_space<vmem>>) semaphore(%arg39 : memref<!tpu.dma_semaphore, #tpu.memory_space<semaphore_mem>>) {add = true}
      %dma_wait3A_200 = arith.constant 6 : i32
      %dma_wait3A_201 = arith.constant 0 : i32
      %dma_wait3A_202 = tpu.memref_slice %arg14[%dma_wait3A_200, %dma_wait3A_201] : memref<12x128xi32, #tpu.memory_space<vmem>> -> memref<1x128xi32, #tpu.memory_space<vmem>>
      %dma_wait3A_203 = tpu.memref_squeeze %dma_wait3A_202 : memref<1x128xi32, #tpu.memory_space<vmem>> -> memref<128xi32, #tpu.memory_space<vmem>>
      %dma_wait3A_204 = arith.constant 0 : i32
      %dma_wait3A_205 = arith.constant 0 : i32
      %dma_wait3A_206 = tpu.memref_slice %arg11[%dma_wait3A_204, %dma_wait3A_205] : memref<10240x16xf32, #tpu.memory_space<vmem_shared>> -> memref<10240x16xf32, #tpu.memory_space<vmem_shared>>
      tpu.wait_indirect_dma semaphore(%arg34 : memref<!tpu.dma_semaphore, #tpu.memory_space<semaphore_mem>>) src(%arg22 : memref<128x16xf32, #tpu.memory_space<vmem>>) dst(%dma_wait3A_206 : memref<10240x16xf32, #tpu.memory_space<vmem_shared>>)
      %dma_wait3A_207 = arith.constant 7 : i32
      %dma_wait3A_208 = arith.constant 0 : i32
      %dma_wait3A_209 = tpu.memref_slice %arg14[%dma_wait3A_207, %dma_wait3A_208] : memref<12x128xi32, #tpu.memory_space<vmem>> -> memref<1x128xi32, #tpu.memory_space<vmem>>
      %dma_wait3A_210 = tpu.memref_squeeze %dma_wait3A_209 : memref<1x128xi32, #tpu.memory_space<vmem>> -> memref<128xi32, #tpu.memory_space<vmem>>
      %dma_wait3A_211 = arith.constant 0 : i32
      %dma_wait3A_212 = arith.constant 0 : i32
      %dma_wait3A_213 = tpu.memref_slice %arg11[%dma_wait3A_211, %dma_wait3A_212] : memref<10240x16xf32, #tpu.memory_space<vmem_shared>> -> memref<10240x16xf32, #tpu.memory_space<vmem_shared>>
      tpu.wait_indirect_dma semaphore(%arg35 : memref<!tpu.dma_semaphore, #tpu.memory_space<semaphore_mem>>) src(%arg22 : memref<128x16xf32, #tpu.memory_space<vmem>>) dst(%dma_wait3A_213 : memref<10240x16xf32, #tpu.memory_space<vmem_shared>>)
      %dma_wait3A_214 = arith.constant 8 : i32
      %dma_wait3A_215 = arith.constant 0 : i32
      %dma_wait3A_216 = tpu.memref_slice %arg14[%dma_wait3A_214, %dma_wait3A_215] : memref<12x128xi32, #tpu.memory_space<vmem>> -> memref<1x128xi32, #tpu.memory_space<vmem>>
      %dma_wait3A_217 = tpu.memref_squeeze %dma_wait3A_216 : memref<1x128xi32, #tpu.memory_space<vmem>> -> memref<128xi32, #tpu.memory_space<vmem>>
      %dma_wait3A_218 = arith.constant 0 : i32
      %dma_wait3A_219 = arith.constant 0 : i32
      %dma_wait3A_220 = tpu.memref_slice %arg11[%dma_wait3A_218, %dma_wait3A_219] : memref<10240x16xf32, #tpu.memory_space<vmem_shared>> -> memref<10240x16xf32, #tpu.memory_space<vmem_shared>>
      tpu.wait_indirect_dma semaphore(%arg36 : memref<!tpu.dma_semaphore, #tpu.memory_space<semaphore_mem>>) src(%arg22 : memref<128x16xf32, #tpu.memory_space<vmem>>) dst(%dma_wait3A_220 : memref<10240x16xf32, #tpu.memory_space<vmem_shared>>)
      %dma_wait3A_221 = arith.constant 9 : i32
      %dma_wait3A_222 = arith.constant 0 : i32
      %dma_wait3A_223 = tpu.memref_slice %arg14[%dma_wait3A_221, %dma_wait3A_222] : memref<12x128xi32, #tpu.memory_space<vmem>> -> memref<1x128xi32, #tpu.memory_space<vmem>>
      %dma_wait3A_224 = tpu.memref_squeeze %dma_wait3A_223 : memref<1x128xi32, #tpu.memory_space<vmem>> -> memref<128xi32, #tpu.memory_space<vmem>>
      %dma_wait3A_225 = arith.constant 0 : i32
      %dma_wait3A_226 = arith.constant 0 : i32
      %dma_wait3A_227 = tpu.memref_slice %arg11[%dma_wait3A_225, %dma_wait3A_226] : memref<10240x16xf32, #tpu.memory_space<vmem_shared>> -> memref<10240x16xf32, #tpu.memory_space<vmem_shared>>
      tpu.wait_indirect_dma semaphore(%arg37 : memref<!tpu.dma_semaphore, #tpu.memory_space<semaphore_mem>>) src(%arg22 : memref<128x16xf32, #tpu.memory_space<vmem>>) dst(%dma_wait3A_227 : memref<10240x16xf32, #tpu.memory_space<vmem_shared>>)
      %dma_wait3A_228 = arith.constant 10 : i32
      %dma_wait3A_229 = arith.constant 0 : i32
      %dma_wait3A_230 = tpu.memref_slice %arg14[%dma_wait3A_228, %dma_wait3A_229] : memref<12x128xi32, #tpu.memory_space<vmem>> -> memref<1x128xi32, #tpu.memory_space<vmem>>
      %dma_wait3A_231 = tpu.memref_squeeze %dma_wait3A_230 : memref<1x128xi32, #tpu.memory_space<vmem>> -> memref<128xi32, #tpu.memory_space<vmem>>
      %dma_wait3A_232 = arith.constant 0 : i32
      %dma_wait3A_233 = arith.constant 0 : i32
      %dma_wait3A_234 = tpu.memref_slice %arg11[%dma_wait3A_232, %dma_wait3A_233] : memref<10240x16xf32, #tpu.memory_space<vmem_shared>> -> memref<10240x16xf32, #tpu.memory_space<vmem_shared>>
      tpu.wait_indirect_dma semaphore(%arg38 : memref<!tpu.dma_semaphore, #tpu.memory_space<semaphore_mem>>) src(%arg22 : memref<128x16xf32, #tpu.memory_space<vmem>>) dst(%dma_wait3A_234 : memref<10240x16xf32, #tpu.memory_space<vmem_shared>>)
      %dma_wait3A_235 = arith.constant 11 : i32
      %dma_wait3A_236 = arith.constant 0 : i32
      %dma_wait3A_237 = tpu.memref_slice %arg14[%dma_wait3A_235, %dma_wait3A_236] : memref<12x128xi32, #tpu.memory_space<vmem>> -> memref<1x128xi32, #tpu.memory_space<vmem>>
      %dma_wait3A_238 = tpu.memref_squeeze %dma_wait3A_237 : memref<1x128xi32, #tpu.memory_space<vmem>> -> memref<128xi32, #tpu.memory_space<vmem>>
      %dma_wait3A_239 = arith.constant 0 : i32
      %dma_wait3A_240 = arith.constant 0 : i32
      %dma_wait3A_241 = tpu.memref_slice %arg11[%dma_wait3A_239, %dma_wait3A_240] : memref<10240x16xf32, #tpu.memory_space<vmem_shared>> -> memref<10240x16xf32, #tpu.memory_space<vmem_shared>>
      tpu.wait_indirect_dma semaphore(%arg39 : memref<!tpu.dma_semaphore, #tpu.memory_space<semaphore_mem>>) src(%arg22 : memref<128x16xf32, #tpu.memory_space<vmem>>) dst(%dma_wait3A_241 : memref<10240x16xf32, #tpu.memory_space<vmem_shared>>)
      %add3A_242 = arith.constant 12 : i32
      %add3A_243 = arith.addi %mul3A_58, %add3A_242 : i32
      %add3A_244 = arith.addi %add3A_9, %add3A_243 : i32
      %dma_wait3A_245 = arith.constant 0 : i32
      %dma_wait3A_246 = tpu.memref_slice %arg3[%add3A_244, %dma_wait3A_245] : memref<5376x128xi32, #tpu.memory_space<hbm>> -> memref<12x128xi32, #tpu.memory_space<hbm>>
      %dma_wait3A_247 = arith.constant 0 : i32
      %dma_wait3A_248 = tpu.memref_slice %arg3[%add3A_244, %dma_wait3A_247] : memref<5376x128xi32, #tpu.memory_space<hbm>> -> memref<12x128xi32, #tpu.memory_space<hbm>>
      tpu.wait_dma2 semaphore(%arg41 : memref<!tpu.dma_semaphore, #tpu.memory_space<semaphore_mem>>) src(%dma_wait3A_248 : memref<12x128xi32, #tpu.memory_space<hbm>>) dst(%arg13 : memref<12x128xi32, #tpu.memory_space<vmem>>)
      %add3A_249 = arith.addi %mul3A_0, %add3A_243 : i32
      %dma_wait3A_250 = arith.constant 0 : i32
      %dma_wait3A_251 = tpu.memref_slice %arg4[%add3A_249, %dma_wait3A_250] : memref<2688x128xi32, #tpu.memory_space<hbm>> -> memref<12x128xi32, #tpu.memory_space<hbm>>
      %dma_wait3A_252 = arith.constant 0 : i32
      %dma_wait3A_253 = tpu.memref_slice %arg4[%add3A_249, %dma_wait3A_252] : memref<2688x128xi32, #tpu.memory_space<hbm>> -> memref<12x128xi32, #tpu.memory_space<hbm>>
      tpu.wait_dma2 semaphore(%arg43 : memref<!tpu.dma_semaphore, #tpu.memory_space<semaphore_mem>>) src(%dma_wait3A_253 : memref<12x128xi32, #tpu.memory_space<hbm>>) dst(%arg15 : memref<12x128xi32, #tpu.memory_space<vmem>>)
      %add3A_254 = arith.constant 12 : i32
      %add3A_255 = arith.addi %add3A_243, %add3A_254 : i32
      %lt3A_256 = arith.constant 168 : i32
      %lt3A_257 = arith.cmpi slt, %add3A_255, %lt3A_256 : i32
      %convert_element_type3A_258 = arith.extui %lt3A_257 : i1 to i32
      %cond3A_259 = arith.constant 0 : i32
      %cond3A_260 = arith.cmpi ne, %convert_element_type3A_258, %cond3A_259 : i32
      scf.if %cond3A_260 {
        %add3A_429 = arith.constant 12 : i32
        %add3A_430 = arith.addi %add3A_243, %add3A_429 : i32
        %add3A_431 = arith.addi %add3A_9, %add3A_430 : i32
        %dma_start3A_432 = arith.constant 0 : i32
        %dma_start3A_433 = tpu.memref_slice %arg3[%add3A_431, %dma_start3A_432] : memref<5376x128xi32, #tpu.memory_space<hbm>> -> memref<12x128xi32, #tpu.memory_space<hbm>>
        %dma_start3A_434 = arith.constant 0 : i32
        %dma_start3A_435 = tpu.memref_slice %arg3[%add3A_431, %dma_start3A_434] : memref<5376x128xi32, #tpu.memory_space<hbm>> -> memref<12x128xi32, #tpu.memory_space<hbm>>
        tpu.enqueue_dma source(%dma_start3A_435 : memref<12x128xi32, #tpu.memory_space<hbm>>) target(%arg12 : memref<12x128xi32, #tpu.memory_space<vmem>>) target_semaphore(%arg40 : memref<!tpu.dma_semaphore, #tpu.memory_space<semaphore_mem>>)
        %add3A_436 = arith.addi %mul3A_0, %add3A_430 : i32
        %dma_start3A_437 = arith.constant 0 : i32
        %dma_start3A_438 = tpu.memref_slice %arg4[%add3A_436, %dma_start3A_437] : memref<2688x128xi32, #tpu.memory_space<hbm>> -> memref<12x128xi32, #tpu.memory_space<hbm>>
        %dma_start3A_439 = arith.constant 0 : i32
        %dma_start3A_440 = tpu.memref_slice %arg4[%add3A_436, %dma_start3A_439] : memref<2688x128xi32, #tpu.memory_space<hbm>> -> memref<12x128xi32, #tpu.memory_space<hbm>>
        tpu.enqueue_dma source(%dma_start3A_440 : memref<12x128xi32, #tpu.memory_space<hbm>>) target(%arg14 : memref<12x128xi32, #tpu.memory_space<vmem>>) target_semaphore(%arg42 : memref<!tpu.dma_semaphore, #tpu.memory_space<semaphore_mem>>)
      } else {
      }
      %dma_start3A_261 = arith.constant 0 : i32
      %dma_start3A_262 = arith.constant 0 : i32
      %dma_start3A_263 = tpu.memref_slice %arg15[%dma_start3A_261, %dma_start3A_262] : memref<12x128xi32, #tpu.memory_space<vmem>> -> memref<1x128xi32, #tpu.memory_space<vmem>>
      %dma_start3A_264 = tpu.memref_squeeze %dma_start3A_263 : memref<1x128xi32, #tpu.memory_space<vmem>> -> memref<128xi32, #tpu.memory_space<vmem>>
      %dma_start3A_265 = arith.constant 0 : i32
      %dma_start3A_266 = arith.constant 0 : i32
      %dma_start3A_267 = tpu.memref_slice %arg11[%dma_start3A_265, %dma_start3A_266] : memref<10240x16xf32, #tpu.memory_space<vmem_shared>> -> memref<10240x16xf32, #tpu.memory_space<vmem_shared>>
      tpu.enqueue_indirect_dma source(%arg22 : memref<128x16xf32, #tpu.memory_space<vmem>>) target(%dma_start3A_267 : memref<10240x16xf32, #tpu.memory_space<vmem_shared>>) offsets(%dma_start3A_264 : memref<128xi32, #tpu.memory_space<vmem>>) semaphore(%arg34 : memref<!tpu.dma_semaphore, #tpu.memory_space<semaphore_mem>>) {add = true}
      %dma_start3A_268 = arith.constant 1 : i32
      %dma_start3A_269 = arith.constant 0 : i32
      %dma_start3A_270 = tpu.memref_slice %arg15[%dma_start3A_268, %dma_start3A_269] : memref<12x128xi32, #tpu.memory_space<vmem>> -> memref<1x128xi32, #tpu.memory_space<vmem>>
      %dma_start3A_271 = tpu.memref_squeeze %dma_start3A_270 : memref<1x128xi32, #tpu.memory_space<vmem>> -> memref<128xi32, #tpu.memory_space<vmem>>
      %dma_start3A_272 = arith.constant 0 : i32
      %dma_start3A_273 = arith.constant 0 : i32
      %dma_start3A_274 = tpu.memref_slice %arg11[%dma_start3A_272, %dma_start3A_273] : memref<10240x16xf32, #tpu.memory_space<vmem_shared>> -> memref<10240x16xf32, #tpu.memory_space<vmem_shared>>
      tpu.enqueue_indirect_dma source(%arg22 : memref<128x16xf32, #tpu.memory_space<vmem>>) target(%dma_start3A_274 : memref<10240x16xf32, #tpu.memory_space<vmem_shared>>) offsets(%dma_start3A_271 : memref<128xi32, #tpu.memory_space<vmem>>) semaphore(%arg35 : memref<!tpu.dma_semaphore, #tpu.memory_space<semaphore_mem>>) {add = true}
      %dma_start3A_275 = arith.constant 2 : i32
      %dma_start3A_276 = arith.constant 0 : i32
      %dma_start3A_277 = tpu.memref_slice %arg15[%dma_start3A_275, %dma_start3A_276] : memref<12x128xi32, #tpu.memory_space<vmem>> -> memref<1x128xi32, #tpu.memory_space<vmem>>
      %dma_start3A_278 = tpu.memref_squeeze %dma_start3A_277 : memref<1x128xi32, #tpu.memory_space<vmem>> -> memref<128xi32, #tpu.memory_space<vmem>>
      %dma_start3A_279 = arith.constant 0 : i32
      %dma_start3A_280 = arith.constant 0 : i32
      %dma_start3A_281 = tpu.memref_slice %arg11[%dma_start3A_279, %dma_start3A_280] : memref<10240x16xf32, #tpu.memory_space<vmem_shared>> -> memref<10240x16xf32, #tpu.memory_space<vmem_shared>>
      tpu.enqueue_indirect_dma source(%arg22 : memref<128x16xf32, #tpu.memory_space<vmem>>) target(%dma_start3A_281 : memref<10240x16xf32, #tpu.memory_space<vmem_shared>>) offsets(%dma_start3A_278 : memref<128xi32, #tpu.memory_space<vmem>>) semaphore(%arg36 : memref<!tpu.dma_semaphore, #tpu.memory_space<semaphore_mem>>) {add = true}
      %dma_start3A_282 = arith.constant 3 : i32
      %dma_start3A_283 = arith.constant 0 : i32
      %dma_start3A_284 = tpu.memref_slice %arg15[%dma_start3A_282, %dma_start3A_283] : memref<12x128xi32, #tpu.memory_space<vmem>> -> memref<1x128xi32, #tpu.memory_space<vmem>>
      %dma_start3A_285 = tpu.memref_squeeze %dma_start3A_284 : memref<1x128xi32, #tpu.memory_space<vmem>> -> memref<128xi32, #tpu.memory_space<vmem>>
      %dma_start3A_286 = arith.constant 0 : i32
      %dma_start3A_287 = arith.constant 0 : i32
      %dma_start3A_288 = tpu.memref_slice %arg11[%dma_start3A_286, %dma_start3A_287] : memref<10240x16xf32, #tpu.memory_space<vmem_shared>> -> memref<10240x16xf32, #tpu.memory_space<vmem_shared>>
      tpu.enqueue_indirect_dma source(%arg22 : memref<128x16xf32, #tpu.memory_space<vmem>>) target(%dma_start3A_288 : memref<10240x16xf32, #tpu.memory_space<vmem_shared>>) offsets(%dma_start3A_285 : memref<128xi32, #tpu.memory_space<vmem>>) semaphore(%arg37 : memref<!tpu.dma_semaphore, #tpu.memory_space<semaphore_mem>>) {add = true}
      %dma_start3A_289 = arith.constant 4 : i32
      %dma_start3A_290 = arith.constant 0 : i32
      %dma_start3A_291 = tpu.memref_slice %arg15[%dma_start3A_289, %dma_start3A_290] : memref<12x128xi32, #tpu.memory_space<vmem>> -> memref<1x128xi32, #tpu.memory_space<vmem>>
      %dma_start3A_292 = tpu.memref_squeeze %dma_start3A_291 : memref<1x128xi32, #tpu.memory_space<vmem>> -> memref<128xi32, #tpu.memory_space<vmem>>
      %dma_start3A_293 = arith.constant 0 : i32
      %dma_start3A_294 = arith.constant 0 : i32
      %dma_start3A_295 = tpu.memref_slice %arg11[%dma_start3A_293, %dma_start3A_294] : memref<10240x16xf32, #tpu.memory_space<vmem_shared>> -> memref<10240x16xf32, #tpu.memory_space<vmem_shared>>
      tpu.enqueue_indirect_dma source(%arg22 : memref<128x16xf32, #tpu.memory_space<vmem>>) target(%dma_start3A_295 : memref<10240x16xf32, #tpu.memory_space<vmem_shared>>) offsets(%dma_start3A_292 : memref<128xi32, #tpu.memory_space<vmem>>) semaphore(%arg38 : memref<!tpu.dma_semaphore, #tpu.memory_space<semaphore_mem>>) {add = true}
      %dma_start3A_296 = arith.constant 5 : i32
      %dma_start3A_297 = arith.constant 0 : i32
      %dma_start3A_298 = tpu.memref_slice %arg15[%dma_start3A_296, %dma_start3A_297] : memref<12x128xi32, #tpu.memory_space<vmem>> -> memref<1x128xi32, #tpu.memory_space<vmem>>
      %dma_start3A_299 = tpu.memref_squeeze %dma_start3A_298 : memref<1x128xi32, #tpu.memory_space<vmem>> -> memref<128xi32, #tpu.memory_space<vmem>>
      %dma_start3A_300 = arith.constant 0 : i32
      %dma_start3A_301 = arith.constant 0 : i32
      %dma_start3A_302 = tpu.memref_slice %arg11[%dma_start3A_300, %dma_start3A_301] : memref<10240x16xf32, #tpu.memory_space<vmem_shared>> -> memref<10240x16xf32, #tpu.memory_space<vmem_shared>>
      tpu.enqueue_indirect_dma source(%arg22 : memref<128x16xf32, #tpu.memory_space<vmem>>) target(%dma_start3A_302 : memref<10240x16xf32, #tpu.memory_space<vmem_shared>>) offsets(%dma_start3A_299 : memref<128xi32, #tpu.memory_space<vmem>>) semaphore(%arg39 : memref<!tpu.dma_semaphore, #tpu.memory_space<semaphore_mem>>) {add = true}
      %dma_wait3A_303 = arith.constant 0 : i32
      %dma_wait3A_304 = arith.constant 0 : i32
      %dma_wait3A_305 = tpu.memref_slice %arg15[%dma_wait3A_303, %dma_wait3A_304] : memref<12x128xi32, #tpu.memory_space<vmem>> -> memref<1x128xi32, #tpu.memory_space<vmem>>
      %dma_wait3A_306 = tpu.memref_squeeze %dma_wait3A_305 : memref<1x128xi32, #tpu.memory_space<vmem>> -> memref<128xi32, #tpu.memory_space<vmem>>
      %dma_wait3A_307 = arith.constant 0 : i32
      %dma_wait3A_308 = arith.constant 0 : i32
      %dma_wait3A_309 = tpu.memref_slice %arg11[%dma_wait3A_307, %dma_wait3A_308] : memref<10240x16xf32, #tpu.memory_space<vmem_shared>> -> memref<10240x16xf32, #tpu.memory_space<vmem_shared>>
      tpu.wait_indirect_dma semaphore(%arg34 : memref<!tpu.dma_semaphore, #tpu.memory_space<semaphore_mem>>) src(%arg22 : memref<128x16xf32, #tpu.memory_space<vmem>>) dst(%dma_wait3A_309 : memref<10240x16xf32, #tpu.memory_space<vmem_shared>>)
      %dma_wait3A_310 = arith.constant 1 : i32
      %dma_wait3A_311 = arith.constant 0 : i32
      %dma_wait3A_312 = tpu.memref_slice %arg15[%dma_wait3A_310, %dma_wait3A_311] : memref<12x128xi32, #tpu.memory_space<vmem>> -> memref<1x128xi32, #tpu.memory_space<vmem>>
      %dma_wait3A_313 = tpu.memref_squeeze %dma_wait3A_312 : memref<1x128xi32, #tpu.memory_space<vmem>> -> memref<128xi32, #tpu.memory_space<vmem>>
      %dma_wait3A_314 = arith.constant 0 : i32
      %dma_wait3A_315 = arith.constant 0 : i32
      %dma_wait3A_316 = tpu.memref_slice %arg11[%dma_wait3A_314, %dma_wait3A_315] : memref<10240x16xf32, #tpu.memory_space<vmem_shared>> -> memref<10240x16xf32, #tpu.memory_space<vmem_shared>>
      tpu.wait_indirect_dma semaphore(%arg35 : memref<!tpu.dma_semaphore, #tpu.memory_space<semaphore_mem>>) src(%arg22 : memref<128x16xf32, #tpu.memory_space<vmem>>) dst(%dma_wait3A_316 : memref<10240x16xf32, #tpu.memory_space<vmem_shared>>)
      %dma_wait3A_317 = arith.constant 2 : i32
      %dma_wait3A_318 = arith.constant 0 : i32
      %dma_wait3A_319 = tpu.memref_slice %arg15[%dma_wait3A_317, %dma_wait3A_318] : memref<12x128xi32, #tpu.memory_space<vmem>> -> memref<1x128xi32, #tpu.memory_space<vmem>>
      %dma_wait3A_320 = tpu.memref_squeeze %dma_wait3A_319 : memref<1x128xi32, #tpu.memory_space<vmem>> -> memref<128xi32, #tpu.memory_space<vmem>>
      %dma_wait3A_321 = arith.constant 0 : i32
      %dma_wait3A_322 = arith.constant 0 : i32
      %dma_wait3A_323 = tpu.memref_slice %arg11[%dma_wait3A_321, %dma_wait3A_322] : memref<10240x16xf32, #tpu.memory_space<vmem_shared>> -> memref<10240x16xf32, #tpu.memory_space<vmem_shared>>
      tpu.wait_indirect_dma semaphore(%arg36 : memref<!tpu.dma_semaphore, #tpu.memory_space<semaphore_mem>>) src(%arg22 : memref<128x16xf32, #tpu.memory_space<vmem>>) dst(%dma_wait3A_323 : memref<10240x16xf32, #tpu.memory_space<vmem_shared>>)
      %dma_wait3A_324 = arith.constant 3 : i32
      %dma_wait3A_325 = arith.constant 0 : i32
      %dma_wait3A_326 = tpu.memref_slice %arg15[%dma_wait3A_324, %dma_wait3A_325] : memref<12x128xi32, #tpu.memory_space<vmem>> -> memref<1x128xi32, #tpu.memory_space<vmem>>
      %dma_wait3A_327 = tpu.memref_squeeze %dma_wait3A_326 : memref<1x128xi32, #tpu.memory_space<vmem>> -> memref<128xi32, #tpu.memory_space<vmem>>
      %dma_wait3A_328 = arith.constant 0 : i32
      %dma_wait3A_329 = arith.constant 0 : i32
      %dma_wait3A_330 = tpu.memref_slice %arg11[%dma_wait3A_328, %dma_wait3A_329] : memref<10240x16xf32, #tpu.memory_space<vmem_shared>> -> memref<10240x16xf32, #tpu.memory_space<vmem_shared>>
      tpu.wait_indirect_dma semaphore(%arg37 : memref<!tpu.dma_semaphore, #tpu.memory_space<semaphore_mem>>) src(%arg22 : memref<128x16xf32, #tpu.memory_space<vmem>>) dst(%dma_wait3A_330 : memref<10240x16xf32, #tpu.memory_space<vmem_shared>>)
      %dma_wait3A_331 = arith.constant 4 : i32
      %dma_wait3A_332 = arith.constant 0 : i32
      %dma_wait3A_333 = tpu.memref_slice %arg15[%dma_wait3A_331, %dma_wait3A_332] : memref<12x128xi32, #tpu.memory_space<vmem>> -> memref<1x128xi32, #tpu.memory_space<vmem>>
      %dma_wait3A_334 = tpu.memref_squeeze %dma_wait3A_333 : memref<1x128xi32, #tpu.memory_space<vmem>> -> memref<128xi32, #tpu.memory_space<vmem>>
      %dma_wait3A_335 = arith.constant 0 : i32
      %dma_wait3A_336 = arith.constant 0 : i32
      %dma_wait3A_337 = tpu.memref_slice %arg11[%dma_wait3A_335, %dma_wait3A_336] : memref<10240x16xf32, #tpu.memory_space<vmem_shared>> -> memref<10240x16xf32, #tpu.memory_space<vmem_shared>>
      tpu.wait_indirect_dma semaphore(%arg38 : memref<!tpu.dma_semaphore, #tpu.memory_space<semaphore_mem>>) src(%arg22 : memref<128x16xf32, #tpu.memory_space<vmem>>) dst(%dma_wait3A_337 : memref<10240x16xf32, #tpu.memory_space<vmem_shared>>)
      %dma_wait3A_338 = arith.constant 5 : i32
      %dma_wait3A_339 = arith.constant 0 : i32
      %dma_wait3A_340 = tpu.memref_slice %arg15[%dma_wait3A_338, %dma_wait3A_339] : memref<12x128xi32, #tpu.memory_space<vmem>> -> memref<1x128xi32, #tpu.memory_space<vmem>>
      %dma_wait3A_341 = tpu.memref_squeeze %dma_wait3A_340 : memref<1x128xi32, #tpu.memory_space<vmem>> -> memref<128xi32, #tpu.memory_space<vmem>>
      %dma_wait3A_342 = arith.constant 0 : i32
      %dma_wait3A_343 = arith.constant 0 : i32
      %dma_wait3A_344 = tpu.memref_slice %arg11[%dma_wait3A_342, %dma_wait3A_343] : memref<10240x16xf32, #tpu.memory_space<vmem_shared>> -> memref<10240x16xf32, #tpu.memory_space<vmem_shared>>
      tpu.wait_indirect_dma semaphore(%arg39 : memref<!tpu.dma_semaphore, #tpu.memory_space<semaphore_mem>>) src(%arg22 : memref<128x16xf32, #tpu.memory_space<vmem>>) dst(%dma_wait3A_344 : memref<10240x16xf32, #tpu.memory_space<vmem_shared>>)
      %dma_start3A_345 = arith.constant 6 : i32
      %dma_start3A_346 = arith.constant 0 : i32
      %dma_start3A_347 = tpu.memref_slice %arg15[%dma_start3A_345, %dma_start3A_346] : memref<12x128xi32, #tpu.memory_space<vmem>> -> memref<1x128xi32, #tpu.memory_space<vmem>>
      %dma_start3A_348 = tpu.memref_squeeze %dma_start3A_347 : memref<1x128xi32, #tpu.memory_space<vmem>> -> memref<128xi32, #tpu.memory_space<vmem>>
      %dma_start3A_349 = arith.constant 0 : i32
      %dma_start3A_350 = arith.constant 0 : i32
      %dma_start3A_351 = tpu.memref_slice %arg11[%dma_start3A_349, %dma_start3A_350] : memref<10240x16xf32, #tpu.memory_space<vmem_shared>> -> memref<10240x16xf32, #tpu.memory_space<vmem_shared>>
      tpu.enqueue_indirect_dma source(%arg22 : memref<128x16xf32, #tpu.memory_space<vmem>>) target(%dma_start3A_351 : memref<10240x16xf32, #tpu.memory_space<vmem_shared>>) offsets(%dma_start3A_348 : memref<128xi32, #tpu.memory_space<vmem>>) semaphore(%arg34 : memref<!tpu.dma_semaphore, #tpu.memory_space<semaphore_mem>>) {add = true}
      %dma_start3A_352 = arith.constant 7 : i32
      %dma_start3A_353 = arith.constant 0 : i32
      %dma_start3A_354 = tpu.memref_slice %arg15[%dma_start3A_352, %dma_start3A_353] : memref<12x128xi32, #tpu.memory_space<vmem>> -> memref<1x128xi32, #tpu.memory_space<vmem>>
      %dma_start3A_355 = tpu.memref_squeeze %dma_start3A_354 : memref<1x128xi32, #tpu.memory_space<vmem>> -> memref<128xi32, #tpu.memory_space<vmem>>
      %dma_start3A_356 = arith.constant 0 : i32
      %dma_start3A_357 = arith.constant 0 : i32
      %dma_start3A_358 = tpu.memref_slice %arg11[%dma_start3A_356, %dma_start3A_357] : memref<10240x16xf32, #tpu.memory_space<vmem_shared>> -> memref<10240x16xf32, #tpu.memory_space<vmem_shared>>
      tpu.enqueue_indirect_dma source(%arg22 : memref<128x16xf32, #tpu.memory_space<vmem>>) target(%dma_start3A_358 : memref<10240x16xf32, #tpu.memory_space<vmem_shared>>) offsets(%dma_start3A_355 : memref<128xi32, #tpu.memory_space<vmem>>) semaphore(%arg35 : memref<!tpu.dma_semaphore, #tpu.memory_space<semaphore_mem>>) {add = true}
      %dma_start3A_359 = arith.constant 8 : i32
      %dma_start3A_360 = arith.constant 0 : i32
      %dma_start3A_361 = tpu.memref_slice %arg15[%dma_start3A_359, %dma_start3A_360] : memref<12x128xi32, #tpu.memory_space<vmem>> -> memref<1x128xi32, #tpu.memory_space<vmem>>
      %dma_start3A_362 = tpu.memref_squeeze %dma_start3A_361 : memref<1x128xi32, #tpu.memory_space<vmem>> -> memref<128xi32, #tpu.memory_space<vmem>>
      %dma_start3A_363 = arith.constant 0 : i32
      %dma_start3A_364 = arith.constant 0 : i32
      %dma_start3A_365 = tpu.memref_slice %arg11[%dma_start3A_363, %dma_start3A_364] : memref<10240x16xf32, #tpu.memory_space<vmem_shared>> -> memref<10240x16xf32, #tpu.memory_space<vmem_shared>>
      tpu.enqueue_indirect_dma source(%arg22 : memref<128x16xf32, #tpu.memory_space<vmem>>) target(%dma_start3A_365 : memref<10240x16xf32, #tpu.memory_space<vmem_shared>>) offsets(%dma_start3A_362 : memref<128xi32, #tpu.memory_space<vmem>>) semaphore(%arg36 : memref<!tpu.dma_semaphore, #tpu.memory_space<semaphore_mem>>) {add = true}
      %dma_start3A_366 = arith.constant 9 : i32
      %dma_start3A_367 = arith.constant 0 : i32
      %dma_start3A_368 = tpu.memref_slice %arg15[%dma_start3A_366, %dma_start3A_367] : memref<12x128xi32, #tpu.memory_space<vmem>> -> memref<1x128xi32, #tpu.memory_space<vmem>>
      %dma_start3A_369 = tpu.memref_squeeze %dma_start3A_368 : memref<1x128xi32, #tpu.memory_space<vmem>> -> memref<128xi32, #tpu.memory_space<vmem>>
      %dma_start3A_370 = arith.constant 0 : i32
      %dma_start3A_371 = arith.constant 0 : i32
      %dma_start3A_372 = tpu.memref_slice %arg11[%dma_start3A_370, %dma_start3A_371] : memref<10240x16xf32, #tpu.memory_space<vmem_shared>> -> memref<10240x16xf32, #tpu.memory_space<vmem_shared>>
      tpu.enqueue_indirect_dma source(%arg22 : memref<128x16xf32, #tpu.memory_space<vmem>>) target(%dma_start3A_372 : memref<10240x16xf32, #tpu.memory_space<vmem_shared>>) offsets(%dma_start3A_369 : memref<128xi32, #tpu.memory_space<vmem>>) semaphore(%arg37 : memref<!tpu.dma_semaphore, #tpu.memory_space<semaphore_mem>>) {add = true}
      %dma_start3A_373 = arith.constant 10 : i32
      %dma_start3A_374 = arith.constant 0 : i32
      %dma_start3A_375 = tpu.memref_slice %arg15[%dma_start3A_373, %dma_start3A_374] : memref<12x128xi32, #tpu.memory_space<vmem>> -> memref<1x128xi32, #tpu.memory_space<vmem>>
      %dma_start3A_376 = tpu.memref_squeeze %dma_start3A_375 : memref<1x128xi32, #tpu.memory_space<vmem>> -> memref<128xi32, #tpu.memory_space<vmem>>
      %dma_start3A_377 = arith.constant 0 : i32
      %dma_start3A_378 = arith.constant 0 : i32
      %dma_start3A_379 = tpu.memref_slice %arg11[%dma_start3A_377, %dma_start3A_378] : memref<10240x16xf32, #tpu.memory_space<vmem_shared>> -> memref<10240x16xf32, #tpu.memory_space<vmem_shared>>
      tpu.enqueue_indirect_dma source(%arg22 : memref<128x16xf32, #tpu.memory_space<vmem>>) target(%dma_start3A_379 : memref<10240x16xf32, #tpu.memory_space<vmem_shared>>) offsets(%dma_start3A_376 : memref<128xi32, #tpu.memory_space<vmem>>) semaphore(%arg38 : memref<!tpu.dma_semaphore, #tpu.memory_space<semaphore_mem>>) {add = true}
      %dma_start3A_380 = arith.constant 11 : i32
      %dma_start3A_381 = arith.constant 0 : i32
      %dma_start3A_382 = tpu.memref_slice %arg15[%dma_start3A_380, %dma_start3A_381] : memref<12x128xi32, #tpu.memory_space<vmem>> -> memref<1x128xi32, #tpu.memory_space<vmem>>
      %dma_start3A_383 = tpu.memref_squeeze %dma_start3A_382 : memref<1x128xi32, #tpu.memory_space<vmem>> -> memref<128xi32, #tpu.memory_space<vmem>>
      %dma_start3A_384 = arith.constant 0 : i32
      %dma_start3A_385 = arith.constant 0 : i32
      %dma_start3A_386 = tpu.memref_slice %arg11[%dma_start3A_384, %dma_start3A_385] : memref<10240x16xf32, #tpu.memory_space<vmem_shared>> -> memref<10240x16xf32, #tpu.memory_space<vmem_shared>>
      tpu.enqueue_indirect_dma source(%arg22 : memref<128x16xf32, #tpu.memory_space<vmem>>) target(%dma_start3A_386 : memref<10240x16xf32, #tpu.memory_space<vmem_shared>>) offsets(%dma_start3A_383 : memref<128xi32, #tpu.memory_space<vmem>>) semaphore(%arg39 : memref<!tpu.dma_semaphore, #tpu.memory_space<semaphore_mem>>) {add = true}
      %dma_wait3A_387 = arith.constant 6 : i32
      %dma_wait3A_388 = arith.constant 0 : i32
      %dma_wait3A_389 = tpu.memref_slice %arg15[%dma_wait3A_387, %dma_wait3A_388] : memref<12x128xi32, #tpu.memory_space<vmem>> -> memref<1x128xi32, #tpu.memory_space<vmem>>
      %dma_wait3A_390 = tpu.memref_squeeze %dma_wait3A_389 : memref<1x128xi32, #tpu.memory_space<vmem>> -> memref<128xi32, #tpu.memory_space<vmem>>
      %dma_wait3A_391 = arith.constant 0 : i32
      %dma_wait3A_392 = arith.constant 0 : i32
      %dma_wait3A_393 = tpu.memref_slice %arg11[%dma_wait3A_391, %dma_wait3A_392] : memref<10240x16xf32, #tpu.memory_space<vmem_shared>> -> memref<10240x16xf32, #tpu.memory_space<vmem_shared>>
      tpu.wait_indirect_dma semaphore(%arg34 : memref<!tpu.dma_semaphore, #tpu.memory_space<semaphore_mem>>) src(%arg22 : memref<128x16xf32, #tpu.memory_space<vmem>>) dst(%dma_wait3A_393 : memref<10240x16xf32, #tpu.memory_space<vmem_shared>>)
      %dma_wait3A_394 = arith.constant 7 : i32
      %dma_wait3A_395 = arith.constant 0 : i32
      %dma_wait3A_396 = tpu.memref_slice %arg15[%dma_wait3A_394, %dma_wait3A_395] : memref<12x128xi32, #tpu.memory_space<vmem>> -> memref<1x128xi32, #tpu.memory_space<vmem>>
      %dma_wait3A_397 = tpu.memref_squeeze %dma_wait3A_396 : memref<1x128xi32, #tpu.memory_space<vmem>> -> memref<128xi32, #tpu.memory_space<vmem>>
      %dma_wait3A_398 = arith.constant 0 : i32
      %dma_wait3A_399 = arith.constant 0 : i32
      %dma_wait3A_400 = tpu.memref_slice %arg11[%dma_wait3A_398, %dma_wait3A_399] : memref<10240x16xf32, #tpu.memory_space<vmem_shared>> -> memref<10240x16xf32, #tpu.memory_space<vmem_shared>>
      tpu.wait_indirect_dma semaphore(%arg35 : memref<!tpu.dma_semaphore, #tpu.memory_space<semaphore_mem>>) src(%arg22 : memref<128x16xf32, #tpu.memory_space<vmem>>) dst(%dma_wait3A_400 : memref<10240x16xf32, #tpu.memory_space<vmem_shared>>)
      %dma_wait3A_401 = arith.constant 8 : i32
      %dma_wait3A_402 = arith.constant 0 : i32
      %dma_wait3A_403 = tpu.memref_slice %arg15[%dma_wait3A_401, %dma_wait3A_402] : memref<12x128xi32, #tpu.memory_space<vmem>> -> memref<1x128xi32, #tpu.memory_space<vmem>>
      %dma_wait3A_404 = tpu.memref_squeeze %dma_wait3A_403 : memref<1x128xi32, #tpu.memory_space<vmem>> -> memref<128xi32, #tpu.memory_space<vmem>>
      %dma_wait3A_405 = arith.constant 0 : i32
      %dma_wait3A_406 = arith.constant 0 : i32
      %dma_wait3A_407 = tpu.memref_slice %arg11[%dma_wait3A_405, %dma_wait3A_406] : memref<10240x16xf32, #tpu.memory_space<vmem_shared>> -> memref<10240x16xf32, #tpu.memory_space<vmem_shared>>
      tpu.wait_indirect_dma semaphore(%arg36 : memref<!tpu.dma_semaphore, #tpu.memory_space<semaphore_mem>>) src(%arg22 : memref<128x16xf32, #tpu.memory_space<vmem>>) dst(%dma_wait3A_407 : memref<10240x16xf32, #tpu.memory_space<vmem_shared>>)
      %dma_wait3A_408 = arith.constant 9 : i32
      %dma_wait3A_409 = arith.constant 0 : i32
      %dma_wait3A_410 = tpu.memref_slice %arg15[%dma_wait3A_408, %dma_wait3A_409] : memref<12x128xi32, #tpu.memory_space<vmem>> -> memref<1x128xi32, #tpu.memory_space<vmem>>
      %dma_wait3A_411 = tpu.memref_squeeze %dma_wait3A_410 : memref<1x128xi32, #tpu.memory_space<vmem>> -> memref<128xi32, #tpu.memory_space<vmem>>
      %dma_wait3A_412 = arith.constant 0 : i32
      %dma_wait3A_413 = arith.constant 0 : i32
      %dma_wait3A_414 = tpu.memref_slice %arg11[%dma_wait3A_412, %dma_wait3A_413] : memref<10240x16xf32, #tpu.memory_space<vmem_shared>> -> memref<10240x16xf32, #tpu.memory_space<vmem_shared>>
      tpu.wait_indirect_dma semaphore(%arg37 : memref<!tpu.dma_semaphore, #tpu.memory_space<semaphore_mem>>) src(%arg22 : memref<128x16xf32, #tpu.memory_space<vmem>>) dst(%dma_wait3A_414 : memref<10240x16xf32, #tpu.memory_space<vmem_shared>>)
      %dma_wait3A_415 = arith.constant 10 : i32
      %dma_wait3A_416 = arith.constant 0 : i32
      %dma_wait3A_417 = tpu.memref_slice %arg15[%dma_wait3A_415, %dma_wait3A_416] : memref<12x128xi32, #tpu.memory_space<vmem>> -> memref<1x128xi32, #tpu.memory_space<vmem>>
      %dma_wait3A_418 = tpu.memref_squeeze %dma_wait3A_417 : memref<1x128xi32, #tpu.memory_space<vmem>> -> memref<128xi32, #tpu.memory_space<vmem>>
      %dma_wait3A_419 = arith.constant 0 : i32
      %dma_wait3A_420 = arith.constant 0 : i32
      %dma_wait3A_421 = tpu.memref_slice %arg11[%dma_wait3A_419, %dma_wait3A_420] : memref<10240x16xf32, #tpu.memory_space<vmem_shared>> -> memref<10240x16xf32, #tpu.memory_space<vmem_shared>>
      tpu.wait_indirect_dma semaphore(%arg38 : memref<!tpu.dma_semaphore, #tpu.memory_space<semaphore_mem>>) src(%arg22 : memref<128x16xf32, #tpu.memory_space<vmem>>) dst(%dma_wait3A_421 : memref<10240x16xf32, #tpu.memory_space<vmem_shared>>)
      %dma_wait3A_422 = arith.constant 11 : i32
      %dma_wait3A_423 = arith.constant 0 : i32
      %dma_wait3A_424 = tpu.memref_slice %arg15[%dma_wait3A_422, %dma_wait3A_423] : memref<12x128xi32, #tpu.memory_space<vmem>> -> memref<1x128xi32, #tpu.memory_space<vmem>>
      %dma_wait3A_425 = tpu.memref_squeeze %dma_wait3A_424 : memref<1x128xi32, #tpu.memory_space<vmem>> -> memref<128xi32, #tpu.memory_space<vmem>>
      %dma_wait3A_426 = arith.constant 0 : i32
      %dma_wait3A_427 = arith.constant 0 : i32
      %dma_wait3A_428 = tpu.memref_slice %arg11[%dma_wait3A_426, %dma_wait3A_427] : memref<10240x16xf32, #tpu.memory_space<vmem_shared>> -> memref<10240x16xf32, #tpu.memory_space<vmem_shared>>
      tpu.wait_indirect_dma semaphore(%arg39 : memref<!tpu.dma_semaphore, #tpu.memory_space<semaphore_mem>>) src(%arg22 : memref<128x16xf32, #tpu.memory_space<vmem>>) dst(%dma_wait3A_428 : memref<10240x16xf32, #tpu.memory_space<vmem_shared>>)
    }
    %scan3A_29 = arith.constant 7 : i32
    %barrier3A_30 = arith.constant 0 : index
    tpu.barrier barrier_id(%barrier3A_30)
    %scan3A_31 = arith.constant 0 : i32
    %scan3A_32 = arith.constant 10 : i32
    %scan3A_33 = arith.addi %scan3A_31, %scan3A_32 : i32
    %scan3A_34 = arith.constant 1 : i32
    scf.for %scan3A_52 = %scan3A_31 to %scan3A_33 step %scan3A_34  : i32 {
      %mul3A_53 = arith.constant 1 : i32
      %mul3A_54 = arith.muli %scan3A_52, %mul3A_53 : i32
      %add3A_55 = arith.constant 0 : i32
      %add3A_56 = arith.addi %add3A_55, %mul3A_54 : i32
      %mul3A_57 = arith.constant 64 : i32
      %mul3A_58 = arith.muli %add3A_56, %mul3A_57 : i32
      %add3A_59 = arith.addi %mul3A_2, %mul3A_58 : i32
      "tpu.region"() ({
        %run_scoped3A = tpu.sem_alloc : memref<!tpu.dma_semaphore, #tpu.memory_space<semaphore_mem>>
        %dma_start3A_65 = arith.constant 0 : i32
        %dma_start3A_66 = tpu.memref_slice %arg11[%add3A_59, %dma_start3A_65] : memref<10240x16xf32, #tpu.memory_space<vmem_shared>> -> memref<64x16xf32, #tpu.memory_space<vmem_shared>>
        %dma_start3A_67 = arith.constant 0 : i32
        %dma_start3A_68 = tpu.memref_slice %arg11[%add3A_59, %dma_start3A_67] : memref<10240x16xf32, #tpu.memory_space<vmem_shared>> -> memref<64x16xf32, #tpu.memory_space<vmem_shared>>
        tpu.enqueue_dma source(%dma_start3A_68 : memref<64x16xf32, #tpu.memory_space<vmem_shared>>) target(%arg27 : memref<64x16xf32, #tpu.memory_space<vmem>>) target_semaphore(%run_scoped3A : memref<!tpu.dma_semaphore, #tpu.memory_space<semaphore_mem>>)
        %dma_wait3A = arith.constant 0 : i32
        %dma_wait3A_69 = tpu.memref_slice %arg11[%add3A_59, %dma_wait3A] : memref<10240x16xf32, #tpu.memory_space<vmem_shared>> -> memref<64x16xf32, #tpu.memory_space<vmem_shared>>
        %dma_wait3A_70 = arith.constant 0 : i32
        %dma_wait3A_71 = tpu.memref_slice %arg11[%add3A_59, %dma_wait3A_70] : memref<10240x16xf32, #tpu.memory_space<vmem_shared>> -> memref<64x16xf32, #tpu.memory_space<vmem_shared>>
        tpu.wait_dma2 semaphore(%run_scoped3A : memref<!tpu.dma_semaphore, #tpu.memory_space<semaphore_mem>>) src(%dma_wait3A_71 : memref<64x16xf32, #tpu.memory_space<vmem_shared>>) dst(%arg27 : memref<64x16xf32, #tpu.memory_space<vmem>>)
        tpu.yield
      }) : () -> ()
      %scan3A_60 = arith.constant 0 : i32
      %scan3A_61 = arith.constant 4 : i32
      %scan3A_62 = arith.addi %scan3A_60, %scan3A_61 : i32
      %scan3A_63 = arith.constant 1 : i32
      scf.for %scan3A_65 = %scan3A_60 to %scan3A_62 step %scan3A_63  : i32 {
        %mul3A_66 = arith.constant 1 : i32
        %mul3A_67 = arith.muli %scan3A_65, %mul3A_66 : i32
        %add3A_68 = arith.constant 0 : i32
        %add3A_69 = arith.addi %add3A_68, %mul3A_67 : i32
        %mul3A_70 = arith.constant 16 : i32
        %mul3A_71 = arith.muli %add3A_69, %mul3A_70 : i32
        %add3A_72 = arith.constant 0 : i32
        %add3A_73 = arith.addi %mul3A_71, %add3A_72 : i32
        %get3A = arith.index_cast %add3A_73 : i32 to index
        %get3A_74 = arith.constant 0 : index
        %get3A_75 = tpu.vector_load %arg27[%get3A, %get3A_74] {strides = array<i32>} : memref<64x16xf32, #tpu.memory_space<vmem>>, vector<1x16xf32>,
        %get3A_76 = vector.shape_cast %get3A_75 : vector<1x16xf32> to vector<16xf32>
        %bitcast_convert_type3A = tpu.bitcast %get3A_76 : vector<16xf32> -> vector<16xi32>
        %shift_right_arithmetic3A = arith.constant 1 : i32
        %shift_right_arithmetic3A_77 = vector.broadcast %shift_right_arithmetic3A : i32 to vector<16xi32>
        %shift_right_arithmetic3A_78 = arith.shrsi %bitcast_convert_type3A, %shift_right_arithmetic3A_77 : vector<16xi32>
        %sub3A = arith.constant 1597463007 : i32
        %sub3A_79 = vector.broadcast %sub3A : i32 to vector<16xi32>
        %sub3A_80 = arith.subi %sub3A_79, %shift_right_arithmetic3A_78 : vector<16xi32>
        %bitcast_convert_type3A_81 = tpu.bitcast %sub3A_80 : vector<16xi32> -> vector<16xf32>
        %mul3A_82 = arith.constant 5.000000e-01 : f32
        %mul3A_83 = vector.broadcast %mul3A_82 : f32 to vector<16xf32>
        %mul3A_84 = arith.mulf %mul3A_83, %get3A_76 : vector<16xf32>
        %mul3A_85 = arith.mulf %mul3A_84, %bitcast_convert_type3A_81 : vector<16xf32>
        %mul3A_86 = arith.mulf %mul3A_85, %bitcast_convert_type3A_81 : vector<16xf32>
        %sub3A_87 = arith.constant 1.500000e+00 : f32
        %sub3A_88 = vector.broadcast %sub3A_87 : f32 to vector<16xf32>
        %sub3A_89 = arith.subf %sub3A_88, %mul3A_86 : vector<16xf32>
        %mul3A_90 = arith.mulf %bitcast_convert_type3A_81, %sub3A_89 : vector<16xf32>
        %mul3A_91 = arith.constant 5.000000e-01 : f32
        %mul3A_92 = vector.broadcast %mul3A_91 : f32 to vector<16xf32>
        %mul3A_93 = arith.mulf %mul3A_92, %get3A_76 : vector<16xf32>
        %mul3A_94 = arith.mulf %mul3A_93, %mul3A_90 : vector<16xf32>
        %mul3A_95 = arith.mulf %mul3A_94, %mul3A_90 : vector<16xf32>
        %sub3A_96 = arith.constant 1.500000e+00 : f32
        %sub3A_97 = vector.broadcast %sub3A_96 : f32 to vector<16xf32>
        %sub3A_98 = arith.subf %sub3A_97, %mul3A_95 : vector<16xf32>
        %mul3A_99 = arith.mulf %mul3A_90, %sub3A_98 : vector<16xf32>
        %mul3A_100 = arith.constant 5.000000e-01 : f32
        %mul3A_101 = vector.broadcast %mul3A_100 : f32 to vector<16xf32>
        %mul3A_102 = arith.mulf %mul3A_101, %get3A_76 : vector<16xf32>
        %mul3A_103 = arith.mulf %mul3A_102, %mul3A_99 : vector<16xf32>
        %mul3A_104 = arith.mulf %mul3A_103, %mul3A_99 : vector<16xf32>
        %sub3A_105 = arith.constant 1.500000e+00 : f32
        %sub3A_106 = vector.broadcast %sub3A_105 : f32 to vector<16xf32>
        %sub3A_107 = arith.subf %sub3A_106, %mul3A_104 : vector<16xf32>
        %mul3A_108 = arith.mulf %mul3A_99, %sub3A_107 : vector<16xf32>
        %swap3A = arith.index_cast %add3A_73 : i32 to index
        %swap3A_109 = arith.constant 0 : index
        %swap3A_110 = tpu.vector_load %arg27[%swap3A, %swap3A_109] {strides = array<i32>} : memref<64x16xf32, #tpu.memory_space<vmem>>, vector<1x16xf32>,
        %swap3A_111 = vector.shape_cast %swap3A_110 : vector<1x16xf32> to vector<16xf32>
        %swap3A_112 = vector.shape_cast %mul3A_108 : vector<16xf32> to vector<1x16xf32>
        tpu.vector_store %arg27[%swap3A, %swap3A_109], %swap3A_112 {strides = array<i32>} : memref<64x16xf32, #tpu.memory_space<vmem>>, vector<1x16xf32>,
        %mul3A_113 = arith.constant 16 : i32
        %mul3A_114 = arith.muli %add3A_69, %mul3A_113 : i32
        %add3A_115 = arith.constant 1 : i32
        %add3A_116 = arith.addi %mul3A_114, %add3A_115 : i32
        %get3A_117 = arith.index_cast %add3A_116 : i32 to index
        %get3A_118 = arith.constant 0 : index
        %get3A_119 = tpu.vector_load %arg27[%get3A_117, %get3A_118] {strides = array<i32>} : memref<64x16xf32, #tpu.memory_space<vmem>>, vector<1x16xf32>,
        %get3A_120 = vector.shape_cast %get3A_119 : vector<1x16xf32> to vector<16xf32>
        %bitcast_convert_type3A_121 = tpu.bitcast %get3A_120 : vector<16xf32> -> vector<16xi32>
        %shift_right_arithmetic3A_122 = arith.constant 1 : i32
        %shift_right_arithmetic3A_123 = vector.broadcast %shift_right_arithmetic3A_122 : i32 to vector<16xi32>
        %shift_right_arithmetic3A_124 = arith.shrsi %bitcast_convert_type3A_121, %shift_right_arithmetic3A_123 : vector<16xi32>
        %sub3A_125 = arith.constant 1597463007 : i32
        %sub3A_126 = vector.broadcast %sub3A_125 : i32 to vector<16xi32>
        %sub3A_127 = arith.subi %sub3A_126, %shift_right_arithmetic3A_124 : vector<16xi32>
        %bitcast_convert_type3A_128 = tpu.bitcast %sub3A_127 : vector<16xi32> -> vector<16xf32>
        %mul3A_129 = arith.constant 5.000000e-01 : f32
        %mul3A_130 = vector.broadcast %mul3A_129 : f32 to vector<16xf32>
        %mul3A_131 = arith.mulf %mul3A_130, %get3A_120 : vector<16xf32>
        %mul3A_132 = arith.mulf %mul3A_131, %bitcast_convert_type3A_128 : vector<16xf32>
        %mul3A_133 = arith.mulf %mul3A_132, %bitcast_convert_type3A_128 : vector<16xf32>
        %sub3A_134 = arith.constant 1.500000e+00 : f32
        %sub3A_135 = vector.broadcast %sub3A_134 : f32 to vector<16xf32>
        %sub3A_136 = arith.subf %sub3A_135, %mul3A_133 : vector<16xf32>
        %mul3A_137 = arith.mulf %bitcast_convert_type3A_128, %sub3A_136 : vector<16xf32>
        %mul3A_138 = arith.constant 5.000000e-01 : f32
        %mul3A_139 = vector.broadcast %mul3A_138 : f32 to vector<16xf32>
        %mul3A_140 = arith.mulf %mul3A_139, %get3A_120 : vector<16xf32>
        %mul3A_141 = arith.mulf %mul3A_140, %mul3A_137 : vector<16xf32>
        %mul3A_142 = arith.mulf %mul3A_141, %mul3A_137 : vector<16xf32>
        %sub3A_143 = arith.constant 1.500000e+00 : f32
        %sub3A_144 = vector.broadcast %sub3A_143 : f32 to vector<16xf32>
        %sub3A_145 = arith.subf %sub3A_144, %mul3A_142 : vector<16xf32>
        %mul3A_146 = arith.mulf %mul3A_137, %sub3A_145 : vector<16xf32>
        %mul3A_147 = arith.constant 5.000000e-01 : f32
        %mul3A_148 = vector.broadcast %mul3A_147 : f32 to vector<16xf32>
        %mul3A_149 = arith.mulf %mul3A_148, %get3A_120 : vector<16xf32>
        %mul3A_150 = arith.mulf %mul3A_149, %mul3A_146 : vector<16xf32>
        %mul3A_151 = arith.mulf %mul3A_150, %mul3A_146 : vector<16xf32>
        %sub3A_152 = arith.constant 1.500000e+00 : f32
        %sub3A_153 = vector.broadcast %sub3A_152 : f32 to vector<16xf32>
        %sub3A_154 = arith.subf %sub3A_153, %mul3A_151 : vector<16xf32>
        %mul3A_155 = arith.mulf %mul3A_146, %sub3A_154 : vector<16xf32>
        %swap3A_156 = arith.index_cast %add3A_116 : i32 to index
        %swap3A_157 = arith.constant 0 : index
        %swap3A_158 = tpu.vector_load %arg27[%swap3A_156, %swap3A_157] {strides = array<i32>} : memref<64x16xf32, #tpu.memory_space<vmem>>, vector<1x16xf32>,
        %swap3A_159 = vector.shape_cast %swap3A_158 : vector<1x16xf32> to vector<16xf32>
        %swap3A_160 = vector.shape_cast %mul3A_155 : vector<16xf32> to vector<1x16xf32>
        tpu.vector_store %arg27[%swap3A_156, %swap3A_157], %swap3A_160 {strides = array<i32>} : memref<64x16xf32, #tpu.memory_space<vmem>>, vector<1x16xf32>,
        %mul3A_161 = arith.constant 16 : i32
        %mul3A_162 = arith.muli %add3A_69, %mul3A_161 : i32
        %add3A_163 = arith.constant 2 : i32
        %add3A_164 = arith.addi %mul3A_162, %add3A_163 : i32
        %get3A_165 = arith.index_cast %add3A_164 : i32 to index
        %get3A_166 = arith.constant 0 : index
        %get3A_167 = tpu.vector_load %arg27[%get3A_165, %get3A_166] {strides = array<i32>} : memref<64x16xf32, #tpu.memory_space<vmem>>, vector<1x16xf32>,
        %get3A_168 = vector.shape_cast %get3A_167 : vector<1x16xf32> to vector<16xf32>
        %bitcast_convert_type3A_169 = tpu.bitcast %get3A_168 : vector<16xf32> -> vector<16xi32>
        %shift_right_arithmetic3A_170 = arith.constant 1 : i32
        %shift_right_arithmetic3A_171 = vector.broadcast %shift_right_arithmetic3A_170 : i32 to vector<16xi32>
        %shift_right_arithmetic3A_172 = arith.shrsi %bitcast_convert_type3A_169, %shift_right_arithmetic3A_171 : vector<16xi32>
        %sub3A_173 = arith.constant 1597463007 : i32
        %sub3A_174 = vector.broadcast %sub3A_173 : i32 to vector<16xi32>
        %sub3A_175 = arith.subi %sub3A_174, %shift_right_arithmetic3A_172 : vector<16xi32>
        %bitcast_convert_type3A_176 = tpu.bitcast %sub3A_175 : vector<16xi32> -> vector<16xf32>
        %mul3A_177 = arith.constant 5.000000e-01 : f32
        %mul3A_178 = vector.broadcast %mul3A_177 : f32 to vector<16xf32>
        %mul3A_179 = arith.mulf %mul3A_178, %get3A_168 : vector<16xf32>
        %mul3A_180 = arith.mulf %mul3A_179, %bitcast_convert_type3A_176 : vector<16xf32>
        %mul3A_181 = arith.mulf %mul3A_180, %bitcast_convert_type3A_176 : vector<16xf32>
        %sub3A_182 = arith.constant 1.500000e+00 : f32
        %sub3A_183 = vector.broadcast %sub3A_182 : f32 to vector<16xf32>
        %sub3A_184 = arith.subf %sub3A_183, %mul3A_181 : vector<16xf32>
        %mul3A_185 = arith.mulf %bitcast_convert_type3A_176, %sub3A_184 : vector<16xf32>
        %mul3A_186 = arith.constant 5.000000e-01 : f32
        %mul3A_187 = vector.broadcast %mul3A_186 : f32 to vector<16xf32>
        %mul3A_188 = arith.mulf %mul3A_187, %get3A_168 : vector<16xf32>
        %mul3A_189 = arith.mulf %mul3A_188, %mul3A_185 : vector<16xf32>
        %mul3A_190 = arith.mulf %mul3A_189, %mul3A_185 : vector<16xf32>
        %sub3A_191 = arith.constant 1.500000e+00 : f32
        %sub3A_192 = vector.broadcast %sub3A_191 : f32 to vector<16xf32>
        %sub3A_193 = arith.subf %sub3A_192, %mul3A_190 : vector<16xf32>
        %mul3A_194 = arith.mulf %mul3A_185, %sub3A_193 : vector<16xf32>
        %mul3A_195 = arith.constant 5.000000e-01 : f32
        %mul3A_196 = vector.broadcast %mul3A_195 : f32 to vector<16xf32>
        %mul3A_197 = arith.mulf %mul3A_196, %get3A_168 : vector<16xf32>
        %mul3A_198 = arith.mulf %mul3A_197, %mul3A_194 : vector<16xf32>
        %mul3A_199 = arith.mulf %mul3A_198, %mul3A_194 : vector<16xf32>
        %sub3A_200 = arith.constant 1.500000e+00 : f32
        %sub3A_201 = vector.broadcast %sub3A_200 : f32 to vector<16xf32>
        %sub3A_202 = arith.subf %sub3A_201, %mul3A_199 : vector<16xf32>
        %mul3A_203 = arith.mulf %mul3A_194, %sub3A_202 : vector<16xf32>
        %swap3A_204 = arith.index_cast %add3A_164 : i32 to index
        %swap3A_205 = arith.constant 0 : index
        %swap3A_206 = tpu.vector_load %arg27[%swap3A_204, %swap3A_205] {strides = array<i32>} : memref<64x16xf32, #tpu.memory_space<vmem>>, vector<1x16xf32>,
        %swap3A_207 = vector.shape_cast %swap3A_206 : vector<1x16xf32> to vector<16xf32>
        %swap3A_208 = vector.shape_cast %mul3A_203 : vector<16xf32> to vector<1x16xf32>
        tpu.vector_store %arg27[%swap3A_204, %swap3A_205], %swap3A_208 {strides = array<i32>} : memref<64x16xf32, #tpu.memory_space<vmem>>, vector<1x16xf32>,
        %mul3A_209 = arith.constant 16 : i32
        %mul3A_210 = arith.muli %add3A_69, %mul3A_209 : i32
        %add3A_211 = arith.constant 3 : i32
        %add3A_212 = arith.addi %mul3A_210, %add3A_211 : i32
        %get3A_213 = arith.index_cast %add3A_212 : i32 to index
        %get3A_214 = arith.constant 0 : index
        %get3A_215 = tpu.vector_load %arg27[%get3A_213, %get3A_214] {strides = array<i32>} : memref<64x16xf32, #tpu.memory_space<vmem>>, vector<1x16xf32>,
        %get3A_216 = vector.shape_cast %get3A_215 : vector<1x16xf32> to vector<16xf32>
        %bitcast_convert_type3A_217 = tpu.bitcast %get3A_216 : vector<16xf32> -> vector<16xi32>
        %shift_right_arithmetic3A_218 = arith.constant 1 : i32
        %shift_right_arithmetic3A_219 = vector.broadcast %shift_right_arithmetic3A_218 : i32 to vector<16xi32>
        %shift_right_arithmetic3A_220 = arith.shrsi %bitcast_convert_type3A_217, %shift_right_arithmetic3A_219 : vector<16xi32>
        %sub3A_221 = arith.constant 1597463007 : i32
        %sub3A_222 = vector.broadcast %sub3A_221 : i32 to vector<16xi32>
        %sub3A_223 = arith.subi %sub3A_222, %shift_right_arithmetic3A_220 : vector<16xi32>
        %bitcast_convert_type3A_224 = tpu.bitcast %sub3A_223 : vector<16xi32> -> vector<16xf32>
        %mul3A_225 = arith.constant 5.000000e-01 : f32
        %mul3A_226 = vector.broadcast %mul3A_225 : f32 to vector<16xf32>
        %mul3A_227 = arith.mulf %mul3A_226, %get3A_216 : vector<16xf32>
        %mul3A_228 = arith.mulf %mul3A_227, %bitcast_convert_type3A_224 : vector<16xf32>
        %mul3A_229 = arith.mulf %mul3A_228, %bitcast_convert_type3A_224 : vector<16xf32>
        %sub3A_230 = arith.constant 1.500000e+00 : f32
        %sub3A_231 = vector.broadcast %sub3A_230 : f32 to vector<16xf32>
        %sub3A_232 = arith.subf %sub3A_231, %mul3A_229 : vector<16xf32>
        %mul3A_233 = arith.mulf %bitcast_convert_type3A_224, %sub3A_232 : vector<16xf32>
        %mul3A_234 = arith.constant 5.000000e-01 : f32
        %mul3A_235 = vector.broadcast %mul3A_234 : f32 to vector<16xf32>
        %mul3A_236 = arith.mulf %mul3A_235, %get3A_216 : vector<16xf32>
        %mul3A_237 = arith.mulf %mul3A_236, %mul3A_233 : vector<16xf32>
        %mul3A_238 = arith.mulf %mul3A_237, %mul3A_233 : vector<16xf32>
        %sub3A_239 = arith.constant 1.500000e+00 : f32
        %sub3A_240 = vector.broadcast %sub3A_239 : f32 to vector<16xf32>
        %sub3A_241 = arith.subf %sub3A_240, %mul3A_238 : vector<16xf32>
        %mul3A_242 = arith.mulf %mul3A_233, %sub3A_241 : vector<16xf32>
        %mul3A_243 = arith.constant 5.000000e-01 : f32
        %mul3A_244 = vector.broadcast %mul3A_243 : f32 to vector<16xf32>
        %mul3A_245 = arith.mulf %mul3A_244, %get3A_216 : vector<16xf32>
        %mul3A_246 = arith.mulf %mul3A_245, %mul3A_242 : vector<16xf32>
        %mul3A_247 = arith.mulf %mul3A_246, %mul3A_242 : vector<16xf32>
        %sub3A_248 = arith.constant 1.500000e+00 : f32
        %sub3A_249 = vector.broadcast %sub3A_248 : f32 to vector<16xf32>
        %sub3A_250 = arith.subf %sub3A_249, %mul3A_247 : vector<16xf32>
        %mul3A_251 = arith.mulf %mul3A_242, %sub3A_250 : vector<16xf32>
        %swap3A_252 = arith.index_cast %add3A_212 : i32 to index
        %swap3A_253 = arith.constant 0 : index
        %swap3A_254 = tpu.vector_load %arg27[%swap3A_252, %swap3A_253] {strides = array<i32>} : memref<64x16xf32, #tpu.memory_space<vmem>>, vector<1x16xf32>,
        %swap3A_255 = vector.shape_cast %swap3A_254 : vector<1x16xf32> to vector<16xf32>
        %swap3A_256 = vector.shape_cast %mul3A_251 : vector<16xf32> to vector<1x16xf32>
        tpu.vector_store %arg27[%swap3A_252, %swap3A_253], %swap3A_256 {strides = array<i32>} : memref<64x16xf32, #tpu.memory_space<vmem>>, vector<1x16xf32>,
        %mul3A_257 = arith.constant 16 : i32
        %mul3A_258 = arith.muli %add3A_69, %mul3A_257 : i32
        %add3A_259 = arith.constant 4 : i32
        %add3A_260 = arith.addi %mul3A_258, %add3A_259 : i32
        %get3A_261 = arith.index_cast %add3A_260 : i32 to index
        %get3A_262 = arith.constant 0 : index
        %get3A_263 = tpu.vector_load %arg27[%get3A_261, %get3A_262] {strides = array<i32>} : memref<64x16xf32, #tpu.memory_space<vmem>>, vector<1x16xf32>,
        %get3A_264 = vector.shape_cast %get3A_263 : vector<1x16xf32> to vector<16xf32>
        %bitcast_convert_type3A_265 = tpu.bitcast %get3A_264 : vector<16xf32> -> vector<16xi32>
        %shift_right_arithmetic3A_266 = arith.constant 1 : i32
        %shift_right_arithmetic3A_267 = vector.broadcast %shift_right_arithmetic3A_266 : i32 to vector<16xi32>
        %shift_right_arithmetic3A_268 = arith.shrsi %bitcast_convert_type3A_265, %shift_right_arithmetic3A_267 : vector<16xi32>
        %sub3A_269 = arith.constant 1597463007 : i32
        %sub3A_270 = vector.broadcast %sub3A_269 : i32 to vector<16xi32>
        %sub3A_271 = arith.subi %sub3A_270, %shift_right_arithmetic3A_268 : vector<16xi32>
        %bitcast_convert_type3A_272 = tpu.bitcast %sub3A_271 : vector<16xi32> -> vector<16xf32>
        %mul3A_273 = arith.constant 5.000000e-01 : f32
        %mul3A_274 = vector.broadcast %mul3A_273 : f32 to vector<16xf32>
        %mul3A_275 = arith.mulf %mul3A_274, %get3A_264 : vector<16xf32>
        %mul3A_276 = arith.mulf %mul3A_275, %bitcast_convert_type3A_272 : vector<16xf32>
        %mul3A_277 = arith.mulf %mul3A_276, %bitcast_convert_type3A_272 : vector<16xf32>
        %sub3A_278 = arith.constant 1.500000e+00 : f32
        %sub3A_279 = vector.broadcast %sub3A_278 : f32 to vector<16xf32>
        %sub3A_280 = arith.subf %sub3A_279, %mul3A_277 : vector<16xf32>
        %mul3A_281 = arith.mulf %bitcast_convert_type3A_272, %sub3A_280 : vector<16xf32>
        %mul3A_282 = arith.constant 5.000000e-01 : f32
        %mul3A_283 = vector.broadcast %mul3A_282 : f32 to vector<16xf32>
        %mul3A_284 = arith.mulf %mul3A_283, %get3A_264 : vector<16xf32>
        %mul3A_285 = arith.mulf %mul3A_284, %mul3A_281 : vector<16xf32>
        %mul3A_286 = arith.mulf %mul3A_285, %mul3A_281 : vector<16xf32>
        %sub3A_287 = arith.constant 1.500000e+00 : f32
        %sub3A_288 = vector.broadcast %sub3A_287 : f32 to vector<16xf32>
        %sub3A_289 = arith.subf %sub3A_288, %mul3A_286 : vector<16xf32>
        %mul3A_290 = arith.mulf %mul3A_281, %sub3A_289 : vector<16xf32>
        %mul3A_291 = arith.constant 5.000000e-01 : f32
        %mul3A_292 = vector.broadcast %mul3A_291 : f32 to vector<16xf32>
        %mul3A_293 = arith.mulf %mul3A_292, %get3A_264 : vector<16xf32>
        %mul3A_294 = arith.mulf %mul3A_293, %mul3A_290 : vector<16xf32>
        %mul3A_295 = arith.mulf %mul3A_294, %mul3A_290 : vector<16xf32>
        %sub3A_296 = arith.constant 1.500000e+00 : f32
        %sub3A_297 = vector.broadcast %sub3A_296 : f32 to vector<16xf32>
        %sub3A_298 = arith.subf %sub3A_297, %mul3A_295 : vector<16xf32>
        %mul3A_299 = arith.mulf %mul3A_290, %sub3A_298 : vector<16xf32>
        %swap3A_300 = arith.index_cast %add3A_260 : i32 to index
        %swap3A_301 = arith.constant 0 : index
        %swap3A_302 = tpu.vector_load %arg27[%swap3A_300, %swap3A_301] {strides = array<i32>} : memref<64x16xf32, #tpu.memory_space<vmem>>, vector<1x16xf32>,
        %swap3A_303 = vector.shape_cast %swap3A_302 : vector<1x16xf32> to vector<16xf32>
        %swap3A_304 = vector.shape_cast %mul3A_299 : vector<16xf32> to vector<1x16xf32>
        tpu.vector_store %arg27[%swap3A_300, %swap3A_301], %swap3A_304 {strides = array<i32>} : memref<64x16xf32, #tpu.memory_space<vmem>>, vector<1x16xf32>,
        %mul3A_305 = arith.constant 16 : i32
        %mul3A_306 = arith.muli %add3A_69, %mul3A_305 : i32
        %add3A_307 = arith.constant 5 : i32
        %add3A_308 = arith.addi %mul3A_306, %add3A_307 : i32
        %get3A_309 = arith.index_cast %add3A_308 : i32 to index
        %get3A_310 = arith.constant 0 : index
        %get3A_311 = tpu.vector_load %arg27[%get3A_309, %get3A_310] {strides = array<i32>} : memref<64x16xf32, #tpu.memory_space<vmem>>, vector<1x16xf32>,
        %get3A_312 = vector.shape_cast %get3A_311 : vector<1x16xf32> to vector<16xf32>
        %bitcast_convert_type3A_313 = tpu.bitcast %get3A_312 : vector<16xf32> -> vector<16xi32>
        %shift_right_arithmetic3A_314 = arith.constant 1 : i32
        %shift_right_arithmetic3A_315 = vector.broadcast %shift_right_arithmetic3A_314 : i32 to vector<16xi32>
        %shift_right_arithmetic3A_316 = arith.shrsi %bitcast_convert_type3A_313, %shift_right_arithmetic3A_315 : vector<16xi32>
        %sub3A_317 = arith.constant 1597463007 : i32
        %sub3A_318 = vector.broadcast %sub3A_317 : i32 to vector<16xi32>
        %sub3A_319 = arith.subi %sub3A_318, %shift_right_arithmetic3A_316 : vector<16xi32>
        %bitcast_convert_type3A_320 = tpu.bitcast %sub3A_319 : vector<16xi32> -> vector<16xf32>
        %mul3A_321 = arith.constant 5.000000e-01 : f32
        %mul3A_322 = vector.broadcast %mul3A_321 : f32 to vector<16xf32>
        %mul3A_323 = arith.mulf %mul3A_322, %get3A_312 : vector<16xf32>
        %mul3A_324 = arith.mulf %mul3A_323, %bitcast_convert_type3A_320 : vector<16xf32>
        %mul3A_325 = arith.mulf %mul3A_324, %bitcast_convert_type3A_320 : vector<16xf32>
        %sub3A_326 = arith.constant 1.500000e+00 : f32
        %sub3A_327 = vector.broadcast %sub3A_326 : f32 to vector<16xf32>
        %sub3A_328 = arith.subf %sub3A_327, %mul3A_325 : vector<16xf32>
        %mul3A_329 = arith.mulf %bitcast_convert_type3A_320, %sub3A_328 : vector<16xf32>
        %mul3A_330 = arith.constant 5.000000e-01 : f32
        %mul3A_331 = vector.broadcast %mul3A_330 : f32 to vector<16xf32>
        %mul3A_332 = arith.mulf %mul3A_331, %get3A_312 : vector<16xf32>
        %mul3A_333 = arith.mulf %mul3A_332, %mul3A_329 : vector<16xf32>
        %mul3A_334 = arith.mulf %mul3A_333, %mul3A_329 : vector<16xf32>
        %sub3A_335 = arith.constant 1.500000e+00 : f32
        %sub3A_336 = vector.broadcast %sub3A_335 : f32 to vector<16xf32>
        %sub3A_337 = arith.subf %sub3A_336, %mul3A_334 : vector<16xf32>
        %mul3A_338 = arith.mulf %mul3A_329, %sub3A_337 : vector<16xf32>
        %mul3A_339 = arith.constant 5.000000e-01 : f32
        %mul3A_340 = vector.broadcast %mul3A_339 : f32 to vector<16xf32>
        %mul3A_341 = arith.mulf %mul3A_340, %get3A_312 : vector<16xf32>
        %mul3A_342 = arith.mulf %mul3A_341, %mul3A_338 : vector<16xf32>
        %mul3A_343 = arith.mulf %mul3A_342, %mul3A_338 : vector<16xf32>
        %sub3A_344 = arith.constant 1.500000e+00 : f32
        %sub3A_345 = vector.broadcast %sub3A_344 : f32 to vector<16xf32>
        %sub3A_346 = arith.subf %sub3A_345, %mul3A_343 : vector<16xf32>
        %mul3A_347 = arith.mulf %mul3A_338, %sub3A_346 : vector<16xf32>
        %swap3A_348 = arith.index_cast %add3A_308 : i32 to index
        %swap3A_349 = arith.constant 0 : index
        %swap3A_350 = tpu.vector_load %arg27[%swap3A_348, %swap3A_349] {strides = array<i32>} : memref<64x16xf32, #tpu.memory_space<vmem>>, vector<1x16xf32>,
        %swap3A_351 = vector.shape_cast %swap3A_350 : vector<1x16xf32> to vector<16xf32>
        %swap3A_352 = vector.shape_cast %mul3A_347 : vector<16xf32> to vector<1x16xf32>
        tpu.vector_store %arg27[%swap3A_348, %swap3A_349], %swap3A_352 {strides = array<i32>} : memref<64x16xf32, #tpu.memory_space<vmem>>, vector<1x16xf32>,
        %mul3A_353 = arith.constant 16 : i32
        %mul3A_354 = arith.muli %add3A_69, %mul3A_353 : i32
        %add3A_355 = arith.constant 6 : i32
        %add3A_356 = arith.addi %mul3A_354, %add3A_355 : i32
        %get3A_357 = arith.index_cast %add3A_356 : i32 to index
        %get3A_358 = arith.constant 0 : index
        %get3A_359 = tpu.vector_load %arg27[%get3A_357, %get3A_358] {strides = array<i32>} : memref<64x16xf32, #tpu.memory_space<vmem>>, vector<1x16xf32>,
        %get3A_360 = vector.shape_cast %get3A_359 : vector<1x16xf32> to vector<16xf32>
        %bitcast_convert_type3A_361 = tpu.bitcast %get3A_360 : vector<16xf32> -> vector<16xi32>
        %shift_right_arithmetic3A_362 = arith.constant 1 : i32
        %shift_right_arithmetic3A_363 = vector.broadcast %shift_right_arithmetic3A_362 : i32 to vector<16xi32>
        %shift_right_arithmetic3A_364 = arith.shrsi %bitcast_convert_type3A_361, %shift_right_arithmetic3A_363 : vector<16xi32>
        %sub3A_365 = arith.constant 1597463007 : i32
        %sub3A_366 = vector.broadcast %sub3A_365 : i32 to vector<16xi32>
        %sub3A_367 = arith.subi %sub3A_366, %shift_right_arithmetic3A_364 : vector<16xi32>
        %bitcast_convert_type3A_368 = tpu.bitcast %sub3A_367 : vector<16xi32> -> vector<16xf32>
        %mul3A_369 = arith.constant 5.000000e-01 : f32
        %mul3A_370 = vector.broadcast %mul3A_369 : f32 to vector<16xf32>
        %mul3A_371 = arith.mulf %mul3A_370, %get3A_360 : vector<16xf32>
        %mul3A_372 = arith.mulf %mul3A_371, %bitcast_convert_type3A_368 : vector<16xf32>
        %mul3A_373 = arith.mulf %mul3A_372, %bitcast_convert_type3A_368 : vector<16xf32>
        %sub3A_374 = arith.constant 1.500000e+00 : f32
        %sub3A_375 = vector.broadcast %sub3A_374 : f32 to vector<16xf32>
        %sub3A_376 = arith.subf %sub3A_375, %mul3A_373 : vector<16xf32>
        %mul3A_377 = arith.mulf %bitcast_convert_type3A_368, %sub3A_376 : vector<16xf32>
        %mul3A_378 = arith.constant 5.000000e-01 : f32
        %mul3A_379 = vector.broadcast %mul3A_378 : f32 to vector<16xf32>
        %mul3A_380 = arith.mulf %mul3A_379, %get3A_360 : vector<16xf32>
        %mul3A_381 = arith.mulf %mul3A_380, %mul3A_377 : vector<16xf32>
        %mul3A_382 = arith.mulf %mul3A_381, %mul3A_377 : vector<16xf32>
        %sub3A_383 = arith.constant 1.500000e+00 : f32
        %sub3A_384 = vector.broadcast %sub3A_383 : f32 to vector<16xf32>
        %sub3A_385 = arith.subf %sub3A_384, %mul3A_382 : vector<16xf32>
        %mul3A_386 = arith.mulf %mul3A_377, %sub3A_385 : vector<16xf32>
        %mul3A_387 = arith.constant 5.000000e-01 : f32
        %mul3A_388 = vector.broadcast %mul3A_387 : f32 to vector<16xf32>
        %mul3A_389 = arith.mulf %mul3A_388, %get3A_360 : vector<16xf32>
        %mul3A_390 = arith.mulf %mul3A_389, %mul3A_386 : vector<16xf32>
        %mul3A_391 = arith.mulf %mul3A_390, %mul3A_386 : vector<16xf32>
        %sub3A_392 = arith.constant 1.500000e+00 : f32
        %sub3A_393 = vector.broadcast %sub3A_392 : f32 to vector<16xf32>
        %sub3A_394 = arith.subf %sub3A_393, %mul3A_391 : vector<16xf32>
        %mul3A_395 = arith.mulf %mul3A_386, %sub3A_394 : vector<16xf32>
        %swap3A_396 = arith.index_cast %add3A_356 : i32 to index
        %swap3A_397 = arith.constant 0 : index
        %swap3A_398 = tpu.vector_load %arg27[%swap3A_396, %swap3A_397] {strides = array<i32>} : memref<64x16xf32, #tpu.memory_space<vmem>>, vector<1x16xf32>,
        %swap3A_399 = vector.shape_cast %swap3A_398 : vector<1x16xf32> to vector<16xf32>
        %swap3A_400 = vector.shape_cast %mul3A_395 : vector<16xf32> to vector<1x16xf32>
        tpu.vector_store %arg27[%swap3A_396, %swap3A_397], %swap3A_400 {strides = array<i32>} : memref<64x16xf32, #tpu.memory_space<vmem>>, vector<1x16xf32>,
        %mul3A_401 = arith.constant 16 : i32
        %mul3A_402 = arith.muli %add3A_69, %mul3A_401 : i32
        %add3A_403 = arith.constant 7 : i32
        %add3A_404 = arith.addi %mul3A_402, %add3A_403 : i32
        %get3A_405 = arith.index_cast %add3A_404 : i32 to index
        %get3A_406 = arith.constant 0 : index
        %get3A_407 = tpu.vector_load %arg27[%get3A_405, %get3A_406] {strides = array<i32>} : memref<64x16xf32, #tpu.memory_space<vmem>>, vector<1x16xf32>,
        %get3A_408 = vector.shape_cast %get3A_407 : vector<1x16xf32> to vector<16xf32>
        %bitcast_convert_type3A_409 = tpu.bitcast %get3A_408 : vector<16xf32> -> vector<16xi32>
        %shift_right_arithmetic3A_410 = arith.constant 1 : i32
        %shift_right_arithmetic3A_411 = vector.broadcast %shift_right_arithmetic3A_410 : i32 to vector<16xi32>
        %shift_right_arithmetic3A_412 = arith.shrsi %bitcast_convert_type3A_409, %shift_right_arithmetic3A_411 : vector<16xi32>
        %sub3A_413 = arith.constant 1597463007 : i32
        %sub3A_414 = vector.broadcast %sub3A_413 : i32 to vector<16xi32>
        %sub3A_415 = arith.subi %sub3A_414, %shift_right_arithmetic3A_412 : vector<16xi32>
        %bitcast_convert_type3A_416 = tpu.bitcast %sub3A_415 : vector<16xi32> -> vector<16xf32>
        %mul3A_417 = arith.constant 5.000000e-01 : f32
        %mul3A_418 = vector.broadcast %mul3A_417 : f32 to vector<16xf32>
        %mul3A_419 = arith.mulf %mul3A_418, %get3A_408 : vector<16xf32>
        %mul3A_420 = arith.mulf %mul3A_419, %bitcast_convert_type3A_416 : vector<16xf32>
        %mul3A_421 = arith.mulf %mul3A_420, %bitcast_convert_type3A_416 : vector<16xf32>
        %sub3A_422 = arith.constant 1.500000e+00 : f32
        %sub3A_423 = vector.broadcast %sub3A_422 : f32 to vector<16xf32>
        %sub3A_424 = arith.subf %sub3A_423, %mul3A_421 : vector<16xf32>
        %mul3A_425 = arith.mulf %bitcast_convert_type3A_416, %sub3A_424 : vector<16xf32>
        %mul3A_426 = arith.constant 5.000000e-01 : f32
        %mul3A_427 = vector.broadcast %mul3A_426 : f32 to vector<16xf32>
        %mul3A_428 = arith.mulf %mul3A_427, %get3A_408 : vector<16xf32>
        %mul3A_429 = arith.mulf %mul3A_428, %mul3A_425 : vector<16xf32>
        %mul3A_430 = arith.mulf %mul3A_429, %mul3A_425 : vector<16xf32>
        %sub3A_431 = arith.constant 1.500000e+00 : f32
        %sub3A_432 = vector.broadcast %sub3A_431 : f32 to vector<16xf32>
        %sub3A_433 = arith.subf %sub3A_432, %mul3A_430 : vector<16xf32>
        %mul3A_434 = arith.mulf %mul3A_425, %sub3A_433 : vector<16xf32>
        %mul3A_435 = arith.constant 5.000000e-01 : f32
        %mul3A_436 = vector.broadcast %mul3A_435 : f32 to vector<16xf32>
        %mul3A_437 = arith.mulf %mul3A_436, %get3A_408 : vector<16xf32>
        %mul3A_438 = arith.mulf %mul3A_437, %mul3A_434 : vector<16xf32>
        %mul3A_439 = arith.mulf %mul3A_438, %mul3A_434 : vector<16xf32>
        %sub3A_440 = arith.constant 1.500000e+00 : f32
        %sub3A_441 = vector.broadcast %sub3A_440 : f32 to vector<16xf32>
        %sub3A_442 = arith.subf %sub3A_441, %mul3A_439 : vector<16xf32>
        %mul3A_443 = arith.mulf %mul3A_434, %sub3A_442 : vector<16xf32>
        %swap3A_444 = arith.index_cast %add3A_404 : i32 to index
        %swap3A_445 = arith.constant 0 : index
        %swap3A_446 = tpu.vector_load %arg27[%swap3A_444, %swap3A_445] {strides = array<i32>} : memref<64x16xf32, #tpu.memory_space<vmem>>, vector<1x16xf32>,
        %swap3A_447 = vector.shape_cast %swap3A_446 : vector<1x16xf32> to vector<16xf32>
        %swap3A_448 = vector.shape_cast %mul3A_443 : vector<16xf32> to vector<1x16xf32>
        tpu.vector_store %arg27[%swap3A_444, %swap3A_445], %swap3A_448 {strides = array<i32>} : memref<64x16xf32, #tpu.memory_space<vmem>>, vector<1x16xf32>,
        %mul3A_449 = arith.constant 16 : i32
        %mul3A_450 = arith.muli %add3A_69, %mul3A_449 : i32
        %add3A_451 = arith.constant 8 : i32
        %add3A_452 = arith.addi %mul3A_450, %add3A_451 : i32
        %get3A_453 = arith.index_cast %add3A_452 : i32 to index
        %get3A_454 = arith.constant 0 : index
        %get3A_455 = tpu.vector_load %arg27[%get3A_453, %get3A_454] {strides = array<i32>} : memref<64x16xf32, #tpu.memory_space<vmem>>, vector<1x16xf32>,
        %get3A_456 = vector.shape_cast %get3A_455 : vector<1x16xf32> to vector<16xf32>
        %bitcast_convert_type3A_457 = tpu.bitcast %get3A_456 : vector<16xf32> -> vector<16xi32>
        %shift_right_arithmetic3A_458 = arith.constant 1 : i32
        %shift_right_arithmetic3A_459 = vector.broadcast %shift_right_arithmetic3A_458 : i32 to vector<16xi32>
        %shift_right_arithmetic3A_460 = arith.shrsi %bitcast_convert_type3A_457, %shift_right_arithmetic3A_459 : vector<16xi32>
        %sub3A_461 = arith.constant 1597463007 : i32
        %sub3A_462 = vector.broadcast %sub3A_461 : i32 to vector<16xi32>
        %sub3A_463 = arith.subi %sub3A_462, %shift_right_arithmetic3A_460 : vector<16xi32>
        %bitcast_convert_type3A_464 = tpu.bitcast %sub3A_463 : vector<16xi32> -> vector<16xf32>
        %mul3A_465 = arith.constant 5.000000e-01 : f32
        %mul3A_466 = vector.broadcast %mul3A_465 : f32 to vector<16xf32>
        %mul3A_467 = arith.mulf %mul3A_466, %get3A_456 : vector<16xf32>
        %mul3A_468 = arith.mulf %mul3A_467, %bitcast_convert_type3A_464 : vector<16xf32>
        %mul3A_469 = arith.mulf %mul3A_468, %bitcast_convert_type3A_464 : vector<16xf32>
        %sub3A_470 = arith.constant 1.500000e+00 : f32
        %sub3A_471 = vector.broadcast %sub3A_470 : f32 to vector<16xf32>
        %sub3A_472 = arith.subf %sub3A_471, %mul3A_469 : vector<16xf32>
        %mul3A_473 = arith.mulf %bitcast_convert_type3A_464, %sub3A_472 : vector<16xf32>
        %mul3A_474 = arith.constant 5.000000e-01 : f32
        %mul3A_475 = vector.broadcast %mul3A_474 : f32 to vector<16xf32>
        %mul3A_476 = arith.mulf %mul3A_475, %get3A_456 : vector<16xf32>
        %mul3A_477 = arith.mulf %mul3A_476, %mul3A_473 : vector<16xf32>
        %mul3A_478 = arith.mulf %mul3A_477, %mul3A_473 : vector<16xf32>
        %sub3A_479 = arith.constant 1.500000e+00 : f32
        %sub3A_480 = vector.broadcast %sub3A_479 : f32 to vector<16xf32>
        %sub3A_481 = arith.subf %sub3A_480, %mul3A_478 : vector<16xf32>
        %mul3A_482 = arith.mulf %mul3A_473, %sub3A_481 : vector<16xf32>
        %mul3A_483 = arith.constant 5.000000e-01 : f32
        %mul3A_484 = vector.broadcast %mul3A_483 : f32 to vector<16xf32>
        %mul3A_485 = arith.mulf %mul3A_484, %get3A_456 : vector<16xf32>
        %mul3A_486 = arith.mulf %mul3A_485, %mul3A_482 : vector<16xf32>
        %mul3A_487 = arith.mulf %mul3A_486, %mul3A_482 : vector<16xf32>
        %sub3A_488 = arith.constant 1.500000e+00 : f32
        %sub3A_489 = vector.broadcast %sub3A_488 : f32 to vector<16xf32>
        %sub3A_490 = arith.subf %sub3A_489, %mul3A_487 : vector<16xf32>
        %mul3A_491 = arith.mulf %mul3A_482, %sub3A_490 : vector<16xf32>
        %swap3A_492 = arith.index_cast %add3A_452 : i32 to index
        %swap3A_493 = arith.constant 0 : index
        %swap3A_494 = tpu.vector_load %arg27[%swap3A_492, %swap3A_493] {strides = array<i32>} : memref<64x16xf32, #tpu.memory_space<vmem>>, vector<1x16xf32>,
        %swap3A_495 = vector.shape_cast %swap3A_494 : vector<1x16xf32> to vector<16xf32>
        %swap3A_496 = vector.shape_cast %mul3A_491 : vector<16xf32> to vector<1x16xf32>
        tpu.vector_store %arg27[%swap3A_492, %swap3A_493], %swap3A_496 {strides = array<i32>} : memref<64x16xf32, #tpu.memory_space<vmem>>, vector<1x16xf32>,
        %mul3A_497 = arith.constant 16 : i32
        %mul3A_498 = arith.muli %add3A_69, %mul3A_497 : i32
        %add3A_499 = arith.constant 9 : i32
        %add3A_500 = arith.addi %mul3A_498, %add3A_499 : i32
        %get3A_501 = arith.index_cast %add3A_500 : i32 to index
        %get3A_502 = arith.constant 0 : index
        %get3A_503 = tpu.vector_load %arg27[%get3A_501, %get3A_502] {strides = array<i32>} : memref<64x16xf32, #tpu.memory_space<vmem>>, vector<1x16xf32>,
        %get3A_504 = vector.shape_cast %get3A_503 : vector<1x16xf32> to vector<16xf32>
        %bitcast_convert_type3A_505 = tpu.bitcast %get3A_504 : vector<16xf32> -> vector<16xi32>
        %shift_right_arithmetic3A_506 = arith.constant 1 : i32
        %shift_right_arithmetic3A_507 = vector.broadcast %shift_right_arithmetic3A_506 : i32 to vector<16xi32>
        %shift_right_arithmetic3A_508 = arith.shrsi %bitcast_convert_type3A_505, %shift_right_arithmetic3A_507 : vector<16xi32>
        %sub3A_509 = arith.constant 1597463007 : i32
        %sub3A_510 = vector.broadcast %sub3A_509 : i32 to vector<16xi32>
        %sub3A_511 = arith.subi %sub3A_510, %shift_right_arithmetic3A_508 : vector<16xi32>
        %bitcast_convert_type3A_512 = tpu.bitcast %sub3A_511 : vector<16xi32> -> vector<16xf32>
        %mul3A_513 = arith.constant 5.000000e-01 : f32
        %mul3A_514 = vector.broadcast %mul3A_513 : f32 to vector<16xf32>
        %mul3A_515 = arith.mulf %mul3A_514, %get3A_504 : vector<16xf32>
        %mul3A_516 = arith.mulf %mul3A_515, %bitcast_convert_type3A_512 : vector<16xf32>
        %mul3A_517 = arith.mulf %mul3A_516, %bitcast_convert_type3A_512 : vector<16xf32>
        %sub3A_518 = arith.constant 1.500000e+00 : f32
        %sub3A_519 = vector.broadcast %sub3A_518 : f32 to vector<16xf32>
        %sub3A_520 = arith.subf %sub3A_519, %mul3A_517 : vector<16xf32>
        %mul3A_521 = arith.mulf %bitcast_convert_type3A_512, %sub3A_520 : vector<16xf32>
        %mul3A_522 = arith.constant 5.000000e-01 : f32
        %mul3A_523 = vector.broadcast %mul3A_522 : f32 to vector<16xf32>
        %mul3A_524 = arith.mulf %mul3A_523, %get3A_504 : vector<16xf32>
        %mul3A_525 = arith.mulf %mul3A_524, %mul3A_521 : vector<16xf32>
        %mul3A_526 = arith.mulf %mul3A_525, %mul3A_521 : vector<16xf32>
        %sub3A_527 = arith.constant 1.500000e+00 : f32
        %sub3A_528 = vector.broadcast %sub3A_527 : f32 to vector<16xf32>
        %sub3A_529 = arith.subf %sub3A_528, %mul3A_526 : vector<16xf32>
        %mul3A_530 = arith.mulf %mul3A_521, %sub3A_529 : vector<16xf32>
        %mul3A_531 = arith.constant 5.000000e-01 : f32
        %mul3A_532 = vector.broadcast %mul3A_531 : f32 to vector<16xf32>
        %mul3A_533 = arith.mulf %mul3A_532, %get3A_504 : vector<16xf32>
        %mul3A_534 = arith.mulf %mul3A_533, %mul3A_530 : vector<16xf32>
        %mul3A_535 = arith.mulf %mul3A_534, %mul3A_530 : vector<16xf32>
        %sub3A_536 = arith.constant 1.500000e+00 : f32
        %sub3A_537 = vector.broadcast %sub3A_536 : f32 to vector<16xf32>
        %sub3A_538 = arith.subf %sub3A_537, %mul3A_535 : vector<16xf32>
        %mul3A_539 = arith.mulf %mul3A_530, %sub3A_538 : vector<16xf32>
        %swap3A_540 = arith.index_cast %add3A_500 : i32 to index
        %swap3A_541 = arith.constant 0 : index
        %swap3A_542 = tpu.vector_load %arg27[%swap3A_540, %swap3A_541] {strides = array<i32>} : memref<64x16xf32, #tpu.memory_space<vmem>>, vector<1x16xf32>,
        %swap3A_543 = vector.shape_cast %swap3A_542 : vector<1x16xf32> to vector<16xf32>
        %swap3A_544 = vector.shape_cast %mul3A_539 : vector<16xf32> to vector<1x16xf32>
        tpu.vector_store %arg27[%swap3A_540, %swap3A_541], %swap3A_544 {strides = array<i32>} : memref<64x16xf32, #tpu.memory_space<vmem>>, vector<1x16xf32>,
        %mul3A_545 = arith.constant 16 : i32
        %mul3A_546 = arith.muli %add3A_69, %mul3A_545 : i32
        %add3A_547 = arith.constant 10 : i32
        %add3A_548 = arith.addi %mul3A_546, %add3A_547 : i32
        %get3A_549 = arith.index_cast %add3A_548 : i32 to index
        %get3A_550 = arith.constant 0 : index
        %get3A_551 = tpu.vector_load %arg27[%get3A_549, %get3A_550] {strides = array<i32>} : memref<64x16xf32, #tpu.memory_space<vmem>>, vector<1x16xf32>,
        %get3A_552 = vector.shape_cast %get3A_551 : vector<1x16xf32> to vector<16xf32>
        %bitcast_convert_type3A_553 = tpu.bitcast %get3A_552 : vector<16xf32> -> vector<16xi32>
        %shift_right_arithmetic3A_554 = arith.constant 1 : i32
        %shift_right_arithmetic3A_555 = vector.broadcast %shift_right_arithmetic3A_554 : i32 to vector<16xi32>
        %shift_right_arithmetic3A_556 = arith.shrsi %bitcast_convert_type3A_553, %shift_right_arithmetic3A_555 : vector<16xi32>
        %sub3A_557 = arith.constant 1597463007 : i32
        %sub3A_558 = vector.broadcast %sub3A_557 : i32 to vector<16xi32>
        %sub3A_559 = arith.subi %sub3A_558, %shift_right_arithmetic3A_556 : vector<16xi32>
        %bitcast_convert_type3A_560 = tpu.bitcast %sub3A_559 : vector<16xi32> -> vector<16xf32>
        %mul3A_561 = arith.constant 5.000000e-01 : f32
        %mul3A_562 = vector.broadcast %mul3A_561 : f32 to vector<16xf32>
        %mul3A_563 = arith.mulf %mul3A_562, %get3A_552 : vector<16xf32>
        %mul3A_564 = arith.mulf %mul3A_563, %bitcast_convert_type3A_560 : vector<16xf32>
        %mul3A_565 = arith.mulf %mul3A_564, %bitcast_convert_type3A_560 : vector<16xf32>
        %sub3A_566 = arith.constant 1.500000e+00 : f32
        %sub3A_567 = vector.broadcast %sub3A_566 : f32 to vector<16xf32>
        %sub3A_568 = arith.subf %sub3A_567, %mul3A_565 : vector<16xf32>
        %mul3A_569 = arith.mulf %bitcast_convert_type3A_560, %sub3A_568 : vector<16xf32>
        %mul3A_570 = arith.constant 5.000000e-01 : f32
        %mul3A_571 = vector.broadcast %mul3A_570 : f32 to vector<16xf32>
        %mul3A_572 = arith.mulf %mul3A_571, %get3A_552 : vector<16xf32>
        %mul3A_573 = arith.mulf %mul3A_572, %mul3A_569 : vector<16xf32>
        %mul3A_574 = arith.mulf %mul3A_573, %mul3A_569 : vector<16xf32>
        %sub3A_575 = arith.constant 1.500000e+00 : f32
        %sub3A_576 = vector.broadcast %sub3A_575 : f32 to vector<16xf32>
        %sub3A_577 = arith.subf %sub3A_576, %mul3A_574 : vector<16xf32>
        %mul3A_578 = arith.mulf %mul3A_569, %sub3A_577 : vector<16xf32>
        %mul3A_579 = arith.constant 5.000000e-01 : f32
        %mul3A_580 = vector.broadcast %mul3A_579 : f32 to vector<16xf32>
        %mul3A_581 = arith.mulf %mul3A_580, %get3A_552 : vector<16xf32>
        %mul3A_582 = arith.mulf %mul3A_581, %mul3A_578 : vector<16xf32>
        %mul3A_583 = arith.mulf %mul3A_582, %mul3A_578 : vector<16xf32>
        %sub3A_584 = arith.constant 1.500000e+00 : f32
        %sub3A_585 = vector.broadcast %sub3A_584 : f32 to vector<16xf32>
        %sub3A_586 = arith.subf %sub3A_585, %mul3A_583 : vector<16xf32>
        %mul3A_587 = arith.mulf %mul3A_578, %sub3A_586 : vector<16xf32>
        %swap3A_588 = arith.index_cast %add3A_548 : i32 to index
        %swap3A_589 = arith.constant 0 : index
        %swap3A_590 = tpu.vector_load %arg27[%swap3A_588, %swap3A_589] {strides = array<i32>} : memref<64x16xf32, #tpu.memory_space<vmem>>, vector<1x16xf32>,
        %swap3A_591 = vector.shape_cast %swap3A_590 : vector<1x16xf32> to vector<16xf32>
        %swap3A_592 = vector.shape_cast %mul3A_587 : vector<16xf32> to vector<1x16xf32>
        tpu.vector_store %arg27[%swap3A_588, %swap3A_589], %swap3A_592 {strides = array<i32>} : memref<64x16xf32, #tpu.memory_space<vmem>>, vector<1x16xf32>,
        %mul3A_593 = arith.constant 16 : i32
        %mul3A_594 = arith.muli %add3A_69, %mul3A_593 : i32
        %add3A_595 = arith.constant 11 : i32
        %add3A_596 = arith.addi %mul3A_594, %add3A_595 : i32
        %get3A_597 = arith.index_cast %add3A_596 : i32 to index
        %get3A_598 = arith.constant 0 : index
        %get3A_599 = tpu.vector_load %arg27[%get3A_597, %get3A_598] {strides = array<i32>} : memref<64x16xf32, #tpu.memory_space<vmem>>, vector<1x16xf32>,
        %get3A_600 = vector.shape_cast %get3A_599 : vector<1x16xf32> to vector<16xf32>
        %bitcast_convert_type3A_601 = tpu.bitcast %get3A_600 : vector<16xf32> -> vector<16xi32>
        %shift_right_arithmetic3A_602 = arith.constant 1 : i32
        %shift_right_arithmetic3A_603 = vector.broadcast %shift_right_arithmetic3A_602 : i32 to vector<16xi32>
        %shift_right_arithmetic3A_604 = arith.shrsi %bitcast_convert_type3A_601, %shift_right_arithmetic3A_603 : vector<16xi32>
        %sub3A_605 = arith.constant 1597463007 : i32
        %sub3A_606 = vector.broadcast %sub3A_605 : i32 to vector<16xi32>
        %sub3A_607 = arith.subi %sub3A_606, %shift_right_arithmetic3A_604 : vector<16xi32>
        %bitcast_convert_type3A_608 = tpu.bitcast %sub3A_607 : vector<16xi32> -> vector<16xf32>
        %mul3A_609 = arith.constant 5.000000e-01 : f32
        %mul3A_610 = vector.broadcast %mul3A_609 : f32 to vector<16xf32>
        %mul3A_611 = arith.mulf %mul3A_610, %get3A_600 : vector<16xf32>
        %mul3A_612 = arith.mulf %mul3A_611, %bitcast_convert_type3A_608 : vector<16xf32>
        %mul3A_613 = arith.mulf %mul3A_612, %bitcast_convert_type3A_608 : vector<16xf32>
        %sub3A_614 = arith.constant 1.500000e+00 : f32
        %sub3A_615 = vector.broadcast %sub3A_614 : f32 to vector<16xf32>
        %sub3A_616 = arith.subf %sub3A_615, %mul3A_613 : vector<16xf32>
        %mul3A_617 = arith.mulf %bitcast_convert_type3A_608, %sub3A_616 : vector<16xf32>
        %mul3A_618 = arith.constant 5.000000e-01 : f32
        %mul3A_619 = vector.broadcast %mul3A_618 : f32 to vector<16xf32>
        %mul3A_620 = arith.mulf %mul3A_619, %get3A_600 : vector<16xf32>
        %mul3A_621 = arith.mulf %mul3A_620, %mul3A_617 : vector<16xf32>
        %mul3A_622 = arith.mulf %mul3A_621, %mul3A_617 : vector<16xf32>
        %sub3A_623 = arith.constant 1.500000e+00 : f32
        %sub3A_624 = vector.broadcast %sub3A_623 : f32 to vector<16xf32>
        %sub3A_625 = arith.subf %sub3A_624, %mul3A_622 : vector<16xf32>
        %mul3A_626 = arith.mulf %mul3A_617, %sub3A_625 : vector<16xf32>
        %mul3A_627 = arith.constant 5.000000e-01 : f32
        %mul3A_628 = vector.broadcast %mul3A_627 : f32 to vector<16xf32>
        %mul3A_629 = arith.mulf %mul3A_628, %get3A_600 : vector<16xf32>
        %mul3A_630 = arith.mulf %mul3A_629, %mul3A_626 : vector<16xf32>
        %mul3A_631 = arith.mulf %mul3A_630, %mul3A_626 : vector<16xf32>
        %sub3A_632 = arith.constant 1.500000e+00 : f32
        %sub3A_633 = vector.broadcast %sub3A_632 : f32 to vector<16xf32>
        %sub3A_634 = arith.subf %sub3A_633, %mul3A_631 : vector<16xf32>
        %mul3A_635 = arith.mulf %mul3A_626, %sub3A_634 : vector<16xf32>
        %swap3A_636 = arith.index_cast %add3A_596 : i32 to index
        %swap3A_637 = arith.constant 0 : index
        %swap3A_638 = tpu.vector_load %arg27[%swap3A_636, %swap3A_637] {strides = array<i32>} : memref<64x16xf32, #tpu.memory_space<vmem>>, vector<1x16xf32>,
        %swap3A_639 = vector.shape_cast %swap3A_638 : vector<1x16xf32> to vector<16xf32>
        %swap3A_640 = vector.shape_cast %mul3A_635 : vector<16xf32> to vector<1x16xf32>
        tpu.vector_store %arg27[%swap3A_636, %swap3A_637], %swap3A_640 {strides = array<i32>} : memref<64x16xf32, #tpu.memory_space<vmem>>, vector<1x16xf32>,
        %mul3A_641 = arith.constant 16 : i32
        %mul3A_642 = arith.muli %add3A_69, %mul3A_641 : i32
        %add3A_643 = arith.constant 12 : i32
        %add3A_644 = arith.addi %mul3A_642, %add3A_643 : i32
        %get3A_645 = arith.index_cast %add3A_644 : i32 to index
        %get3A_646 = arith.constant 0 : index
        %get3A_647 = tpu.vector_load %arg27[%get3A_645, %get3A_646] {strides = array<i32>} : memref<64x16xf32, #tpu.memory_space<vmem>>, vector<1x16xf32>,
        %get3A_648 = vector.shape_cast %get3A_647 : vector<1x16xf32> to vector<16xf32>
        %bitcast_convert_type3A_649 = tpu.bitcast %get3A_648 : vector<16xf32> -> vector<16xi32>
        %shift_right_arithmetic3A_650 = arith.constant 1 : i32
        %shift_right_arithmetic3A_651 = vector.broadcast %shift_right_arithmetic3A_650 : i32 to vector<16xi32>
        %shift_right_arithmetic3A_652 = arith.shrsi %bitcast_convert_type3A_649, %shift_right_arithmetic3A_651 : vector<16xi32>
        %sub3A_653 = arith.constant 1597463007 : i32
        %sub3A_654 = vector.broadcast %sub3A_653 : i32 to vector<16xi32>
        %sub3A_655 = arith.subi %sub3A_654, %shift_right_arithmetic3A_652 : vector<16xi32>
        %bitcast_convert_type3A_656 = tpu.bitcast %sub3A_655 : vector<16xi32> -> vector<16xf32>
        %mul3A_657 = arith.constant 5.000000e-01 : f32
        %mul3A_658 = vector.broadcast %mul3A_657 : f32 to vector<16xf32>
        %mul3A_659 = arith.mulf %mul3A_658, %get3A_648 : vector<16xf32>
        %mul3A_660 = arith.mulf %mul3A_659, %bitcast_convert_type3A_656 : vector<16xf32>
        %mul3A_661 = arith.mulf %mul3A_660, %bitcast_convert_type3A_656 : vector<16xf32>
        %sub3A_662 = arith.constant 1.500000e+00 : f32
        %sub3A_663 = vector.broadcast %sub3A_662 : f32 to vector<16xf32>
        %sub3A_664 = arith.subf %sub3A_663, %mul3A_661 : vector<16xf32>
        %mul3A_665 = arith.mulf %bitcast_convert_type3A_656, %sub3A_664 : vector<16xf32>
        %mul3A_666 = arith.constant 5.000000e-01 : f32
        %mul3A_667 = vector.broadcast %mul3A_666 : f32 to vector<16xf32>
        %mul3A_668 = arith.mulf %mul3A_667, %get3A_648 : vector<16xf32>
        %mul3A_669 = arith.mulf %mul3A_668, %mul3A_665 : vector<16xf32>
        %mul3A_670 = arith.mulf %mul3A_669, %mul3A_665 : vector<16xf32>
        %sub3A_671 = arith.constant 1.500000e+00 : f32
        %sub3A_672 = vector.broadcast %sub3A_671 : f32 to vector<16xf32>
        %sub3A_673 = arith.subf %sub3A_672, %mul3A_670 : vector<16xf32>
        %mul3A_674 = arith.mulf %mul3A_665, %sub3A_673 : vector<16xf32>
        %mul3A_675 = arith.constant 5.000000e-01 : f32
        %mul3A_676 = vector.broadcast %mul3A_675 : f32 to vector<16xf32>
        %mul3A_677 = arith.mulf %mul3A_676, %get3A_648 : vector<16xf32>
        %mul3A_678 = arith.mulf %mul3A_677, %mul3A_674 : vector<16xf32>
        %mul3A_679 = arith.mulf %mul3A_678, %mul3A_674 : vector<16xf32>
        %sub3A_680 = arith.constant 1.500000e+00 : f32
        %sub3A_681 = vector.broadcast %sub3A_680 : f32 to vector<16xf32>
        %sub3A_682 = arith.subf %sub3A_681, %mul3A_679 : vector<16xf32>
        %mul3A_683 = arith.mulf %mul3A_674, %sub3A_682 : vector<16xf32>
        %swap3A_684 = arith.index_cast %add3A_644 : i32 to index
        %swap3A_685 = arith.constant 0 : index
        %swap3A_686 = tpu.vector_load %arg27[%swap3A_684, %swap3A_685] {strides = array<i32>} : memref<64x16xf32, #tpu.memory_space<vmem>>, vector<1x16xf32>,
        %swap3A_687 = vector.shape_cast %swap3A_686 : vector<1x16xf32> to vector<16xf32>
        %swap3A_688 = vector.shape_cast %mul3A_683 : vector<16xf32> to vector<1x16xf32>
        tpu.vector_store %arg27[%swap3A_684, %swap3A_685], %swap3A_688 {strides = array<i32>} : memref<64x16xf32, #tpu.memory_space<vmem>>, vector<1x16xf32>,
        %mul3A_689 = arith.constant 16 : i32
        %mul3A_690 = arith.muli %add3A_69, %mul3A_689 : i32
        %add3A_691 = arith.constant 13 : i32
        %add3A_692 = arith.addi %mul3A_690, %add3A_691 : i32
        %get3A_693 = arith.index_cast %add3A_692 : i32 to index
        %get3A_694 = arith.constant 0 : index
        %get3A_695 = tpu.vector_load %arg27[%get3A_693, %get3A_694] {strides = array<i32>} : memref<64x16xf32, #tpu.memory_space<vmem>>, vector<1x16xf32>,
        %get3A_696 = vector.shape_cast %get3A_695 : vector<1x16xf32> to vector<16xf32>
        %bitcast_convert_type3A_697 = tpu.bitcast %get3A_696 : vector<16xf32> -> vector<16xi32>
        %shift_right_arithmetic3A_698 = arith.constant 1 : i32
        %shift_right_arithmetic3A_699 = vector.broadcast %shift_right_arithmetic3A_698 : i32 to vector<16xi32>
        %shift_right_arithmetic3A_700 = arith.shrsi %bitcast_convert_type3A_697, %shift_right_arithmetic3A_699 : vector<16xi32>
        %sub3A_701 = arith.constant 1597463007 : i32
        %sub3A_702 = vector.broadcast %sub3A_701 : i32 to vector<16xi32>
        %sub3A_703 = arith.subi %sub3A_702, %shift_right_arithmetic3A_700 : vector<16xi32>
        %bitcast_convert_type3A_704 = tpu.bitcast %sub3A_703 : vector<16xi32> -> vector<16xf32>
        %mul3A_705 = arith.constant 5.000000e-01 : f32
        %mul3A_706 = vector.broadcast %mul3A_705 : f32 to vector<16xf32>
        %mul3A_707 = arith.mulf %mul3A_706, %get3A_696 : vector<16xf32>
        %mul3A_708 = arith.mulf %mul3A_707, %bitcast_convert_type3A_704 : vector<16xf32>
        %mul3A_709 = arith.mulf %mul3A_708, %bitcast_convert_type3A_704 : vector<16xf32>
        %sub3A_710 = arith.constant 1.500000e+00 : f32
        %sub3A_711 = vector.broadcast %sub3A_710 : f32 to vector<16xf32>
        %sub3A_712 = arith.subf %sub3A_711, %mul3A_709 : vector<16xf32>
        %mul3A_713 = arith.mulf %bitcast_convert_type3A_704, %sub3A_712 : vector<16xf32>
        %mul3A_714 = arith.constant 5.000000e-01 : f32
        %mul3A_715 = vector.broadcast %mul3A_714 : f32 to vector<16xf32>
        %mul3A_716 = arith.mulf %mul3A_715, %get3A_696 : vector<16xf32>
        %mul3A_717 = arith.mulf %mul3A_716, %mul3A_713 : vector<16xf32>
        %mul3A_718 = arith.mulf %mul3A_717, %mul3A_713 : vector<16xf32>
        %sub3A_719 = arith.constant 1.500000e+00 : f32
        %sub3A_720 = vector.broadcast %sub3A_719 : f32 to vector<16xf32>
        %sub3A_721 = arith.subf %sub3A_720, %mul3A_718 : vector<16xf32>
        %mul3A_722 = arith.mulf %mul3A_713, %sub3A_721 : vector<16xf32>
        %mul3A_723 = arith.constant 5.000000e-01 : f32
        %mul3A_724 = vector.broadcast %mul3A_723 : f32 to vector<16xf32>
        %mul3A_725 = arith.mulf %mul3A_724, %get3A_696 : vector<16xf32>
        %mul3A_726 = arith.mulf %mul3A_725, %mul3A_722 : vector<16xf32>
        %mul3A_727 = arith.mulf %mul3A_726, %mul3A_722 : vector<16xf32>
        %sub3A_728 = arith.constant 1.500000e+00 : f32
        %sub3A_729 = vector.broadcast %sub3A_728 : f32 to vector<16xf32>
        %sub3A_730 = arith.subf %sub3A_729, %mul3A_727 : vector<16xf32>
        %mul3A_731 = arith.mulf %mul3A_722, %sub3A_730 : vector<16xf32>
        %swap3A_732 = arith.index_cast %add3A_692 : i32 to index
        %swap3A_733 = arith.constant 0 : index
        %swap3A_734 = tpu.vector_load %arg27[%swap3A_732, %swap3A_733] {strides = array<i32>} : memref<64x16xf32, #tpu.memory_space<vmem>>, vector<1x16xf32>,
        %swap3A_735 = vector.shape_cast %swap3A_734 : vector<1x16xf32> to vector<16xf32>
        %swap3A_736 = vector.shape_cast %mul3A_731 : vector<16xf32> to vector<1x16xf32>
        tpu.vector_store %arg27[%swap3A_732, %swap3A_733], %swap3A_736 {strides = array<i32>} : memref<64x16xf32, #tpu.memory_space<vmem>>, vector<1x16xf32>,
        %mul3A_737 = arith.constant 16 : i32
        %mul3A_738 = arith.muli %add3A_69, %mul3A_737 : i32
        %add3A_739 = arith.constant 14 : i32
        %add3A_740 = arith.addi %mul3A_738, %add3A_739 : i32
        %get3A_741 = arith.index_cast %add3A_740 : i32 to index
        %get3A_742 = arith.constant 0 : index
        %get3A_743 = tpu.vector_load %arg27[%get3A_741, %get3A_742] {strides = array<i32>} : memref<64x16xf32, #tpu.memory_space<vmem>>, vector<1x16xf32>,
        %get3A_744 = vector.shape_cast %get3A_743 : vector<1x16xf32> to vector<16xf32>
        %bitcast_convert_type3A_745 = tpu.bitcast %get3A_744 : vector<16xf32> -> vector<16xi32>
        %shift_right_arithmetic3A_746 = arith.constant 1 : i32
        %shift_right_arithmetic3A_747 = vector.broadcast %shift_right_arithmetic3A_746 : i32 to vector<16xi32>
        %shift_right_arithmetic3A_748 = arith.shrsi %bitcast_convert_type3A_745, %shift_right_arithmetic3A_747 : vector<16xi32>
        %sub3A_749 = arith.constant 1597463007 : i32
        %sub3A_750 = vector.broadcast %sub3A_749 : i32 to vector<16xi32>
        %sub3A_751 = arith.subi %sub3A_750, %shift_right_arithmetic3A_748 : vector<16xi32>
        %bitcast_convert_type3A_752 = tpu.bitcast %sub3A_751 : vector<16xi32> -> vector<16xf32>
        %mul3A_753 = arith.constant 5.000000e-01 : f32
        %mul3A_754 = vector.broadcast %mul3A_753 : f32 to vector<16xf32>
        %mul3A_755 = arith.mulf %mul3A_754, %get3A_744 : vector<16xf32>
        %mul3A_756 = arith.mulf %mul3A_755, %bitcast_convert_type3A_752 : vector<16xf32>
        %mul3A_757 = arith.mulf %mul3A_756, %bitcast_convert_type3A_752 : vector<16xf32>
        %sub3A_758 = arith.constant 1.500000e+00 : f32
        %sub3A_759 = vector.broadcast %sub3A_758 : f32 to vector<16xf32>
        %sub3A_760 = arith.subf %sub3A_759, %mul3A_757 : vector<16xf32>
        %mul3A_761 = arith.mulf %bitcast_convert_type3A_752, %sub3A_760 : vector<16xf32>
        %mul3A_762 = arith.constant 5.000000e-01 : f32
        %mul3A_763 = vector.broadcast %mul3A_762 : f32 to vector<16xf32>
        %mul3A_764 = arith.mulf %mul3A_763, %get3A_744 : vector<16xf32>
        %mul3A_765 = arith.mulf %mul3A_764, %mul3A_761 : vector<16xf32>
        %mul3A_766 = arith.mulf %mul3A_765, %mul3A_761 : vector<16xf32>
        %sub3A_767 = arith.constant 1.500000e+00 : f32
        %sub3A_768 = vector.broadcast %sub3A_767 : f32 to vector<16xf32>
        %sub3A_769 = arith.subf %sub3A_768, %mul3A_766 : vector<16xf32>
        %mul3A_770 = arith.mulf %mul3A_761, %sub3A_769 : vector<16xf32>
        %mul3A_771 = arith.constant 5.000000e-01 : f32
        %mul3A_772 = vector.broadcast %mul3A_771 : f32 to vector<16xf32>
        %mul3A_773 = arith.mulf %mul3A_772, %get3A_744 : vector<16xf32>
        %mul3A_774 = arith.mulf %mul3A_773, %mul3A_770 : vector<16xf32>
        %mul3A_775 = arith.mulf %mul3A_774, %mul3A_770 : vector<16xf32>
        %sub3A_776 = arith.constant 1.500000e+00 : f32
        %sub3A_777 = vector.broadcast %sub3A_776 : f32 to vector<16xf32>
        %sub3A_778 = arith.subf %sub3A_777, %mul3A_775 : vector<16xf32>
        %mul3A_779 = arith.mulf %mul3A_770, %sub3A_778 : vector<16xf32>
        %swap3A_780 = arith.index_cast %add3A_740 : i32 to index
        %swap3A_781 = arith.constant 0 : index
        %swap3A_782 = tpu.vector_load %arg27[%swap3A_780, %swap3A_781] {strides = array<i32>} : memref<64x16xf32, #tpu.memory_space<vmem>>, vector<1x16xf32>,
        %swap3A_783 = vector.shape_cast %swap3A_782 : vector<1x16xf32> to vector<16xf32>
        %swap3A_784 = vector.shape_cast %mul3A_779 : vector<16xf32> to vector<1x16xf32>
        tpu.vector_store %arg27[%swap3A_780, %swap3A_781], %swap3A_784 {strides = array<i32>} : memref<64x16xf32, #tpu.memory_space<vmem>>, vector<1x16xf32>,
        %mul3A_785 = arith.constant 16 : i32
        %mul3A_786 = arith.muli %add3A_69, %mul3A_785 : i32
        %add3A_787 = arith.constant 15 : i32
        %add3A_788 = arith.addi %mul3A_786, %add3A_787 : i32
        %get3A_789 = arith.index_cast %add3A_788 : i32 to index
        %get3A_790 = arith.constant 0 : index
        %get3A_791 = tpu.vector_load %arg27[%get3A_789, %get3A_790] {strides = array<i32>} : memref<64x16xf32, #tpu.memory_space<vmem>>, vector<1x16xf32>,
        %get3A_792 = vector.shape_cast %get3A_791 : vector<1x16xf32> to vector<16xf32>
        %bitcast_convert_type3A_793 = tpu.bitcast %get3A_792 : vector<16xf32> -> vector<16xi32>
        %shift_right_arithmetic3A_794 = arith.constant 1 : i32
        %shift_right_arithmetic3A_795 = vector.broadcast %shift_right_arithmetic3A_794 : i32 to vector<16xi32>
        %shift_right_arithmetic3A_796 = arith.shrsi %bitcast_convert_type3A_793, %shift_right_arithmetic3A_795 : vector<16xi32>
        %sub3A_797 = arith.constant 1597463007 : i32
        %sub3A_798 = vector.broadcast %sub3A_797 : i32 to vector<16xi32>
        %sub3A_799 = arith.subi %sub3A_798, %shift_right_arithmetic3A_796 : vector<16xi32>
        %bitcast_convert_type3A_800 = tpu.bitcast %sub3A_799 : vector<16xi32> -> vector<16xf32>
        %mul3A_801 = arith.constant 5.000000e-01 : f32
        %mul3A_802 = vector.broadcast %mul3A_801 : f32 to vector<16xf32>
        %mul3A_803 = arith.mulf %mul3A_802, %get3A_792 : vector<16xf32>
        %mul3A_804 = arith.mulf %mul3A_803, %bitcast_convert_type3A_800 : vector<16xf32>
        %mul3A_805 = arith.mulf %mul3A_804, %bitcast_convert_type3A_800 : vector<16xf32>
        %sub3A_806 = arith.constant 1.500000e+00 : f32
        %sub3A_807 = vector.broadcast %sub3A_806 : f32 to vector<16xf32>
        %sub3A_808 = arith.subf %sub3A_807, %mul3A_805 : vector<16xf32>
        %mul3A_809 = arith.mulf %bitcast_convert_type3A_800, %sub3A_808 : vector<16xf32>
        %mul3A_810 = arith.constant 5.000000e-01 : f32
        %mul3A_811 = vector.broadcast %mul3A_810 : f32 to vector<16xf32>
        %mul3A_812 = arith.mulf %mul3A_811, %get3A_792 : vector<16xf32>
        %mul3A_813 = arith.mulf %mul3A_812, %mul3A_809 : vector<16xf32>
        %mul3A_814 = arith.mulf %mul3A_813, %mul3A_809 : vector<16xf32>
        %sub3A_815 = arith.constant 1.500000e+00 : f32
        %sub3A_816 = vector.broadcast %sub3A_815 : f32 to vector<16xf32>
        %sub3A_817 = arith.subf %sub3A_816, %mul3A_814 : vector<16xf32>
        %mul3A_818 = arith.mulf %mul3A_809, %sub3A_817 : vector<16xf32>
        %mul3A_819 = arith.constant 5.000000e-01 : f32
        %mul3A_820 = vector.broadcast %mul3A_819 : f32 to vector<16xf32>
        %mul3A_821 = arith.mulf %mul3A_820, %get3A_792 : vector<16xf32>
        %mul3A_822 = arith.mulf %mul3A_821, %mul3A_818 : vector<16xf32>
        %mul3A_823 = arith.mulf %mul3A_822, %mul3A_818 : vector<16xf32>
        %sub3A_824 = arith.constant 1.500000e+00 : f32
        %sub3A_825 = vector.broadcast %sub3A_824 : f32 to vector<16xf32>
        %sub3A_826 = arith.subf %sub3A_825, %mul3A_823 : vector<16xf32>
        %mul3A_827 = arith.mulf %mul3A_818, %sub3A_826 : vector<16xf32>
        %swap3A_828 = arith.index_cast %add3A_788 : i32 to index
        %swap3A_829 = arith.constant 0 : index
        %swap3A_830 = tpu.vector_load %arg27[%swap3A_828, %swap3A_829] {strides = array<i32>} : memref<64x16xf32, #tpu.memory_space<vmem>>, vector<1x16xf32>,
        %swap3A_831 = vector.shape_cast %swap3A_830 : vector<1x16xf32> to vector<16xf32>
        %swap3A_832 = vector.shape_cast %mul3A_827 : vector<16xf32> to vector<1x16xf32>
        tpu.vector_store %arg27[%swap3A_828, %swap3A_829], %swap3A_832 {strides = array<i32>} : memref<64x16xf32, #tpu.memory_space<vmem>>, vector<1x16xf32>,
      }
      %scan3A_64 = arith.constant 4 : i32
      "tpu.region"() ({
        %run_scoped3A = tpu.sem_alloc : memref<!tpu.dma_semaphore, #tpu.memory_space<semaphore_mem>>
        %dma_start3A_65 = arith.constant 0 : i32
        %dma_start3A_66 = tpu.memref_slice %arg11[%add3A_59, %dma_start3A_65] : memref<10240x16xf32, #tpu.memory_space<vmem_shared>> -> memref<64x16xf32, #tpu.memory_space<vmem_shared>>
        %dma_start3A_67 = arith.constant 0 : i32
        %dma_start3A_68 = tpu.memref_slice %arg11[%add3A_59, %dma_start3A_67] : memref<10240x16xf32, #tpu.memory_space<vmem_shared>> -> memref<64x16xf32, #tpu.memory_space<vmem_shared>>
        tpu.enqueue_dma source(%arg27 : memref<64x16xf32, #tpu.memory_space<vmem>>) target(%dma_start3A_68 : memref<64x16xf32, #tpu.memory_space<vmem_shared>>) target_semaphore(%run_scoped3A : memref<!tpu.dma_semaphore, #tpu.memory_space<semaphore_mem>>)
        %dma_wait3A = arith.constant 0 : i32
        %dma_wait3A_69 = tpu.memref_slice %arg11[%add3A_59, %dma_wait3A] : memref<10240x16xf32, #tpu.memory_space<vmem_shared>> -> memref<64x16xf32, #tpu.memory_space<vmem_shared>>
        %dma_wait3A_70 = arith.constant 0 : i32
        %dma_wait3A_71 = tpu.memref_slice %arg11[%add3A_59, %dma_wait3A_70] : memref<10240x16xf32, #tpu.memory_space<vmem_shared>> -> memref<64x16xf32, #tpu.memory_space<vmem_shared>>
        tpu.wait_dma2 semaphore(%run_scoped3A : memref<!tpu.dma_semaphore, #tpu.memory_space<semaphore_mem>>) src(%arg27 : memref<64x16xf32, #tpu.memory_space<vmem>>) dst(%dma_wait3A_71 : memref<64x16xf32, #tpu.memory_space<vmem_shared>>)
        tpu.yield
      }) : () -> ()
    }
    %scan3A_35 = arith.constant 10 : i32
    %scan3A_36 = arith.constant 0 : i32
    %scan3A_37 = arith.constant 10 : i32
    %scan3A_38 = arith.addi %scan3A_36, %scan3A_37 : i32
    %scan3A_39 = arith.constant 1 : i32
    scf.for %scan3A_52 = %scan3A_36 to %scan3A_38 step %scan3A_39  : i32 {
      %mul3A_53 = arith.constant 1 : i32
      %mul3A_54 = arith.muli %scan3A_52, %mul3A_53 : i32
      %add3A_55 = arith.constant 0 : i32
      %add3A_56 = arith.addi %add3A_55, %mul3A_54 : i32
      %mul3A_57 = arith.constant 64 : i32
      %mul3A_58 = arith.muli %add3A_56, %mul3A_57 : i32
      %add3A_59 = arith.addi %mul3A_2, %mul3A_58 : i32
      %mul3A_60 = arith.constant 64 : i32
      %mul3A_61 = arith.muli %add3A_56, %mul3A_60 : i32
      %add3A_62 = arith.addi %add3A, %mul3A_61 : i32
      "tpu.region"() ({
        %run_scoped3A = tpu.sem_alloc : memref<!tpu.dma_semaphore, #tpu.memory_space<semaphore_mem>>
        %dma_start3A_71 = arith.constant 0 : i32
        %dma_start3A_72 = tpu.memref_slice %arg2[%add3A_62, %dma_start3A_71] : memref<20480x64xf32, #tpu.memory_space<hbm>> -> memref<64x64xf32, #tpu.memory_space<hbm>>
        %dma_start3A_73 = arith.constant 0 : i32
        %dma_start3A_74 = tpu.memref_slice %arg2[%add3A_62, %dma_start3A_73] : memref<20480x64xf32, #tpu.memory_space<hbm>> -> memref<64x64xf32, #tpu.memory_space<hbm>>
        tpu.enqueue_dma source(%dma_start3A_74 : memref<64x64xf32, #tpu.memory_space<hbm>>) target(%arg26 : memref<64x64xf32, #tpu.memory_space<vmem>>) target_semaphore(%run_scoped3A : memref<!tpu.dma_semaphore, #tpu.memory_space<semaphore_mem>>)
        %dma_wait3A = arith.constant 0 : i32
        %dma_wait3A_75 = tpu.memref_slice %arg2[%add3A_62, %dma_wait3A] : memref<20480x64xf32, #tpu.memory_space<hbm>> -> memref<64x64xf32, #tpu.memory_space<hbm>>
        %dma_wait3A_76 = arith.constant 0 : i32
        %dma_wait3A_77 = tpu.memref_slice %arg2[%add3A_62, %dma_wait3A_76] : memref<20480x64xf32, #tpu.memory_space<hbm>> -> memref<64x64xf32, #tpu.memory_space<hbm>>
        tpu.wait_dma2 semaphore(%run_scoped3A : memref<!tpu.dma_semaphore, #tpu.memory_space<semaphore_mem>>) src(%dma_wait3A_77 : memref<64x64xf32, #tpu.memory_space<hbm>>) dst(%arg26 : memref<64x64xf32, #tpu.memory_space<vmem>>)
        tpu.yield
      }) : () -> ()
      "tpu.region"() ({
        %run_scoped3A = tpu.sem_alloc : memref<!tpu.dma_semaphore, #tpu.memory_space<semaphore_mem>>
        %dma_start3A_71 = arith.constant 0 : i32
        %dma_start3A_72 = tpu.memref_slice %arg11[%add3A_59, %dma_start3A_71] : memref<10240x16xf32, #tpu.memory_space<vmem_shared>> -> memref<64x16xf32, #tpu.memory_space<vmem_shared>>
        %dma_start3A_73 = arith.constant 0 : i32
        %dma_start3A_74 = tpu.memref_slice %arg11[%add3A_59, %dma_start3A_73] : memref<10240x16xf32, #tpu.memory_space<vmem_shared>> -> memref<64x16xf32, #tpu.memory_space<vmem_shared>>
        tpu.enqueue_dma source(%dma_start3A_74 : memref<64x16xf32, #tpu.memory_space<vmem_shared>>) target(%arg27 : memref<64x16xf32, #tpu.memory_space<vmem>>) target_semaphore(%run_scoped3A : memref<!tpu.dma_semaphore, #tpu.memory_space<semaphore_mem>>)
        %dma_wait3A = arith.constant 0 : i32
        %dma_wait3A_75 = tpu.memref_slice %arg11[%add3A_59, %dma_wait3A] : memref<10240x16xf32, #tpu.memory_space<vmem_shared>> -> memref<64x16xf32, #tpu.memory_space<vmem_shared>>
        %dma_wait3A_76 = arith.constant 0 : i32
        %dma_wait3A_77 = tpu.memref_slice %arg11[%add3A_59, %dma_wait3A_76] : memref<10240x16xf32, #tpu.memory_space<vmem_shared>> -> memref<64x16xf32, #tpu.memory_space<vmem_shared>>
        tpu.wait_dma2 semaphore(%run_scoped3A : memref<!tpu.dma_semaphore, #tpu.memory_space<semaphore_mem>>) src(%dma_wait3A_77 : memref<64x16xf32, #tpu.memory_space<vmem_shared>>) dst(%arg27 : memref<64x16xf32, #tpu.memory_space<vmem>>)
        tpu.yield
      }) : () -> ()
      %scan3A_63 = arith.constant 0 : i32
      %scan3A_64 = arith.constant 64 : i32
      %scan3A_65 = arith.addi %scan3A_63, %scan3A_64 : i32
      %scan3A_66 = arith.constant 1 : i32
      scf.for %scan3A_71 = %scan3A_63 to %scan3A_65 step %scan3A_66  : i32 {
        %mul3A_72 = arith.constant 1 : i32
        %mul3A_73 = arith.muli %scan3A_71, %mul3A_72 : i32
        %add3A_74 = arith.constant 0 : i32
        %add3A_75 = arith.addi %add3A_74, %mul3A_73 : i32
        %get3A = arith.index_cast %add3A_75 : i32 to index
        %get3A_76 = arith.constant 0 : index
        %get3A_77 = tpu.vector_load %arg27[%get3A, %get3A_76] {strides = array<i32>} : memref<64x16xf32, #tpu.memory_space<vmem>>, vector<1x16xf32>,
        %get3A_78 = vector.shape_cast %get3A_77 : vector<1x16xf32> to vector<16xf32>
        %get3A_79 = arith.index_cast %add3A_75 : i32 to index
        %get3A_80 = arith.constant 0 : index
        %get3A_81 = tpu.vector_load %arg26[%get3A_79, %get3A_80] {strides = array<i32>} : memref<64x64xf32, #tpu.memory_space<vmem>>, vector<1x16xf32>,
        %get3A_82 = vector.shape_cast %get3A_81 : vector<1x16xf32> to vector<16xf32>
        %mul3A_83 = arith.mulf %get3A_82, %get3A_78 : vector<16xf32>
        %swap3A = arith.index_cast %add3A_75 : i32 to index
        %swap3A_84 = arith.constant 0 : index
        %swap3A_85 = tpu.vector_load %arg26[%swap3A, %swap3A_84] {strides = array<i32>} : memref<64x64xf32, #tpu.memory_space<vmem>>, vector<1x16xf32>,
        %swap3A_86 = vector.shape_cast %swap3A_85 : vector<1x16xf32> to vector<16xf32>
        %swap3A_87 = vector.shape_cast %mul3A_83 : vector<16xf32> to vector<1x16xf32>
        tpu.vector_store %arg26[%swap3A, %swap3A_84], %swap3A_87 {strides = array<i32>} : memref<64x64xf32, #tpu.memory_space<vmem>>, vector<1x16xf32>,
        %get3A_88 = arith.index_cast %add3A_75 : i32 to index
        %get3A_89 = arith.constant 16 : index
        %get3A_90 = tpu.vector_load %arg26[%get3A_88, %get3A_89] {strides = array<i32>} : memref<64x64xf32, #tpu.memory_space<vmem>>, vector<1x16xf32>,
        %get3A_91 = vector.shape_cast %get3A_90 : vector<1x16xf32> to vector<16xf32>
        %mul3A_92 = arith.mulf %get3A_91, %get3A_78 : vector<16xf32>
        %swap3A_93 = arith.index_cast %add3A_75 : i32 to index
        %swap3A_94 = arith.constant 16 : index
        %swap3A_95 = tpu.vector_load %arg26[%swap3A_93, %swap3A_94] {strides = array<i32>} : memref<64x64xf32, #tpu.memory_space<vmem>>, vector<1x16xf32>,
        %swap3A_96 = vector.shape_cast %swap3A_95 : vector<1x16xf32> to vector<16xf32>
        %swap3A_97 = vector.shape_cast %mul3A_92 : vector<16xf32> to vector<1x16xf32>
        tpu.vector_store %arg26[%swap3A_93, %swap3A_94], %swap3A_97 {strides = array<i32>} : memref<64x64xf32, #tpu.memory_space<vmem>>, vector<1x16xf32>,
        %get3A_98 = arith.index_cast %add3A_75 : i32 to index
        %get3A_99 = arith.constant 32 : index
        %get3A_100 = tpu.vector_load %arg26[%get3A_98, %get3A_99] {strides = array<i32>} : memref<64x64xf32, #tpu.memory_space<vmem>>, vector<1x16xf32>,
        %get3A_101 = vector.shape_cast %get3A_100 : vector<1x16xf32> to vector<16xf32>
        %mul3A_102 = arith.mulf %get3A_101, %get3A_78 : vector<16xf32>
        %swap3A_103 = arith.index_cast %add3A_75 : i32 to index
        %swap3A_104 = arith.constant 32 : index
        %swap3A_105 = tpu.vector_load %arg26[%swap3A_103, %swap3A_104] {strides = array<i32>} : memref<64x64xf32, #tpu.memory_space<vmem>>, vector<1x16xf32>,
        %swap3A_106 = vector.shape_cast %swap3A_105 : vector<1x16xf32> to vector<16xf32>
        %swap3A_107 = vector.shape_cast %mul3A_102 : vector<16xf32> to vector<1x16xf32>
        tpu.vector_store %arg26[%swap3A_103, %swap3A_104], %swap3A_107 {strides = array<i32>} : memref<64x64xf32, #tpu.memory_space<vmem>>, vector<1x16xf32>,
        %get3A_108 = arith.index_cast %add3A_75 : i32 to index
        %get3A_109 = arith.constant 48 : index
        %get3A_110 = tpu.vector_load %arg26[%get3A_108, %get3A_109] {strides = array<i32>} : memref<64x64xf32, #tpu.memory_space<vmem>>, vector<1x16xf32>,
        %get3A_111 = vector.shape_cast %get3A_110 : vector<1x16xf32> to vector<16xf32>
        %mul3A_112 = arith.mulf %get3A_111, %get3A_78 : vector<16xf32>
        %swap3A_113 = arith.index_cast %add3A_75 : i32 to index
        %swap3A_114 = arith.constant 48 : index
        %swap3A_115 = tpu.vector_load %arg26[%swap3A_113, %swap3A_114] {strides = array<i32>} : memref<64x64xf32, #tpu.memory_space<vmem>>, vector<1x16xf32>,
        %swap3A_116 = vector.shape_cast %swap3A_115 : vector<1x16xf32> to vector<16xf32>
        %swap3A_117 = vector.shape_cast %mul3A_112 : vector<16xf32> to vector<1x16xf32>
        tpu.vector_store %arg26[%swap3A_113, %swap3A_114], %swap3A_117 {strides = array<i32>} : memref<64x64xf32, #tpu.memory_space<vmem>>, vector<1x16xf32>,
      }
      %scan3A_67 = arith.constant 64 : i32
      %mul3A_68 = arith.constant 64 : i32
      %mul3A_69 = arith.muli %add3A_56, %mul3A_68 : i32
      %add3A_70 = arith.addi %add3A, %mul3A_69 : i32
      "tpu.region"() ({
        %run_scoped3A = tpu.sem_alloc : memref<!tpu.dma_semaphore, #tpu.memory_space<semaphore_mem>>
        %dma_start3A_71 = arith.constant 0 : i32
        %dma_start3A_72 = tpu.memref_slice %arg9[%add3A_70, %dma_start3A_71] : memref<20480x64xf32, #tpu.memory_space<hbm>> -> memref<64x64xf32, #tpu.memory_space<hbm>>
        %dma_start3A_73 = arith.constant 0 : i32
        %dma_start3A_74 = tpu.memref_slice %arg9[%add3A_70, %dma_start3A_73] : memref<20480x64xf32, #tpu.memory_space<hbm>> -> memref<64x64xf32, #tpu.memory_space<hbm>>
        tpu.enqueue_dma source(%arg26 : memref<64x64xf32, #tpu.memory_space<vmem>>) target(%dma_start3A_74 : memref<64x64xf32, #tpu.memory_space<hbm>>) target_semaphore(%run_scoped3A : memref<!tpu.dma_semaphore, #tpu.memory_space<semaphore_mem>>)
        %dma_wait3A = arith.constant 0 : i32
        %dma_wait3A_75 = tpu.memref_slice %arg9[%add3A_70, %dma_wait3A] : memref<20480x64xf32, #tpu.memory_space<hbm>> -> memref<64x64xf32, #tpu.memory_space<hbm>>
        %dma_wait3A_76 = arith.constant 0 : i32
        %dma_wait3A_77 = tpu.memref_slice %arg9[%add3A_70, %dma_wait3A_76] : memref<20480x64xf32, #tpu.memory_space<hbm>> -> memref<64x64xf32, #tpu.memory_space<hbm>>
        tpu.wait_dma2 semaphore(%run_scoped3A : memref<!tpu.dma_semaphore, #tpu.memory_space<semaphore_mem>>) src(%arg26 : memref<64x64xf32, #tpu.memory_space<vmem>>) dst(%dma_wait3A_77 : memref<64x64xf32, #tpu.memory_space<hbm>>)
        tpu.yield
      }) : () -> ()
    }
    %scan3A_40 = arith.constant 10 : i32
    %barrier3A_41 = arith.constant 0 : index
    tpu.barrier barrier_id(%barrier3A_41)
    %scan3A_42 = arith.constant 0 : i32
    %scan3A_43 = arith.constant 10 : i32
    %scan3A_44 = arith.addi %scan3A_42, %scan3A_43 : i32
    %scan3A_45 = arith.constant 1 : i32
    scf.for %scan3A_52 = %scan3A_42 to %scan3A_44 step %scan3A_45  : i32 {
      %mul3A_53 = arith.constant 1 : i32
      %mul3A_54 = arith.muli %scan3A_52, %mul3A_53 : i32
      %add3A_55 = arith.constant 0 : i32
      %add3A_56 = arith.addi %add3A_55, %mul3A_54 : i32
      %add3A_57 = arith.constant 0 : i32
      %add3A_58 = arith.addi %add3A_9, %add3A_57 : i32
      %dma_start3A_59 = arith.constant 0 : i32
      %dma_start3A_60 = tpu.memref_slice %arg3[%add3A_58, %dma_start3A_59] : memref<5376x128xi32, #tpu.memory_space<hbm>> -> memref<12x128xi32, #tpu.memory_space<hbm>>
      %dma_start3A_61 = arith.constant 0 : i32
      %dma_start3A_62 = tpu.memref_slice %arg3[%add3A_58, %dma_start3A_61] : memref<5376x128xi32, #tpu.memory_space<hbm>> -> memref<12x128xi32, #tpu.memory_space<hbm>>
      tpu.enqueue_dma source(%dma_start3A_62 : memref<12x128xi32, #tpu.memory_space<hbm>>) target(%arg12 : memref<12x128xi32, #tpu.memory_space<vmem>>) target_semaphore(%arg40 : memref<!tpu.dma_semaphore, #tpu.memory_space<semaphore_mem>>)
      %add3A_63 = arith.constant 0 : i32
      %add3A_64 = arith.addi %mul3A_0, %add3A_63 : i32
      %dma_start3A_65 = arith.constant 0 : i32
      %dma_start3A_66 = tpu.memref_slice %arg4[%add3A_64, %dma_start3A_65] : memref<2688x128xi32, #tpu.memory_space<hbm>> -> memref<12x128xi32, #tpu.memory_space<hbm>>
      %dma_start3A_67 = arith.constant 0 : i32
      %dma_start3A_68 = tpu.memref_slice %arg4[%add3A_64, %dma_start3A_67] : memref<2688x128xi32, #tpu.memory_space<hbm>> -> memref<12x128xi32, #tpu.memory_space<hbm>>
      tpu.enqueue_dma source(%dma_start3A_68 : memref<12x128xi32, #tpu.memory_space<hbm>>) target(%arg14 : memref<12x128xi32, #tpu.memory_space<vmem>>) target_semaphore(%arg42 : memref<!tpu.dma_semaphore, #tpu.memory_space<semaphore_mem>>)
      %scan3A_69 = arith.constant 0 : i32
      %scan3A_70 = arith.constant 7 : i32
      %scan3A_71 = arith.addi %scan3A_69, %scan3A_70 : i32
      %scan3A_72 = arith.constant 1 : i32
      scf.for %scan3A_81 = %scan3A_69 to %scan3A_71 step %scan3A_72  : i32 {
        %mul3A_82 = arith.constant 1 : i32
        %mul3A_83 = arith.muli %scan3A_81, %mul3A_82 : i32
        %add3A_84 = arith.constant 0 : i32
        %add3A_85 = arith.addi %add3A_84, %mul3A_83 : i32
        %mul3A_86 = arith.constant 24 : i32
        %mul3A_87 = arith.muli %add3A_85, %mul3A_86 : i32
        %add3A_88 = arith.constant 0 : i32
        %add3A_89 = arith.addi %mul3A_87, %add3A_88 : i32
        %add3A_90 = arith.addi %add3A_9, %add3A_89 : i32
        %dma_wait3A = arith.constant 0 : i32
        %dma_wait3A_91 = tpu.memref_slice %arg3[%add3A_90, %dma_wait3A] : memref<5376x128xi32, #tpu.memory_space<hbm>> -> memref<12x128xi32, #tpu.memory_space<hbm>>
        %dma_wait3A_92 = arith.constant 0 : i32
        %dma_wait3A_93 = tpu.memref_slice %arg3[%add3A_90, %dma_wait3A_92] : memref<5376x128xi32, #tpu.memory_space<hbm>> -> memref<12x128xi32, #tpu.memory_space<hbm>>
        tpu.wait_dma2 semaphore(%arg40 : memref<!tpu.dma_semaphore, #tpu.memory_space<semaphore_mem>>) src(%dma_wait3A_93 : memref<12x128xi32, #tpu.memory_space<hbm>>) dst(%arg12 : memref<12x128xi32, #tpu.memory_space<vmem>>)
        %add3A_94 = arith.addi %mul3A_0, %add3A_89 : i32
        %dma_wait3A_95 = arith.constant 0 : i32
        %dma_wait3A_96 = tpu.memref_slice %arg4[%add3A_94, %dma_wait3A_95] : memref<2688x128xi32, #tpu.memory_space<hbm>> -> memref<12x128xi32, #tpu.memory_space<hbm>>
        %dma_wait3A_97 = arith.constant 0 : i32
        %dma_wait3A_98 = tpu.memref_slice %arg4[%add3A_94, %dma_wait3A_97] : memref<2688x128xi32, #tpu.memory_space<hbm>> -> memref<12x128xi32, #tpu.memory_space<hbm>>
        tpu.wait_dma2 semaphore(%arg42 : memref<!tpu.dma_semaphore, #tpu.memory_space<semaphore_mem>>) src(%dma_wait3A_98 : memref<12x128xi32, #tpu.memory_space<hbm>>) dst(%arg14 : memref<12x128xi32, #tpu.memory_space<vmem>>)
        %add3A_99 = arith.constant 12 : i32
        %add3A_100 = arith.addi %add3A_89, %add3A_99 : i32
        %lt3A = arith.constant 168 : i32
        %lt3A_101 = arith.cmpi slt, %add3A_100, %lt3A : i32
        %convert_element_type3A = arith.extui %lt3A_101 : i1 to i32
        %cond3A = arith.constant 0 : i32
        %cond3A_102 = arith.cmpi ne, %convert_element_type3A, %cond3A : i32
        scf.if %cond3A_102 {
          %add3A_794 = arith.constant 12 : i32
          %add3A_795 = arith.addi %add3A_89, %add3A_794 : i32
          %add3A_796 = arith.addi %add3A_9, %add3A_795 : i32
          %dma_start3A_797 = arith.constant 0 : i32
          %dma_start3A_798 = tpu.memref_slice %arg3[%add3A_796, %dma_start3A_797] : memref<5376x128xi32, #tpu.memory_space<hbm>> -> memref<12x128xi32, #tpu.memory_space<hbm>>
          %dma_start3A_799 = arith.constant 0 : i32
          %dma_start3A_800 = tpu.memref_slice %arg3[%add3A_796, %dma_start3A_799] : memref<5376x128xi32, #tpu.memory_space<hbm>> -> memref<12x128xi32, #tpu.memory_space<hbm>>
          tpu.enqueue_dma source(%dma_start3A_800 : memref<12x128xi32, #tpu.memory_space<hbm>>) target(%arg13 : memref<12x128xi32, #tpu.memory_space<vmem>>) target_semaphore(%arg41 : memref<!tpu.dma_semaphore, #tpu.memory_space<semaphore_mem>>)
          %add3A_801 = arith.addi %mul3A_0, %add3A_795 : i32
          %dma_start3A_802 = arith.constant 0 : i32
          %dma_start3A_803 = tpu.memref_slice %arg4[%add3A_801, %dma_start3A_802] : memref<2688x128xi32, #tpu.memory_space<hbm>> -> memref<12x128xi32, #tpu.memory_space<hbm>>
          %dma_start3A_804 = arith.constant 0 : i32
          %dma_start3A_805 = tpu.memref_slice %arg4[%add3A_801, %dma_start3A_804] : memref<2688x128xi32, #tpu.memory_space<hbm>> -> memref<12x128xi32, #tpu.memory_space<hbm>>
          tpu.enqueue_dma source(%dma_start3A_805 : memref<12x128xi32, #tpu.memory_space<hbm>>) target(%arg15 : memref<12x128xi32, #tpu.memory_space<vmem>>) target_semaphore(%arg43 : memref<!tpu.dma_semaphore, #tpu.memory_space<semaphore_mem>>)
        } else {
        }
        %dma_start3A_103 = arith.constant 0 : i32
        %dma_start3A_104 = arith.constant 0 : i32
        %dma_start3A_105 = tpu.memref_slice %arg12[%dma_start3A_103, %dma_start3A_104] : memref<12x128xi32, #tpu.memory_space<vmem>> -> memref<1x128xi32, #tpu.memory_space<vmem>>
        %dma_start3A_106 = tpu.memref_squeeze %dma_start3A_105 : memref<1x128xi32, #tpu.memory_space<vmem>> -> memref<128xi32, #tpu.memory_space<vmem>>
        %dma_start3A_107 = arith.constant 0 : i32
        %dma_start3A_108 = arith.constant 0 : i32
        %dma_start3A_109 = tpu.memref_slice %arg9[%dma_start3A_107, %dma_start3A_108] : memref<20480x64xf32, #tpu.memory_space<hbm>> -> memref<20480x64xf32, #tpu.memory_space<hbm>>
        tpu.enqueue_indirect_dma source(%dma_start3A_109 : memref<20480x64xf32, #tpu.memory_space<hbm>>) target(%arg16 : memref<128x64xf32, #tpu.memory_space<vmem>>) offsets(%dma_start3A_106 : memref<128xi32, #tpu.memory_space<vmem>>) semaphore(%arg28 : memref<!tpu.dma_semaphore, #tpu.memory_space<semaphore_mem>>)
        %dma_start3A_110 = arith.constant 1 : i32
        %dma_start3A_111 = arith.constant 0 : i32
        %dma_start3A_112 = tpu.memref_slice %arg12[%dma_start3A_110, %dma_start3A_111] : memref<12x128xi32, #tpu.memory_space<vmem>> -> memref<1x128xi32, #tpu.memory_space<vmem>>
        %dma_start3A_113 = tpu.memref_squeeze %dma_start3A_112 : memref<1x128xi32, #tpu.memory_space<vmem>> -> memref<128xi32, #tpu.memory_space<vmem>>
        %dma_start3A_114 = arith.constant 0 : i32
        %dma_start3A_115 = arith.constant 0 : i32
        %dma_start3A_116 = tpu.memref_slice %arg9[%dma_start3A_114, %dma_start3A_115] : memref<20480x64xf32, #tpu.memory_space<hbm>> -> memref<20480x64xf32, #tpu.memory_space<hbm>>
        tpu.enqueue_indirect_dma source(%dma_start3A_116 : memref<20480x64xf32, #tpu.memory_space<hbm>>) target(%arg17 : memref<128x64xf32, #tpu.memory_space<vmem>>) offsets(%dma_start3A_113 : memref<128xi32, #tpu.memory_space<vmem>>) semaphore(%arg29 : memref<!tpu.dma_semaphore, #tpu.memory_space<semaphore_mem>>)
        %dma_start3A_117 = arith.constant 2 : i32
        %dma_start3A_118 = arith.constant 0 : i32
        %dma_start3A_119 = tpu.memref_slice %arg12[%dma_start3A_117, %dma_start3A_118] : memref<12x128xi32, #tpu.memory_space<vmem>> -> memref<1x128xi32, #tpu.memory_space<vmem>>
        %dma_start3A_120 = tpu.memref_squeeze %dma_start3A_119 : memref<1x128xi32, #tpu.memory_space<vmem>> -> memref<128xi32, #tpu.memory_space<vmem>>
        %dma_start3A_121 = arith.constant 0 : i32
        %dma_start3A_122 = arith.constant 0 : i32
        %dma_start3A_123 = tpu.memref_slice %arg9[%dma_start3A_121, %dma_start3A_122] : memref<20480x64xf32, #tpu.memory_space<hbm>> -> memref<20480x64xf32, #tpu.memory_space<hbm>>
        tpu.enqueue_indirect_dma source(%dma_start3A_123 : memref<20480x64xf32, #tpu.memory_space<hbm>>) target(%arg18 : memref<128x64xf32, #tpu.memory_space<vmem>>) offsets(%dma_start3A_120 : memref<128xi32, #tpu.memory_space<vmem>>) semaphore(%arg30 : memref<!tpu.dma_semaphore, #tpu.memory_space<semaphore_mem>>)
        %dma_start3A_124 = arith.constant 3 : i32
        %dma_start3A_125 = arith.constant 0 : i32
        %dma_start3A_126 = tpu.memref_slice %arg12[%dma_start3A_124, %dma_start3A_125] : memref<12x128xi32, #tpu.memory_space<vmem>> -> memref<1x128xi32, #tpu.memory_space<vmem>>
        %dma_start3A_127 = tpu.memref_squeeze %dma_start3A_126 : memref<1x128xi32, #tpu.memory_space<vmem>> -> memref<128xi32, #tpu.memory_space<vmem>>
        %dma_start3A_128 = arith.constant 0 : i32
        %dma_start3A_129 = arith.constant 0 : i32
        %dma_start3A_130 = tpu.memref_slice %arg9[%dma_start3A_128, %dma_start3A_129] : memref<20480x64xf32, #tpu.memory_space<hbm>> -> memref<20480x64xf32, #tpu.memory_space<hbm>>
        tpu.enqueue_indirect_dma source(%dma_start3A_130 : memref<20480x64xf32, #tpu.memory_space<hbm>>) target(%arg19 : memref<128x64xf32, #tpu.memory_space<vmem>>) offsets(%dma_start3A_127 : memref<128xi32, #tpu.memory_space<vmem>>) semaphore(%arg31 : memref<!tpu.dma_semaphore, #tpu.memory_space<semaphore_mem>>)
        %dma_start3A_131 = arith.constant 4 : i32
        %dma_start3A_132 = arith.constant 0 : i32
        %dma_start3A_133 = tpu.memref_slice %arg12[%dma_start3A_131, %dma_start3A_132] : memref<12x128xi32, #tpu.memory_space<vmem>> -> memref<1x128xi32, #tpu.memory_space<vmem>>
        %dma_start3A_134 = tpu.memref_squeeze %dma_start3A_133 : memref<1x128xi32, #tpu.memory_space<vmem>> -> memref<128xi32, #tpu.memory_space<vmem>>
        %dma_start3A_135 = arith.constant 0 : i32
        %dma_start3A_136 = arith.constant 0 : i32
        %dma_start3A_137 = tpu.memref_slice %arg9[%dma_start3A_135, %dma_start3A_136] : memref<20480x64xf32, #tpu.memory_space<hbm>> -> memref<20480x64xf32, #tpu.memory_space<hbm>>
        tpu.enqueue_indirect_dma source(%dma_start3A_137 : memref<20480x64xf32, #tpu.memory_space<hbm>>) target(%arg20 : memref<128x64xf32, #tpu.memory_space<vmem>>) offsets(%dma_start3A_134 : memref<128xi32, #tpu.memory_space<vmem>>) semaphore(%arg32 : memref<!tpu.dma_semaphore, #tpu.memory_space<semaphore_mem>>)
        %dma_start3A_138 = arith.constant 5 : i32
        %dma_start3A_139 = arith.constant 0 : i32
        %dma_start3A_140 = tpu.memref_slice %arg12[%dma_start3A_138, %dma_start3A_139] : memref<12x128xi32, #tpu.memory_space<vmem>> -> memref<1x128xi32, #tpu.memory_space<vmem>>
        %dma_start3A_141 = tpu.memref_squeeze %dma_start3A_140 : memref<1x128xi32, #tpu.memory_space<vmem>> -> memref<128xi32, #tpu.memory_space<vmem>>
        %dma_start3A_142 = arith.constant 0 : i32
        %dma_start3A_143 = arith.constant 0 : i32
        %dma_start3A_144 = tpu.memref_slice %arg9[%dma_start3A_142, %dma_start3A_143] : memref<20480x64xf32, #tpu.memory_space<hbm>> -> memref<20480x64xf32, #tpu.memory_space<hbm>>
        tpu.enqueue_indirect_dma source(%dma_start3A_144 : memref<20480x64xf32, #tpu.memory_space<hbm>>) target(%arg21 : memref<128x64xf32, #tpu.memory_space<vmem>>) offsets(%dma_start3A_141 : memref<128xi32, #tpu.memory_space<vmem>>) semaphore(%arg33 : memref<!tpu.dma_semaphore, #tpu.memory_space<semaphore_mem>>)
        %dma_wait3A_145 = arith.constant 0 : i32
        %dma_wait3A_146 = arith.constant 0 : i32
        %dma_wait3A_147 = tpu.memref_slice %arg12[%dma_wait3A_145, %dma_wait3A_146] : memref<12x128xi32, #tpu.memory_space<vmem>> -> memref<1x128xi32, #tpu.memory_space<vmem>>
        %dma_wait3A_148 = tpu.memref_squeeze %dma_wait3A_147 : memref<1x128xi32, #tpu.memory_space<vmem>> -> memref<128xi32, #tpu.memory_space<vmem>>
        %dma_wait3A_149 = arith.constant 0 : i32
        %dma_wait3A_150 = arith.constant 0 : i32
        %dma_wait3A_151 = tpu.memref_slice %arg9[%dma_wait3A_149, %dma_wait3A_150] : memref<20480x64xf32, #tpu.memory_space<hbm>> -> memref<20480x64xf32, #tpu.memory_space<hbm>>
        tpu.wait_indirect_dma semaphore(%arg28 : memref<!tpu.dma_semaphore, #tpu.memory_space<semaphore_mem>>) src(%dma_wait3A_151 : memref<20480x64xf32, #tpu.memory_space<hbm>>) dst(%arg16 : memref<128x64xf32, #tpu.memory_space<vmem>>)
        %dma_start3A_152 = arith.constant 0 : i32
        %dma_start3A_153 = arith.constant 0 : i32
        %dma_start3A_154 = tpu.memref_slice %arg14[%dma_start3A_152, %dma_start3A_153] : memref<12x128xi32, #tpu.memory_space<vmem>> -> memref<1x128xi32, #tpu.memory_space<vmem>>
        %dma_start3A_155 = tpu.memref_squeeze %dma_start3A_154 : memref<1x128xi32, #tpu.memory_space<vmem>> -> memref<128xi32, #tpu.memory_space<vmem>>
        %dma_start3A_156 = arith.constant 0 : i32
        %dma_start3A_157 = arith.constant 0 : i32
        %dma_start3A_158 = tpu.memref_slice %arg10[%dma_start3A_156, %dma_start3A_157] : memref<10240x64xf32, #tpu.memory_space<vmem_shared>> -> memref<10240x64xf32, #tpu.memory_space<vmem_shared>>
        tpu.enqueue_indirect_dma source(%arg16 : memref<128x64xf32, #tpu.memory_space<vmem>>) target(%dma_start3A_158 : memref<10240x64xf32, #tpu.memory_space<vmem_shared>>) offsets(%dma_start3A_155 : memref<128xi32, #tpu.memory_space<vmem>>) semaphore(%arg34 : memref<!tpu.dma_semaphore, #tpu.memory_space<semaphore_mem>>) {add = true}
        %dma_wait3A_159 = arith.constant 1 : i32
        %dma_wait3A_160 = arith.constant 0 : i32
        %dma_wait3A_161 = tpu.memref_slice %arg12[%dma_wait3A_159, %dma_wait3A_160] : memref<12x128xi32, #tpu.memory_space<vmem>> -> memref<1x128xi32, #tpu.memory_space<vmem>>
        %dma_wait3A_162 = tpu.memref_squeeze %dma_wait3A_161 : memref<1x128xi32, #tpu.memory_space<vmem>> -> memref<128xi32, #tpu.memory_space<vmem>>
        %dma_wait3A_163 = arith.constant 0 : i32
        %dma_wait3A_164 = arith.constant 0 : i32
        %dma_wait3A_165 = tpu.memref_slice %arg9[%dma_wait3A_163, %dma_wait3A_164] : memref<20480x64xf32, #tpu.memory_space<hbm>> -> memref<20480x64xf32, #tpu.memory_space<hbm>>
        tpu.wait_indirect_dma semaphore(%arg29 : memref<!tpu.dma_semaphore, #tpu.memory_space<semaphore_mem>>) src(%dma_wait3A_165 : memref<20480x64xf32, #tpu.memory_space<hbm>>) dst(%arg17 : memref<128x64xf32, #tpu.memory_space<vmem>>)
        %dma_start3A_166 = arith.constant 1 : i32
        %dma_start3A_167 = arith.constant 0 : i32
        %dma_start3A_168 = tpu.memref_slice %arg14[%dma_start3A_166, %dma_start3A_167] : memref<12x128xi32, #tpu.memory_space<vmem>> -> memref<1x128xi32, #tpu.memory_space<vmem>>
        %dma_start3A_169 = tpu.memref_squeeze %dma_start3A_168 : memref<1x128xi32, #tpu.memory_space<vmem>> -> memref<128xi32, #tpu.memory_space<vmem>>
        %dma_start3A_170 = arith.constant 0 : i32
        %dma_start3A_171 = arith.constant 0 : i32
        %dma_start3A_172 = tpu.memref_slice %arg10[%dma_start3A_170, %dma_start3A_171] : memref<10240x64xf32, #tpu.memory_space<vmem_shared>> -> memref<10240x64xf32, #tpu.memory_space<vmem_shared>>
        tpu.enqueue_indirect_dma source(%arg17 : memref<128x64xf32, #tpu.memory_space<vmem>>) target(%dma_start3A_172 : memref<10240x64xf32, #tpu.memory_space<vmem_shared>>) offsets(%dma_start3A_169 : memref<128xi32, #tpu.memory_space<vmem>>) semaphore(%arg35 : memref<!tpu.dma_semaphore, #tpu.memory_space<semaphore_mem>>) {add = true}
        %dma_wait3A_173 = arith.constant 2 : i32
        %dma_wait3A_174 = arith.constant 0 : i32
        %dma_wait3A_175 = tpu.memref_slice %arg12[%dma_wait3A_173, %dma_wait3A_174] : memref<12x128xi32, #tpu.memory_space<vmem>> -> memref<1x128xi32, #tpu.memory_space<vmem>>
        %dma_wait3A_176 = tpu.memref_squeeze %dma_wait3A_175 : memref<1x128xi32, #tpu.memory_space<vmem>> -> memref<128xi32, #tpu.memory_space<vmem>>
        %dma_wait3A_177 = arith.constant 0 : i32
        %dma_wait3A_178 = arith.constant 0 : i32
        %dma_wait3A_179 = tpu.memref_slice %arg9[%dma_wait3A_177, %dma_wait3A_178] : memref<20480x64xf32, #tpu.memory_space<hbm>> -> memref<20480x64xf32, #tpu.memory_space<hbm>>
        tpu.wait_indirect_dma semaphore(%arg30 : memref<!tpu.dma_semaphore, #tpu.memory_space<semaphore_mem>>) src(%dma_wait3A_179 : memref<20480x64xf32, #tpu.memory_space<hbm>>) dst(%arg18 : memref<128x64xf32, #tpu.memory_space<vmem>>)
        %dma_start3A_180 = arith.constant 2 : i32
        %dma_start3A_181 = arith.constant 0 : i32
        %dma_start3A_182 = tpu.memref_slice %arg14[%dma_start3A_180, %dma_start3A_181] : memref<12x128xi32, #tpu.memory_space<vmem>> -> memref<1x128xi32, #tpu.memory_space<vmem>>
        %dma_start3A_183 = tpu.memref_squeeze %dma_start3A_182 : memref<1x128xi32, #tpu.memory_space<vmem>> -> memref<128xi32, #tpu.memory_space<vmem>>
        %dma_start3A_184 = arith.constant 0 : i32
        %dma_start3A_185 = arith.constant 0 : i32
        %dma_start3A_186 = tpu.memref_slice %arg10[%dma_start3A_184, %dma_start3A_185] : memref<10240x64xf32, #tpu.memory_space<vmem_shared>> -> memref<10240x64xf32, #tpu.memory_space<vmem_shared>>
        tpu.enqueue_indirect_dma source(%arg18 : memref<128x64xf32, #tpu.memory_space<vmem>>) target(%dma_start3A_186 : memref<10240x64xf32, #tpu.memory_space<vmem_shared>>) offsets(%dma_start3A_183 : memref<128xi32, #tpu.memory_space<vmem>>) semaphore(%arg36 : memref<!tpu.dma_semaphore, #tpu.memory_space<semaphore_mem>>) {add = true}
        %dma_wait3A_187 = arith.constant 3 : i32
        %dma_wait3A_188 = arith.constant 0 : i32
        %dma_wait3A_189 = tpu.memref_slice %arg12[%dma_wait3A_187, %dma_wait3A_188] : memref<12x128xi32, #tpu.memory_space<vmem>> -> memref<1x128xi32, #tpu.memory_space<vmem>>
        %dma_wait3A_190 = tpu.memref_squeeze %dma_wait3A_189 : memref<1x128xi32, #tpu.memory_space<vmem>> -> memref<128xi32, #tpu.memory_space<vmem>>
        %dma_wait3A_191 = arith.constant 0 : i32
        %dma_wait3A_192 = arith.constant 0 : i32
        %dma_wait3A_193 = tpu.memref_slice %arg9[%dma_wait3A_191, %dma_wait3A_192] : memref<20480x64xf32, #tpu.memory_space<hbm>> -> memref<20480x64xf32, #tpu.memory_space<hbm>>
        tpu.wait_indirect_dma semaphore(%arg31 : memref<!tpu.dma_semaphore, #tpu.memory_space<semaphore_mem>>) src(%dma_wait3A_193 : memref<20480x64xf32, #tpu.memory_space<hbm>>) dst(%arg19 : memref<128x64xf32, #tpu.memory_space<vmem>>)
        %dma_start3A_194 = arith.constant 3 : i32
        %dma_start3A_195 = arith.constant 0 : i32
        %dma_start3A_196 = tpu.memref_slice %arg14[%dma_start3A_194, %dma_start3A_195] : memref<12x128xi32, #tpu.memory_space<vmem>> -> memref<1x128xi32, #tpu.memory_space<vmem>>
        %dma_start3A_197 = tpu.memref_squeeze %dma_start3A_196 : memref<1x128xi32, #tpu.memory_space<vmem>> -> memref<128xi32, #tpu.memory_space<vmem>>
        %dma_start3A_198 = arith.constant 0 : i32
        %dma_start3A_199 = arith.constant 0 : i32
        %dma_start3A_200 = tpu.memref_slice %arg10[%dma_start3A_198, %dma_start3A_199] : memref<10240x64xf32, #tpu.memory_space<vmem_shared>> -> memref<10240x64xf32, #tpu.memory_space<vmem_shared>>
        tpu.enqueue_indirect_dma source(%arg19 : memref<128x64xf32, #tpu.memory_space<vmem>>) target(%dma_start3A_200 : memref<10240x64xf32, #tpu.memory_space<vmem_shared>>) offsets(%dma_start3A_197 : memref<128xi32, #tpu.memory_space<vmem>>) semaphore(%arg37 : memref<!tpu.dma_semaphore, #tpu.memory_space<semaphore_mem>>) {add = true}
        %dma_wait3A_201 = arith.constant 4 : i32
        %dma_wait3A_202 = arith.constant 0 : i32
        %dma_wait3A_203 = tpu.memref_slice %arg12[%dma_wait3A_201, %dma_wait3A_202] : memref<12x128xi32, #tpu.memory_space<vmem>> -> memref<1x128xi32, #tpu.memory_space<vmem>>
        %dma_wait3A_204 = tpu.memref_squeeze %dma_wait3A_203 : memref<1x128xi32, #tpu.memory_space<vmem>> -> memref<128xi32, #tpu.memory_space<vmem>>
        %dma_wait3A_205 = arith.constant 0 : i32
        %dma_wait3A_206 = arith.constant 0 : i32
        %dma_wait3A_207 = tpu.memref_slice %arg9[%dma_wait3A_205, %dma_wait3A_206] : memref<20480x64xf32, #tpu.memory_space<hbm>> -> memref<20480x64xf32, #tpu.memory_space<hbm>>
        tpu.wait_indirect_dma semaphore(%arg32 : memref<!tpu.dma_semaphore, #tpu.memory_space<semaphore_mem>>) src(%dma_wait3A_207 : memref<20480x64xf32, #tpu.memory_space<hbm>>) dst(%arg20 : memref<128x64xf32, #tpu.memory_space<vmem>>)
        %dma_start3A_208 = arith.constant 4 : i32
        %dma_start3A_209 = arith.constant 0 : i32
        %dma_start3A_210 = tpu.memref_slice %arg14[%dma_start3A_208, %dma_start3A_209] : memref<12x128xi32, #tpu.memory_space<vmem>> -> memref<1x128xi32, #tpu.memory_space<vmem>>
        %dma_start3A_211 = tpu.memref_squeeze %dma_start3A_210 : memref<1x128xi32, #tpu.memory_space<vmem>> -> memref<128xi32, #tpu.memory_space<vmem>>
        %dma_start3A_212 = arith.constant 0 : i32
        %dma_start3A_213 = arith.constant 0 : i32
        %dma_start3A_214 = tpu.memref_slice %arg10[%dma_start3A_212, %dma_start3A_213] : memref<10240x64xf32, #tpu.memory_space<vmem_shared>> -> memref<10240x64xf32, #tpu.memory_space<vmem_shared>>
        tpu.enqueue_indirect_dma source(%arg20 : memref<128x64xf32, #tpu.memory_space<vmem>>) target(%dma_start3A_214 : memref<10240x64xf32, #tpu.memory_space<vmem_shared>>) offsets(%dma_start3A_211 : memref<128xi32, #tpu.memory_space<vmem>>) semaphore(%arg38 : memref<!tpu.dma_semaphore, #tpu.memory_space<semaphore_mem>>) {add = true}
        %dma_wait3A_215 = arith.constant 5 : i32
        %dma_wait3A_216 = arith.constant 0 : i32
        %dma_wait3A_217 = tpu.memref_slice %arg12[%dma_wait3A_215, %dma_wait3A_216] : memref<12x128xi32, #tpu.memory_space<vmem>> -> memref<1x128xi32, #tpu.memory_space<vmem>>
        %dma_wait3A_218 = tpu.memref_squeeze %dma_wait3A_217 : memref<1x128xi32, #tpu.memory_space<vmem>> -> memref<128xi32, #tpu.memory_space<vmem>>
        %dma_wait3A_219 = arith.constant 0 : i32
        %dma_wait3A_220 = arith.constant 0 : i32
        %dma_wait3A_221 = tpu.memref_slice %arg9[%dma_wait3A_219, %dma_wait3A_220] : memref<20480x64xf32, #tpu.memory_space<hbm>> -> memref<20480x64xf32, #tpu.memory_space<hbm>>
        tpu.wait_indirect_dma semaphore(%arg33 : memref<!tpu.dma_semaphore, #tpu.memory_space<semaphore_mem>>) src(%dma_wait3A_221 : memref<20480x64xf32, #tpu.memory_space<hbm>>) dst(%arg21 : memref<128x64xf32, #tpu.memory_space<vmem>>)
        %dma_start3A_222 = arith.constant 5 : i32
        %dma_start3A_223 = arith.constant 0 : i32
        %dma_start3A_224 = tpu.memref_slice %arg14[%dma_start3A_222, %dma_start3A_223] : memref<12x128xi32, #tpu.memory_space<vmem>> -> memref<1x128xi32, #tpu.memory_space<vmem>>
        %dma_start3A_225 = tpu.memref_squeeze %dma_start3A_224 : memref<1x128xi32, #tpu.memory_space<vmem>> -> memref<128xi32, #tpu.memory_space<vmem>>
        %dma_start3A_226 = arith.constant 0 : i32
        %dma_start3A_227 = arith.constant 0 : i32
        %dma_start3A_228 = tpu.memref_slice %arg10[%dma_start3A_226, %dma_start3A_227] : memref<10240x64xf32, #tpu.memory_space<vmem_shared>> -> memref<10240x64xf32, #tpu.memory_space<vmem_shared>>
        tpu.enqueue_indirect_dma source(%arg21 : memref<128x64xf32, #tpu.memory_space<vmem>>) target(%dma_start3A_228 : memref<10240x64xf32, #tpu.memory_space<vmem_shared>>) offsets(%dma_start3A_225 : memref<128xi32, #tpu.memory_space<vmem>>) semaphore(%arg39 : memref<!tpu.dma_semaphore, #tpu.memory_space<semaphore_mem>>) {add = true}
        %dma_wait3A_229 = arith.constant 0 : i32
        %dma_wait3A_230 = arith.constant 0 : i32
        %dma_wait3A_231 = tpu.memref_slice %arg14[%dma_wait3A_229, %dma_wait3A_230] : memref<12x128xi32, #tpu.memory_space<vmem>> -> memref<1x128xi32, #tpu.memory_space<vmem>>
        %dma_wait3A_232 = tpu.memref_squeeze %dma_wait3A_231 : memref<1x128xi32, #tpu.memory_space<vmem>> -> memref<128xi32, #tpu.memory_space<vmem>>
        %dma_wait3A_233 = arith.constant 0 : i32
        %dma_wait3A_234 = arith.constant 0 : i32
        %dma_wait3A_235 = tpu.memref_slice %arg10[%dma_wait3A_233, %dma_wait3A_234] : memref<10240x64xf32, #tpu.memory_space<vmem_shared>> -> memref<10240x64xf32, #tpu.memory_space<vmem_shared>>
        tpu.wait_indirect_dma semaphore(%arg34 : memref<!tpu.dma_semaphore, #tpu.memory_space<semaphore_mem>>) src(%arg16 : memref<128x64xf32, #tpu.memory_space<vmem>>) dst(%dma_wait3A_235 : memref<10240x64xf32, #tpu.memory_space<vmem_shared>>)
        %dma_start3A_236 = arith.constant 6 : i32
        %dma_start3A_237 = arith.constant 0 : i32
        %dma_start3A_238 = tpu.memref_slice %arg12[%dma_start3A_236, %dma_start3A_237] : memref<12x128xi32, #tpu.memory_space<vmem>> -> memref<1x128xi32, #tpu.memory_space<vmem>>
        %dma_start3A_239 = tpu.memref_squeeze %dma_start3A_238 : memref<1x128xi32, #tpu.memory_space<vmem>> -> memref<128xi32, #tpu.memory_space<vmem>>
        %dma_start3A_240 = arith.constant 0 : i32
        %dma_start3A_241 = arith.constant 0 : i32
        %dma_start3A_242 = tpu.memref_slice %arg9[%dma_start3A_240, %dma_start3A_241] : memref<20480x64xf32, #tpu.memory_space<hbm>> -> memref<20480x64xf32, #tpu.memory_space<hbm>>
        tpu.enqueue_indirect_dma source(%dma_start3A_242 : memref<20480x64xf32, #tpu.memory_space<hbm>>) target(%arg16 : memref<128x64xf32, #tpu.memory_space<vmem>>) offsets(%dma_start3A_239 : memref<128xi32, #tpu.memory_space<vmem>>) semaphore(%arg28 : memref<!tpu.dma_semaphore, #tpu.memory_space<semaphore_mem>>)
        %dma_wait3A_243 = arith.constant 1 : i32
        %dma_wait3A_244 = arith.constant 0 : i32
        %dma_wait3A_245 = tpu.memref_slice %arg14[%dma_wait3A_243, %dma_wait3A_244] : memref<12x128xi32, #tpu.memory_space<vmem>> -> memref<1x128xi32, #tpu.memory_space<vmem>>
        %dma_wait3A_246 = tpu.memref_squeeze %dma_wait3A_245 : memref<1x128xi32, #tpu.memory_space<vmem>> -> memref<128xi32, #tpu.memory_space<vmem>>
        %dma_wait3A_247 = arith.constant 0 : i32
        %dma_wait3A_248 = arith.constant 0 : i32
        %dma_wait3A_249 = tpu.memref_slice %arg10[%dma_wait3A_247, %dma_wait3A_248] : memref<10240x64xf32, #tpu.memory_space<vmem_shared>> -> memref<10240x64xf32, #tpu.memory_space<vmem_shared>>
        tpu.wait_indirect_dma semaphore(%arg35 : memref<!tpu.dma_semaphore, #tpu.memory_space<semaphore_mem>>) src(%arg17 : memref<128x64xf32, #tpu.memory_space<vmem>>) dst(%dma_wait3A_249 : memref<10240x64xf32, #tpu.memory_space<vmem_shared>>)
        %dma_start3A_250 = arith.constant 7 : i32
        %dma_start3A_251 = arith.constant 0 : i32
        %dma_start3A_252 = tpu.memref_slice %arg12[%dma_start3A_250, %dma_start3A_251] : memref<12x128xi32, #tpu.memory_space<vmem>> -> memref<1x128xi32, #tpu.memory_space<vmem>>
        %dma_start3A_253 = tpu.memref_squeeze %dma_start3A_252 : memref<1x128xi32, #tpu.memory_space<vmem>> -> memref<128xi32, #tpu.memory_space<vmem>>
        %dma_start3A_254 = arith.constant 0 : i32
        %dma_start3A_255 = arith.constant 0 : i32
        %dma_start3A_256 = tpu.memref_slice %arg9[%dma_start3A_254, %dma_start3A_255] : memref<20480x64xf32, #tpu.memory_space<hbm>> -> memref<20480x64xf32, #tpu.memory_space<hbm>>
        tpu.enqueue_indirect_dma source(%dma_start3A_256 : memref<20480x64xf32, #tpu.memory_space<hbm>>) target(%arg17 : memref<128x64xf32, #tpu.memory_space<vmem>>) offsets(%dma_start3A_253 : memref<128xi32, #tpu.memory_space<vmem>>) semaphore(%arg29 : memref<!tpu.dma_semaphore, #tpu.memory_space<semaphore_mem>>)
        %dma_wait3A_257 = arith.constant 2 : i32
        %dma_wait3A_258 = arith.constant 0 : i32
        %dma_wait3A_259 = tpu.memref_slice %arg14[%dma_wait3A_257, %dma_wait3A_258] : memref<12x128xi32, #tpu.memory_space<vmem>> -> memref<1x128xi32, #tpu.memory_space<vmem>>
        %dma_wait3A_260 = tpu.memref_squeeze %dma_wait3A_259 : memref<1x128xi32, #tpu.memory_space<vmem>> -> memref<128xi32, #tpu.memory_space<vmem>>
        %dma_wait3A_261 = arith.constant 0 : i32
        %dma_wait3A_262 = arith.constant 0 : i32
        %dma_wait3A_263 = tpu.memref_slice %arg10[%dma_wait3A_261, %dma_wait3A_262] : memref<10240x64xf32, #tpu.memory_space<vmem_shared>> -> memref<10240x64xf32, #tpu.memory_space<vmem_shared>>
        tpu.wait_indirect_dma semaphore(%arg36 : memref<!tpu.dma_semaphore, #tpu.memory_space<semaphore_mem>>) src(%arg18 : memref<128x64xf32, #tpu.memory_space<vmem>>) dst(%dma_wait3A_263 : memref<10240x64xf32, #tpu.memory_space<vmem_shared>>)
        %dma_start3A_264 = arith.constant 8 : i32
        %dma_start3A_265 = arith.constant 0 : i32
        %dma_start3A_266 = tpu.memref_slice %arg12[%dma_start3A_264, %dma_start3A_265] : memref<12x128xi32, #tpu.memory_space<vmem>> -> memref<1x128xi32, #tpu.memory_space<vmem>>
        %dma_start3A_267 = tpu.memref_squeeze %dma_start3A_266 : memref<1x128xi32, #tpu.memory_space<vmem>> -> memref<128xi32, #tpu.memory_space<vmem>>
        %dma_start3A_268 = arith.constant 0 : i32
        %dma_start3A_269 = arith.constant 0 : i32
        %dma_start3A_270 = tpu.memref_slice %arg9[%dma_start3A_268, %dma_start3A_269] : memref<20480x64xf32, #tpu.memory_space<hbm>> -> memref<20480x64xf32, #tpu.memory_space<hbm>>
        tpu.enqueue_indirect_dma source(%dma_start3A_270 : memref<20480x64xf32, #tpu.memory_space<hbm>>) target(%arg18 : memref<128x64xf32, #tpu.memory_space<vmem>>) offsets(%dma_start3A_267 : memref<128xi32, #tpu.memory_space<vmem>>) semaphore(%arg30 : memref<!tpu.dma_semaphore, #tpu.memory_space<semaphore_mem>>)
        %dma_wait3A_271 = arith.constant 3 : i32
        %dma_wait3A_272 = arith.constant 0 : i32
        %dma_wait3A_273 = tpu.memref_slice %arg14[%dma_wait3A_271, %dma_wait3A_272] : memref<12x128xi32, #tpu.memory_space<vmem>> -> memref<1x128xi32, #tpu.memory_space<vmem>>
        %dma_wait3A_274 = tpu.memref_squeeze %dma_wait3A_273 : memref<1x128xi32, #tpu.memory_space<vmem>> -> memref<128xi32, #tpu.memory_space<vmem>>
        %dma_wait3A_275 = arith.constant 0 : i32
        %dma_wait3A_276 = arith.constant 0 : i32
        %dma_wait3A_277 = tpu.memref_slice %arg10[%dma_wait3A_275, %dma_wait3A_276] : memref<10240x64xf32, #tpu.memory_space<vmem_shared>> -> memref<10240x64xf32, #tpu.memory_space<vmem_shared>>
        tpu.wait_indirect_dma semaphore(%arg37 : memref<!tpu.dma_semaphore, #tpu.memory_space<semaphore_mem>>) src(%arg19 : memref<128x64xf32, #tpu.memory_space<vmem>>) dst(%dma_wait3A_277 : memref<10240x64xf32, #tpu.memory_space<vmem_shared>>)
        %dma_start3A_278 = arith.constant 9 : i32
        %dma_start3A_279 = arith.constant 0 : i32
        %dma_start3A_280 = tpu.memref_slice %arg12[%dma_start3A_278, %dma_start3A_279] : memref<12x128xi32, #tpu.memory_space<vmem>> -> memref<1x128xi32, #tpu.memory_space<vmem>>
        %dma_start3A_281 = tpu.memref_squeeze %dma_start3A_280 : memref<1x128xi32, #tpu.memory_space<vmem>> -> memref<128xi32, #tpu.memory_space<vmem>>
        %dma_start3A_282 = arith.constant 0 : i32
        %dma_start3A_283 = arith.constant 0 : i32
        %dma_start3A_284 = tpu.memref_slice %arg9[%dma_start3A_282, %dma_start3A_283] : memref<20480x64xf32, #tpu.memory_space<hbm>> -> memref<20480x64xf32, #tpu.memory_space<hbm>>
        tpu.enqueue_indirect_dma source(%dma_start3A_284 : memref<20480x64xf32, #tpu.memory_space<hbm>>) target(%arg19 : memref<128x64xf32, #tpu.memory_space<vmem>>) offsets(%dma_start3A_281 : memref<128xi32, #tpu.memory_space<vmem>>) semaphore(%arg31 : memref<!tpu.dma_semaphore, #tpu.memory_space<semaphore_mem>>)
        %dma_wait3A_285 = arith.constant 4 : i32
        %dma_wait3A_286 = arith.constant 0 : i32
        %dma_wait3A_287 = tpu.memref_slice %arg14[%dma_wait3A_285, %dma_wait3A_286] : memref<12x128xi32, #tpu.memory_space<vmem>> -> memref<1x128xi32, #tpu.memory_space<vmem>>
        %dma_wait3A_288 = tpu.memref_squeeze %dma_wait3A_287 : memref<1x128xi32, #tpu.memory_space<vmem>> -> memref<128xi32, #tpu.memory_space<vmem>>
        %dma_wait3A_289 = arith.constant 0 : i32
        %dma_wait3A_290 = arith.constant 0 : i32
        %dma_wait3A_291 = tpu.memref_slice %arg10[%dma_wait3A_289, %dma_wait3A_290] : memref<10240x64xf32, #tpu.memory_space<vmem_shared>> -> memref<10240x64xf32, #tpu.memory_space<vmem_shared>>
        tpu.wait_indirect_dma semaphore(%arg38 : memref<!tpu.dma_semaphore, #tpu.memory_space<semaphore_mem>>) src(%arg20 : memref<128x64xf32, #tpu.memory_space<vmem>>) dst(%dma_wait3A_291 : memref<10240x64xf32, #tpu.memory_space<vmem_shared>>)
        %dma_start3A_292 = arith.constant 10 : i32
        %dma_start3A_293 = arith.constant 0 : i32
        %dma_start3A_294 = tpu.memref_slice %arg12[%dma_start3A_292, %dma_start3A_293] : memref<12x128xi32, #tpu.memory_space<vmem>> -> memref<1x128xi32, #tpu.memory_space<vmem>>
        %dma_start3A_295 = tpu.memref_squeeze %dma_start3A_294 : memref<1x128xi32, #tpu.memory_space<vmem>> -> memref<128xi32, #tpu.memory_space<vmem>>
        %dma_start3A_296 = arith.constant 0 : i32
        %dma_start3A_297 = arith.constant 0 : i32
        %dma_start3A_298 = tpu.memref_slice %arg9[%dma_start3A_296, %dma_start3A_297] : memref<20480x64xf32, #tpu.memory_space<hbm>> -> memref<20480x64xf32, #tpu.memory_space<hbm>>
        tpu.enqueue_indirect_dma source(%dma_start3A_298 : memref<20480x64xf32, #tpu.memory_space<hbm>>) target(%arg20 : memref<128x64xf32, #tpu.memory_space<vmem>>) offsets(%dma_start3A_295 : memref<128xi32, #tpu.memory_space<vmem>>) semaphore(%arg32 : memref<!tpu.dma_semaphore, #tpu.memory_space<semaphore_mem>>)
        %dma_wait3A_299 = arith.constant 5 : i32
        %dma_wait3A_300 = arith.constant 0 : i32
        %dma_wait3A_301 = tpu.memref_slice %arg14[%dma_wait3A_299, %dma_wait3A_300] : memref<12x128xi32, #tpu.memory_space<vmem>> -> memref<1x128xi32, #tpu.memory_space<vmem>>
        %dma_wait3A_302 = tpu.memref_squeeze %dma_wait3A_301 : memref<1x128xi32, #tpu.memory_space<vmem>> -> memref<128xi32, #tpu.memory_space<vmem>>
        %dma_wait3A_303 = arith.constant 0 : i32
        %dma_wait3A_304 = arith.constant 0 : i32
        %dma_wait3A_305 = tpu.memref_slice %arg10[%dma_wait3A_303, %dma_wait3A_304] : memref<10240x64xf32, #tpu.memory_space<vmem_shared>> -> memref<10240x64xf32, #tpu.memory_space<vmem_shared>>
        tpu.wait_indirect_dma semaphore(%arg39 : memref<!tpu.dma_semaphore, #tpu.memory_space<semaphore_mem>>) src(%arg21 : memref<128x64xf32, #tpu.memory_space<vmem>>) dst(%dma_wait3A_305 : memref<10240x64xf32, #tpu.memory_space<vmem_shared>>)
        %dma_start3A_306 = arith.constant 11 : i32
        %dma_start3A_307 = arith.constant 0 : i32
        %dma_start3A_308 = tpu.memref_slice %arg12[%dma_start3A_306, %dma_start3A_307] : memref<12x128xi32, #tpu.memory_space<vmem>> -> memref<1x128xi32, #tpu.memory_space<vmem>>
        %dma_start3A_309 = tpu.memref_squeeze %dma_start3A_308 : memref<1x128xi32, #tpu.memory_space<vmem>> -> memref<128xi32, #tpu.memory_space<vmem>>
        %dma_start3A_310 = arith.constant 0 : i32
        %dma_start3A_311 = arith.constant 0 : i32
        %dma_start3A_312 = tpu.memref_slice %arg9[%dma_start3A_310, %dma_start3A_311] : memref<20480x64xf32, #tpu.memory_space<hbm>> -> memref<20480x64xf32, #tpu.memory_space<hbm>>
        tpu.enqueue_indirect_dma source(%dma_start3A_312 : memref<20480x64xf32, #tpu.memory_space<hbm>>) target(%arg21 : memref<128x64xf32, #tpu.memory_space<vmem>>) offsets(%dma_start3A_309 : memref<128xi32, #tpu.memory_space<vmem>>) semaphore(%arg33 : memref<!tpu.dma_semaphore, #tpu.memory_space<semaphore_mem>>)
        %dma_wait3A_313 = arith.constant 6 : i32
        %dma_wait3A_314 = arith.constant 0 : i32
        %dma_wait3A_315 = tpu.memref_slice %arg12[%dma_wait3A_313, %dma_wait3A_314] : memref<12x128xi32, #tpu.memory_space<vmem>> -> memref<1x128xi32, #tpu.memory_space<vmem>>
        %dma_wait3A_316 = tpu.memref_squeeze %dma_wait3A_315 : memref<1x128xi32, #tpu.memory_space<vmem>> -> memref<128xi32, #tpu.memory_space<vmem>>
        %dma_wait3A_317 = arith.constant 0 : i32
        %dma_wait3A_318 = arith.constant 0 : i32
        %dma_wait3A_319 = tpu.memref_slice %arg9[%dma_wait3A_317, %dma_wait3A_318] : memref<20480x64xf32, #tpu.memory_space<hbm>> -> memref<20480x64xf32, #tpu.memory_space<hbm>>
        tpu.wait_indirect_dma semaphore(%arg28 : memref<!tpu.dma_semaphore, #tpu.memory_space<semaphore_mem>>) src(%dma_wait3A_319 : memref<20480x64xf32, #tpu.memory_space<hbm>>) dst(%arg16 : memref<128x64xf32, #tpu.memory_space<vmem>>)
        %dma_start3A_320 = arith.constant 6 : i32
        %dma_start3A_321 = arith.constant 0 : i32
        %dma_start3A_322 = tpu.memref_slice %arg14[%dma_start3A_320, %dma_start3A_321] : memref<12x128xi32, #tpu.memory_space<vmem>> -> memref<1x128xi32, #tpu.memory_space<vmem>>
        %dma_start3A_323 = tpu.memref_squeeze %dma_start3A_322 : memref<1x128xi32, #tpu.memory_space<vmem>> -> memref<128xi32, #tpu.memory_space<vmem>>
        %dma_start3A_324 = arith.constant 0 : i32
        %dma_start3A_325 = arith.constant 0 : i32
        %dma_start3A_326 = tpu.memref_slice %arg10[%dma_start3A_324, %dma_start3A_325] : memref<10240x64xf32, #tpu.memory_space<vmem_shared>> -> memref<10240x64xf32, #tpu.memory_space<vmem_shared>>
        tpu.enqueue_indirect_dma source(%arg16 : memref<128x64xf32, #tpu.memory_space<vmem>>) target(%dma_start3A_326 : memref<10240x64xf32, #tpu.memory_space<vmem_shared>>) offsets(%dma_start3A_323 : memref<128xi32, #tpu.memory_space<vmem>>) semaphore(%arg34 : memref<!tpu.dma_semaphore, #tpu.memory_space<semaphore_mem>>) {add = true}
        %dma_wait3A_327 = arith.constant 7 : i32
        %dma_wait3A_328 = arith.constant 0 : i32
        %dma_wait3A_329 = tpu.memref_slice %arg12[%dma_wait3A_327, %dma_wait3A_328] : memref<12x128xi32, #tpu.memory_space<vmem>> -> memref<1x128xi32, #tpu.memory_space<vmem>>
        %dma_wait3A_330 = tpu.memref_squeeze %dma_wait3A_329 : memref<1x128xi32, #tpu.memory_space<vmem>> -> memref<128xi32, #tpu.memory_space<vmem>>
        %dma_wait3A_331 = arith.constant 0 : i32
        %dma_wait3A_332 = arith.constant 0 : i32
        %dma_wait3A_333 = tpu.memref_slice %arg9[%dma_wait3A_331, %dma_wait3A_332] : memref<20480x64xf32, #tpu.memory_space<hbm>> -> memref<20480x64xf32, #tpu.memory_space<hbm>>
        tpu.wait_indirect_dma semaphore(%arg29 : memref<!tpu.dma_semaphore, #tpu.memory_space<semaphore_mem>>) src(%dma_wait3A_333 : memref<20480x64xf32, #tpu.memory_space<hbm>>) dst(%arg17 : memref<128x64xf32, #tpu.memory_space<vmem>>)
        %dma_start3A_334 = arith.constant 7 : i32
        %dma_start3A_335 = arith.constant 0 : i32
        %dma_start3A_336 = tpu.memref_slice %arg14[%dma_start3A_334, %dma_start3A_335] : memref<12x128xi32, #tpu.memory_space<vmem>> -> memref<1x128xi32, #tpu.memory_space<vmem>>
        %dma_start3A_337 = tpu.memref_squeeze %dma_start3A_336 : memref<1x128xi32, #tpu.memory_space<vmem>> -> memref<128xi32, #tpu.memory_space<vmem>>
        %dma_start3A_338 = arith.constant 0 : i32
        %dma_start3A_339 = arith.constant 0 : i32
        %dma_start3A_340 = tpu.memref_slice %arg10[%dma_start3A_338, %dma_start3A_339] : memref<10240x64xf32, #tpu.memory_space<vmem_shared>> -> memref<10240x64xf32, #tpu.memory_space<vmem_shared>>
        tpu.enqueue_indirect_dma source(%arg17 : memref<128x64xf32, #tpu.memory_space<vmem>>) target(%dma_start3A_340 : memref<10240x64xf32, #tpu.memory_space<vmem_shared>>) offsets(%dma_start3A_337 : memref<128xi32, #tpu.memory_space<vmem>>) semaphore(%arg35 : memref<!tpu.dma_semaphore, #tpu.memory_space<semaphore_mem>>) {add = true}
        %dma_wait3A_341 = arith.constant 8 : i32
        %dma_wait3A_342 = arith.constant 0 : i32
        %dma_wait3A_343 = tpu.memref_slice %arg12[%dma_wait3A_341, %dma_wait3A_342] : memref<12x128xi32, #tpu.memory_space<vmem>> -> memref<1x128xi32, #tpu.memory_space<vmem>>
        %dma_wait3A_344 = tpu.memref_squeeze %dma_wait3A_343 : memref<1x128xi32, #tpu.memory_space<vmem>> -> memref<128xi32, #tpu.memory_space<vmem>>
        %dma_wait3A_345 = arith.constant 0 : i32
        %dma_wait3A_346 = arith.constant 0 : i32
        %dma_wait3A_347 = tpu.memref_slice %arg9[%dma_wait3A_345, %dma_wait3A_346] : memref<20480x64xf32, #tpu.memory_space<hbm>> -> memref<20480x64xf32, #tpu.memory_space<hbm>>
        tpu.wait_indirect_dma semaphore(%arg30 : memref<!tpu.dma_semaphore, #tpu.memory_space<semaphore_mem>>) src(%dma_wait3A_347 : memref<20480x64xf32, #tpu.memory_space<hbm>>) dst(%arg18 : memref<128x64xf32, #tpu.memory_space<vmem>>)
        %dma_start3A_348 = arith.constant 8 : i32
        %dma_start3A_349 = arith.constant 0 : i32
        %dma_start3A_350 = tpu.memref_slice %arg14[%dma_start3A_348, %dma_start3A_349] : memref<12x128xi32, #tpu.memory_space<vmem>> -> memref<1x128xi32, #tpu.memory_space<vmem>>
        %dma_start3A_351 = tpu.memref_squeeze %dma_start3A_350 : memref<1x128xi32, #tpu.memory_space<vmem>> -> memref<128xi32, #tpu.memory_space<vmem>>
        %dma_start3A_352 = arith.constant 0 : i32
        %dma_start3A_353 = arith.constant 0 : i32
        %dma_start3A_354 = tpu.memref_slice %arg10[%dma_start3A_352, %dma_start3A_353] : memref<10240x64xf32, #tpu.memory_space<vmem_shared>> -> memref<10240x64xf32, #tpu.memory_space<vmem_shared>>
        tpu.enqueue_indirect_dma source(%arg18 : memref<128x64xf32, #tpu.memory_space<vmem>>) target(%dma_start3A_354 : memref<10240x64xf32, #tpu.memory_space<vmem_shared>>) offsets(%dma_start3A_351 : memref<128xi32, #tpu.memory_space<vmem>>) semaphore(%arg36 : memref<!tpu.dma_semaphore, #tpu.memory_space<semaphore_mem>>) {add = true}
        %dma_wait3A_355 = arith.constant 9 : i32
        %dma_wait3A_356 = arith.constant 0 : i32
        %dma_wait3A_357 = tpu.memref_slice %arg12[%dma_wait3A_355, %dma_wait3A_356] : memref<12x128xi32, #tpu.memory_space<vmem>> -> memref<1x128xi32, #tpu.memory_space<vmem>>
        %dma_wait3A_358 = tpu.memref_squeeze %dma_wait3A_357 : memref<1x128xi32, #tpu.memory_space<vmem>> -> memref<128xi32, #tpu.memory_space<vmem>>
        %dma_wait3A_359 = arith.constant 0 : i32
        %dma_wait3A_360 = arith.constant 0 : i32
        %dma_wait3A_361 = tpu.memref_slice %arg9[%dma_wait3A_359, %dma_wait3A_360] : memref<20480x64xf32, #tpu.memory_space<hbm>> -> memref<20480x64xf32, #tpu.memory_space<hbm>>
        tpu.wait_indirect_dma semaphore(%arg31 : memref<!tpu.dma_semaphore, #tpu.memory_space<semaphore_mem>>) src(%dma_wait3A_361 : memref<20480x64xf32, #tpu.memory_space<hbm>>) dst(%arg19 : memref<128x64xf32, #tpu.memory_space<vmem>>)
        %dma_start3A_362 = arith.constant 9 : i32
        %dma_start3A_363 = arith.constant 0 : i32
        %dma_start3A_364 = tpu.memref_slice %arg14[%dma_start3A_362, %dma_start3A_363] : memref<12x128xi32, #tpu.memory_space<vmem>> -> memref<1x128xi32, #tpu.memory_space<vmem>>
        %dma_start3A_365 = tpu.memref_squeeze %dma_start3A_364 : memref<1x128xi32, #tpu.memory_space<vmem>> -> memref<128xi32, #tpu.memory_space<vmem>>
        %dma_start3A_366 = arith.constant 0 : i32
        %dma_start3A_367 = arith.constant 0 : i32
        %dma_start3A_368 = tpu.memref_slice %arg10[%dma_start3A_366, %dma_start3A_367] : memref<10240x64xf32, #tpu.memory_space<vmem_shared>> -> memref<10240x64xf32, #tpu.memory_space<vmem_shared>>
        tpu.enqueue_indirect_dma source(%arg19 : memref<128x64xf32, #tpu.memory_space<vmem>>) target(%dma_start3A_368 : memref<10240x64xf32, #tpu.memory_space<vmem_shared>>) offsets(%dma_start3A_365 : memref<128xi32, #tpu.memory_space<vmem>>) semaphore(%arg37 : memref<!tpu.dma_semaphore, #tpu.memory_space<semaphore_mem>>) {add = true}
        %dma_wait3A_369 = arith.constant 10 : i32
        %dma_wait3A_370 = arith.constant 0 : i32
        %dma_wait3A_371 = tpu.memref_slice %arg12[%dma_wait3A_369, %dma_wait3A_370] : memref<12x128xi32, #tpu.memory_space<vmem>> -> memref<1x128xi32, #tpu.memory_space<vmem>>
        %dma_wait3A_372 = tpu.memref_squeeze %dma_wait3A_371 : memref<1x128xi32, #tpu.memory_space<vmem>> -> memref<128xi32, #tpu.memory_space<vmem>>
        %dma_wait3A_373 = arith.constant 0 : i32
        %dma_wait3A_374 = arith.constant 0 : i32
        %dma_wait3A_375 = tpu.memref_slice %arg9[%dma_wait3A_373, %dma_wait3A_374] : memref<20480x64xf32, #tpu.memory_space<hbm>> -> memref<20480x64xf32, #tpu.memory_space<hbm>>
        tpu.wait_indirect_dma semaphore(%arg32 : memref<!tpu.dma_semaphore, #tpu.memory_space<semaphore_mem>>) src(%dma_wait3A_375 : memref<20480x64xf32, #tpu.memory_space<hbm>>) dst(%arg20 : memref<128x64xf32, #tpu.memory_space<vmem>>)
        %dma_start3A_376 = arith.constant 10 : i32
        %dma_start3A_377 = arith.constant 0 : i32
        %dma_start3A_378 = tpu.memref_slice %arg14[%dma_start3A_376, %dma_start3A_377] : memref<12x128xi32, #tpu.memory_space<vmem>> -> memref<1x128xi32, #tpu.memory_space<vmem>>
        %dma_start3A_379 = tpu.memref_squeeze %dma_start3A_378 : memref<1x128xi32, #tpu.memory_space<vmem>> -> memref<128xi32, #tpu.memory_space<vmem>>
        %dma_start3A_380 = arith.constant 0 : i32
        %dma_start3A_381 = arith.constant 0 : i32
        %dma_start3A_382 = tpu.memref_slice %arg10[%dma_start3A_380, %dma_start3A_381] : memref<10240x64xf32, #tpu.memory_space<vmem_shared>> -> memref<10240x64xf32, #tpu.memory_space<vmem_shared>>
        tpu.enqueue_indirect_dma source(%arg20 : memref<128x64xf32, #tpu.memory_space<vmem>>) target(%dma_start3A_382 : memref<10240x64xf32, #tpu.memory_space<vmem_shared>>) offsets(%dma_start3A_379 : memref<128xi32, #tpu.memory_space<vmem>>) semaphore(%arg38 : memref<!tpu.dma_semaphore, #tpu.memory_space<semaphore_mem>>) {add = true}
        %dma_wait3A_383 = arith.constant 11 : i32
        %dma_wait3A_384 = arith.constant 0 : i32
        %dma_wait3A_385 = tpu.memref_slice %arg12[%dma_wait3A_383, %dma_wait3A_384] : memref<12x128xi32, #tpu.memory_space<vmem>> -> memref<1x128xi32, #tpu.memory_space<vmem>>
        %dma_wait3A_386 = tpu.memref_squeeze %dma_wait3A_385 : memref<1x128xi32, #tpu.memory_space<vmem>> -> memref<128xi32, #tpu.memory_space<vmem>>
        %dma_wait3A_387 = arith.constant 0 : i32
        %dma_wait3A_388 = arith.constant 0 : i32
        %dma_wait3A_389 = tpu.memref_slice %arg9[%dma_wait3A_387, %dma_wait3A_388] : memref<20480x64xf32, #tpu.memory_space<hbm>> -> memref<20480x64xf32, #tpu.memory_space<hbm>>
        tpu.wait_indirect_dma semaphore(%arg33 : memref<!tpu.dma_semaphore, #tpu.memory_space<semaphore_mem>>) src(%dma_wait3A_389 : memref<20480x64xf32, #tpu.memory_space<hbm>>) dst(%arg21 : memref<128x64xf32, #tpu.memory_space<vmem>>)
        %dma_start3A_390 = arith.constant 11 : i32
        %dma_start3A_391 = arith.constant 0 : i32
        %dma_start3A_392 = tpu.memref_slice %arg14[%dma_start3A_390, %dma_start3A_391] : memref<12x128xi32, #tpu.memory_space<vmem>> -> memref<1x128xi32, #tpu.memory_space<vmem>>
        %dma_start3A_393 = tpu.memref_squeeze %dma_start3A_392 : memref<1x128xi32, #tpu.memory_space<vmem>> -> memref<128xi32, #tpu.memory_space<vmem>>
        %dma_start3A_394 = arith.constant 0 : i32
        %dma_start3A_395 = arith.constant 0 : i32
        %dma_start3A_396 = tpu.memref_slice %arg10[%dma_start3A_394, %dma_start3A_395] : memref<10240x64xf32, #tpu.memory_space<vmem_shared>> -> memref<10240x64xf32, #tpu.memory_space<vmem_shared>>
        tpu.enqueue_indirect_dma source(%arg21 : memref<128x64xf32, #tpu.memory_space<vmem>>) target(%dma_start3A_396 : memref<10240x64xf32, #tpu.memory_space<vmem_shared>>) offsets(%dma_start3A_393 : memref<128xi32, #tpu.memory_space<vmem>>) semaphore(%arg39 : memref<!tpu.dma_semaphore, #tpu.memory_space<semaphore_mem>>) {add = true}
        %dma_wait3A_397 = arith.constant 6 : i32
        %dma_wait3A_398 = arith.constant 0 : i32
        %dma_wait3A_399 = tpu.memref_slice %arg14[%dma_wait3A_397, %dma_wait3A_398] : memref<12x128xi32, #tpu.memory_space<vmem>> -> memref<1x128xi32, #tpu.memory_space<vmem>>
        %dma_wait3A_400 = tpu.memref_squeeze %dma_wait3A_399 : memref<1x128xi32, #tpu.memory_space<vmem>> -> memref<128xi32, #tpu.memory_space<vmem>>
        %dma_wait3A_401 = arith.constant 0 : i32
        %dma_wait3A_402 = arith.constant 0 : i32
        %dma_wait3A_403 = tpu.memref_slice %arg10[%dma_wait3A_401, %dma_wait3A_402] : memref<10240x64xf32, #tpu.memory_space<vmem_shared>> -> memref<10240x64xf32, #tpu.memory_space<vmem_shared>>
        tpu.wait_indirect_dma semaphore(%arg34 : memref<!tpu.dma_semaphore, #tpu.memory_space<semaphore_mem>>) src(%arg16 : memref<128x64xf32, #tpu.memory_space<vmem>>) dst(%dma_wait3A_403 : memref<10240x64xf32, #tpu.memory_space<vmem_shared>>)
        %dma_wait3A_404 = arith.constant 7 : i32
        %dma_wait3A_405 = arith.constant 0 : i32
        %dma_wait3A_406 = tpu.memref_slice %arg14[%dma_wait3A_404, %dma_wait3A_405] : memref<12x128xi32, #tpu.memory_space<vmem>> -> memref<1x128xi32, #tpu.memory_space<vmem>>
        %dma_wait3A_407 = tpu.memref_squeeze %dma_wait3A_406 : memref<1x128xi32, #tpu.memory_space<vmem>> -> memref<128xi32, #tpu.memory_space<vmem>>
        %dma_wait3A_408 = arith.constant 0 : i32
        %dma_wait3A_409 = arith.constant 0 : i32
        %dma_wait3A_410 = tpu.memref_slice %arg10[%dma_wait3A_408, %dma_wait3A_409] : memref<10240x64xf32, #tpu.memory_space<vmem_shared>> -> memref<10240x64xf32, #tpu.memory_space<vmem_shared>>
        tpu.wait_indirect_dma semaphore(%arg35 : memref<!tpu.dma_semaphore, #tpu.memory_space<semaphore_mem>>) src(%arg17 : memref<128x64xf32, #tpu.memory_space<vmem>>) dst(%dma_wait3A_410 : memref<10240x64xf32, #tpu.memory_space<vmem_shared>>)
        %dma_wait3A_411 = arith.constant 8 : i32
        %dma_wait3A_412 = arith.constant 0 : i32
        %dma_wait3A_413 = tpu.memref_slice %arg14[%dma_wait3A_411, %dma_wait3A_412] : memref<12x128xi32, #tpu.memory_space<vmem>> -> memref<1x128xi32, #tpu.memory_space<vmem>>
        %dma_wait3A_414 = tpu.memref_squeeze %dma_wait3A_413 : memref<1x128xi32, #tpu.memory_space<vmem>> -> memref<128xi32, #tpu.memory_space<vmem>>
        %dma_wait3A_415 = arith.constant 0 : i32
        %dma_wait3A_416 = arith.constant 0 : i32
        %dma_wait3A_417 = tpu.memref_slice %arg10[%dma_wait3A_415, %dma_wait3A_416] : memref<10240x64xf32, #tpu.memory_space<vmem_shared>> -> memref<10240x64xf32, #tpu.memory_space<vmem_shared>>
        tpu.wait_indirect_dma semaphore(%arg36 : memref<!tpu.dma_semaphore, #tpu.memory_space<semaphore_mem>>) src(%arg18 : memref<128x64xf32, #tpu.memory_space<vmem>>) dst(%dma_wait3A_417 : memref<10240x64xf32, #tpu.memory_space<vmem_shared>>)
        %dma_wait3A_418 = arith.constant 9 : i32
        %dma_wait3A_419 = arith.constant 0 : i32
        %dma_wait3A_420 = tpu.memref_slice %arg14[%dma_wait3A_418, %dma_wait3A_419] : memref<12x128xi32, #tpu.memory_space<vmem>> -> memref<1x128xi32, #tpu.memory_space<vmem>>
        %dma_wait3A_421 = tpu.memref_squeeze %dma_wait3A_420 : memref<1x128xi32, #tpu.memory_space<vmem>> -> memref<128xi32, #tpu.memory_space<vmem>>
        %dma_wait3A_422 = arith.constant 0 : i32
        %dma_wait3A_423 = arith.constant 0 : i32
        %dma_wait3A_424 = tpu.memref_slice %arg10[%dma_wait3A_422, %dma_wait3A_423] : memref<10240x64xf32, #tpu.memory_space<vmem_shared>> -> memref<10240x64xf32, #tpu.memory_space<vmem_shared>>
        tpu.wait_indirect_dma semaphore(%arg37 : memref<!tpu.dma_semaphore, #tpu.memory_space<semaphore_mem>>) src(%arg19 : memref<128x64xf32, #tpu.memory_space<vmem>>) dst(%dma_wait3A_424 : memref<10240x64xf32, #tpu.memory_space<vmem_shared>>)
        %dma_wait3A_425 = arith.constant 10 : i32
        %dma_wait3A_426 = arith.constant 0 : i32
        %dma_wait3A_427 = tpu.memref_slice %arg14[%dma_wait3A_425, %dma_wait3A_426] : memref<12x128xi32, #tpu.memory_space<vmem>> -> memref<1x128xi32, #tpu.memory_space<vmem>>
        %dma_wait3A_428 = tpu.memref_squeeze %dma_wait3A_427 : memref<1x128xi32, #tpu.memory_space<vmem>> -> memref<128xi32, #tpu.memory_space<vmem>>
        %dma_wait3A_429 = arith.constant 0 : i32
        %dma_wait3A_430 = arith.constant 0 : i32
        %dma_wait3A_431 = tpu.memref_slice %arg10[%dma_wait3A_429, %dma_wait3A_430] : memref<10240x64xf32, #tpu.memory_space<vmem_shared>> -> memref<10240x64xf32, #tpu.memory_space<vmem_shared>>
        tpu.wait_indirect_dma semaphore(%arg38 : memref<!tpu.dma_semaphore, #tpu.memory_space<semaphore_mem>>) src(%arg20 : memref<128x64xf32, #tpu.memory_space<vmem>>) dst(%dma_wait3A_431 : memref<10240x64xf32, #tpu.memory_space<vmem_shared>>)
        %dma_wait3A_432 = arith.constant 11 : i32
        %dma_wait3A_433 = arith.constant 0 : i32
        %dma_wait3A_434 = tpu.memref_slice %arg14[%dma_wait3A_432, %dma_wait3A_433] : memref<12x128xi32, #tpu.memory_space<vmem>> -> memref<1x128xi32, #tpu.memory_space<vmem>>
        %dma_wait3A_435 = tpu.memref_squeeze %dma_wait3A_434 : memref<1x128xi32, #tpu.memory_space<vmem>> -> memref<128xi32, #tpu.memory_space<vmem>>
        %dma_wait3A_436 = arith.constant 0 : i32
        %dma_wait3A_437 = arith.constant 0 : i32
        %dma_wait3A_438 = tpu.memref_slice %arg10[%dma_wait3A_436, %dma_wait3A_437] : memref<10240x64xf32, #tpu.memory_space<vmem_shared>> -> memref<10240x64xf32, #tpu.memory_space<vmem_shared>>
        tpu.wait_indirect_dma semaphore(%arg39 : memref<!tpu.dma_semaphore, #tpu.memory_space<semaphore_mem>>) src(%arg21 : memref<128x64xf32, #tpu.memory_space<vmem>>) dst(%dma_wait3A_438 : memref<10240x64xf32, #tpu.memory_space<vmem_shared>>)
        %add3A_439 = arith.constant 12 : i32
        %add3A_440 = arith.addi %mul3A_87, %add3A_439 : i32
        %add3A_441 = arith.addi %add3A_9, %add3A_440 : i32
        %dma_wait3A_442 = arith.constant 0 : i32
        %dma_wait3A_443 = tpu.memref_slice %arg3[%add3A_441, %dma_wait3A_442] : memref<5376x128xi32, #tpu.memory_space<hbm>> -> memref<12x128xi32, #tpu.memory_space<hbm>>
        %dma_wait3A_444 = arith.constant 0 : i32
        %dma_wait3A_445 = tpu.memref_slice %arg3[%add3A_441, %dma_wait3A_444] : memref<5376x128xi32, #tpu.memory_space<hbm>> -> memref<12x128xi32, #tpu.memory_space<hbm>>
        tpu.wait_dma2 semaphore(%arg41 : memref<!tpu.dma_semaphore, #tpu.memory_space<semaphore_mem>>) src(%dma_wait3A_445 : memref<12x128xi32, #tpu.memory_space<hbm>>) dst(%arg13 : memref<12x128xi32, #tpu.memory_space<vmem>>)
        %add3A_446 = arith.addi %mul3A_0, %add3A_440 : i32
        %dma_wait3A_447 = arith.constant 0 : i32
        %dma_wait3A_448 = tpu.memref_slice %arg4[%add3A_446, %dma_wait3A_447] : memref<2688x128xi32, #tpu.memory_space<hbm>> -> memref<12x128xi32, #tpu.memory_space<hbm>>
        %dma_wait3A_449 = arith.constant 0 : i32
        %dma_wait3A_450 = tpu.memref_slice %arg4[%add3A_446, %dma_wait3A_449] : memref<2688x128xi32, #tpu.memory_space<hbm>> -> memref<12x128xi32, #tpu.memory_space<hbm>>
        tpu.wait_dma2 semaphore(%arg43 : memref<!tpu.dma_semaphore, #tpu.memory_space<semaphore_mem>>) src(%dma_wait3A_450 : memref<12x128xi32, #tpu.memory_space<hbm>>) dst(%arg15 : memref<12x128xi32, #tpu.memory_space<vmem>>)
        %add3A_451 = arith.constant 12 : i32
        %add3A_452 = arith.addi %add3A_440, %add3A_451 : i32
        %lt3A_453 = arith.constant 168 : i32
        %lt3A_454 = arith.cmpi slt, %add3A_452, %lt3A_453 : i32
        %convert_element_type3A_455 = arith.extui %lt3A_454 : i1 to i32
        %cond3A_456 = arith.constant 0 : i32
        %cond3A_457 = arith.cmpi ne, %convert_element_type3A_455, %cond3A_456 : i32
        scf.if %cond3A_457 {
          %add3A_794 = arith.constant 12 : i32
          %add3A_795 = arith.addi %add3A_440, %add3A_794 : i32
          %add3A_796 = arith.addi %add3A_9, %add3A_795 : i32
          %dma_start3A_797 = arith.constant 0 : i32
          %dma_start3A_798 = tpu.memref_slice %arg3[%add3A_796, %dma_start3A_797] : memref<5376x128xi32, #tpu.memory_space<hbm>> -> memref<12x128xi32, #tpu.memory_space<hbm>>
          %dma_start3A_799 = arith.constant 0 : i32
          %dma_start3A_800 = tpu.memref_slice %arg3[%add3A_796, %dma_start3A_799] : memref<5376x128xi32, #tpu.memory_space<hbm>> -> memref<12x128xi32, #tpu.memory_space<hbm>>
          tpu.enqueue_dma source(%dma_start3A_800 : memref<12x128xi32, #tpu.memory_space<hbm>>) target(%arg12 : memref<12x128xi32, #tpu.memory_space<vmem>>) target_semaphore(%arg40 : memref<!tpu.dma_semaphore, #tpu.memory_space<semaphore_mem>>)
          %add3A_801 = arith.addi %mul3A_0, %add3A_795 : i32
          %dma_start3A_802 = arith.constant 0 : i32
          %dma_start3A_803 = tpu.memref_slice %arg4[%add3A_801, %dma_start3A_802] : memref<2688x128xi32, #tpu.memory_space<hbm>> -> memref<12x128xi32, #tpu.memory_space<hbm>>
          %dma_start3A_804 = arith.constant 0 : i32
          %dma_start3A_805 = tpu.memref_slice %arg4[%add3A_801, %dma_start3A_804] : memref<2688x128xi32, #tpu.memory_space<hbm>> -> memref<12x128xi32, #tpu.memory_space<hbm>>
          tpu.enqueue_dma source(%dma_start3A_805 : memref<12x128xi32, #tpu.memory_space<hbm>>) target(%arg14 : memref<12x128xi32, #tpu.memory_space<vmem>>) target_semaphore(%arg42 : memref<!tpu.dma_semaphore, #tpu.memory_space<semaphore_mem>>)
        } else {
        }
        %dma_start3A_458 = arith.constant 0 : i32
        %dma_start3A_459 = arith.constant 0 : i32
        %dma_start3A_460 = tpu.memref_slice %arg13[%dma_start3A_458, %dma_start3A_459] : memref<12x128xi32, #tpu.memory_space<vmem>> -> memref<1x128xi32, #tpu.memory_space<vmem>>
        %dma_start3A_461 = tpu.memref_squeeze %dma_start3A_460 : memref<1x128xi32, #tpu.memory_space<vmem>> -> memref<128xi32, #tpu.memory_space<vmem>>
        %dma_start3A_462 = arith.constant 0 : i32
        %dma_start3A_463 = arith.constant 0 : i32
        %dma_start3A_464 = tpu.memref_slice %arg9[%dma_start3A_462, %dma_start3A_463] : memref<20480x64xf32, #tpu.memory_space<hbm>> -> memref<20480x64xf32, #tpu.memory_space<hbm>>
        tpu.enqueue_indirect_dma source(%dma_start3A_464 : memref<20480x64xf32, #tpu.memory_space<hbm>>) target(%arg16 : memref<128x64xf32, #tpu.memory_space<vmem>>) offsets(%dma_start3A_461 : memref<128xi32, #tpu.memory_space<vmem>>) semaphore(%arg28 : memref<!tpu.dma_semaphore, #tpu.memory_space<semaphore_mem>>)
        %dma_start3A_465 = arith.constant 1 : i32
        %dma_start3A_466 = arith.constant 0 : i32
        %dma_start3A_467 = tpu.memref_slice %arg13[%dma_start3A_465, %dma_start3A_466] : memref<12x128xi32, #tpu.memory_space<vmem>> -> memref<1x128xi32, #tpu.memory_space<vmem>>
        %dma_start3A_468 = tpu.memref_squeeze %dma_start3A_467 : memref<1x128xi32, #tpu.memory_space<vmem>> -> memref<128xi32, #tpu.memory_space<vmem>>
        %dma_start3A_469 = arith.constant 0 : i32
        %dma_start3A_470 = arith.constant 0 : i32
        %dma_start3A_471 = tpu.memref_slice %arg9[%dma_start3A_469, %dma_start3A_470] : memref<20480x64xf32, #tpu.memory_space<hbm>> -> memref<20480x64xf32, #tpu.memory_space<hbm>>
        tpu.enqueue_indirect_dma source(%dma_start3A_471 : memref<20480x64xf32, #tpu.memory_space<hbm>>) target(%arg17 : memref<128x64xf32, #tpu.memory_space<vmem>>) offsets(%dma_start3A_468 : memref<128xi32, #tpu.memory_space<vmem>>) semaphore(%arg29 : memref<!tpu.dma_semaphore, #tpu.memory_space<semaphore_mem>>)
        %dma_start3A_472 = arith.constant 2 : i32
        %dma_start3A_473 = arith.constant 0 : i32
        %dma_start3A_474 = tpu.memref_slice %arg13[%dma_start3A_472, %dma_start3A_473] : memref<12x128xi32, #tpu.memory_space<vmem>> -> memref<1x128xi32, #tpu.memory_space<vmem>>
        %dma_start3A_475 = tpu.memref_squeeze %dma_start3A_474 : memref<1x128xi32, #tpu.memory_space<vmem>> -> memref<128xi32, #tpu.memory_space<vmem>>
        %dma_start3A_476 = arith.constant 0 : i32
        %dma_start3A_477 = arith.constant 0 : i32
        %dma_start3A_478 = tpu.memref_slice %arg9[%dma_start3A_476, %dma_start3A_477] : memref<20480x64xf32, #tpu.memory_space<hbm>> -> memref<20480x64xf32, #tpu.memory_space<hbm>>
        tpu.enqueue_indirect_dma source(%dma_start3A_478 : memref<20480x64xf32, #tpu.memory_space<hbm>>) target(%arg18 : memref<128x64xf32, #tpu.memory_space<vmem>>) offsets(%dma_start3A_475 : memref<128xi32, #tpu.memory_space<vmem>>) semaphore(%arg30 : memref<!tpu.dma_semaphore, #tpu.memory_space<semaphore_mem>>)
        %dma_start3A_479 = arith.constant 3 : i32
        %dma_start3A_480 = arith.constant 0 : i32
        %dma_start3A_481 = tpu.memref_slice %arg13[%dma_start3A_479, %dma_start3A_480] : memref<12x128xi32, #tpu.memory_space<vmem>> -> memref<1x128xi32, #tpu.memory_space<vmem>>
        %dma_start3A_482 = tpu.memref_squeeze %dma_start3A_481 : memref<1x128xi32, #tpu.memory_space<vmem>> -> memref<128xi32, #tpu.memory_space<vmem>>
        %dma_start3A_483 = arith.constant 0 : i32
        %dma_start3A_484 = arith.constant 0 : i32
        %dma_start3A_485 = tpu.memref_slice %arg9[%dma_start3A_483, %dma_start3A_484] : memref<20480x64xf32, #tpu.memory_space<hbm>> -> memref<20480x64xf32, #tpu.memory_space<hbm>>
        tpu.enqueue_indirect_dma source(%dma_start3A_485 : memref<20480x64xf32, #tpu.memory_space<hbm>>) target(%arg19 : memref<128x64xf32, #tpu.memory_space<vmem>>) offsets(%dma_start3A_482 : memref<128xi32, #tpu.memory_space<vmem>>) semaphore(%arg31 : memref<!tpu.dma_semaphore, #tpu.memory_space<semaphore_mem>>)
        %dma_start3A_486 = arith.constant 4 : i32
        %dma_start3A_487 = arith.constant 0 : i32
        %dma_start3A_488 = tpu.memref_slice %arg13[%dma_start3A_486, %dma_start3A_487] : memref<12x128xi32, #tpu.memory_space<vmem>> -> memref<1x128xi32, #tpu.memory_space<vmem>>
        %dma_start3A_489 = tpu.memref_squeeze %dma_start3A_488 : memref<1x128xi32, #tpu.memory_space<vmem>> -> memref<128xi32, #tpu.memory_space<vmem>>
        %dma_start3A_490 = arith.constant 0 : i32
        %dma_start3A_491 = arith.constant 0 : i32
        %dma_start3A_492 = tpu.memref_slice %arg9[%dma_start3A_490, %dma_start3A_491] : memref<20480x64xf32, #tpu.memory_space<hbm>> -> memref<20480x64xf32, #tpu.memory_space<hbm>>
        tpu.enqueue_indirect_dma source(%dma_start3A_492 : memref<20480x64xf32, #tpu.memory_space<hbm>>) target(%arg20 : memref<128x64xf32, #tpu.memory_space<vmem>>) offsets(%dma_start3A_489 : memref<128xi32, #tpu.memory_space<vmem>>) semaphore(%arg32 : memref<!tpu.dma_semaphore, #tpu.memory_space<semaphore_mem>>)
        %dma_start3A_493 = arith.constant 5 : i32
        %dma_start3A_494 = arith.constant 0 : i32
        %dma_start3A_495 = tpu.memref_slice %arg13[%dma_start3A_493, %dma_start3A_494] : memref<12x128xi32, #tpu.memory_space<vmem>> -> memref<1x128xi32, #tpu.memory_space<vmem>>
        %dma_start3A_496 = tpu.memref_squeeze %dma_start3A_495 : memref<1x128xi32, #tpu.memory_space<vmem>> -> memref<128xi32, #tpu.memory_space<vmem>>
        %dma_start3A_497 = arith.constant 0 : i32
        %dma_start3A_498 = arith.constant 0 : i32
        %dma_start3A_499 = tpu.memref_slice %arg9[%dma_start3A_497, %dma_start3A_498] : memref<20480x64xf32, #tpu.memory_space<hbm>> -> memref<20480x64xf32, #tpu.memory_space<hbm>>
        tpu.enqueue_indirect_dma source(%dma_start3A_499 : memref<20480x64xf32, #tpu.memory_space<hbm>>) target(%arg21 : memref<128x64xf32, #tpu.memory_space<vmem>>) offsets(%dma_start3A_496 : memref<128xi32, #tpu.memory_space<vmem>>) semaphore(%arg33 : memref<!tpu.dma_semaphore, #tpu.memory_space<semaphore_mem>>)
        %dma_wait3A_500 = arith.constant 0 : i32
        %dma_wait3A_501 = arith.constant 0 : i32
        %dma_wait3A_502 = tpu.memref_slice %arg13[%dma_wait3A_500, %dma_wait3A_501] : memref<12x128xi32, #tpu.memory_space<vmem>> -> memref<1x128xi32, #tpu.memory_space<vmem>>
        %dma_wait3A_503 = tpu.memref_squeeze %dma_wait3A_502 : memref<1x128xi32, #tpu.memory_space<vmem>> -> memref<128xi32, #tpu.memory_space<vmem>>
        %dma_wait3A_504 = arith.constant 0 : i32
        %dma_wait3A_505 = arith.constant 0 : i32
        %dma_wait3A_506 = tpu.memref_slice %arg9[%dma_wait3A_504, %dma_wait3A_505] : memref<20480x64xf32, #tpu.memory_space<hbm>> -> memref<20480x64xf32, #tpu.memory_space<hbm>>
        tpu.wait_indirect_dma semaphore(%arg28 : memref<!tpu.dma_semaphore, #tpu.memory_space<semaphore_mem>>) src(%dma_wait3A_506 : memref<20480x64xf32, #tpu.memory_space<hbm>>) dst(%arg16 : memref<128x64xf32, #tpu.memory_space<vmem>>)
        %dma_start3A_507 = arith.constant 0 : i32
        %dma_start3A_508 = arith.constant 0 : i32
        %dma_start3A_509 = tpu.memref_slice %arg15[%dma_start3A_507, %dma_start3A_508] : memref<12x128xi32, #tpu.memory_space<vmem>> -> memref<1x128xi32, #tpu.memory_space<vmem>>
        %dma_start3A_510 = tpu.memref_squeeze %dma_start3A_509 : memref<1x128xi32, #tpu.memory_space<vmem>> -> memref<128xi32, #tpu.memory_space<vmem>>
        %dma_start3A_511 = arith.constant 0 : i32
        %dma_start3A_512 = arith.constant 0 : i32
        %dma_start3A_513 = tpu.memref_slice %arg10[%dma_start3A_511, %dma_start3A_512] : memref<10240x64xf32, #tpu.memory_space<vmem_shared>> -> memref<10240x64xf32, #tpu.memory_space<vmem_shared>>
        tpu.enqueue_indirect_dma source(%arg16 : memref<128x64xf32, #tpu.memory_space<vmem>>) target(%dma_start3A_513 : memref<10240x64xf32, #tpu.memory_space<vmem_shared>>) offsets(%dma_start3A_510 : memref<128xi32, #tpu.memory_space<vmem>>) semaphore(%arg34 : memref<!tpu.dma_semaphore, #tpu.memory_space<semaphore_mem>>) {add = true}
        %dma_wait3A_514 = arith.constant 1 : i32
        %dma_wait3A_515 = arith.constant 0 : i32
        %dma_wait3A_516 = tpu.memref_slice %arg13[%dma_wait3A_514, %dma_wait3A_515] : memref<12x128xi32, #tpu.memory_space<vmem>> -> memref<1x128xi32, #tpu.memory_space<vmem>>
        %dma_wait3A_517 = tpu.memref_squeeze %dma_wait3A_516 : memref<1x128xi32, #tpu.memory_space<vmem>> -> memref<128xi32, #tpu.memory_space<vmem>>
        %dma_wait3A_518 = arith.constant 0 : i32
        %dma_wait3A_519 = arith.constant 0 : i32
        %dma_wait3A_520 = tpu.memref_slice %arg9[%dma_wait3A_518, %dma_wait3A_519] : memref<20480x64xf32, #tpu.memory_space<hbm>> -> memref<20480x64xf32, #tpu.memory_space<hbm>>
        tpu.wait_indirect_dma semaphore(%arg29 : memref<!tpu.dma_semaphore, #tpu.memory_space<semaphore_mem>>) src(%dma_wait3A_520 : memref<20480x64xf32, #tpu.memory_space<hbm>>) dst(%arg17 : memref<128x64xf32, #tpu.memory_space<vmem>>)
        %dma_start3A_521 = arith.constant 1 : i32
        %dma_start3A_522 = arith.constant 0 : i32
        %dma_start3A_523 = tpu.memref_slice %arg15[%dma_start3A_521, %dma_start3A_522] : memref<12x128xi32, #tpu.memory_space<vmem>> -> memref<1x128xi32, #tpu.memory_space<vmem>>
        %dma_start3A_524 = tpu.memref_squeeze %dma_start3A_523 : memref<1x128xi32, #tpu.memory_space<vmem>> -> memref<128xi32, #tpu.memory_space<vmem>>
        %dma_start3A_525 = arith.constant 0 : i32
        %dma_start3A_526 = arith.constant 0 : i32
        %dma_start3A_527 = tpu.memref_slice %arg10[%dma_start3A_525, %dma_start3A_526] : memref<10240x64xf32, #tpu.memory_space<vmem_shared>> -> memref<10240x64xf32, #tpu.memory_space<vmem_shared>>
        tpu.enqueue_indirect_dma source(%arg17 : memref<128x64xf32, #tpu.memory_space<vmem>>) target(%dma_start3A_527 : memref<10240x64xf32, #tpu.memory_space<vmem_shared>>) offsets(%dma_start3A_524 : memref<128xi32, #tpu.memory_space<vmem>>) semaphore(%arg35 : memref<!tpu.dma_semaphore, #tpu.memory_space<semaphore_mem>>) {add = true}
        %dma_wait3A_528 = arith.constant 2 : i32
        %dma_wait3A_529 = arith.constant 0 : i32
        %dma_wait3A_530 = tpu.memref_slice %arg13[%dma_wait3A_528, %dma_wait3A_529] : memref<12x128xi32, #tpu.memory_space<vmem>> -> memref<1x128xi32, #tpu.memory_space<vmem>>
        %dma_wait3A_531 = tpu.memref_squeeze %dma_wait3A_530 : memref<1x128xi32, #tpu.memory_space<vmem>> -> memref<128xi32, #tpu.memory_space<vmem>>
        %dma_wait3A_532 = arith.constant 0 : i32
        %dma_wait3A_533 = arith.constant 0 : i32
        %dma_wait3A_534 = tpu.memref_slice %arg9[%dma_wait3A_532, %dma_wait3A_533] : memref<20480x64xf32, #tpu.memory_space<hbm>> -> memref<20480x64xf32, #tpu.memory_space<hbm>>
        tpu.wait_indirect_dma semaphore(%arg30 : memref<!tpu.dma_semaphore, #tpu.memory_space<semaphore_mem>>) src(%dma_wait3A_534 : memref<20480x64xf32, #tpu.memory_space<hbm>>) dst(%arg18 : memref<128x64xf32, #tpu.memory_space<vmem>>)
        %dma_start3A_535 = arith.constant 2 : i32
        %dma_start3A_536 = arith.constant 0 : i32
        %dma_start3A_537 = tpu.memref_slice %arg15[%dma_start3A_535, %dma_start3A_536] : memref<12x128xi32, #tpu.memory_space<vmem>> -> memref<1x128xi32, #tpu.memory_space<vmem>>
        %dma_start3A_538 = tpu.memref_squeeze %dma_start3A_537 : memref<1x128xi32, #tpu.memory_space<vmem>> -> memref<128xi32, #tpu.memory_space<vmem>>
        %dma_start3A_539 = arith.constant 0 : i32
        %dma_start3A_540 = arith.constant 0 : i32
        %dma_start3A_541 = tpu.memref_slice %arg10[%dma_start3A_539, %dma_start3A_540] : memref<10240x64xf32, #tpu.memory_space<vmem_shared>> -> memref<10240x64xf32, #tpu.memory_space<vmem_shared>>
        tpu.enqueue_indirect_dma source(%arg18 : memref<128x64xf32, #tpu.memory_space<vmem>>) target(%dma_start3A_541 : memref<10240x64xf32, #tpu.memory_space<vmem_shared>>) offsets(%dma_start3A_538 : memref<128xi32, #tpu.memory_space<vmem>>) semaphore(%arg36 : memref<!tpu.dma_semaphore, #tpu.memory_space<semaphore_mem>>) {add = true}
        %dma_wait3A_542 = arith.constant 3 : i32
        %dma_wait3A_543 = arith.constant 0 : i32
        %dma_wait3A_544 = tpu.memref_slice %arg13[%dma_wait3A_542, %dma_wait3A_543] : memref<12x128xi32, #tpu.memory_space<vmem>> -> memref<1x128xi32, #tpu.memory_space<vmem>>
        %dma_wait3A_545 = tpu.memref_squeeze %dma_wait3A_544 : memref<1x128xi32, #tpu.memory_space<vmem>> -> memref<128xi32, #tpu.memory_space<vmem>>
        %dma_wait3A_546 = arith.constant 0 : i32
        %dma_wait3A_547 = arith.constant 0 : i32
        %dma_wait3A_548 = tpu.memref_slice %arg9[%dma_wait3A_546, %dma_wait3A_547] : memref<20480x64xf32, #tpu.memory_space<hbm>> -> memref<20480x64xf32, #tpu.memory_space<hbm>>
        tpu.wait_indirect_dma semaphore(%arg31 : memref<!tpu.dma_semaphore, #tpu.memory_space<semaphore_mem>>) src(%dma_wait3A_548 : memref<20480x64xf32, #tpu.memory_space<hbm>>) dst(%arg19 : memref<128x64xf32, #tpu.memory_space<vmem>>)
        %dma_start3A_549 = arith.constant 3 : i32
        %dma_start3A_550 = arith.constant 0 : i32
        %dma_start3A_551 = tpu.memref_slice %arg15[%dma_start3A_549, %dma_start3A_550] : memref<12x128xi32, #tpu.memory_space<vmem>> -> memref<1x128xi32, #tpu.memory_space<vmem>>
        %dma_start3A_552 = tpu.memref_squeeze %dma_start3A_551 : memref<1x128xi32, #tpu.memory_space<vmem>> -> memref<128xi32, #tpu.memory_space<vmem>>
        %dma_start3A_553 = arith.constant 0 : i32
        %dma_start3A_554 = arith.constant 0 : i32
        %dma_start3A_555 = tpu.memref_slice %arg10[%dma_start3A_553, %dma_start3A_554] : memref<10240x64xf32, #tpu.memory_space<vmem_shared>> -> memref<10240x64xf32, #tpu.memory_space<vmem_shared>>
        tpu.enqueue_indirect_dma source(%arg19 : memref<128x64xf32, #tpu.memory_space<vmem>>) target(%dma_start3A_555 : memref<10240x64xf32, #tpu.memory_space<vmem_shared>>) offsets(%dma_start3A_552 : memref<128xi32, #tpu.memory_space<vmem>>) semaphore(%arg37 : memref<!tpu.dma_semaphore, #tpu.memory_space<semaphore_mem>>) {add = true}
        %dma_wait3A_556 = arith.constant 4 : i32
        %dma_wait3A_557 = arith.constant 0 : i32
        %dma_wait3A_558 = tpu.memref_slice %arg13[%dma_wait3A_556, %dma_wait3A_557] : memref<12x128xi32, #tpu.memory_space<vmem>> -> memref<1x128xi32, #tpu.memory_space<vmem>>
        %dma_wait3A_559 = tpu.memref_squeeze %dma_wait3A_558 : memref<1x128xi32, #tpu.memory_space<vmem>> -> memref<128xi32, #tpu.memory_space<vmem>>
        %dma_wait3A_560 = arith.constant 0 : i32
        %dma_wait3A_561 = arith.constant 0 : i32
        %dma_wait3A_562 = tpu.memref_slice %arg9[%dma_wait3A_560, %dma_wait3A_561] : memref<20480x64xf32, #tpu.memory_space<hbm>> -> memref<20480x64xf32, #tpu.memory_space<hbm>>
        tpu.wait_indirect_dma semaphore(%arg32 : memref<!tpu.dma_semaphore, #tpu.memory_space<semaphore_mem>>) src(%dma_wait3A_562 : memref<20480x64xf32, #tpu.memory_space<hbm>>) dst(%arg20 : memref<128x64xf32, #tpu.memory_space<vmem>>)
        %dma_start3A_563 = arith.constant 4 : i32
        %dma_start3A_564 = arith.constant 0 : i32
        %dma_start3A_565 = tpu.memref_slice %arg15[%dma_start3A_563, %dma_start3A_564] : memref<12x128xi32, #tpu.memory_space<vmem>> -> memref<1x128xi32, #tpu.memory_space<vmem>>
        %dma_start3A_566 = tpu.memref_squeeze %dma_start3A_565 : memref<1x128xi32, #tpu.memory_space<vmem>> -> memref<128xi32, #tpu.memory_space<vmem>>
        %dma_start3A_567 = arith.constant 0 : i32
        %dma_start3A_568 = arith.constant 0 : i32
        %dma_start3A_569 = tpu.memref_slice %arg10[%dma_start3A_567, %dma_start3A_568] : memref<10240x64xf32, #tpu.memory_space<vmem_shared>> -> memref<10240x64xf32, #tpu.memory_space<vmem_shared>>
        tpu.enqueue_indirect_dma source(%arg20 : memref<128x64xf32, #tpu.memory_space<vmem>>) target(%dma_start3A_569 : memref<10240x64xf32, #tpu.memory_space<vmem_shared>>) offsets(%dma_start3A_566 : memref<128xi32, #tpu.memory_space<vmem>>) semaphore(%arg38 : memref<!tpu.dma_semaphore, #tpu.memory_space<semaphore_mem>>) {add = true}
        %dma_wait3A_570 = arith.constant 5 : i32
        %dma_wait3A_571 = arith.constant 0 : i32
        %dma_wait3A_572 = tpu.memref_slice %arg13[%dma_wait3A_570, %dma_wait3A_571] : memref<12x128xi32, #tpu.memory_space<vmem>> -> memref<1x128xi32, #tpu.memory_space<vmem>>
        %dma_wait3A_573 = tpu.memref_squeeze %dma_wait3A_572 : memref<1x128xi32, #tpu.memory_space<vmem>> -> memref<128xi32, #tpu.memory_space<vmem>>
        %dma_wait3A_574 = arith.constant 0 : i32
        %dma_wait3A_575 = arith.constant 0 : i32
        %dma_wait3A_576 = tpu.memref_slice %arg9[%dma_wait3A_574, %dma_wait3A_575] : memref<20480x64xf32, #tpu.memory_space<hbm>> -> memref<20480x64xf32, #tpu.memory_space<hbm>>
        tpu.wait_indirect_dma semaphore(%arg33 : memref<!tpu.dma_semaphore, #tpu.memory_space<semaphore_mem>>) src(%dma_wait3A_576 : memref<20480x64xf32, #tpu.memory_space<hbm>>) dst(%arg21 : memref<128x64xf32, #tpu.memory_space<vmem>>)
        %dma_start3A_577 = arith.constant 5 : i32
        %dma_start3A_578 = arith.constant 0 : i32
        %dma_start3A_579 = tpu.memref_slice %arg15[%dma_start3A_577, %dma_start3A_578] : memref<12x128xi32, #tpu.memory_space<vmem>> -> memref<1x128xi32, #tpu.memory_space<vmem>>
        %dma_start3A_580 = tpu.memref_squeeze %dma_start3A_579 : memref<1x128xi32, #tpu.memory_space<vmem>> -> memref<128xi32, #tpu.memory_space<vmem>>
        %dma_start3A_581 = arith.constant 0 : i32
        %dma_start3A_582 = arith.constant 0 : i32
        %dma_start3A_583 = tpu.memref_slice %arg10[%dma_start3A_581, %dma_start3A_582] : memref<10240x64xf32, #tpu.memory_space<vmem_shared>> -> memref<10240x64xf32, #tpu.memory_space<vmem_shared>>
        tpu.enqueue_indirect_dma source(%arg21 : memref<128x64xf32, #tpu.memory_space<vmem>>) target(%dma_start3A_583 : memref<10240x64xf32, #tpu.memory_space<vmem_shared>>) offsets(%dma_start3A_580 : memref<128xi32, #tpu.memory_space<vmem>>) semaphore(%arg39 : memref<!tpu.dma_semaphore, #tpu.memory_space<semaphore_mem>>) {add = true}
        %dma_wait3A_584 = arith.constant 0 : i32
        %dma_wait3A_585 = arith.constant 0 : i32
        %dma_wait3A_586 = tpu.memref_slice %arg15[%dma_wait3A_584, %dma_wait3A_585] : memref<12x128xi32, #tpu.memory_space<vmem>> -> memref<1x128xi32, #tpu.memory_space<vmem>>
        %dma_wait3A_587 = tpu.memref_squeeze %dma_wait3A_586 : memref<1x128xi32, #tpu.memory_space<vmem>> -> memref<128xi32, #tpu.memory_space<vmem>>
        %dma_wait3A_588 = arith.constant 0 : i32
        %dma_wait3A_589 = arith.constant 0 : i32
        %dma_wait3A_590 = tpu.memref_slice %arg10[%dma_wait3A_588, %dma_wait3A_589] : memref<10240x64xf32, #tpu.memory_space<vmem_shared>> -> memref<10240x64xf32, #tpu.memory_space<vmem_shared>>
        tpu.wait_indirect_dma semaphore(%arg34 : memref<!tpu.dma_semaphore, #tpu.memory_space<semaphore_mem>>) src(%arg16 : memref<128x64xf32, #tpu.memory_space<vmem>>) dst(%dma_wait3A_590 : memref<10240x64xf32, #tpu.memory_space<vmem_shared>>)
        %dma_start3A_591 = arith.constant 6 : i32
        %dma_start3A_592 = arith.constant 0 : i32
        %dma_start3A_593 = tpu.memref_slice %arg13[%dma_start3A_591, %dma_start3A_592] : memref<12x128xi32, #tpu.memory_space<vmem>> -> memref<1x128xi32, #tpu.memory_space<vmem>>
        %dma_start3A_594 = tpu.memref_squeeze %dma_start3A_593 : memref<1x128xi32, #tpu.memory_space<vmem>> -> memref<128xi32, #tpu.memory_space<vmem>>
        %dma_start3A_595 = arith.constant 0 : i32
        %dma_start3A_596 = arith.constant 0 : i32
        %dma_start3A_597 = tpu.memref_slice %arg9[%dma_start3A_595, %dma_start3A_596] : memref<20480x64xf32, #tpu.memory_space<hbm>> -> memref<20480x64xf32, #tpu.memory_space<hbm>>
        tpu.enqueue_indirect_dma source(%dma_start3A_597 : memref<20480x64xf32, #tpu.memory_space<hbm>>) target(%arg16 : memref<128x64xf32, #tpu.memory_space<vmem>>) offsets(%dma_start3A_594 : memref<128xi32, #tpu.memory_space<vmem>>) semaphore(%arg28 : memref<!tpu.dma_semaphore, #tpu.memory_space<semaphore_mem>>)
        %dma_wait3A_598 = arith.constant 1 : i32
        %dma_wait3A_599 = arith.constant 0 : i32
        %dma_wait3A_600 = tpu.memref_slice %arg15[%dma_wait3A_598, %dma_wait3A_599] : memref<12x128xi32, #tpu.memory_space<vmem>> -> memref<1x128xi32, #tpu.memory_space<vmem>>
        %dma_wait3A_601 = tpu.memref_squeeze %dma_wait3A_600 : memref<1x128xi32, #tpu.memory_space<vmem>> -> memref<128xi32, #tpu.memory_space<vmem>>
        %dma_wait3A_602 = arith.constant 0 : i32
        %dma_wait3A_603 = arith.constant 0 : i32
        %dma_wait3A_604 = tpu.memref_slice %arg10[%dma_wait3A_602, %dma_wait3A_603] : memref<10240x64xf32, #tpu.memory_space<vmem_shared>> -> memref<10240x64xf32, #tpu.memory_space<vmem_shared>>
        tpu.wait_indirect_dma semaphore(%arg35 : memref<!tpu.dma_semaphore, #tpu.memory_space<semaphore_mem>>) src(%arg17 : memref<128x64xf32, #tpu.memory_space<vmem>>) dst(%dma_wait3A_604 : memref<10240x64xf32, #tpu.memory_space<vmem_shared>>)
        %dma_start3A_605 = arith.constant 7 : i32
        %dma_start3A_606 = arith.constant 0 : i32
        %dma_start3A_607 = tpu.memref_slice %arg13[%dma_start3A_605, %dma_start3A_606] : memref<12x128xi32, #tpu.memory_space<vmem>> -> memref<1x128xi32, #tpu.memory_space<vmem>>
        %dma_start3A_608 = tpu.memref_squeeze %dma_start3A_607 : memref<1x128xi32, #tpu.memory_space<vmem>> -> memref<128xi32, #tpu.memory_space<vmem>>
        %dma_start3A_609 = arith.constant 0 : i32
        %dma_start3A_610 = arith.constant 0 : i32
        %dma_start3A_611 = tpu.memref_slice %arg9[%dma_start3A_609, %dma_start3A_610] : memref<20480x64xf32, #tpu.memory_space<hbm>> -> memref<20480x64xf32, #tpu.memory_space<hbm>>
        tpu.enqueue_indirect_dma source(%dma_start3A_611 : memref<20480x64xf32, #tpu.memory_space<hbm>>) target(%arg17 : memref<128x64xf32, #tpu.memory_space<vmem>>) offsets(%dma_start3A_608 : memref<128xi32, #tpu.memory_space<vmem>>) semaphore(%arg29 : memref<!tpu.dma_semaphore, #tpu.memory_space<semaphore_mem>>)
        %dma_wait3A_612 = arith.constant 2 : i32
        %dma_wait3A_613 = arith.constant 0 : i32
        %dma_wait3A_614 = tpu.memref_slice %arg15[%dma_wait3A_612, %dma_wait3A_613] : memref<12x128xi32, #tpu.memory_space<vmem>> -> memref<1x128xi32, #tpu.memory_space<vmem>>
        %dma_wait3A_615 = tpu.memref_squeeze %dma_wait3A_614 : memref<1x128xi32, #tpu.memory_space<vmem>> -> memref<128xi32, #tpu.memory_space<vmem>>
        %dma_wait3A_616 = arith.constant 0 : i32
        %dma_wait3A_617 = arith.constant 0 : i32
        %dma_wait3A_618 = tpu.memref_slice %arg10[%dma_wait3A_616, %dma_wait3A_617] : memref<10240x64xf32, #tpu.memory_space<vmem_shared>> -> memref<10240x64xf32, #tpu.memory_space<vmem_shared>>
        tpu.wait_indirect_dma semaphore(%arg36 : memref<!tpu.dma_semaphore, #tpu.memory_space<semaphore_mem>>) src(%arg18 : memref<128x64xf32, #tpu.memory_space<vmem>>) dst(%dma_wait3A_618 : memref<10240x64xf32, #tpu.memory_space<vmem_shared>>)
        %dma_start3A_619 = arith.constant 8 : i32
        %dma_start3A_620 = arith.constant 0 : i32
        %dma_start3A_621 = tpu.memref_slice %arg13[%dma_start3A_619, %dma_start3A_620] : memref<12x128xi32, #tpu.memory_space<vmem>> -> memref<1x128xi32, #tpu.memory_space<vmem>>
        %dma_start3A_622 = tpu.memref_squeeze %dma_start3A_621 : memref<1x128xi32, #tpu.memory_space<vmem>> -> memref<128xi32, #tpu.memory_space<vmem>>
        %dma_start3A_623 = arith.constant 0 : i32
        %dma_start3A_624 = arith.constant 0 : i32
        %dma_start3A_625 = tpu.memref_slice %arg9[%dma_start3A_623, %dma_start3A_624] : memref<20480x64xf32, #tpu.memory_space<hbm>> -> memref<20480x64xf32, #tpu.memory_space<hbm>>
        tpu.enqueue_indirect_dma source(%dma_start3A_625 : memref<20480x64xf32, #tpu.memory_space<hbm>>) target(%arg18 : memref<128x64xf32, #tpu.memory_space<vmem>>) offsets(%dma_start3A_622 : memref<128xi32, #tpu.memory_space<vmem>>) semaphore(%arg30 : memref<!tpu.dma_semaphore, #tpu.memory_space<semaphore_mem>>)
        %dma_wait3A_626 = arith.constant 3 : i32
        %dma_wait3A_627 = arith.constant 0 : i32
        %dma_wait3A_628 = tpu.memref_slice %arg15[%dma_wait3A_626, %dma_wait3A_627] : memref<12x128xi32, #tpu.memory_space<vmem>> -> memref<1x128xi32, #tpu.memory_space<vmem>>
        %dma_wait3A_629 = tpu.memref_squeeze %dma_wait3A_628 : memref<1x128xi32, #tpu.memory_space<vmem>> -> memref<128xi32, #tpu.memory_space<vmem>>
        %dma_wait3A_630 = arith.constant 0 : i32
        %dma_wait3A_631 = arith.constant 0 : i32
        %dma_wait3A_632 = tpu.memref_slice %arg10[%dma_wait3A_630, %dma_wait3A_631] : memref<10240x64xf32, #tpu.memory_space<vmem_shared>> -> memref<10240x64xf32, #tpu.memory_space<vmem_shared>>
        tpu.wait_indirect_dma semaphore(%arg37 : memref<!tpu.dma_semaphore, #tpu.memory_space<semaphore_mem>>) src(%arg19 : memref<128x64xf32, #tpu.memory_space<vmem>>) dst(%dma_wait3A_632 : memref<10240x64xf32, #tpu.memory_space<vmem_shared>>)
        %dma_start3A_633 = arith.constant 9 : i32
        %dma_start3A_634 = arith.constant 0 : i32
        %dma_start3A_635 = tpu.memref_slice %arg13[%dma_start3A_633, %dma_start3A_634] : memref<12x128xi32, #tpu.memory_space<vmem>> -> memref<1x128xi32, #tpu.memory_space<vmem>>
        %dma_start3A_636 = tpu.memref_squeeze %dma_start3A_635 : memref<1x128xi32, #tpu.memory_space<vmem>> -> memref<128xi32, #tpu.memory_space<vmem>>
        %dma_start3A_637 = arith.constant 0 : i32
        %dma_start3A_638 = arith.constant 0 : i32
        %dma_start3A_639 = tpu.memref_slice %arg9[%dma_start3A_637, %dma_start3A_638] : memref<20480x64xf32, #tpu.memory_space<hbm>> -> memref<20480x64xf32, #tpu.memory_space<hbm>>
        tpu.enqueue_indirect_dma source(%dma_start3A_639 : memref<20480x64xf32, #tpu.memory_space<hbm>>) target(%arg19 : memref<128x64xf32, #tpu.memory_space<vmem>>) offsets(%dma_start3A_636 : memref<128xi32, #tpu.memory_space<vmem>>) semaphore(%arg31 : memref<!tpu.dma_semaphore, #tpu.memory_space<semaphore_mem>>)
        %dma_wait3A_640 = arith.constant 4 : i32
        %dma_wait3A_641 = arith.constant 0 : i32
        %dma_wait3A_642 = tpu.memref_slice %arg15[%dma_wait3A_640, %dma_wait3A_641] : memref<12x128xi32, #tpu.memory_space<vmem>> -> memref<1x128xi32, #tpu.memory_space<vmem>>
        %dma_wait3A_643 = tpu.memref_squeeze %dma_wait3A_642 : memref<1x128xi32, #tpu.memory_space<vmem>> -> memref<128xi32, #tpu.memory_space<vmem>>
        %dma_wait3A_644 = arith.constant 0 : i32
        %dma_wait3A_645 = arith.constant 0 : i32
        %dma_wait3A_646 = tpu.memref_slice %arg10[%dma_wait3A_644, %dma_wait3A_645] : memref<10240x64xf32, #tpu.memory_space<vmem_shared>> -> memref<10240x64xf32, #tpu.memory_space<vmem_shared>>
        tpu.wait_indirect_dma semaphore(%arg38 : memref<!tpu.dma_semaphore, #tpu.memory_space<semaphore_mem>>) src(%arg20 : memref<128x64xf32, #tpu.memory_space<vmem>>) dst(%dma_wait3A_646 : memref<10240x64xf32, #tpu.memory_space<vmem_shared>>)
        %dma_start3A_647 = arith.constant 10 : i32
        %dma_start3A_648 = arith.constant 0 : i32
        %dma_start3A_649 = tpu.memref_slice %arg13[%dma_start3A_647, %dma_start3A_648] : memref<12x128xi32, #tpu.memory_space<vmem>> -> memref<1x128xi32, #tpu.memory_space<vmem>>
        %dma_start3A_650 = tpu.memref_squeeze %dma_start3A_649 : memref<1x128xi32, #tpu.memory_space<vmem>> -> memref<128xi32, #tpu.memory_space<vmem>>
        %dma_start3A_651 = arith.constant 0 : i32
        %dma_start3A_652 = arith.constant 0 : i32
        %dma_start3A_653 = tpu.memref_slice %arg9[%dma_start3A_651, %dma_start3A_652] : memref<20480x64xf32, #tpu.memory_space<hbm>> -> memref<20480x64xf32, #tpu.memory_space<hbm>>
        tpu.enqueue_indirect_dma source(%dma_start3A_653 : memref<20480x64xf32, #tpu.memory_space<hbm>>) target(%arg20 : memref<128x64xf32, #tpu.memory_space<vmem>>) offsets(%dma_start3A_650 : memref<128xi32, #tpu.memory_space<vmem>>) semaphore(%arg32 : memref<!tpu.dma_semaphore, #tpu.memory_space<semaphore_mem>>)
        %dma_wait3A_654 = arith.constant 5 : i32
        %dma_wait3A_655 = arith.constant 0 : i32
        %dma_wait3A_656 = tpu.memref_slice %arg15[%dma_wait3A_654, %dma_wait3A_655] : memref<12x128xi32, #tpu.memory_space<vmem>> -> memref<1x128xi32, #tpu.memory_space<vmem>>
        %dma_wait3A_657 = tpu.memref_squeeze %dma_wait3A_656 : memref<1x128xi32, #tpu.memory_space<vmem>> -> memref<128xi32, #tpu.memory_space<vmem>>
        %dma_wait3A_658 = arith.constant 0 : i32
        %dma_wait3A_659 = arith.constant 0 : i32
        %dma_wait3A_660 = tpu.memref_slice %arg10[%dma_wait3A_658, %dma_wait3A_659] : memref<10240x64xf32, #tpu.memory_space<vmem_shared>> -> memref<10240x64xf32, #tpu.memory_space<vmem_shared>>
        tpu.wait_indirect_dma semaphore(%arg39 : memref<!tpu.dma_semaphore, #tpu.memory_space<semaphore_mem>>) src(%arg21 : memref<128x64xf32, #tpu.memory_space<vmem>>) dst(%dma_wait3A_660 : memref<10240x64xf32, #tpu.memory_space<vmem_shared>>)
        %dma_start3A_661 = arith.constant 11 : i32
        %dma_start3A_662 = arith.constant 0 : i32
        %dma_start3A_663 = tpu.memref_slice %arg13[%dma_start3A_661, %dma_start3A_662] : memref<12x128xi32, #tpu.memory_space<vmem>> -> memref<1x128xi32, #tpu.memory_space<vmem>>
        %dma_start3A_664 = tpu.memref_squeeze %dma_start3A_663 : memref<1x128xi32, #tpu.memory_space<vmem>> -> memref<128xi32, #tpu.memory_space<vmem>>
        %dma_start3A_665 = arith.constant 0 : i32
        %dma_start3A_666 = arith.constant 0 : i32
        %dma_start3A_667 = tpu.memref_slice %arg9[%dma_start3A_665, %dma_start3A_666] : memref<20480x64xf32, #tpu.memory_space<hbm>> -> memref<20480x64xf32, #tpu.memory_space<hbm>>
        tpu.enqueue_indirect_dma source(%dma_start3A_667 : memref<20480x64xf32, #tpu.memory_space<hbm>>) target(%arg21 : memref<128x64xf32, #tpu.memory_space<vmem>>) offsets(%dma_start3A_664 : memref<128xi32, #tpu.memory_space<vmem>>) semaphore(%arg33 : memref<!tpu.dma_semaphore, #tpu.memory_space<semaphore_mem>>)
        %dma_wait3A_668 = arith.constant 6 : i32
        %dma_wait3A_669 = arith.constant 0 : i32
        %dma_wait3A_670 = tpu.memref_slice %arg13[%dma_wait3A_668, %dma_wait3A_669] : memref<12x128xi32, #tpu.memory_space<vmem>> -> memref<1x128xi32, #tpu.memory_space<vmem>>
        %dma_wait3A_671 = tpu.memref_squeeze %dma_wait3A_670 : memref<1x128xi32, #tpu.memory_space<vmem>> -> memref<128xi32, #tpu.memory_space<vmem>>
        %dma_wait3A_672 = arith.constant 0 : i32
        %dma_wait3A_673 = arith.constant 0 : i32
        %dma_wait3A_674 = tpu.memref_slice %arg9[%dma_wait3A_672, %dma_wait3A_673] : memref<20480x64xf32, #tpu.memory_space<hbm>> -> memref<20480x64xf32, #tpu.memory_space<hbm>>
        tpu.wait_indirect_dma semaphore(%arg28 : memref<!tpu.dma_semaphore, #tpu.memory_space<semaphore_mem>>) src(%dma_wait3A_674 : memref<20480x64xf32, #tpu.memory_space<hbm>>) dst(%arg16 : memref<128x64xf32, #tpu.memory_space<vmem>>)
        %dma_start3A_675 = arith.constant 6 : i32
        %dma_start3A_676 = arith.constant 0 : i32
        %dma_start3A_677 = tpu.memref_slice %arg15[%dma_start3A_675, %dma_start3A_676] : memref<12x128xi32, #tpu.memory_space<vmem>> -> memref<1x128xi32, #tpu.memory_space<vmem>>
        %dma_start3A_678 = tpu.memref_squeeze %dma_start3A_677 : memref<1x128xi32, #tpu.memory_space<vmem>> -> memref<128xi32, #tpu.memory_space<vmem>>
        %dma_start3A_679 = arith.constant 0 : i32
        %dma_start3A_680 = arith.constant 0 : i32
        %dma_start3A_681 = tpu.memref_slice %arg10[%dma_start3A_679, %dma_start3A_680] : memref<10240x64xf32, #tpu.memory_space<vmem_shared>> -> memref<10240x64xf32, #tpu.memory_space<vmem_shared>>
        tpu.enqueue_indirect_dma source(%arg16 : memref<128x64xf32, #tpu.memory_space<vmem>>) target(%dma_start3A_681 : memref<10240x64xf32, #tpu.memory_space<vmem_shared>>) offsets(%dma_start3A_678 : memref<128xi32, #tpu.memory_space<vmem>>) semaphore(%arg34 : memref<!tpu.dma_semaphore, #tpu.memory_space<semaphore_mem>>) {add = true}
        %dma_wait3A_682 = arith.constant 7 : i32
        %dma_wait3A_683 = arith.constant 0 : i32
        %dma_wait3A_684 = tpu.memref_slice %arg13[%dma_wait3A_682, %dma_wait3A_683] : memref<12x128xi32, #tpu.memory_space<vmem>> -> memref<1x128xi32, #tpu.memory_space<vmem>>
        %dma_wait3A_685 = tpu.memref_squeeze %dma_wait3A_684 : memref<1x128xi32, #tpu.memory_space<vmem>> -> memref<128xi32, #tpu.memory_space<vmem>>
        %dma_wait3A_686 = arith.constant 0 : i32
        %dma_wait3A_687 = arith.constant 0 : i32
        %dma_wait3A_688 = tpu.memref_slice %arg9[%dma_wait3A_686, %dma_wait3A_687] : memref<20480x64xf32, #tpu.memory_space<hbm>> -> memref<20480x64xf32, #tpu.memory_space<hbm>>
        tpu.wait_indirect_dma semaphore(%arg29 : memref<!tpu.dma_semaphore, #tpu.memory_space<semaphore_mem>>) src(%dma_wait3A_688 : memref<20480x64xf32, #tpu.memory_space<hbm>>) dst(%arg17 : memref<128x64xf32, #tpu.memory_space<vmem>>)
        %dma_start3A_689 = arith.constant 7 : i32
        %dma_start3A_690 = arith.constant 0 : i32
        %dma_start3A_691 = tpu.memref_slice %arg15[%dma_start3A_689, %dma_start3A_690] : memref<12x128xi32, #tpu.memory_space<vmem>> -> memref<1x128xi32, #tpu.memory_space<vmem>>
        %dma_start3A_692 = tpu.memref_squeeze %dma_start3A_691 : memref<1x128xi32, #tpu.memory_space<vmem>> -> memref<128xi32, #tpu.memory_space<vmem>>
        %dma_start3A_693 = arith.constant 0 : i32
        %dma_start3A_694 = arith.constant 0 : i32
        %dma_start3A_695 = tpu.memref_slice %arg10[%dma_start3A_693, %dma_start3A_694] : memref<10240x64xf32, #tpu.memory_space<vmem_shared>> -> memref<10240x64xf32, #tpu.memory_space<vmem_shared>>
        tpu.enqueue_indirect_dma source(%arg17 : memref<128x64xf32, #tpu.memory_space<vmem>>) target(%dma_start3A_695 : memref<10240x64xf32, #tpu.memory_space<vmem_shared>>) offsets(%dma_start3A_692 : memref<128xi32, #tpu.memory_space<vmem>>) semaphore(%arg35 : memref<!tpu.dma_semaphore, #tpu.memory_space<semaphore_mem>>) {add = true}
        %dma_wait3A_696 = arith.constant 8 : i32
        %dma_wait3A_697 = arith.constant 0 : i32
        %dma_wait3A_698 = tpu.memref_slice %arg13[%dma_wait3A_696, %dma_wait3A_697] : memref<12x128xi32, #tpu.memory_space<vmem>> -> memref<1x128xi32, #tpu.memory_space<vmem>>
        %dma_wait3A_699 = tpu.memref_squeeze %dma_wait3A_698 : memref<1x128xi32, #tpu.memory_space<vmem>> -> memref<128xi32, #tpu.memory_space<vmem>>
        %dma_wait3A_700 = arith.constant 0 : i32
        %dma_wait3A_701 = arith.constant 0 : i32
        %dma_wait3A_702 = tpu.memref_slice %arg9[%dma_wait3A_700, %dma_wait3A_701] : memref<20480x64xf32, #tpu.memory_space<hbm>> -> memref<20480x64xf32, #tpu.memory_space<hbm>>
        tpu.wait_indirect_dma semaphore(%arg30 : memref<!tpu.dma_semaphore, #tpu.memory_space<semaphore_mem>>) src(%dma_wait3A_702 : memref<20480x64xf32, #tpu.memory_space<hbm>>) dst(%arg18 : memref<128x64xf32, #tpu.memory_space<vmem>>)
        %dma_start3A_703 = arith.constant 8 : i32
        %dma_start3A_704 = arith.constant 0 : i32
        %dma_start3A_705 = tpu.memref_slice %arg15[%dma_start3A_703, %dma_start3A_704] : memref<12x128xi32, #tpu.memory_space<vmem>> -> memref<1x128xi32, #tpu.memory_space<vmem>>
        %dma_start3A_706 = tpu.memref_squeeze %dma_start3A_705 : memref<1x128xi32, #tpu.memory_space<vmem>> -> memref<128xi32, #tpu.memory_space<vmem>>
        %dma_start3A_707 = arith.constant 0 : i32
        %dma_start3A_708 = arith.constant 0 : i32
        %dma_start3A_709 = tpu.memref_slice %arg10[%dma_start3A_707, %dma_start3A_708] : memref<10240x64xf32, #tpu.memory_space<vmem_shared>> -> memref<10240x64xf32, #tpu.memory_space<vmem_shared>>
        tpu.enqueue_indirect_dma source(%arg18 : memref<128x64xf32, #tpu.memory_space<vmem>>) target(%dma_start3A_709 : memref<10240x64xf32, #tpu.memory_space<vmem_shared>>) offsets(%dma_start3A_706 : memref<128xi32, #tpu.memory_space<vmem>>) semaphore(%arg36 : memref<!tpu.dma_semaphore, #tpu.memory_space<semaphore_mem>>) {add = true}
        %dma_wait3A_710 = arith.constant 9 : i32
        %dma_wait3A_711 = arith.constant 0 : i32
        %dma_wait3A_712 = tpu.memref_slice %arg13[%dma_wait3A_710, %dma_wait3A_711] : memref<12x128xi32, #tpu.memory_space<vmem>> -> memref<1x128xi32, #tpu.memory_space<vmem>>
        %dma_wait3A_713 = tpu.memref_squeeze %dma_wait3A_712 : memref<1x128xi32, #tpu.memory_space<vmem>> -> memref<128xi32, #tpu.memory_space<vmem>>
        %dma_wait3A_714 = arith.constant 0 : i32
        %dma_wait3A_715 = arith.constant 0 : i32
        %dma_wait3A_716 = tpu.memref_slice %arg9[%dma_wait3A_714, %dma_wait3A_715] : memref<20480x64xf32, #tpu.memory_space<hbm>> -> memref<20480x64xf32, #tpu.memory_space<hbm>>
        tpu.wait_indirect_dma semaphore(%arg31 : memref<!tpu.dma_semaphore, #tpu.memory_space<semaphore_mem>>) src(%dma_wait3A_716 : memref<20480x64xf32, #tpu.memory_space<hbm>>) dst(%arg19 : memref<128x64xf32, #tpu.memory_space<vmem>>)
        %dma_start3A_717 = arith.constant 9 : i32
        %dma_start3A_718 = arith.constant 0 : i32
        %dma_start3A_719 = tpu.memref_slice %arg15[%dma_start3A_717, %dma_start3A_718] : memref<12x128xi32, #tpu.memory_space<vmem>> -> memref<1x128xi32, #tpu.memory_space<vmem>>
        %dma_start3A_720 = tpu.memref_squeeze %dma_start3A_719 : memref<1x128xi32, #tpu.memory_space<vmem>> -> memref<128xi32, #tpu.memory_space<vmem>>
        %dma_start3A_721 = arith.constant 0 : i32
        %dma_start3A_722 = arith.constant 0 : i32
        %dma_start3A_723 = tpu.memref_slice %arg10[%dma_start3A_721, %dma_start3A_722] : memref<10240x64xf32, #tpu.memory_space<vmem_shared>> -> memref<10240x64xf32, #tpu.memory_space<vmem_shared>>
        tpu.enqueue_indirect_dma source(%arg19 : memref<128x64xf32, #tpu.memory_space<vmem>>) target(%dma_start3A_723 : memref<10240x64xf32, #tpu.memory_space<vmem_shared>>) offsets(%dma_start3A_720 : memref<128xi32, #tpu.memory_space<vmem>>) semaphore(%arg37 : memref<!tpu.dma_semaphore, #tpu.memory_space<semaphore_mem>>) {add = true}
        %dma_wait3A_724 = arith.constant 10 : i32
        %dma_wait3A_725 = arith.constant 0 : i32
        %dma_wait3A_726 = tpu.memref_slice %arg13[%dma_wait3A_724, %dma_wait3A_725] : memref<12x128xi32, #tpu.memory_space<vmem>> -> memref<1x128xi32, #tpu.memory_space<vmem>>
        %dma_wait3A_727 = tpu.memref_squeeze %dma_wait3A_726 : memref<1x128xi32, #tpu.memory_space<vmem>> -> memref<128xi32, #tpu.memory_space<vmem>>
        %dma_wait3A_728 = arith.constant 0 : i32
        %dma_wait3A_729 = arith.constant 0 : i32
        %dma_wait3A_730 = tpu.memref_slice %arg9[%dma_wait3A_728, %dma_wait3A_729] : memref<20480x64xf32, #tpu.memory_space<hbm>> -> memref<20480x64xf32, #tpu.memory_space<hbm>>
        tpu.wait_indirect_dma semaphore(%arg32 : memref<!tpu.dma_semaphore, #tpu.memory_space<semaphore_mem>>) src(%dma_wait3A_730 : memref<20480x64xf32, #tpu.memory_space<hbm>>) dst(%arg20 : memref<128x64xf32, #tpu.memory_space<vmem>>)
        %dma_start3A_731 = arith.constant 10 : i32
        %dma_start3A_732 = arith.constant 0 : i32
        %dma_start3A_733 = tpu.memref_slice %arg15[%dma_start3A_731, %dma_start3A_732] : memref<12x128xi32, #tpu.memory_space<vmem>> -> memref<1x128xi32, #tpu.memory_space<vmem>>
        %dma_start3A_734 = tpu.memref_squeeze %dma_start3A_733 : memref<1x128xi32, #tpu.memory_space<vmem>> -> memref<128xi32, #tpu.memory_space<vmem>>
        %dma_start3A_735 = arith.constant 0 : i32
        %dma_start3A_736 = arith.constant 0 : i32
        %dma_start3A_737 = tpu.memref_slice %arg10[%dma_start3A_735, %dma_start3A_736] : memref<10240x64xf32, #tpu.memory_space<vmem_shared>> -> memref<10240x64xf32, #tpu.memory_space<vmem_shared>>
        tpu.enqueue_indirect_dma source(%arg20 : memref<128x64xf32, #tpu.memory_space<vmem>>) target(%dma_start3A_737 : memref<10240x64xf32, #tpu.memory_space<vmem_shared>>) offsets(%dma_start3A_734 : memref<128xi32, #tpu.memory_space<vmem>>) semaphore(%arg38 : memref<!tpu.dma_semaphore, #tpu.memory_space<semaphore_mem>>) {add = true}
        %dma_wait3A_738 = arith.constant 11 : i32
        %dma_wait3A_739 = arith.constant 0 : i32
        %dma_wait3A_740 = tpu.memref_slice %arg13[%dma_wait3A_738, %dma_wait3A_739] : memref<12x128xi32, #tpu.memory_space<vmem>> -> memref<1x128xi32, #tpu.memory_space<vmem>>
        %dma_wait3A_741 = tpu.memref_squeeze %dma_wait3A_740 : memref<1x128xi32, #tpu.memory_space<vmem>> -> memref<128xi32, #tpu.memory_space<vmem>>
        %dma_wait3A_742 = arith.constant 0 : i32
        %dma_wait3A_743 = arith.constant 0 : i32
        %dma_wait3A_744 = tpu.memref_slice %arg9[%dma_wait3A_742, %dma_wait3A_743] : memref<20480x64xf32, #tpu.memory_space<hbm>> -> memref<20480x64xf32, #tpu.memory_space<hbm>>
        tpu.wait_indirect_dma semaphore(%arg33 : memref<!tpu.dma_semaphore, #tpu.memory_space<semaphore_mem>>) src(%dma_wait3A_744 : memref<20480x64xf32, #tpu.memory_space<hbm>>) dst(%arg21 : memref<128x64xf32, #tpu.memory_space<vmem>>)
        %dma_start3A_745 = arith.constant 11 : i32
        %dma_start3A_746 = arith.constant 0 : i32
        %dma_start3A_747 = tpu.memref_slice %arg15[%dma_start3A_745, %dma_start3A_746] : memref<12x128xi32, #tpu.memory_space<vmem>> -> memref<1x128xi32, #tpu.memory_space<vmem>>
        %dma_start3A_748 = tpu.memref_squeeze %dma_start3A_747 : memref<1x128xi32, #tpu.memory_space<vmem>> -> memref<128xi32, #tpu.memory_space<vmem>>
        %dma_start3A_749 = arith.constant 0 : i32
        %dma_start3A_750 = arith.constant 0 : i32
        %dma_start3A_751 = tpu.memref_slice %arg10[%dma_start3A_749, %dma_start3A_750] : memref<10240x64xf32, #tpu.memory_space<vmem_shared>> -> memref<10240x64xf32, #tpu.memory_space<vmem_shared>>
        tpu.enqueue_indirect_dma source(%arg21 : memref<128x64xf32, #tpu.memory_space<vmem>>) target(%dma_start3A_751 : memref<10240x64xf32, #tpu.memory_space<vmem_shared>>) offsets(%dma_start3A_748 : memref<128xi32, #tpu.memory_space<vmem>>) semaphore(%arg39 : memref<!tpu.dma_semaphore, #tpu.memory_space<semaphore_mem>>) {add = true}
        %dma_wait3A_752 = arith.constant 6 : i32
        %dma_wait3A_753 = arith.constant 0 : i32
        %dma_wait3A_754 = tpu.memref_slice %arg15[%dma_wait3A_752, %dma_wait3A_753] : memref<12x128xi32, #tpu.memory_space<vmem>> -> memref<1x128xi32, #tpu.memory_space<vmem>>
        %dma_wait3A_755 = tpu.memref_squeeze %dma_wait3A_754 : memref<1x128xi32, #tpu.memory_space<vmem>> -> memref<128xi32, #tpu.memory_space<vmem>>
        %dma_wait3A_756 = arith.constant 0 : i32
        %dma_wait3A_757 = arith.constant 0 : i32
        %dma_wait3A_758 = tpu.memref_slice %arg10[%dma_wait3A_756, %dma_wait3A_757] : memref<10240x64xf32, #tpu.memory_space<vmem_shared>> -> memref<10240x64xf32, #tpu.memory_space<vmem_shared>>
        tpu.wait_indirect_dma semaphore(%arg34 : memref<!tpu.dma_semaphore, #tpu.memory_space<semaphore_mem>>) src(%arg16 : memref<128x64xf32, #tpu.memory_space<vmem>>) dst(%dma_wait3A_758 : memref<10240x64xf32, #tpu.memory_space<vmem_shared>>)
        %dma_wait3A_759 = arith.constant 7 : i32
        %dma_wait3A_760 = arith.constant 0 : i32
        %dma_wait3A_761 = tpu.memref_slice %arg15[%dma_wait3A_759, %dma_wait3A_760] : memref<12x128xi32, #tpu.memory_space<vmem>> -> memref<1x128xi32, #tpu.memory_space<vmem>>
        %dma_wait3A_762 = tpu.memref_squeeze %dma_wait3A_761 : memref<1x128xi32, #tpu.memory_space<vmem>> -> memref<128xi32, #tpu.memory_space<vmem>>
        %dma_wait3A_763 = arith.constant 0 : i32
        %dma_wait3A_764 = arith.constant 0 : i32
        %dma_wait3A_765 = tpu.memref_slice %arg10[%dma_wait3A_763, %dma_wait3A_764] : memref<10240x64xf32, #tpu.memory_space<vmem_shared>> -> memref<10240x64xf32, #tpu.memory_space<vmem_shared>>
        tpu.wait_indirect_dma semaphore(%arg35 : memref<!tpu.dma_semaphore, #tpu.memory_space<semaphore_mem>>) src(%arg17 : memref<128x64xf32, #tpu.memory_space<vmem>>) dst(%dma_wait3A_765 : memref<10240x64xf32, #tpu.memory_space<vmem_shared>>)
        %dma_wait3A_766 = arith.constant 8 : i32
        %dma_wait3A_767 = arith.constant 0 : i32
        %dma_wait3A_768 = tpu.memref_slice %arg15[%dma_wait3A_766, %dma_wait3A_767] : memref<12x128xi32, #tpu.memory_space<vmem>> -> memref<1x128xi32, #tpu.memory_space<vmem>>
        %dma_wait3A_769 = tpu.memref_squeeze %dma_wait3A_768 : memref<1x128xi32, #tpu.memory_space<vmem>> -> memref<128xi32, #tpu.memory_space<vmem>>
        %dma_wait3A_770 = arith.constant 0 : i32
        %dma_wait3A_771 = arith.constant 0 : i32
        %dma_wait3A_772 = tpu.memref_slice %arg10[%dma_wait3A_770, %dma_wait3A_771] : memref<10240x64xf32, #tpu.memory_space<vmem_shared>> -> memref<10240x64xf32, #tpu.memory_space<vmem_shared>>
        tpu.wait_indirect_dma semaphore(%arg36 : memref<!tpu.dma_semaphore, #tpu.memory_space<semaphore_mem>>) src(%arg18 : memref<128x64xf32, #tpu.memory_space<vmem>>) dst(%dma_wait3A_772 : memref<10240x64xf32, #tpu.memory_space<vmem_shared>>)
        %dma_wait3A_773 = arith.constant 9 : i32
        %dma_wait3A_774 = arith.constant 0 : i32
        %dma_wait3A_775 = tpu.memref_slice %arg15[%dma_wait3A_773, %dma_wait3A_774] : memref<12x128xi32, #tpu.memory_space<vmem>> -> memref<1x128xi32, #tpu.memory_space<vmem>>
        %dma_wait3A_776 = tpu.memref_squeeze %dma_wait3A_775 : memref<1x128xi32, #tpu.memory_space<vmem>> -> memref<128xi32, #tpu.memory_space<vmem>>
        %dma_wait3A_777 = arith.constant 0 : i32
        %dma_wait3A_778 = arith.constant 0 : i32
        %dma_wait3A_779 = tpu.memref_slice %arg10[%dma_wait3A_777, %dma_wait3A_778] : memref<10240x64xf32, #tpu.memory_space<vmem_shared>> -> memref<10240x64xf32, #tpu.memory_space<vmem_shared>>
        tpu.wait_indirect_dma semaphore(%arg37 : memref<!tpu.dma_semaphore, #tpu.memory_space<semaphore_mem>>) src(%arg19 : memref<128x64xf32, #tpu.memory_space<vmem>>) dst(%dma_wait3A_779 : memref<10240x64xf32, #tpu.memory_space<vmem_shared>>)
        %dma_wait3A_780 = arith.constant 10 : i32
        %dma_wait3A_781 = arith.constant 0 : i32
        %dma_wait3A_782 = tpu.memref_slice %arg15[%dma_wait3A_780, %dma_wait3A_781] : memref<12x128xi32, #tpu.memory_space<vmem>> -> memref<1x128xi32, #tpu.memory_space<vmem>>
        %dma_wait3A_783 = tpu.memref_squeeze %dma_wait3A_782 : memref<1x128xi32, #tpu.memory_space<vmem>> -> memref<128xi32, #tpu.memory_space<vmem>>
        %dma_wait3A_784 = arith.constant 0 : i32
        %dma_wait3A_785 = arith.constant 0 : i32
        %dma_wait3A_786 = tpu.memref_slice %arg10[%dma_wait3A_784, %dma_wait3A_785] : memref<10240x64xf32, #tpu.memory_space<vmem_shared>> -> memref<10240x64xf32, #tpu.memory_space<vmem_shared>>
        tpu.wait_indirect_dma semaphore(%arg38 : memref<!tpu.dma_semaphore, #tpu.memory_space<semaphore_mem>>) src(%arg20 : memref<128x64xf32, #tpu.memory_space<vmem>>) dst(%dma_wait3A_786 : memref<10240x64xf32, #tpu.memory_space<vmem_shared>>)
        %dma_wait3A_787 = arith.constant 11 : i32
        %dma_wait3A_788 = arith.constant 0 : i32
        %dma_wait3A_789 = tpu.memref_slice %arg15[%dma_wait3A_787, %dma_wait3A_788] : memref<12x128xi32, #tpu.memory_space<vmem>> -> memref<1x128xi32, #tpu.memory_space<vmem>>
        %dma_wait3A_790 = tpu.memref_squeeze %dma_wait3A_789 : memref<1x128xi32, #tpu.memory_space<vmem>> -> memref<128xi32, #tpu.memory_space<vmem>>
        %dma_wait3A_791 = arith.constant 0 : i32
        %dma_wait3A_792 = arith.constant 0 : i32
        %dma_wait3A_793 = tpu.memref_slice %arg10[%dma_wait3A_791, %dma_wait3A_792] : memref<10240x64xf32, #tpu.memory_space<vmem_shared>> -> memref<10240x64xf32, #tpu.memory_space<vmem_shared>>
        tpu.wait_indirect_dma semaphore(%arg39 : memref<!tpu.dma_semaphore, #tpu.memory_space<semaphore_mem>>) src(%arg21 : memref<128x64xf32, #tpu.memory_space<vmem>>) dst(%dma_wait3A_793 : memref<10240x64xf32, #tpu.memory_space<vmem_shared>>)
      }
      %scan3A_73 = arith.constant 7 : i32
      %barrier3A_74 = arith.constant 0 : index
      tpu.barrier barrier_id(%barrier3A_74)
      %scan3A_75 = arith.constant 0 : i32
      %scan3A_76 = arith.constant 10 : i32
      %scan3A_77 = arith.addi %scan3A_75, %scan3A_76 : i32
      %scan3A_78 = arith.constant 1 : i32
      scf.for %scan3A_81 = %scan3A_75 to %scan3A_77 step %scan3A_78  : i32 {
        %mul3A_82 = arith.constant 1 : i32
        %mul3A_83 = arith.muli %scan3A_81, %mul3A_82 : i32
        %add3A_84 = arith.constant 0 : i32
        %add3A_85 = arith.addi %add3A_84, %mul3A_83 : i32
        %mul3A_86 = arith.constant 64 : i32
        %mul3A_87 = arith.muli %add3A_85, %mul3A_86 : i32
        %add3A_88 = arith.addi %mul3A_2, %mul3A_87 : i32
        "tpu.region"() ({
          %run_scoped3A = tpu.sem_alloc : memref<!tpu.dma_semaphore, #tpu.memory_space<semaphore_mem>>
          %dma_start3A_100 = arith.constant 0 : i32
          %dma_start3A_101 = tpu.memref_slice %arg10[%add3A_88, %dma_start3A_100] : memref<10240x64xf32, #tpu.memory_space<vmem_shared>> -> memref<64x64xf32, #tpu.memory_space<vmem_shared>>
          %dma_start3A_102 = arith.constant 0 : i32
          %dma_start3A_103 = tpu.memref_slice %arg10[%add3A_88, %dma_start3A_102] : memref<10240x64xf32, #tpu.memory_space<vmem_shared>> -> memref<64x64xf32, #tpu.memory_space<vmem_shared>>
          tpu.enqueue_dma source(%dma_start3A_103 : memref<64x64xf32, #tpu.memory_space<vmem_shared>>) target(%arg25 : memref<64x64xf32, #tpu.memory_space<vmem>>) target_semaphore(%run_scoped3A : memref<!tpu.dma_semaphore, #tpu.memory_space<semaphore_mem>>)
          %dma_wait3A = arith.constant 0 : i32
          %dma_wait3A_104 = tpu.memref_slice %arg10[%add3A_88, %dma_wait3A] : memref<10240x64xf32, #tpu.memory_space<vmem_shared>> -> memref<64x64xf32, #tpu.memory_space<vmem_shared>>
          %dma_wait3A_105 = arith.constant 0 : i32
          %dma_wait3A_106 = tpu.memref_slice %arg10[%add3A_88, %dma_wait3A_105] : memref<10240x64xf32, #tpu.memory_space<vmem_shared>> -> memref<64x64xf32, #tpu.memory_space<vmem_shared>>
          tpu.wait_dma2 semaphore(%run_scoped3A : memref<!tpu.dma_semaphore, #tpu.memory_space<semaphore_mem>>) src(%dma_wait3A_106 : memref<64x64xf32, #tpu.memory_space<vmem_shared>>) dst(%arg25 : memref<64x64xf32, #tpu.memory_space<vmem>>)
          tpu.yield
        }) : () -> ()
        %mul3A_89 = arith.constant 64 : i32
        %mul3A_90 = arith.muli %add3A_85, %mul3A_89 : i32
        %add3A_91 = arith.addi %add3A, %mul3A_90 : i32
        "tpu.region"() ({
          %run_scoped3A = tpu.sem_alloc : memref<!tpu.dma_semaphore, #tpu.memory_space<semaphore_mem>>
          %dma_start3A_100 = arith.constant 0 : i32
          %dma_start3A_101 = tpu.memref_slice %arg2[%add3A_91, %dma_start3A_100] : memref<20480x64xf32, #tpu.memory_space<hbm>> -> memref<64x64xf32, #tpu.memory_space<hbm>>
          %dma_start3A_102 = arith.constant 0 : i32
          %dma_start3A_103 = tpu.memref_slice %arg2[%add3A_91, %dma_start3A_102] : memref<20480x64xf32, #tpu.memory_space<hbm>> -> memref<64x64xf32, #tpu.memory_space<hbm>>
          tpu.enqueue_dma source(%dma_start3A_103 : memref<64x64xf32, #tpu.memory_space<hbm>>) target(%arg26 : memref<64x64xf32, #tpu.memory_space<vmem>>) target_semaphore(%run_scoped3A : memref<!tpu.dma_semaphore, #tpu.memory_space<semaphore_mem>>)
          %dma_wait3A = arith.constant 0 : i32
          %dma_wait3A_104 = tpu.memref_slice %arg2[%add3A_91, %dma_wait3A] : memref<20480x64xf32, #tpu.memory_space<hbm>> -> memref<64x64xf32, #tpu.memory_space<hbm>>
          %dma_wait3A_105 = arith.constant 0 : i32
          %dma_wait3A_106 = tpu.memref_slice %arg2[%add3A_91, %dma_wait3A_105] : memref<20480x64xf32, #tpu.memory_space<hbm>> -> memref<64x64xf32, #tpu.memory_space<hbm>>
          tpu.wait_dma2 semaphore(%run_scoped3A : memref<!tpu.dma_semaphore, #tpu.memory_space<semaphore_mem>>) src(%dma_wait3A_106 : memref<64x64xf32, #tpu.memory_space<hbm>>) dst(%arg26 : memref<64x64xf32, #tpu.memory_space<vmem>>)
          tpu.yield
        }) : () -> ()
        "tpu.region"() ({
          %run_scoped3A = tpu.sem_alloc : memref<!tpu.dma_semaphore, #tpu.memory_space<semaphore_mem>>
          %dma_start3A_100 = arith.constant 0 : i32
          %dma_start3A_101 = tpu.memref_slice %arg11[%add3A_88, %dma_start3A_100] : memref<10240x16xf32, #tpu.memory_space<vmem_shared>> -> memref<64x16xf32, #tpu.memory_space<vmem_shared>>
          %dma_start3A_102 = arith.constant 0 : i32
          %dma_start3A_103 = tpu.memref_slice %arg11[%add3A_88, %dma_start3A_102] : memref<10240x16xf32, #tpu.memory_space<vmem_shared>> -> memref<64x16xf32, #tpu.memory_space<vmem_shared>>
          tpu.enqueue_dma source(%dma_start3A_103 : memref<64x16xf32, #tpu.memory_space<vmem_shared>>) target(%arg27 : memref<64x16xf32, #tpu.memory_space<vmem>>) target_semaphore(%run_scoped3A : memref<!tpu.dma_semaphore, #tpu.memory_space<semaphore_mem>>)
          %dma_wait3A = arith.constant 0 : i32
          %dma_wait3A_104 = tpu.memref_slice %arg11[%add3A_88, %dma_wait3A] : memref<10240x16xf32, #tpu.memory_space<vmem_shared>> -> memref<64x16xf32, #tpu.memory_space<vmem_shared>>
          %dma_wait3A_105 = arith.constant 0 : i32
          %dma_wait3A_106 = tpu.memref_slice %arg11[%add3A_88, %dma_wait3A_105] : memref<10240x16xf32, #tpu.memory_space<vmem_shared>> -> memref<64x16xf32, #tpu.memory_space<vmem_shared>>
          tpu.wait_dma2 semaphore(%run_scoped3A : memref<!tpu.dma_semaphore, #tpu.memory_space<semaphore_mem>>) src(%dma_wait3A_106 : memref<64x16xf32, #tpu.memory_space<vmem_shared>>) dst(%arg27 : memref<64x16xf32, #tpu.memory_space<vmem>>)
          tpu.yield
        }) : () -> ()
        %scan3A_92 = arith.constant 0 : i32
        %scan3A_93 = arith.constant 64 : i32
        %scan3A_94 = arith.addi %scan3A_92, %scan3A_93 : i32
        %scan3A_95 = arith.constant 1 : i32
        scf.for %scan3A_100 = %scan3A_92 to %scan3A_94 step %scan3A_95  : i32 {
          %mul3A_101 = arith.constant 1 : i32
          %mul3A_102 = arith.muli %scan3A_100, %mul3A_101 : i32
          %add3A_103 = arith.constant 0 : i32
          %add3A_104 = arith.addi %add3A_103, %mul3A_102 : i32
          %get3A = arith.index_cast %add3A_104 : i32 to index
          %get3A_105 = arith.constant 0 : index
          %get3A_106 = tpu.vector_load %arg27[%get3A, %get3A_105] {strides = array<i32>} : memref<64x16xf32, #tpu.memory_space<vmem>>, vector<1x16xf32>,
          %get3A_107 = vector.shape_cast %get3A_106 : vector<1x16xf32> to vector<16xf32>
          %mul3A_108 = arith.constant 0.899999976 : f32
          %mul3A_109 = vector.broadcast %mul3A_108 : f32 to vector<16xf32>
          %mul3A_110 = arith.mulf %mul3A_109, %get3A_107 : vector<16xf32>
          %get3A_111 = arith.index_cast %add3A_104 : i32 to index
          %get3A_112 = arith.constant 0 : index
          %get3A_113 = tpu.vector_load %arg25[%get3A_111, %get3A_112] {strides = array<i32>} : memref<64x64xf32, #tpu.memory_space<vmem>>, vector<1x16xf32>,
          %get3A_114 = vector.shape_cast %get3A_113 : vector<1x16xf32> to vector<16xf32>
          %mul3A_115 = arith.mulf %get3A_114, %mul3A_110 : vector<16xf32>
          %get3A_116 = arith.index_cast %add3A_104 : i32 to index
          %get3A_117 = arith.constant 0 : index
          %get3A_118 = tpu.vector_load %arg26[%get3A_116, %get3A_117] {strides = array<i32>} : memref<64x64xf32, #tpu.memory_space<vmem>>, vector<1x16xf32>,
          %get3A_119 = vector.shape_cast %get3A_118 : vector<1x16xf32> to vector<16xf32>
          %mul3A_120 = arith.constant 1.000000e-01 : f32
          %mul3A_121 = vector.broadcast %mul3A_120 : f32 to vector<16xf32>
          %mul3A_122 = arith.mulf %mul3A_121, %get3A_119 : vector<16xf32>
          %add3A_123 = arith.addf %mul3A_115, %mul3A_122 : vector<16xf32>
          %mul3A_124 = arith.mulf %add3A_123, %get3A_107 : vector<16xf32>
          %swap3A = arith.index_cast %add3A_104 : i32 to index
          %swap3A_125 = arith.constant 0 : index
          %swap3A_126 = tpu.vector_load %arg25[%swap3A, %swap3A_125] {strides = array<i32>} : memref<64x64xf32, #tpu.memory_space<vmem>>, vector<1x16xf32>,
          %swap3A_127 = vector.shape_cast %swap3A_126 : vector<1x16xf32> to vector<16xf32>
          %swap3A_128 = vector.shape_cast %mul3A_124 : vector<16xf32> to vector<1x16xf32>
          tpu.vector_store %arg25[%swap3A, %swap3A_125], %swap3A_128 {strides = array<i32>} : memref<64x64xf32, #tpu.memory_space<vmem>>, vector<1x16xf32>,
          %get3A_129 = arith.index_cast %add3A_104 : i32 to index
          %get3A_130 = arith.constant 16 : index
          %get3A_131 = tpu.vector_load %arg25[%get3A_129, %get3A_130] {strides = array<i32>} : memref<64x64xf32, #tpu.memory_space<vmem>>, vector<1x16xf32>,
          %get3A_132 = vector.shape_cast %get3A_131 : vector<1x16xf32> to vector<16xf32>
          %mul3A_133 = arith.mulf %get3A_132, %mul3A_110 : vector<16xf32>
          %get3A_134 = arith.index_cast %add3A_104 : i32 to index
          %get3A_135 = arith.constant 16 : index
          %get3A_136 = tpu.vector_load %arg26[%get3A_134, %get3A_135] {strides = array<i32>} : memref<64x64xf32, #tpu.memory_space<vmem>>, vector<1x16xf32>,
          %get3A_137 = vector.shape_cast %get3A_136 : vector<1x16xf32> to vector<16xf32>
          %mul3A_138 = arith.constant 1.000000e-01 : f32
          %mul3A_139 = vector.broadcast %mul3A_138 : f32 to vector<16xf32>
          %mul3A_140 = arith.mulf %mul3A_139, %get3A_137 : vector<16xf32>
          %add3A_141 = arith.addf %mul3A_133, %mul3A_140 : vector<16xf32>
          %mul3A_142 = arith.mulf %add3A_141, %get3A_107 : vector<16xf32>
          %swap3A_143 = arith.index_cast %add3A_104 : i32 to index
          %swap3A_144 = arith.constant 16 : index
          %swap3A_145 = tpu.vector_load %arg25[%swap3A_143, %swap3A_144] {strides = array<i32>} : memref<64x64xf32, #tpu.memory_space<vmem>>, vector<1x16xf32>,
          %swap3A_146 = vector.shape_cast %swap3A_145 : vector<1x16xf32> to vector<16xf32>
          %swap3A_147 = vector.shape_cast %mul3A_142 : vector<16xf32> to vector<1x16xf32>
          tpu.vector_store %arg25[%swap3A_143, %swap3A_144], %swap3A_147 {strides = array<i32>} : memref<64x64xf32, #tpu.memory_space<vmem>>, vector<1x16xf32>,
          %get3A_148 = arith.index_cast %add3A_104 : i32 to index
          %get3A_149 = arith.constant 32 : index
          %get3A_150 = tpu.vector_load %arg25[%get3A_148, %get3A_149] {strides = array<i32>} : memref<64x64xf32, #tpu.memory_space<vmem>>, vector<1x16xf32>,
          %get3A_151 = vector.shape_cast %get3A_150 : vector<1x16xf32> to vector<16xf32>
          %mul3A_152 = arith.mulf %get3A_151, %mul3A_110 : vector<16xf32>
          %get3A_153 = arith.index_cast %add3A_104 : i32 to index
          %get3A_154 = arith.constant 32 : index
          %get3A_155 = tpu.vector_load %arg26[%get3A_153, %get3A_154] {strides = array<i32>} : memref<64x64xf32, #tpu.memory_space<vmem>>, vector<1x16xf32>,
          %get3A_156 = vector.shape_cast %get3A_155 : vector<1x16xf32> to vector<16xf32>
          %mul3A_157 = arith.constant 1.000000e-01 : f32
          %mul3A_158 = vector.broadcast %mul3A_157 : f32 to vector<16xf32>
          %mul3A_159 = arith.mulf %mul3A_158, %get3A_156 : vector<16xf32>
          %add3A_160 = arith.addf %mul3A_152, %mul3A_159 : vector<16xf32>
          %mul3A_161 = arith.mulf %add3A_160, %get3A_107 : vector<16xf32>
          %swap3A_162 = arith.index_cast %add3A_104 : i32 to index
          %swap3A_163 = arith.constant 32 : index
          %swap3A_164 = tpu.vector_load %arg25[%swap3A_162, %swap3A_163] {strides = array<i32>} : memref<64x64xf32, #tpu.memory_space<vmem>>, vector<1x16xf32>,
          %swap3A_165 = vector.shape_cast %swap3A_164 : vector<1x16xf32> to vector<16xf32>
          %swap3A_166 = vector.shape_cast %mul3A_161 : vector<16xf32> to vector<1x16xf32>
          tpu.vector_store %arg25[%swap3A_162, %swap3A_163], %swap3A_166 {strides = array<i32>} : memref<64x64xf32, #tpu.memory_space<vmem>>, vector<1x16xf32>,
          %get3A_167 = arith.index_cast %add3A_104 : i32 to index
          %get3A_168 = arith.constant 48 : index
          %get3A_169 = tpu.vector_load %arg25[%get3A_167, %get3A_168] {strides = array<i32>} : memref<64x64xf32, #tpu.memory_space<vmem>>, vector<1x16xf32>,
          %get3A_170 = vector.shape_cast %get3A_169 : vector<1x16xf32> to vector<16xf32>
          %mul3A_171 = arith.mulf %get3A_170, %mul3A_110 : vector<16xf32>
          %get3A_172 = arith.index_cast %add3A_104 : i32 to index
          %get3A_173 = arith.constant 48 : index
          %get3A_174 = tpu.vector_load %arg26[%get3A_172, %get3A_173] {strides = array<i32>} : memref<64x64xf32, #tpu.memory_space<vmem>>, vector<1x16xf32>,
          %get3A_175 = vector.shape_cast %get3A_174 : vector<1x16xf32> to vector<16xf32>
          %mul3A_176 = arith.constant 1.000000e-01 : f32
          %mul3A_177 = vector.broadcast %mul3A_176 : f32 to vector<16xf32>
          %mul3A_178 = arith.mulf %mul3A_177, %get3A_175 : vector<16xf32>
          %add3A_179 = arith.addf %mul3A_171, %mul3A_178 : vector<16xf32>
          %mul3A_180 = arith.mulf %add3A_179, %get3A_107 : vector<16xf32>
          %swap3A_181 = arith.index_cast %add3A_104 : i32 to index
          %swap3A_182 = arith.constant 48 : index
          %swap3A_183 = tpu.vector_load %arg25[%swap3A_181, %swap3A_182] {strides = array<i32>} : memref<64x64xf32, #tpu.memory_space<vmem>>, vector<1x16xf32>,
          %swap3A_184 = vector.shape_cast %swap3A_183 : vector<1x16xf32> to vector<16xf32>
          %swap3A_185 = vector.shape_cast %mul3A_180 : vector<16xf32> to vector<1x16xf32>
          tpu.vector_store %arg25[%swap3A_181, %swap3A_182], %swap3A_185 {strides = array<i32>} : memref<64x64xf32, #tpu.memory_space<vmem>>, vector<1x16xf32>,
        }
        %scan3A_96 = arith.constant 64 : i32
        %mul3A_97 = arith.constant 64 : i32
        %mul3A_98 = arith.muli %add3A_85, %mul3A_97 : i32
        %add3A_99 = arith.addi %add3A, %mul3A_98 : i32
        "tpu.region"() ({
          %run_scoped3A = tpu.sem_alloc : memref<!tpu.dma_semaphore, #tpu.memory_space<semaphore_mem>>
          %dma_start3A_100 = arith.constant 0 : i32
          %dma_start3A_101 = tpu.memref_slice %arg9[%add3A_99, %dma_start3A_100] : memref<20480x64xf32, #tpu.memory_space<hbm>> -> memref<64x64xf32, #tpu.memory_space<hbm>>
          %dma_start3A_102 = arith.constant 0 : i32
          %dma_start3A_103 = tpu.memref_slice %arg9[%add3A_99, %dma_start3A_102] : memref<20480x64xf32, #tpu.memory_space<hbm>> -> memref<64x64xf32, #tpu.memory_space<hbm>>
          tpu.enqueue_dma source(%arg25 : memref<64x64xf32, #tpu.memory_space<vmem>>) target(%dma_start3A_103 : memref<64x64xf32, #tpu.memory_space<hbm>>) target_semaphore(%run_scoped3A : memref<!tpu.dma_semaphore, #tpu.memory_space<semaphore_mem>>)
          %dma_wait3A = arith.constant 0 : i32
          %dma_wait3A_104 = tpu.memref_slice %arg9[%add3A_99, %dma_wait3A] : memref<20480x64xf32, #tpu.memory_space<hbm>> -> memref<64x64xf32, #tpu.memory_space<hbm>>
          %dma_wait3A_105 = arith.constant 0 : i32
          %dma_wait3A_106 = tpu.memref_slice %arg9[%add3A_99, %dma_wait3A_105] : memref<20480x64xf32, #tpu.memory_space<hbm>> -> memref<64x64xf32, #tpu.memory_space<hbm>>
          tpu.wait_dma2 semaphore(%run_scoped3A : memref<!tpu.dma_semaphore, #tpu.memory_space<semaphore_mem>>) src(%arg25 : memref<64x64xf32, #tpu.memory_space<vmem>>) dst(%dma_wait3A_106 : memref<64x64xf32, #tpu.memory_space<hbm>>)
          tpu.yield
        }) : () -> ()
        "tpu.region"() ({
          %run_scoped3A = tpu.sem_alloc : memref<!tpu.dma_semaphore, #tpu.memory_space<semaphore_mem>>
          %dma_start3A_100 = arith.constant 0 : i32
          %dma_start3A_101 = tpu.memref_slice %arg10[%add3A_88, %dma_start3A_100] : memref<10240x64xf32, #tpu.memory_space<vmem_shared>> -> memref<64x64xf32, #tpu.memory_space<vmem_shared>>
          %dma_start3A_102 = arith.constant 0 : i32
          %dma_start3A_103 = tpu.memref_slice %arg10[%add3A_88, %dma_start3A_102] : memref<10240x64xf32, #tpu.memory_space<vmem_shared>> -> memref<64x64xf32, #tpu.memory_space<vmem_shared>>
          tpu.enqueue_dma source(%arg23 : memref<64x64xf32, #tpu.memory_space<vmem>>) target(%dma_start3A_103 : memref<64x64xf32, #tpu.memory_space<vmem_shared>>) target_semaphore(%run_scoped3A : memref<!tpu.dma_semaphore, #tpu.memory_space<semaphore_mem>>)
          %dma_wait3A = arith.constant 0 : i32
          %dma_wait3A_104 = tpu.memref_slice %arg10[%add3A_88, %dma_wait3A] : memref<10240x64xf32, #tpu.memory_space<vmem_shared>> -> memref<64x64xf32, #tpu.memory_space<vmem_shared>>
          %dma_wait3A_105 = arith.constant 0 : i32
          %dma_wait3A_106 = tpu.memref_slice %arg10[%add3A_88, %dma_wait3A_105] : memref<10240x64xf32, #tpu.memory_space<vmem_shared>> -> memref<64x64xf32, #tpu.memory_space<vmem_shared>>
          tpu.wait_dma2 semaphore(%run_scoped3A : memref<!tpu.dma_semaphore, #tpu.memory_space<semaphore_mem>>) src(%arg23 : memref<64x64xf32, #tpu.memory_space<vmem>>) dst(%dma_wait3A_106 : memref<64x64xf32, #tpu.memory_space<vmem_shared>>)
          tpu.yield
        }) : () -> ()
      }
      %scan3A_79 = arith.constant 10 : i32
      %barrier3A_80 = arith.constant 0 : index
      tpu.barrier barrier_id(%barrier3A_80)
    }
    %scan3A_46 = arith.constant 10 : i32
    %scan3A_47 = arith.constant 0 : i32
    %scan3A_48 = arith.constant 10 : i32
    %scan3A_49 = arith.addi %scan3A_47, %scan3A_48 : i32
    %scan3A_50 = arith.constant 1 : i32
    scf.for %scan3A_52 = %scan3A_47 to %scan3A_49 step %scan3A_50  : i32 {
      %mul3A_53 = arith.constant 1 : i32
      %mul3A_54 = arith.muli %scan3A_52, %mul3A_53 : i32
      %add3A_55 = arith.constant 0 : i32
      %add3A_56 = arith.addi %add3A_55, %mul3A_54 : i32
      %mul3A_57 = arith.constant 64 : i32
      %mul3A_58 = arith.muli %add3A_56, %mul3A_57 : i32
      %add3A_59 = arith.addi %mul3A_2, %mul3A_58 : i32
      %mul3A_60 = arith.constant 64 : i32
      %mul3A_61 = arith.muli %add3A_56, %mul3A_60 : i32
      %add3A_62 = arith.addi %add3A, %mul3A_61 : i32
      "tpu.region"() ({
        %run_scoped3A = tpu.sem_alloc : memref<!tpu.dma_semaphore, #tpu.memory_space<semaphore_mem>>
        %dma_start3A_71 = arith.constant 0 : i32
        %dma_start3A_72 = tpu.memref_slice %arg9[%add3A_62, %dma_start3A_71] : memref<20480x64xf32, #tpu.memory_space<hbm>> -> memref<64x64xf32, #tpu.memory_space<hbm>>
        %dma_start3A_73 = arith.constant 0 : i32
        %dma_start3A_74 = tpu.memref_slice %arg9[%add3A_62, %dma_start3A_73] : memref<20480x64xf32, #tpu.memory_space<hbm>> -> memref<64x64xf32, #tpu.memory_space<hbm>>
        tpu.enqueue_dma source(%dma_start3A_74 : memref<64x64xf32, #tpu.memory_space<hbm>>) target(%arg26 : memref<64x64xf32, #tpu.memory_space<vmem>>) target_semaphore(%run_scoped3A : memref<!tpu.dma_semaphore, #tpu.memory_space<semaphore_mem>>)
        %dma_wait3A = arith.constant 0 : i32
        %dma_wait3A_75 = tpu.memref_slice %arg9[%add3A_62, %dma_wait3A] : memref<20480x64xf32, #tpu.memory_space<hbm>> -> memref<64x64xf32, #tpu.memory_space<hbm>>
        %dma_wait3A_76 = arith.constant 0 : i32
        %dma_wait3A_77 = tpu.memref_slice %arg9[%add3A_62, %dma_wait3A_76] : memref<20480x64xf32, #tpu.memory_space<hbm>> -> memref<64x64xf32, #tpu.memory_space<hbm>>
        tpu.wait_dma2 semaphore(%run_scoped3A : memref<!tpu.dma_semaphore, #tpu.memory_space<semaphore_mem>>) src(%dma_wait3A_77 : memref<64x64xf32, #tpu.memory_space<hbm>>) dst(%arg26 : memref<64x64xf32, #tpu.memory_space<vmem>>)
        tpu.yield
      }) : () -> ()
      "tpu.region"() ({
        %run_scoped3A = tpu.sem_alloc : memref<!tpu.dma_semaphore, #tpu.memory_space<semaphore_mem>>
        %dma_start3A_71 = arith.constant 0 : i32
        %dma_start3A_72 = tpu.memref_slice %arg11[%add3A_59, %dma_start3A_71] : memref<10240x16xf32, #tpu.memory_space<vmem_shared>> -> memref<64x16xf32, #tpu.memory_space<vmem_shared>>
        %dma_start3A_73 = arith.constant 0 : i32
        %dma_start3A_74 = tpu.memref_slice %arg11[%add3A_59, %dma_start3A_73] : memref<10240x16xf32, #tpu.memory_space<vmem_shared>> -> memref<64x16xf32, #tpu.memory_space<vmem_shared>>
        tpu.enqueue_dma source(%dma_start3A_74 : memref<64x16xf32, #tpu.memory_space<vmem_shared>>) target(%arg27 : memref<64x16xf32, #tpu.memory_space<vmem>>) target_semaphore(%run_scoped3A : memref<!tpu.dma_semaphore, #tpu.memory_space<semaphore_mem>>)
        %dma_wait3A = arith.constant 0 : i32
        %dma_wait3A_75 = tpu.memref_slice %arg11[%add3A_59, %dma_wait3A] : memref<10240x16xf32, #tpu.memory_space<vmem_shared>> -> memref<64x16xf32, #tpu.memory_space<vmem_shared>>
        %dma_wait3A_76 = arith.constant 0 : i32
        %dma_wait3A_77 = tpu.memref_slice %arg11[%add3A_59, %dma_wait3A_76] : memref<10240x16xf32, #tpu.memory_space<vmem_shared>> -> memref<64x16xf32, #tpu.memory_space<vmem_shared>>
        tpu.wait_dma2 semaphore(%run_scoped3A : memref<!tpu.dma_semaphore, #tpu.memory_space<semaphore_mem>>) src(%dma_wait3A_77 : memref<64x16xf32, #tpu.memory_space<vmem_shared>>) dst(%arg27 : memref<64x16xf32, #tpu.memory_space<vmem>>)
        tpu.yield
      }) : () -> ()
      %scan3A_63 = arith.constant 0 : i32
      %scan3A_64 = arith.constant 64 : i32
      %scan3A_65 = arith.addi %scan3A_63, %scan3A_64 : i32
      %scan3A_66 = arith.constant 1 : i32
      scf.for %scan3A_71 = %scan3A_63 to %scan3A_65 step %scan3A_66  : i32 {
        %mul3A_72 = arith.constant 1 : i32
        %mul3A_73 = arith.muli %scan3A_71, %mul3A_72 : i32
        %add3A_74 = arith.constant 0 : i32
        %add3A_75 = arith.addi %add3A_74, %mul3A_73 : i32
        %get3A = arith.index_cast %add3A_75 : i32 to index
        %get3A_76 = arith.constant 0 : index
        %get3A_77 = tpu.vector_load %arg27[%get3A, %get3A_76] {strides = array<i32>} : memref<64x16xf32, #tpu.memory_space<vmem>>, vector<1x16xf32>,
        %get3A_78 = vector.shape_cast %get3A_77 : vector<1x16xf32> to vector<16xf32>
        %div3A = arith.constant 1.000000e+00 : f32
        %div3A_79 = vector.broadcast %div3A : f32 to vector<16xf32>
        %div3A_80 = arith.divf %div3A_79, %get3A_78 : vector<16xf32>
        %get3A_81 = arith.index_cast %add3A_75 : i32 to index
        %get3A_82 = arith.constant 0 : index
        %get3A_83 = tpu.vector_load %arg26[%get3A_81, %get3A_82] {strides = array<i32>} : memref<64x64xf32, #tpu.memory_space<vmem>>, vector<1x16xf32>,
        %get3A_84 = vector.shape_cast %get3A_83 : vector<1x16xf32> to vector<16xf32>
        %mul3A_85 = arith.mulf %get3A_84, %div3A_80 : vector<16xf32>
        %swap3A = arith.index_cast %add3A_75 : i32 to index
        %swap3A_86 = arith.constant 0 : index
        %swap3A_87 = tpu.vector_load %arg26[%swap3A, %swap3A_86] {strides = array<i32>} : memref<64x64xf32, #tpu.memory_space<vmem>>, vector<1x16xf32>,
        %swap3A_88 = vector.shape_cast %swap3A_87 : vector<1x16xf32> to vector<16xf32>
        %swap3A_89 = vector.shape_cast %mul3A_85 : vector<16xf32> to vector<1x16xf32>
        tpu.vector_store %arg26[%swap3A, %swap3A_86], %swap3A_89 {strides = array<i32>} : memref<64x64xf32, #tpu.memory_space<vmem>>, vector<1x16xf32>,
        %get3A_90 = arith.index_cast %add3A_75 : i32 to index
        %get3A_91 = arith.constant 16 : index
        %get3A_92 = tpu.vector_load %arg26[%get3A_90, %get3A_91] {strides = array<i32>} : memref<64x64xf32, #tpu.memory_space<vmem>>, vector<1x16xf32>,
        %get3A_93 = vector.shape_cast %get3A_92 : vector<1x16xf32> to vector<16xf32>
        %mul3A_94 = arith.mulf %get3A_93, %div3A_80 : vector<16xf32>
        %swap3A_95 = arith.index_cast %add3A_75 : i32 to index
        %swap3A_96 = arith.constant 16 : index
        %swap3A_97 = tpu.vector_load %arg26[%swap3A_95, %swap3A_96] {strides = array<i32>} : memref<64x64xf32, #tpu.memory_space<vmem>>, vector<1x16xf32>,
        %swap3A_98 = vector.shape_cast %swap3A_97 : vector<1x16xf32> to vector<16xf32>
        %swap3A_99 = vector.shape_cast %mul3A_94 : vector<16xf32> to vector<1x16xf32>
        tpu.vector_store %arg26[%swap3A_95, %swap3A_96], %swap3A_99 {strides = array<i32>} : memref<64x64xf32, #tpu.memory_space<vmem>>, vector<1x16xf32>,
        %get3A_100 = arith.index_cast %add3A_75 : i32 to index
        %get3A_101 = arith.constant 32 : index
        %get3A_102 = tpu.vector_load %arg26[%get3A_100, %get3A_101] {strides = array<i32>} : memref<64x64xf32, #tpu.memory_space<vmem>>, vector<1x16xf32>,
        %get3A_103 = vector.shape_cast %get3A_102 : vector<1x16xf32> to vector<16xf32>
        %mul3A_104 = arith.mulf %get3A_103, %div3A_80 : vector<16xf32>
        %swap3A_105 = arith.index_cast %add3A_75 : i32 to index
        %swap3A_106 = arith.constant 32 : index
        %swap3A_107 = tpu.vector_load %arg26[%swap3A_105, %swap3A_106] {strides = array<i32>} : memref<64x64xf32, #tpu.memory_space<vmem>>, vector<1x16xf32>,
        %swap3A_108 = vector.shape_cast %swap3A_107 : vector<1x16xf32> to vector<16xf32>
        %swap3A_109 = vector.shape_cast %mul3A_104 : vector<16xf32> to vector<1x16xf32>
        tpu.vector_store %arg26[%swap3A_105, %swap3A_106], %swap3A_109 {strides = array<i32>} : memref<64x64xf32, #tpu.memory_space<vmem>>, vector<1x16xf32>,
        %get3A_110 = arith.index_cast %add3A_75 : i32 to index
        %get3A_111 = arith.constant 48 : index
        %get3A_112 = tpu.vector_load %arg26[%get3A_110, %get3A_111] {strides = array<i32>} : memref<64x64xf32, #tpu.memory_space<vmem>>, vector<1x16xf32>,
        %get3A_113 = vector.shape_cast %get3A_112 : vector<1x16xf32> to vector<16xf32>
        %mul3A_114 = arith.mulf %get3A_113, %div3A_80 : vector<16xf32>
        %swap3A_115 = arith.index_cast %add3A_75 : i32 to index
        %swap3A_116 = arith.constant 48 : index
        %swap3A_117 = tpu.vector_load %arg26[%swap3A_115, %swap3A_116] {strides = array<i32>} : memref<64x64xf32, #tpu.memory_space<vmem>>, vector<1x16xf32>,
        %swap3A_118 = vector.shape_cast %swap3A_117 : vector<1x16xf32> to vector<16xf32>
        %swap3A_119 = vector.shape_cast %mul3A_114 : vector<16xf32> to vector<1x16xf32>
        tpu.vector_store %arg26[%swap3A_115, %swap3A_116], %swap3A_119 {strides = array<i32>} : memref<64x64xf32, #tpu.memory_space<vmem>>, vector<1x16xf32>,
      }
      %scan3A_67 = arith.constant 64 : i32
      %mul3A_68 = arith.constant 64 : i32
      %mul3A_69 = arith.muli %add3A_56, %mul3A_68 : i32
      %add3A_70 = arith.addi %add3A, %mul3A_69 : i32
      "tpu.region"() ({
        %run_scoped3A = tpu.sem_alloc : memref<!tpu.dma_semaphore, #tpu.memory_space<semaphore_mem>>
        %dma_start3A_71 = arith.constant 0 : i32
        %dma_start3A_72 = tpu.memref_slice %arg8[%add3A_70, %dma_start3A_71] : memref<20480x64xf32, #tpu.memory_space<hbm>> -> memref<64x64xf32, #tpu.memory_space<hbm>>
        %dma_start3A_73 = arith.constant 0 : i32
        %dma_start3A_74 = tpu.memref_slice %arg8[%add3A_70, %dma_start3A_73] : memref<20480x64xf32, #tpu.memory_space<hbm>> -> memref<64x64xf32, #tpu.memory_space<hbm>>
        tpu.enqueue_dma source(%arg26 : memref<64x64xf32, #tpu.memory_space<vmem>>) target(%dma_start3A_74 : memref<64x64xf32, #tpu.memory_space<hbm>>) target_semaphore(%run_scoped3A : memref<!tpu.dma_semaphore, #tpu.memory_space<semaphore_mem>>)
        %dma_wait3A = arith.constant 0 : i32
        %dma_wait3A_75 = tpu.memref_slice %arg8[%add3A_70, %dma_wait3A] : memref<20480x64xf32, #tpu.memory_space<hbm>> -> memref<64x64xf32, #tpu.memory_space<hbm>>
        %dma_wait3A_76 = arith.constant 0 : i32
        %dma_wait3A_77 = tpu.memref_slice %arg8[%add3A_70, %dma_wait3A_76] : memref<20480x64xf32, #tpu.memory_space<hbm>> -> memref<64x64xf32, #tpu.memory_space<hbm>>
        tpu.wait_dma2 semaphore(%run_scoped3A : memref<!tpu.dma_semaphore, #tpu.memory_space<semaphore_mem>>) src(%arg26 : memref<64x64xf32, #tpu.memory_space<vmem>>) dst(%dma_wait3A_77 : memref<64x64xf32, #tpu.memory_space<hbm>>)
        tpu.yield
      }) : () -> ()
    }
    %scan3A_51 = arith.constant 10 : i32
    return
  }
}

module attributes {stable_mosaic.version = 14 : i64} {
  func.func @_mlp_body(%arg0: i32, %arg1: memref<1024x128xf32, #tpu.memory_space<vmem>>, %arg2: memref<128x128xf32, #tpu.memory_space<vmem>>, %arg3: memref<1x128xf32, #tpu.memory_space<vmem>>, %arg4: memref<128x128xf32, #tpu.memory_space<vmem>>, %arg5: memref<1x128xf32, #tpu.memory_space<vmem>>, %arg6: memref<1024x128xf32, #tpu.memory_space<vmem>>) attributes {dimension_semantics = [#tpu.dimension_semantics<arbitrary>], iteration_bounds = array<i64: 10>, scalar_prefetch = 0 : i64, scratch_operands = 0 : i64, tpu.core_type = #tpu.core_type<tc>, window_params = [{transform_indices = @transform_0, window_bounds = array<i64: 1024, 128>}, {pipeline_mode = #tpu.pipeline_mode<synchronous>, transform_indices = @transform_1, window_bounds = array<i64: 128, 128>}, {pipeline_mode = #tpu.pipeline_mode<synchronous>, transform_indices = @transform_2, window_bounds = array<i64: 1, 128>}, {pipeline_mode = #tpu.pipeline_mode<synchronous>, transform_indices = @transform_3, window_bounds = array<i64: 128, 128>}, {pipeline_mode = #tpu.pipeline_mode<synchronous>, transform_indices = @transform_4, window_bounds = array<i64: 1, 128>}, {transform_indices = @transform_5, window_bounds = array<i64: 1024, 128>}]} {
    %get3A = arith.constant 0 : index
    %get3A_0 = arith.constant 0 : index
    %get3A_1 = vector.load %arg1[%get3A, %get3A_0] : memref<1024x128xf32, #tpu.memory_space<vmem>>, vector<1024x128xf32>
    %get3A_2 = arith.constant 0 : index
    %get3A_3 = arith.constant 0 : index
    %get3A_4 = vector.load %arg2[%get3A_2, %get3A_3] : memref<128x128xf32, #tpu.memory_space<vmem>>, vector<128x128xf32>
    %dot_general3A = arith.constant dense<0.000000e+00> : vector<1024x128xf32>
    %dot_general3A_5 = tpu.matmul %get3A_1, %get3A_4, %dot_general3A {dimension_numbers = #tpu.dot_dimension_numbers<[1], [0], [0], [1], [0, 0, 1, 1], [], []>, transpose_lhs_hint = false} : vector<1024x128xf32>, vector<128x128xf32>, vector<1024x128xf32> -> vector<1024x128xf32>
    %get3A_6 = arith.constant 0 : index
    %get3A_7 = arith.constant 0 : index
    %get3A_8 = vector.load %arg3[%get3A_6, %get3A_7] : memref<1x128xf32, #tpu.memory_space<vmem>>, vector<1x128xf32>
    %add3A = vector.broadcast %get3A_8 : vector<1x128xf32> to vector<1024x128xf32>
    %add3A_9 = arith.addf %dot_general3A_5, %add3A : vector<1024x128xf32>
    %max3A = arith.constant 0.000000e+00 : f32
    %max3A_10 = vector.broadcast %max3A : f32 to vector<1024x128xf32>
    %max3A_11 = arith.maximumf %add3A_9, %max3A_10 : vector<1024x128xf32>
    %get3A_12 = arith.constant 0 : index
    %get3A_13 = arith.constant 0 : index
    %get3A_14 = vector.load %arg4[%get3A_12, %get3A_13] : memref<128x128xf32, #tpu.memory_space<vmem>>, vector<128x128xf32>
    %dot_general3A_15 = arith.constant dense<0.000000e+00> : vector<1024x128xf32>
    %dot_general3A_16 = tpu.matmul %max3A_11, %get3A_14, %dot_general3A_15 {dimension_numbers = #tpu.dot_dimension_numbers<[1], [0], [0], [1], [0, 0, 1, 1], [], []>, transpose_lhs_hint = false} : vector<1024x128xf32>, vector<128x128xf32>, vector<1024x128xf32> -> vector<1024x128xf32>
    %get3A_17 = arith.constant 0 : index
    %get3A_18 = arith.constant 0 : index
    %get3A_19 = vector.load %arg5[%get3A_17, %get3A_18] : memref<1x128xf32, #tpu.memory_space<vmem>>, vector<1x128xf32>
    %add3A_20 = vector.broadcast %get3A_19 : vector<1x128xf32> to vector<1024x128xf32>
    %add3A_21 = arith.addf %dot_general3A_16, %add3A_20 : vector<1024x128xf32>
    %swap3A = arith.constant 0 : index
    %swap3A_22 = arith.constant 0 : index
    %swap3A_23 = vector.load %arg6[%swap3A, %swap3A_22] : memref<1024x128xf32, #tpu.memory_space<vmem>>, vector<1024x128xf32>
    tpu.vector_store %arg6[%swap3A, %swap3A_22], %add3A_21 {strides = array<i32>} : memref<1024x128xf32, #tpu.memory_space<vmem>>, vector<1024x128xf32>,
    return
  }
  func.func @transform_0(%arg0: i32) -> (i32, i32) {
    %c0_i32 = arith.constant 0 : i32
    %c0_i32_0 = arith.constant 0 : i32
    return %arg0, %c0_i32 : i32, i32
  }
  func.func @transform_1(%arg0: i32) -> (i32, i32) {
    %c0_i32 = arith.constant 0 : i32
    %c0_i32_0 = arith.constant 0 : i32
    %c0_i32_1 = arith.constant 0 : i32
    return %c0_i32, %c0_i32_0 : i32, i32
  }
  func.func @transform_2(%arg0: i32) -> (i32, i32) {
    %c0_i32 = arith.constant 0 : i32
    %c0_i32_0 = arith.constant 0 : i32
    %c0_i32_1 = arith.constant 0 : i32
    return %c0_i32, %c0_i32_0 : i32, i32
  }
  func.func @transform_3(%arg0: i32) -> (i32, i32) {
    %c0_i32 = arith.constant 0 : i32
    %c0_i32_0 = arith.constant 0 : i32
    %c0_i32_1 = arith.constant 0 : i32
    return %c0_i32, %c0_i32_0 : i32, i32
  }
  func.func @transform_4(%arg0: i32) -> (i32, i32) {
    %c0_i32 = arith.constant 0 : i32
    %c0_i32_0 = arith.constant 0 : i32
    %c0_i32_1 = arith.constant 0 : i32
    return %c0_i32, %c0_i32_0 : i32, i32
  }
  func.func @transform_5(%arg0: i32) -> (i32, i32) {
    %c0_i32 = arith.constant 0 : i32
    %c0_i32_0 = arith.constant 0 : i32
    return %arg0, %c0_i32 : i32, i32
  }
}

</mosaic_0001>

<sc_bundles>
// kernel: kernel.4.cloned.1.call-start
scs
__scs_entry_jumppad:
0x0: {  	(pc) =	sbr.rel $0x88, $3  }
0x1: {  	(tag) =	ssettag $0x0;
	lr =	simm.s32 $0x1  }
0x2: {  	[smem:$0x3F9B] =	sst lr;
	_ =	strace $0xD0000000  }
0x3: {  	_ = 	snop  }
0x4: {  	_ = 	snop  }
0x5: {  	_ = 	snop  }
0x6: {  	_ = 	snop  }
0x7: {  	_ = 	snop  }
__scs_overlays_trampoline_lowered:
0x8: {  	[smem:$0x3FAA] =	sst s0  }
0x9: {  	[smem:$0x3FAB] =	sst s1  }
0xa: {  	[smem:$0x3FAC] =	sst s2  }
0xb: {  	[smem:$0x3FAD] =	sst s3  }
0xc: {  	[smem:$0x3FAE] =	sst s4  }
0xd: {  	[smem:$0x3FAF] =	sst s5  }
0xe: {  	[smem:$0x3FB0] =	sst s6  }
0xf: {  	[smem:$0x3FB1] =	sst s7  }
0x10: {  	[smem:$0x3FB2] =	sst s8  }
0x11: {  	[smem:$0x3FB3] =	sst s9;
	s0 =	simm.s32 @!p0 $0x0  }
0x12: {  	s1 =	sld [smem:$0x3F99];
	s0 =	simm.s32 @p0 $0x1  }
0x13: {  	[smem:$0x3FB4] =	sst s0;
	s0 =	simm.s32 @!p1 $0x0  }
0x14: {  	s2 =	sld [smem:$0x3F98];
	s0 =	simm.s32 @p1 $0x1  }
0x15: {  	[smem:$0x3FB5] =	sst s0;
	s0 =	simm.s32 @!p2 $0x0  }
0x16: {  	s3 =	sld [smem:$0x3FDB];
	s0 =	simm.s32 @p2 $0x1  }
0x17: {  	s4 =	simm.s32 $0x1BF5;
	[smem:$0x3FB7] =	sst s0  }
0x18: {  	s0 =	sld [smem:$0x3F9A];
	_ =	swait.ge [sflag:s4], $0x0  }
0x19: {  	s7 =	sld [smem:$0x3F9B]  }
0x1a: {  	s8 =	sadd.s32 $0xFFFFE003, lr  }
0x1b: {  	s9 =	sadd.s32 $0xFFFFFEF7, lr;
	s5 =	simm.s32 $0xFFFFFFFF;
	p2 =	slt.u32 s8, $0xFFFFF086  }
0x1c: {  	p1 =	slt.u32 s9, $0xF7A;
	s5 =	simm.s32 @!p2 $0x0  }
0x1d: {  	s5 =	simm.s32 @p1 $0x1;
	p0 =	seq.s32 s7, s2  }
0x1e: {  	s7 =	smul.u32 @!p0 $0xF7A, s2;
	p2 =	seq.s32 @!p0 s5, $0x0  }
0x1f: {  	s9 =	smul.u32 $0xF7A, s1;
	s8 =	simm.s32 @!p0 $0x1BF5;
	p2 =	por !p2, p0  }
0x20: {  	[sflag:s8] =	ssyncset.s32 @!p0 $0xFFFFF086;
	s6 =	sadd.s32 @!p0 s3, s7;
	s7 =	simm.s32 @!p0 $0x108  }
0x21: {  	s3 =	sadd.s32 s3, s9;
	s6 =	sadd.s32 @!p0 $0x88, s6;
	s7 =	simm.s32 @p2 $0x1082  }
0x22: {  	[simem:s7], [sflag:s8] =	dma.local @!p0 [hbm:s6], $0xF7A  }
0x23: {  	s9 =	sor.u32 $0xD0000000, s2;
	s6 =	simm.s32 $0x108;
	_ =	swait.ge @!p0 [sflag:s8], $0x0  }
0x24: {  	s3 =	sadd.s32 $0x88, s3;
	s6 =	simm.s32 @!p1 $0x1082;
	[sflag:s4] =	ssyncset.s32 $0xFFFFF086  }
0x25: {  	[simem:s6], [sflag:s4] =	dma.local [hbm:s3], $0xF7A  }
0x26: {  	[smem:$0x3F9B] =	sst s1;
	(tag) =	ssettag s2;
	_ =	strace s9  }
0x27: {  	s1 =	sld [smem:$0x3FAB]  }
0x28: {  	s2 =	sld [smem:$0x3FAC]  }
0x29: {  	s4 =	sld [smem:$0x3FAE]  }
0x2a: {  	p0 =	seq.s32 s5, $0x0;
	s5 =	sld [smem:$0x3FAF]  }
0x2b: {  	s6 =	sld [smem:$0x3FB0]  }
0x2c: {  	s7 =	sld [smem:$0x3FB1]  }
0x2d: {  	s3 =	simm.s32 $0x108;
	s8 =	sld [smem:$0x3FB2]  }
0x2e: {  	s3 =	simm.s32 @!p0 $0x1082;
	s9 =	sld [smem:$0x3FB3]  }
0x2f: {  	lr =	sadd.s32 s0, s3;
	s0 =	sld [smem:$0x3FAA]  }
0x30: {  	s3 =	sld [smem:$0x3FAD]  }
0x31: {  	[smem:$0x3FB6] =	sst s10  }
0x32: {  	s10 =	sld [smem:$0x3FB4];
	_ =	sdelay $0x3  }
0x33: {  	p0 =	seq.s32 s10, $0x1;
	s10 =	sld [smem:$0x3FB6];
	_ =	sdelay $0x3  }
0x34: {  	[smem:$0x3FB6] =	sst s10  }
0x35: {  	s10 =	sld [smem:$0x3FB5];
	_ =	sdelay $0x3  }
0x36: {  	p1 =	seq.s32 s10, $0x1;
	s10 =	sld [smem:$0x3FB6];
	_ =	sdelay $0x3  }
0x37: {  	[smem:$0x3FB6] =	sst s10  }
0x38: {  	s10 =	sld [smem:$0x3FB7]  }
0x39: {  	_ = 	snop;
	(pc) =	sbr.ind lr, $3  }
0x3a: {  	_ = 	snop  }
0x3b: {  	_ = 	snop  }
0x3c: {  	p2 =	seq.s32 s10, $0x1;
	s10 =	sld [smem:$0x3FB6]  }
0x3d: {  	_ =	shalt  }
0x3e: {  	_ =	shalt  }
0x3f: {  	_ =	shalt  }
0x40: {  	_ =	shalt  }
0x41: {  	_ =	shalt  }
0x42: {  	_ =	shalt  }
0x43: {  	_ =	shalt  }
0x44: {  	_ =	shalt  }
0x45: {  	_ =	shalt  }
0x46: {  	_ =	shalt  }
0x47: {  	_ =	shalt  }
0x48: {  	_ =	shalt  }
0x49: {  	_ =	shalt  }
0x4a: {  	_ =	shalt  }
0x4b: {  	_ =	shalt  }
0x4c: {  	_ =	shalt  }
0x4d: {  	_ =	shalt  }
0x4e: {  	_ =	shalt  }
0x4f: {  	_ =	shalt  }
0x50: {  	_ =	shalt  }
0x51: {  	_ =	shalt  }
0x52: {  	_ =	shalt  }
0x53: {  	_ =	shalt  }
0x54: {  	_ =	shalt  }
0x55: {  	_ =	shalt  }
0x56: {  	_ =	shalt  }
0x57: {  	_ =	shalt  }
0x58: {  	_ =	shalt  }
0x59: {  	_ =	shalt  }
0x5a: {  	_ =	shalt  }
0x5b: {  	_ =	shalt  }
0x5c: {  	_ =	shalt  }
0x5d: {  	_ =	shalt  }
0x5e: {  	_ =	shalt  }
0x5f: {  	_ =	shalt  }
0x60: {  	_ =	shalt  }
0x61: {  	_ =	shalt  }
0x62: {  	_ =	shalt  }
0x63: {  	_ =	shalt  }
0x64: {  	_ =	shalt  }
0x65: {  	_ =	shalt  }
0x66: {  	_ =	shalt  }
0x67: {  	_ =	shalt  }
0x68: {  	_ =	shalt  }
0x69: {  	_ =	shalt  }
0x6a: {  	_ =	shalt  }
0x6b: {  	_ =	shalt  }
0x6c: {  	_ =	shalt  }
0x6d: {  	_ =	shalt  }
0x6e: {  	_ =	shalt  }
0x6f: {  	_ =	shalt  }
0x70: {  	_ =	shalt  }
0x71: {  	_ =	shalt  }
0x72: {  	_ =	shalt  }
0x73: {  	_ =	shalt  }
0x74: {  	_ =	shalt  }
0x75: {  	_ =	shalt  }
0x76: {  	_ =	shalt  }
0x77: {  	_ =	shalt  }
0x78: {  	_ =	shalt  }
0x79: {  	_ =	shalt  }
0x7a: {  	_ =	shalt  }
0x7b: {  	_ =	shalt  }
0x7c: {  	_ =	shalt  }
0x7d: {  	_ =	shalt  }
0x7e: {  	_ =	shalt  }
0x7f: {  	_ =	shalt  }
0x80: {  	_ =	shalt  }
0x81: {  	_ =	shalt  }
0x82: {  	_ =	shalt  }
0x83: {  	_ =	shalt  }
0x84: {  	_ =	shalt  }
0x85: {  	_ =	shalt  }
0x86: {  	_ =	shalt  }
0x87: {  	_ =	shalt  }
.Lfunc_end0:
.L_simem_size_0:
called_computation_lowered:
.L_overlay_start_0:
0x88: {  	s2 =	sld [smem:$0x3FD9]  }
0x89: {  	s3 =	sld [smem:$0x3FFE];
	_ =	sdelay $0x1  }
0x8a: {  	s1 =	srdreg.scid  }
0x8b: {  	s0 =	sand.u32 $0x1, s1  }
0x8c: {  	s17 =	sshll.u32 s0, $0xA;
	s2 =	sadd.s32 s3, s2  }
0x8d: {  	s2 =	sadd.s32 s2, s17  }
0x8e: {  	[smem:$0x3FC2] =	sst s2  }
0x8f: {  	_ = 	snop  }
0x90: {  	s2 =	sld [smem:$0x3FD0];
	(tm) =	ssettm $0x1  }
0x91: {  	s18 =	sld [smem:$0x3FFB];
	_ =	sdelay $0x3  }
0x92: {  	_ =	strace s18  }
0x93: {  	s3 =	sld [smem:$0x3FFC];
	_ =	sdelay $0x3  }
0x94: {  	_ =	strace s3  }
0x95: {  	s3 =	sld [smem:$0x3FFD];
	_ =	sdelay $0x3  }
0x96: {  	_ =	strace s3  }
0x97: {  	_ =	strace $0x8FFFFFFF  }
0x98: {  	s19 =	sld [smem:$0x3FDB];
	_ =	sdelay $0x1  }
0x99: {  	s4 =	simm.s32 $_scs_section_size  }
0x9a: {  	s5 =	simm.s32 $_size__tile_overlayer_lowered;
	s6 =	simm.s32 $_tile_overlayer_lowered  }
0x9b: {  	s22 =	simm.s32 $0x1BFF;
	s21 =	sshll.u32 s6, $0x1;
	s3 =	sadd.s32 s4, s19  }
0x9c: {  	s7 =	simm.s32 $0x0;
	s20 =	sshll.u32 s5, $0x1;
	s5 =	sadd.s32 s21, s3  }
0x9d: {  	[timem:s7], [sflag:s22] =	dma.local [hbm:s5], s20  }
0x9e: {  	_ =	swait.ge [sflag:s22], s20  }
0x9f: {  	s4 =	ssub.s32 $0x0, s20;
	[sflag:s22] =	ssyncset.done $0x0  }
0xa0: {  	[sflag:s22] =	ssyncadd.s32 s4;
	_ =	sdelay $0x1  }
0xa1: {  	s23 =	simm.s32 $0x1B8B  }
0xa2: {  	_ =	swait.ge [sflag:s23], $0x1  }
0xa3: {  	[sflag:s23] =	ssyncset.done $0x0  }
0xa4: {  	s25 =	simm.s32 $0x1B8E;
	s24 =	sld [smem:$0x3FFE];
	[sflag:s23] =	ssyncadd.s32 $0xFFFFFFFF  }
0xa5: {  	s26 =	simm.s32 $execute0_lowered;
	[smem:$0x3FD2] =	sst s25  }
0xa6: {  	s5 =	sshll.u32 s26, $0x1;
	_ =	strace $0x80000046;
	[dreg:$0x1] =	wrdreg $0xFFFFFFFF  }
0xa7: {  	s28 =	simm.s32 $_size_execute0_lowered;
	s3 =	sadd.s32 s3, s5;
	[dreg:$0x0] =	wrdreg $0x0  }
0xa8: {  	s5 =	sshll.u32 s28, $0x1;
	[dreg:$0x2] =	wrdreg s3  }
0xa9: {  	[dreg:$0x3] =	wrdreg s5  }
0xaa: {  	[dreg:$0x4] =	wrdreg $0xC0  }
0xab: {  	_ =	task [dreg:s7], $0x5FFFF  }
0xac: {  	[dreg:$0x1] =	wrdreg $0xFFFFFFFF  }
0xad: {  	[dreg:$0x0] =	wrdreg $0x60  }
0xae: {  	[dreg:$0x2] =	wrdreg s24  }
0xaf: {  	[dreg:$0x3] =	wrdreg s2  }
0xb0: {  	[dreg:$0x4] =	wrdreg $0xA0000  }
0xb1: {  	[dreg:$0x5] =	wrdreg $0x0  }
0xb2: {  	[dreg:$0x6] =	wrdreg $0x9  }
0xb3: {  	_ =	task.clear_ibuf [dreg:s7], $0x7FFFF;
	_ =	strace $0x90000046  }
0xb4: {  	s29 =	simm.s32 $0x9;
	_ =	strace $0x80000048  }
0xb5: {  	_ =	swait.ge [sflag:s29], $0x1  }
0xb6: {  	[sflag:s29] =	ssyncadd.s32 $0xFFFFFFFF  }
0xb7: {  	_ =	strace $0x90000048  }
0xb8: {  	_ =	sfence  }
0xb9: {  	s30 =	sld [smem:$0x0];
	_ =	sdelay $0x2  }
0xba: {  	s31 =	sshll.u32 s1, $0xD;
	s1 =	sshrl.u32 s1, $0x2  }
0xbb: {  	s3 =	sand.u32 $0x4000, s31;
	s1 =	sadd.s32 s1, s30  }
0xbc: {  	s0 =	sor.u32 s3, s0;
	s1 =	sshll.u32 s1, $0x11  }
0xbd: {  	s0 =	sor.u32 s1, s0  }
0xbe: {  	s0 =	sadd.s32 $0x8F2B, s0  }
0xbf: {  	[sflag:s0] =	ssyncadd.remote.s32 $0x1  }
0xc0: {  	_ =	sfence.sel $0xFFFF  }
0xc1: {  	[dreg:$0x0] =	wrdreg $0xFFFFFFFF;
	(pc) =	sbr.abs _section_cstart, $3  }
0xc2: {  	[dreg:$0x1] =	wrdreg $0xFFFFFFFF  }
0xc3: {  	_ =	task.clear_ibuf [dreg:s7], $0x2FFFF;
	_ =	strace $0x9FFFFFFF  }
0xc4: {  	(tm) =	ssettm $0x7FFFFFFF  }
0xc5: {  	_ =	shalt  }
tec
execute0_lowered:
.L_overlay_start_1:
0x0: {  	(tag) =	ssettag $0x1  }
0x1: {  	s2 =	rddreg [dreg:$0x0]  }
0x2: {  	s0 =	rddreg [dreg:$0x1]  }
0x3: {  	s22 =	rddreg [dreg:$0x2]  }
0x4: {  	s3 =	rddreg [dreg:$0x3];
	s26 =	simm.s32 $0x0  }
0x5: {  	[smem:$0x7FF] =	sst s26;
	s4 =	sadd.s32 $0xE00, s2  }
0x6: {  	s7 =	sadd.s32 $0x33600, s2;
	_ =	strace $0x80000047;
	[dreg:$0x1b] =	wrdreg s4  }
0x7: {  	s18 =	sadd.s32 $0x33800, s2;
	[dreg:$0x1c] =	wrdreg s7  }
0x8: {  	s9 =	sadd.s32 $0x33A00, s2;
	[dreg:$0x1e] =	wrdreg s18  }
0x9: {  	s11 =	sadd.s32 $0x5BC00, s2;
	[dreg:$0x1f] =	wrdreg s9  }
0xa: {  	s30 =	simm.s32 $0xC880;
	[smem:$0x7E6] =	sst s11  }
0xb: {  	s31 =	simm.s32 $0xC900;
	[dreg:$0x5] =	wrdreg s30  }
0xc: {  	s12 =	stileid.u32;
	s14 =	simm.s32 $0xCB00;
	[dreg:$0x6] =	wrdreg s31  }
0xd: {  	s5 =	srdreg.scid;
	s16 =	simm.s32 $0xCB80;
	[dreg:$0xa] =	wrdreg s14  }
0xe: {  	s1 =	smul.u32 $0xA80, s12;
	s7 =	simm.s32 $0xC980;
	[dreg:$0xb] =	wrdreg s16  }
0xf: {  	s5 =	sand.u32 $0x1, s5;
	s9 =	simm.s32 $0xCA00;
	[dreg:$0x7] =	wrdreg s7  }
0x10: {  	s15 =	smul.u32 $0x280, s12;
	s18 =	simm.s32 $0xCC00;
	[dreg:$0x8] =	wrdreg s9  }
0x11: {  	s6 =	smul.u32 $0xA8, s12;
	s19 =	ssub.s32 $0x2, s5;
	[dreg:$0xc] =	wrdreg s18  }
0x12: {  	s8 =	smul.u32 $0x2800, s5;
	s30 =	simm.s32 $0xCE80;
	[dreg:$0x1d] =	wrdreg s15  }
0x13: {  	s10 =	smul.u32 $0xA80, s5;
	s16 =	simm.s32 $0xD200;
	[dreg:$0x10] =	wrdreg s30  }
0x14: {  	s17 =	sadd.s32 s1, s2;
	s7 =	simm.s32 $0xCF00;
	[dreg:$0x17] =	wrdreg s16  }
0x15: {  	s20 =	sshrl.u32 s19, $0x1;
	s9 =	simm.s32 $0xCF80;
	[dreg:$0x11] =	wrdreg s7  }
0x16: {  	s18 =	simm.s32 $0xD280;
	s21 =	ssub.s32 s19, s20;
	[dreg:$0x12] =	wrdreg s9  }
0x17: {  	s25 =	sadd.s32 s15, s8;
	s6 =	sadd.s32 s6, s10;
	[dreg:$0x18] =	wrdreg s18  }
0x18: {  	s8 =	smul.u32 $0xA000, s12;
	s10 =	simm.s32 $0xCA80;
	[smem:$0x7E7] =	sst s25  }
0x19: {  	s23 =	sadd.s32 $0x28E00, s17;
	s19 =	simm.s32 $0xCC80;
	[dreg:$0x9] =	wrdreg s10  }
0x1a: {  	s17 =	smul.u32 $0x28000, s12;
	s12 =	simm.s32 $0xD080;
	[dreg:$0xd] =	wrdreg s19  }
0x1b: {  	s11 =	sadd.s32 $0x33C00, s2;
	s2 =	smax.u32 s21, $0x1;
	[dreg:$0x14] =	wrdreg s12  }
0x1c: {  	s21 =	simm.s32 $0xCD00;
	[smem:$0x7E9] =	sst s2  }
0x1d: {  	s28 =	simm.s32 $0x1A000;
	s25 =	simm.s32 $0xCD80;
	[dreg:$0xe] =	wrdreg s21  }
0x1e: {  	s5 =	smul.u32 $0xA800, s5;
	s10 =	simm.s32 $0xD000;
	[dreg:$0xf] =	wrdreg s25  }
0x1f: {  	s6 =	sshll.u32 s6, $0x4;
	s19 =	simm.s32 $0xD300;
	[dreg:$0x13] =	wrdreg s10  }
0x20: {  	s6 =	sadd.s32 s0, s6;
	s13 =	sshrl.u32 s8, $0x2;
	[dreg:$0x19] =	wrdreg s19  }
0x21: {  	s20 =	sshrl.u32 s17, $0x2;
	s25 =	simm.s32 $0xD380;
	[smem:$0x7E8] =	sst s6  }
0x22: {  	s0 =	sadd.s32 s5, s0;
	s4 =	sadd.s32 s20, s3;
	[dreg:$0x1a] =	wrdreg s25  }
0x23: {  	s24 =	sadd.s32 s13, s22;
	s13 =	simm.s32 $0xD100;
	[smem:$0x7EA] =	sst s4  }
0x24: {  	s29 =	simm.s32 $0x80;
	s20 =	sadd.s32 s1, s0;
	[dreg:$0x15] =	wrdreg s13  }
0x25: {  	s4 =	sshll.u32 s15, $0x6;
	s15 =	simm.s32 $0xD180;
	[smem:$0x7FD] =	sst s24  }
0x26: {  	s31 =	sor.u32 $0x1000, s4;
	s14 =	sadd.s32 $0x2000, s4;
	[dreg:$0x16] =	wrdreg s15  }
0x27: {  	s21 =	sadd.s32 $0x3000, s4;
	s10 =	sadd.s32 $0x6000, s4;
	s15 =	sadd.s32 $0x7000, s4  }
0x28: {  	s18 =	sadd.s32 $0x8000, s4;
	s19 =	sadd.s32 $0x9000, s4;
	s8 =	sshrl.u32 s31, $0x2  }
0x29: {  	s6 =	sadd.s32 s31, s3;
	s17 =	sshrl.u32 s14, $0x2;
	s31 =	sshrl.u32 s21, $0x2  }
0x2a: {  	s5 =	sadd.s32 s14, s3;
	s1 =	sadd.s32 s21, s3;
	s13 =	sshrl.u32 s10, $0x2  }
0x2b: {  	s16 =	sadd.s32 s10, s3;
	s21 =	sshrl.u32 s18, $0x2;
	[smem:$0x7EC] =	sst s6  }
0x2c: {  	s2 =	sadd.s32 s18, s3;
	s10 =	simm.s32 $0xB;
	[smem:$0x7EE] =	sst s5  }
0x2d: {  	s7 =	sadd.s32 s8, s22;
	s30 =	sadd.s32 s17, s22;
	[smem:$0x7F0] =	sst s1  }
0x2e: {  	s0 =	sadd.s32 s31, s22;
	s6 =	sadd.s32 $0x4000, s4;
	[smem:$0x7F6] =	sst s16  }
0x2f: {  	s8 =	sadd.s32 $0x5000, s4;
	s17 =	sshrl.u32 s15, $0x2;
	[smem:$0x7FA] =	sst s2  }
0x30: {  	s25 =	sadd.s32 s21, s22;
	s31 =	sadd.s32 s19, s3;
	[smem:$0x7EB] =	sst s7  }
0x31: {  	s16 =	simm.s32 $0x9;
	s21 =	simm.s32 $0xA;
	[smem:$0x7ED] =	sst s30  }
0x32: {  	s5 =	simm.s32 $0x6;
	s4 =	simm.s32 $0x0;
	[smem:$0x7EF] =	sst s0  }
0x33: {  	s7 =	sshrl.u32 s6, $0x2;
	s9 =	sshrl.u32 s8, $0x2;
	[smem:$0x7F9] =	sst s25  }
0x34: {  	s0 =	sadd.s32 s6, s3;
	s14 =	sadd.s32 s8, s3;
	[smem:$0x7FC] =	sst s31  }
0x35: {  	s30 =	sshrl.u32 s19, $0x2;
	s25 =	simm.s32 $0x11;
	[smem:$0x7F2] =	sst s0  }
0x36: {  	s8 =	simm.s32 $0x7;
	s1 =	sadd.s32 s7, s22;
	[smem:$0x7F4] =	sst s14  }
0x37: {  	s6 =	simm.s32 $0x3;
	s12 =	sadd.s32 s9, s22;
	[smem:$0x7F1] =	sst s1  }
0x38: {  	s19 =	simm.s32 $0x5;
	s0 =	sadd.s32 s13, s22;
	[smem:$0x7F3] =	sst s12  }
0x39: {  	s9 =	simm.s32 $0x8;
	[smem:$0x7F5] =	sst s0;
	s1 =	sadd.s32 s17, s22  }
0x3a: {  	s13 =	simm.s32 $0xC;
	s0 =	sadd.s32 s15, s3;
	[smem:$0x7F7] =	sst s1  }
0x3b: {  	s15 =	simm.s32 $0x4;
	[smem:$0x7F8] =	sst s0;
	s0 =	sadd.s32 s30, s22  }
0x3c: {  	s1 =	simm.s32 $0x2;
	[smem:$0x7FB] =	sst s0;
	s0 =	simm.s32 $0x1  }
.LBB2_1:
0x3d: {  	[smem:$0x7E5] =	sst s4  }
0x3e: {  	s31 =	rddreg [dreg:$0x1c]  }
0x3f: {  	[tilespmem:s28], [sflag:$0x11] =	stream.linear.gather [hbm4b:s31+s26], $0x800, $0x38;
	[tilespmem:$0x1E000] =	vst v63  }
0x40: {  	_ =	swait.ge [sflag:s25], $0x800  }
0x41: {  	[sflag:s25] =	ssyncset.done $0x0  }
0x42: {  	s7 =	simm.s32 $0x1A800;
	s2 =	rddreg [dreg:$0x1e];
	[sflag:s25] =	ssyncadd.s32 $0xFFFFF800  }
0x43: {  	[tilespmem:s7], [sflag:$0x11] =	stream.linear.gather [hbm4b:s2+s26], $0x1000, $0x38;
	[tilespmem:$0x1E000] =	vst v63  }
0x44: {  	_ =	swait.ge [sflag:s25], $0x1000  }
0x45: {  	[sflag:s25] =	ssyncset.done $0x0  }
0x46: {  	s17 =	simm.s32 $0x1B800;
	s12 =	rddreg [dreg:$0x1f];
	[sflag:s25] =	ssyncadd.s32 $0xFFFFF000  }
0x47: {  	[tilespmem:s17], [sflag:$0x11] =	stream.linear.gather [hbm4b:s12+s26], $0x400, $0x38;
	[tilespmem:$0x1E000] =	vst v63  }
0x48: {  	_ =	swait.ge [sflag:s25], $0x400  }
0x49: {  	[sflag:s25] =	ssyncset.done $0x0  }
0x4a: {  	[sflag:s25] =	ssyncadd.s32 $0xFFFFFC00  }
0x4b: {  	[spmem:s24] =	stream.linear.scatter [tilespmem:s17], [sflag:$0x11], $0x400, $0x38;
	[tilespmem:$0x1E000] =	vst v63  }
0x4c: {  	_ =	swait.ge [sflag:s25], $0x400  }
0x4d: {  	s14 =	sld [smem:$0x7EA]  }
0x4e: {  	[sflag:s25] =	ssyncset.done $0x0  }
0x4f: {  	[sflag:s25] =	ssyncadd.s32 $0xFFFFFC00  }
0x50: {  	[spmem:s14] =	stream.linear.scatter [tilespmem:s7], [sflag:$0x11], $0x1000, $0x38;
	[tilespmem:$0x1E000] =	vst v63  }
0x51: {  	_ =	swait.ge [sflag:s25], $0x1000  }
0x52: {  	s18 =	sld [smem:$0x7EB]  }
0x53: {  	[sflag:s25] =	ssyncset.done $0x0  }
0x54: {  	[sflag:s25] =	ssyncadd.s32 $0xFFFFF000  }
0x55: {  	[spmem:s18] =	stream.linear.scatter [tilespmem:s17], [sflag:$0x11], $0x400, $0x38;
	[tilespmem:$0x1E000] =	vst v63  }
0x56: {  	_ =	swait.ge [sflag:s25], $0x400  }
0x57: {  	s24 =	sld [smem:$0x7EC]  }
0x58: {  	[sflag:s25] =	ssyncset.done $0x0  }
0x59: {  	[sflag:s25] =	ssyncadd.s32 $0xFFFFFC00  }
0x5a: {  	[spmem:s24] =	stream.linear.scatter [tilespmem:s7], [sflag:$0x11], $0x1000, $0x38;
	[tilespmem:$0x1E000] =	vst v63  }
0x5b: {  	_ =	swait.ge [sflag:s25], $0x1000  }
0x5c: {  	s31 =	sld [smem:$0x7ED]  }
0x5d: {  	[sflag:s25] =	ssyncset.done $0x0  }
0x5e: {  	[sflag:s25] =	ssyncadd.s32 $0xFFFFF000  }
0x5f: {  	[spmem:s31] =	stream.linear.scatter [tilespmem:s17], [sflag:$0x11], $0x400, $0x38;
	[tilespmem:$0x1E000] =	vst v63  }
0x60: {  	_ =	swait.ge [sflag:s25], $0x400  }
0x61: {  	s2 =	sld [smem:$0x7EE]  }
0x62: {  	[sflag:s25] =	ssyncset.done $0x0  }
0x63: {  	[sflag:s25] =	ssyncadd.s32 $0xFFFFFC00  }
0x64: {  	[spmem:s2] =	stream.linear.scatter [tilespmem:s7], [sflag:$0x11], $0x1000, $0x38;
	[tilespmem:$0x1E000] =	vst v63  }
0x65: {  	_ =	swait.ge [sflag:s25], $0x1000  }
0x66: {  	s12 =	sld [smem:$0x7EF]  }
0x67: {  	[sflag:s25] =	ssyncset.done $0x0  }
0x68: {  	[sflag:s25] =	ssyncadd.s32 $0xFFFFF000  }
0x69: {  	[spmem:s12] =	stream.linear.scatter [tilespmem:s17], [sflag:$0x11], $0x400, $0x38;
	[tilespmem:$0x1E000] =	vst v63  }
0x6a: {  	_ =	swait.ge [sflag:s25], $0x400  }
0x6b: {  	s14 =	sld [smem:$0x7F0]  }
0x6c: {  	[sflag:s25] =	ssyncset.done $0x0  }
0x6d: {  	[sflag:s25] =	ssyncadd.s32 $0xFFFFFC00  }
0x6e: {  	[spmem:s14] =	stream.linear.scatter [tilespmem:s7], [sflag:$0x11], $0x1000, $0x38;
	[tilespmem:$0x1E000] =	vst v63  }
0x6f: {  	_ =	swait.ge [sflag:s25], $0x1000  }
0x70: {  	s18 =	sld [smem:$0x7F1]  }
0x71: {  	[sflag:s25] =	ssyncset.done $0x0  }
0x72: {  	[sflag:s25] =	ssyncadd.s32 $0xFFFFF000  }
0x73: {  	[spmem:s18] =	stream.linear.scatter [tilespmem:s17], [sflag:$0x11], $0x400, $0x38;
	[tilespmem:$0x1E000] =	vst v63  }
0x74: {  	_ =	swait.ge [sflag:s25], $0x400  }
0x75: {  	s24 =	sld [smem:$0x7F2]  }
0x76: {  	[sflag:s25] =	ssyncset.done $0x0  }
0x77: {  	[sflag:s25] =	ssyncadd.s32 $0xFFFFFC00  }
0x78: {  	[spmem:s24] =	stream.linear.scatter [tilespmem:s7], [sflag:$0x11], $0x1000, $0x38;
	[tilespmem:$0x1E000] =	vst v63  }
0x79: {  	_ =	swait.ge [sflag:s25], $0x1000  }
0x7a: {  	s31 =	sld [smem:$0x7F3]  }
0x7b: {  	[sflag:s25] =	ssyncset.done $0x0  }
0x7c: {  	[sflag:s25] =	ssyncadd.s32 $0xFFFFF000  }
0x7d: {  	[spmem:s31] =	stream.linear.scatter [tilespmem:s17], [sflag:$0x11], $0x400, $0x38;
	[tilespmem:$0x1E000] =	vst v63  }
0x7e: {  	_ =	swait.ge [sflag:s25], $0x400  }
0x7f: {  	s2 =	sld [smem:$0x7F4]  }
0x80: {  	[sflag:s25] =	ssyncset.done $0x0  }
0x81: {  	[sflag:s25] =	ssyncadd.s32 $0xFFFFFC00  }
0x82: {  	[spmem:s2] =	stream.linear.scatter [tilespmem:s7], [sflag:$0x11], $0x1000, $0x38;
	[tilespmem:$0x1E000] =	vst v63  }
0x83: {  	_ =	swait.ge [sflag:s25], $0x1000  }
0x84: {  	s12 =	sld [smem:$0x7F5]  }
0x85: {  	[sflag:s25] =	ssyncset.done $0x0  }
0x86: {  	[sflag:s25] =	ssyncadd.s32 $0xFFFFF000  }
0x87: {  	[spmem:s12] =	stream.linear.scatter [tilespmem:s17], [sflag:$0x11], $0x400, $0x38;
	[tilespmem:$0x1E000] =	vst v63  }
0x88: {  	_ =	swait.ge [sflag:s25], $0x400  }
0x89: {  	s14 =	sld [smem:$0x7F6]  }
0x8a: {  	[sflag:s25] =	ssyncset.done $0x0  }
0x8b: {  	[sflag:s25] =	ssyncadd.s32 $0xFFFFFC00  }
0x8c: {  	[spmem:s14] =	stream.linear.scatter [tilespmem:s7], [sflag:$0x11], $0x1000, $0x38;
	[tilespmem:$0x1E000] =	vst v63  }
0x8d: {  	_ =	swait.ge [sflag:s25], $0x1000  }
0x8e: {  	s18 =	sld [smem:$0x7F7]  }
0x8f: {  	[sflag:s25] =	ssyncset.done $0x0  }
0x90: {  	[sflag:s25] =	ssyncadd.s32 $0xFFFFF000  }
0x91: {  	[spmem:s18] =	stream.linear.scatter [tilespmem:s17], [sflag:$0x11], $0x400, $0x38;
	[tilespmem:$0x1E000] =	vst v63  }
0x92: {  	_ =	swait.ge [sflag:s25], $0x400  }
0x93: {  	s24 =	sld [smem:$0x7F8]  }
0x94: {  	[sflag:s25] =	ssyncset.done $0x0  }
0x95: {  	[sflag:s25] =	ssyncadd.s32 $0xFFFFFC00  }
0x96: {  	[spmem:s24] =	stream.linear.scatter [tilespmem:s7], [sflag:$0x11], $0x1000, $0x38;
	[tilespmem:$0x1E000] =	vst v63  }
0x97: {  	_ =	swait.ge [sflag:s25], $0x1000  }
0x98: {  	s31 =	sld [smem:$0x7F9]  }
0x99: {  	[sflag:s25] =	ssyncset.done $0x0  }
0x9a: {  	[sflag:s25] =	ssyncadd.s32 $0xFFFFF000  }
0x9b: {  	[spmem:s31] =	stream.linear.scatter [tilespmem:s17], [sflag:$0x11], $0x400, $0x38;
	[tilespmem:$0x1E000] =	vst v63  }
0x9c: {  	_ =	swait.ge [sflag:s25], $0x400  }
0x9d: {  	s2 =	sld [smem:$0x7FA]  }
0x9e: {  	[sflag:s25] =	ssyncset.done $0x0  }
0x9f: {  	[sflag:s25] =	ssyncadd.s32 $0xFFFFFC00  }
0xa0: {  	[spmem:s2] =	stream.linear.scatter [tilespmem:s7], [sflag:$0x11], $0x1000, $0x38;
	[tilespmem:$0x1E000] =	vst v63  }
0xa1: {  	_ =	swait.ge [sflag:s25], $0x1000  }
0xa2: {  	s12 =	sld [smem:$0x7FB]  }
0xa3: {  	[sflag:s25] =	ssyncset.done $0x0  }
0xa4: {  	[sflag:s25] =	ssyncadd.s32 $0xFFFFF000  }
0xa5: {  	[spmem:s12] =	stream.linear.scatter [tilespmem:s17], [sflag:$0x11], $0x400, $0x38;
	[tilespmem:$0x1E000] =	vst v63  }
0xa6: {  	_ =	swait.ge [sflag:s25], $0x400  }
0xa7: {  	s18 =	sld [smem:$0x7FC]  }
0xa8: {  	[sflag:s25] =	ssyncset.done $0x0  }
0xa9: {  	[sflag:s25] =	ssyncadd.s32 $0xFFFFFC00  }
0xaa: {  	[spmem:s18] =	stream.linear.scatter [tilespmem:s7], [sflag:$0x11], $0x1000, $0x38;
	[tilespmem:$0x1E000] =	vst v63  }
0xab: {  	_ =	swait.ge [sflag:s25], $0x1000  }
0xac: {  	[sflag:s25] =	ssyncset.done $0x0  }
0xad: {  	[sflag:s25] =	ssyncadd.s32 $0xFFFFF000  }
0xae: {  	[bflag:$0x0] =	sbarrier.arrive $0xFFFF  }
0xaf: {  	s24 =	sld [smem:$0x7E8];
	_ =	sdelay $0x1  }
0xb0: {  	s14 =	simm.s32 $0xC800  }
0xb1: {  	[tilespmem:s14], [sflag:$0xD] =	stream.linear.gather [hbm4b:s24+s26], $0x600, $0x38;
	[tilespmem:$0x1E000] =	vst v63  }
0xb2: {  	s12 =	simm.s32 $0xD400;
	s14 =	simm.s32 $0xD  }
0xb3: {  	[tilespmem:s12], [sflag:$0xF] =	stream.linear.gather [hbm4b:s23+s26], $0x600, $0x38;
	[tilespmem:$0x1E000] =	vst v63  }
0xb4: {  	_ =	swait.ge [sflag:s14], $0x600  }
0xb5: {  	[sflag:s14] =	ssyncset.done $0x0  }
0xb6: {  	s2 =	simm.s32 $0xF;
	[sflag:s14] =	ssyncadd.s32 $0xFFFFFA00  }
0xb7: {  	s31 =	sadd.s32 $0x0, s23;
	_ =	swait.ge [sflag:s2], $0x600  }
0xb8: {  	s17 =	smov.u32 s20;
	s25 =	sadd.s32 $0x0, s20;
	[sflag:s2] =	ssyncset.done $0x0  }
0xb9: {  	s18 =	simm.s32 $0xCE00;
	s4 =	sadd.s32 $0xC0, s25;
	[sflag:s2] =	ssyncadd.s32 $0xFFFFFA00  }
0xba: {  	[tilespmem:s18], [sflag:$0xE] =	stream.linear.gather [hbm4b:s4+s26], $0x600, $0x38;
	[tilespmem:$0x1E000] =	vst v63  }
0xbb: {  	s20 =	smov.u32 s23;
	s24 =	sadd.s32 $0xC0, s31;
	s23 =	simm.s32 $0xDA00  }
0xbc: {  	[tilespmem:s23], [sflag:$0x10] =	stream.linear.gather [hbm4b:s24+s26], $0x600, $0x38;
	[tilespmem:$0x1E000] =	vst v63  }
0xbd: {  	_ = 	snop  }
0xbe: {  	[spmem:s22] =	stream.indirect.scatter.add.f32 [tilespmem:s28], [sflag:$0x7], $0x10, s12, s29, $0xb8;
	[tilespmem:$0x1E000] =	vst v63  }
0xbf: {  	s25 =	simm.s32 $0xD480  }
0xc0: {  	[spmem:s22] =	stream.indirect.scatter.add.f32 [tilespmem:s28], [sflag:$0x8], $0x10, s25, s29, $0xb8;
	[tilespmem:$0x1E000] =	vst v63  }
0xc1: {  	s31 =	simm.s32 $0xD500  }
0xc2: {  	[spmem:s22] =	stream.indirect.scatter.add.f32 [tilespmem:s28], [sflag:$0x9], $0x10, s31, s29, $0xb8;
	[tilespmem:$0x1E000] =	vst v63  }
0xc3: {  	s7 =	simm.s32 $0xD580  }
0xc4: {  	[spmem:s22] =	stream.indirect.scatter.add.f32 [tilespmem:s28], [sflag:$0xA], $0x10, s7, s29, $0xb8;
	[tilespmem:$0x1E000] =	vst v63  }
0xc5: {  	s12 =	simm.s32 $0xD600  }
0xc6: {  	[spmem:s22] =	stream.indirect.scatter.add.f32 [tilespmem:s28], [sflag:$0xB], $0x10, s12, s29, $0xb8;
	[tilespmem:$0x1E000] =	vst v63  }
0xc7: {  	s18 =	simm.s32 $0xD680  }
0xc8: {  	[spmem:s22] =	stream.indirect.scatter.add.f32 [tilespmem:s28], [sflag:$0xC], $0x10, s18, s29, $0xb8;
	[tilespmem:$0x1E000] =	vst v63  }
0xc9: {  	_ =	swait.ge [sflag:s8], $0x800  }
0xca: {  	[sflag:s8] =	ssyncset.done $0x0  }
0xcb: {  	[sflag:s8] =	ssyncadd.s32 $0xFFFFF800  }
0xcc: {  	_ =	swait.ge [sflag:s9], $0x800  }
0xcd: {  	[sflag:s9] =	ssyncset.done $0x0  }
0xce: {  	[sflag:s9] =	ssyncadd.s32 $0xFFFFF800  }
0xcf: {  	_ =	swait.ge [sflag:s16], $0x800  }
0xd0: {  	[sflag:s16] =	ssyncset.done $0x0  }
0xd1: {  	[sflag:s16] =	ssyncadd.s32 $0xFFFFF800  }
0xd2: {  	_ =	swait.ge [sflag:s21], $0x800  }
0xd3: {  	[sflag:s21] =	ssyncset.done $0x0  }
0xd4: {  	[sflag:s21] =	ssyncadd.s32 $0xFFFFF800  }
0xd5: {  	_ =	swait.ge [sflag:s10], $0x800  }
0xd6: {  	[sflag:s10] =	ssyncset.done $0x0  }
0xd7: {  	[sflag:s10] =	ssyncadd.s32 $0xFFFFF800  }
0xd8: {  	_ =	swait.ge [sflag:s13], $0x800  }
0xd9: {  	[sflag:s13] =	ssyncset.done $0x0  }
0xda: {  	s24 =	simm.s32 $0xD700;
	[sflag:s13] =	ssyncadd.s32 $0xFFFFF800  }
0xdb: {  	[spmem:s22] =	stream.indirect.scatter.add.f32 [tilespmem:s28], [sflag:$0x7], $0x10, s24, s29, $0xb8;
	[tilespmem:$0x1E000] =	vst v63  }
0xdc: {  	s25 =	simm.s32 $0xD780  }
0xdd: {  	[spmem:s22] =	stream.indirect.scatter.add.f32 [tilespmem:s28], [sflag:$0x8], $0x10, s25, s29, $0xb8;
	[tilespmem:$0x1E000] =	vst v63  }
0xde: {  	s31 =	simm.s32 $0xD800  }
0xdf: {  	[spmem:s22] =	stream.indirect.scatter.add.f32 [tilespmem:s28], [sflag:$0x9], $0x10, s31, s29, $0xb8;
	[tilespmem:$0x1E000] =	vst v63  }
0xe0: {  	s7 =	simm.s32 $0xD880  }
0xe1: {  	[spmem:s22] =	stream.indirect.scatter.add.f32 [tilespmem:s28], [sflag:$0xA], $0x10, s7, s29, $0xb8;
	[tilespmem:$0x1E000] =	vst v63  }
0xe2: {  	s12 =	simm.s32 $0xD900  }
0xe3: {  	[spmem:s22] =	stream.indirect.scatter.add.f32 [tilespmem:s28], [sflag:$0xB], $0x10, s12, s29, $0xb8;
	[tilespmem:$0x1E000] =	vst v63  }
0xe4: {  	s18 =	simm.s32 $0xD980  }
0xe5: {  	[spmem:s22] =	stream.indirect.scatter.add.f32 [tilespmem:s28], [sflag:$0xC], $0x10, s18, s29, $0xb8;
	[tilespmem:$0x1E000] =	vst v63  }
0xe6: {  	_ =	swait.ge [sflag:s8], $0x800  }
0xe7: {  	[sflag:s8] =	ssyncset.done $0x0  }
0xe8: {  	[sflag:s8] =	ssyncadd.s32 $0xFFFFF800  }
0xe9: {  	_ =	swait.ge [sflag:s9], $0x800  }
0xea: {  	[sflag:s9] =	ssyncset.done $0x0  }
0xeb: {  	[sflag:s9] =	ssyncadd.s32 $0xFFFFF800  }
0xec: {  	_ =	swait.ge [sflag:s16], $0x800  }
0xed: {  	[sflag:s16] =	ssyncset.done $0x0  }
0xee: {  	[sflag:s16] =	ssyncadd.s32 $0xFFFFF800  }
0xef: {  	_ =	swait.ge [sflag:s21], $0x800  }
0xf0: {  	[sflag:s21] =	ssyncset.done $0x0  }
0xf1: {  	[sflag:s21] =	ssyncadd.s32 $0xFFFFF800  }
0xf2: {  	_ =	swait.ge [sflag:s10], $0x800  }
0xf3: {  	[sflag:s10] =	ssyncset.done $0x0  }
0xf4: {  	[sflag:s10] =	ssyncadd.s32 $0xFFFFF800  }
0xf5: {  	_ =	swait.ge [sflag:s13], $0x800  }
0xf6: {  	[sflag:s13] =	ssyncset.done $0x0  }
0xf7: {  	s12 =	simm.s32 $0xE;
	[sflag:s13] =	ssyncadd.s32 $0xFFFFF800  }
0xf8: {  	_ =	swait.ge [sflag:s12], $0x600  }
0xf9: {  	[sflag:s12] =	ssyncset.done $0x0  }
0xfa: {  	p0 =	por $0x0, $0x0;
	s18 =	simm.s32 $0x10;
	[sflag:s12] =	ssyncadd.s32 $0xFFFFFA00  }
0xfb: {  	s4 =	sadd.s32 @!p0 $0x0, s17;
	_ =	swait.ge [sflag:s18], $0x600  }
0xfc: {  	s4 =	sadd.s32 @!p0 $0x180, s4;
	[sflag:s18] =	ssyncset.done $0x0  }
0xfd: {  	s24 =	simm.s32 @!p0 $0xC800;
	s7 =	simm.s32 @!p0 $0x0;
	[sflag:s18] =	ssyncadd.s32 $0xFFFFFA00  }
0xfe: {  	[tilespmem:s24], [sflag:$0xD] =	stream.linear.gather @!p0 [hbm4b:s4+s7], $0x600, $0x38;
	[tilespmem:$0x1E000] =	vst v63  }
0xff: {  	s4 =	sadd.s32 @!p0 $0x0, s20  }
0x100: {  	s24 =	simm.s32 @!p0 $0xD400;
	s4 =	sadd.s32 @!p0 $0x180, s4  }
0x101: {  	[tilespmem:s24], [sflag:$0xF] =	stream.linear.gather @!p0 [hbm4b:s4+s7], $0x600, $0x38;
	[tilespmem:$0x1E000] =	vst v63  }
0x102: {  	_ = 	snop  }
0x103: {  	[spmem:s22] =	stream.indirect.scatter.add.f32 [tilespmem:s28], [sflag:$0x7], $0x10, s23, s29, $0xb8;
	[tilespmem:$0x1E000] =	vst v63  }
0x104: {  	s24 =	simm.s32 $0xDA80  }
0x105: {  	[spmem:s22] =	stream.indirect.scatter.add.f32 [tilespmem:s28], [sflag:$0x8], $0x10, s24, s29, $0xb8;
	[tilespmem:$0x1E000] =	vst v63  }
0x106: {  	s25 =	simm.s32 $0xDB00  }
0x107: {  	[spmem:s22] =	stream.indirect.scatter.add.f32 [tilespmem:s28], [sflag:$0x9], $0x10, s25, s29, $0xb8;
	[tilespmem:$0x1E000] =	vst v63  }
0x108: {  	s31 =	simm.s32 $0xDB80  }
0x109: {  	[spmem:s22] =	stream.indirect.scatter.add.f32 [tilespmem:s28], [sflag:$0xA], $0x10, s31, s29, $0xb8;
	[tilespmem:$0x1E000] =	vst v63  }
0x10a: {  	s7 =	simm.s32 $0xDC00  }
0x10b: {  	[spmem:s22] =	stream.indirect.scatter.add.f32 [tilespmem:s28], [sflag:$0xB], $0x10, s7, s29, $0xb8;
	[tilespmem:$0x1E000] =	vst v63  }
0x10c: {  	s24 =	simm.s32 $0xDC80  }
0x10d: {  	[spmem:s22] =	stream.indirect.scatter.add.f32 [tilespmem:s28], [sflag:$0xC], $0x10, s24, s29, $0xb8;
	[tilespmem:$0x1E000] =	vst v63  }
0x10e: {  	_ =	swait.ge [sflag:s8], $0x800  }
0x10f: {  	[sflag:s8] =	ssyncset.done $0x0  }
0x110: {  	[sflag:s8] =	ssyncadd.s32 $0xFFFFF800  }
0x111: {  	_ =	swait.ge [sflag:s9], $0x800  }
0x112: {  	[sflag:s9] =	ssyncset.done $0x0  }
0x113: {  	[sflag:s9] =	ssyncadd.s32 $0xFFFFF800  }
0x114: {  	_ =	swait.ge [sflag:s16], $0x800  }
0x115: {  	[sflag:s16] =	ssyncset.done $0x0  }
0x116: {  	[sflag:s16] =	ssyncadd.s32 $0xFFFFF800  }
0x117: {  	_ =	swait.ge [sflag:s21], $0x800  }
0x118: {  	[sflag:s21] =	ssyncset.done $0x0  }
0x119: {  	[sflag:s21] =	ssyncadd.s32 $0xFFFFF800  }
0x11a: {  	_ =	swait.ge [sflag:s10], $0x800  }
0x11b: {  	[sflag:s10] =	ssyncset.done $0x0  }
0x11c: {  	[sflag:s10] =	ssyncadd.s32 $0xFFFFF800  }
0x11d: {  	_ =	swait.ge [sflag:s13], $0x800  }
0x11e: {  	[sflag:s13] =	ssyncset.done $0x0  }
0x11f: {  	s25 =	simm.s32 $0xDD00;
	[sflag:s13] =	ssyncadd.s32 $0xFFFFF800  }
0x120: {  	[spmem:s22] =	stream.indirect.scatter.add.f32 [tilespmem:s28], [sflag:$0x7], $0x10, s25, s29, $0xb8;
	[tilespmem:$0x1E000] =	vst v63  }
0x121: {  	s31 =	simm.s32 $0xDD80  }
0x122: {  	[spmem:s22] =	stream.indirect.scatter.add.f32 [tilespmem:s28], [sflag:$0x8], $0x10, s31, s29, $0xb8;
	[tilespmem:$0x1E000] =	vst v63  }
0x123: {  	s7 =	simm.s32 $0xDE00  }
0x124: {  	[spmem:s22] =	stream.indirect.scatter.add.f32 [tilespmem:s28], [sflag:$0x9], $0x10, s7, s29, $0xb8;
	[tilespmem:$0x1E000] =	vst v63  }
0x125: {  	s24 =	simm.s32 $0xDE80  }
0x126: {  	[spmem:s22] =	stream.indirect.scatter.add.f32 [tilespmem:s28], [sflag:$0xA], $0x10, s24, s29, $0xb8;
	[tilespmem:$0x1E000] =	vst v63  }
0x127: {  	s25 =	simm.s32 $0xDF00  }
0x128: {  	[spmem:s22] =	stream.indirect.scatter.add.f32 [tilespmem:s28], [sflag:$0xB], $0x10, s25, s29, $0xb8;
	[tilespmem:$0x1E000] =	vst v63  }
0x129: {  	s31 =	simm.s32 $0xDF80  }
0x12a: {  	[spmem:s22] =	stream.indirect.scatter.add.f32 [tilespmem:s28], [sflag:$0xC], $0x10, s31, s29, $0xb8;
	[tilespmem:$0x1E000] =	vst v63  }
0x12b: {  	_ =	swait.ge [sflag:s8], $0x800  }
0x12c: {  	[sflag:s8] =	ssyncset.done $0x0  }
0x12d: {  	[sflag:s8] =	ssyncadd.s32 $0xFFFFF800  }
0x12e: {  	_ =	swait.ge [sflag:s9], $0x800  }
0x12f: {  	[sflag:s9] =	ssyncset.done $0x0  }
0x130: {  	[sflag:s9] =	ssyncadd.s32 $0xFFFFF800  }
0x131: {  	_ =	swait.ge [sflag:s16], $0x800  }
0x132: {  	[sflag:s16] =	ssyncset.done $0x0  }
0x133: {  	[sflag:s16] =	ssyncadd.s32 $0xFFFFF800  }
0x134: {  	_ =	swait.ge [sflag:s21], $0x800  }
0x135: {  	[sflag:s21] =	ssyncset.done $0x0  }
0x136: {  	[sflag:s21] =	ssyncadd.s32 $0xFFFFF800  }
0x137: {  	_ =	swait.ge [sflag:s10], $0x800  }
0x138: {  	[sflag:s10] =	ssyncset.done $0x0  }
0x139: {  	[sflag:s10] =	ssyncadd.s32 $0xFFFFF800  }
0x13a: {  	s30 =	simm.s32 $0xDF80;
	s4 =	simm.s32 $0x180;
	_ =	swait.ge [sflag:s13], $0x800  }
.LBB2_2:
0x13b: {  	[sflag:s13] =	ssyncset.done $0x0;
	s7 =	smov.u32 s4;
	s4 =	sadd.s32 $0x180, s4  }
0x13c: {  	p0 =	sne.s32 s4, $0xA80;
	[sflag:s13] =	ssyncadd.s32 $0xFFFFF800  }
0x13d: {  	_ =	swait.ge [sflag:s14], $0x600  }
0x13e: {  	[sflag:s14] =	ssyncset.done $0x0  }
0x13f: {  	[sflag:s14] =	ssyncadd.s32 $0xFFFFFA00  }
0x140: {  	s24 =	sadd.s32 s7, s17;
	_ =	swait.ge [sflag:s2], $0x600  }
0x141: {  	s25 =	sadd.s32 s7, s20;
	s24 =	sadd.s32 $0xC0, s24;
	[sflag:s2] =	ssyncset.done $0x0  }
0x142: {  	s31 =	simm.s32 $0xCE00;
	[sflag:s2] =	ssyncadd.s32 $0xFFFFFA00  }
0x143: {  	[tilespmem:s31], [sflag:$0xE] =	stream.linear.gather [hbm4b:s24+s26], $0x600, $0x38;
	[tilespmem:$0x1E000] =	vst v63  }
0x144: {  	s24 =	sadd.s32 $0xC0, s25  }
0x145: {  	[tilespmem:s23], [sflag:$0x10] =	stream.linear.gather [hbm4b:s24+s26], $0x600, $0x38;
	[tilespmem:$0x1E000] =	vst v63  }
0x146: {  	s24 =	simm.s32 $0xD400  }
0x147: {  	[spmem:s22] =	stream.indirect.scatter.add.f32 [tilespmem:s28], [sflag:$0x7], $0x10, s24, s29, $0xb8;
	[tilespmem:$0x1E000] =	vst v63  }
0x148: {  	s24 =	simm.s32 $0xD480  }
0x149: {  	[spmem:s22] =	stream.indirect.scatter.add.f32 [tilespmem:s28], [sflag:$0x8], $0x10, s24, s29, $0xb8;
	[tilespmem:$0x1E000] =	vst v63  }
0x14a: {  	s24 =	simm.s32 $0xD500  }
0x14b: {  	[spmem:s22] =	stream.indirect.scatter.add.f32 [tilespmem:s28], [sflag:$0x9], $0x10, s24, s29, $0xb8;
	[tilespmem:$0x1E000] =	vst v63  }
0x14c: {  	s24 =	simm.s32 $0xD580  }
0x14d: {  	[spmem:s22] =	stream.indirect.scatter.add.f32 [tilespmem:s28], [sflag:$0xA], $0x10, s24, s29, $0xb8;
	[tilespmem:$0x1E000] =	vst v63  }
0x14e: {  	s24 =	simm.s32 $0xD600  }
0x14f: {  	[spmem:s22] =	stream.indirect.scatter.add.f32 [tilespmem:s28], [sflag:$0xB], $0x10, s24, s29, $0xb8;
	[tilespmem:$0x1E000] =	vst v63  }
0x150: {  	s24 =	simm.s32 $0xD680  }
0x151: {  	[spmem:s22] =	stream.indirect.scatter.add.f32 [tilespmem:s28], [sflag:$0xC], $0x10, s24, s29, $0xb8;
	[tilespmem:$0x1E000] =	vst v63  }
0x152: {  	_ =	swait.ge [sflag:s8], $0x800  }
0x153: {  	[sflag:s8] =	ssyncset.done $0x0  }
0x154: {  	[sflag:s8] =	ssyncadd.s32 $0xFFFFF800  }
0x155: {  	_ =	swait.ge [sflag:s9], $0x800  }
0x156: {  	[sflag:s9] =	ssyncset.done $0x0  }
0x157: {  	[sflag:s9] =	ssyncadd.s32 $0xFFFFF800  }
0x158: {  	_ =	swait.ge [sflag:s16], $0x800  }
0x159: {  	[sflag:s16] =	ssyncset.done $0x0  }
0x15a: {  	[sflag:s16] =	ssyncadd.s32 $0xFFFFF800  }
0x15b: {  	_ =	swait.ge [sflag:s21], $0x800  }
0x15c: {  	[sflag:s21] =	ssyncset.done $0x0  }
0x15d: {  	[sflag:s21] =	ssyncadd.s32 $0xFFFFF800  }
0x15e: {  	_ =	swait.ge [sflag:s10], $0x800  }
0x15f: {  	[sflag:s10] =	ssyncset.done $0x0  }
0x160: {  	[sflag:s10] =	ssyncadd.s32 $0xFFFFF800  }
0x161: {  	_ =	swait.ge [sflag:s13], $0x800  }
0x162: {  	[sflag:s13] =	ssyncset.done $0x0  }
0x163: {  	s24 =	simm.s32 $0xD700;
	[sflag:s13] =	ssyncadd.s32 $0xFFFFF800  }
0x164: {  	[spmem:s22] =	stream.indirect.scatter.add.f32 [tilespmem:s28], [sflag:$0x7], $0x10, s24, s29, $0xb8;
	[tilespmem:$0x1E000] =	vst v63  }
0x165: {  	s24 =	simm.s32 $0xD780  }
0x166: {  	[spmem:s22] =	stream.indirect.scatter.add.f32 [tilespmem:s28], [sflag:$0x8], $0x10, s24, s29, $0xb8;
	[tilespmem:$0x1E000] =	vst v63  }
0x167: {  	s24 =	simm.s32 $0xD800  }
0x168: {  	[spmem:s22] =	stream.indirect.scatter.add.f32 [tilespmem:s28], [sflag:$0x9], $0x10, s24, s29, $0xb8;
	[tilespmem:$0x1E000] =	vst v63  }
0x169: {  	s24 =	simm.s32 $0xD880  }
0x16a: {  	[spmem:s22] =	stream.indirect.scatter.add.f32 [tilespmem:s28], [sflag:$0xA], $0x10, s24, s29, $0xb8;
	[tilespmem:$0x1E000] =	vst v63  }
0x16b: {  	s24 =	simm.s32 $0xD900  }
0x16c: {  	[spmem:s22] =	stream.indirect.scatter.add.f32 [tilespmem:s28], [sflag:$0xB], $0x10, s24, s29, $0xb8;
	[tilespmem:$0x1E000] =	vst v63  }
0x16d: {  	s24 =	simm.s32 $0xD980  }
0x16e: {  	[spmem:s22] =	stream.indirect.scatter.add.f32 [tilespmem:s28], [sflag:$0xC], $0x10, s24, s29, $0xb8;
	[tilespmem:$0x1E000] =	vst v63  }
0x16f: {  	_ =	swait.ge [sflag:s8], $0x800  }
0x170: {  	[sflag:s8] =	ssyncset.done $0x0  }
0x171: {  	[sflag:s8] =	ssyncadd.s32 $0xFFFFF800  }
0x172: {  	_ =	swait.ge [sflag:s9], $0x800  }
0x173: {  	[sflag:s9] =	ssyncset.done $0x0  }
0x174: {  	[sflag:s9] =	ssyncadd.s32 $0xFFFFF800  }
0x175: {  	_ =	swait.ge [sflag:s16], $0x800  }
0x176: {  	[sflag:s16] =	ssyncset.done $0x0  }
0x177: {  	[sflag:s16] =	ssyncadd.s32 $0xFFFFF800  }
0x178: {  	_ =	swait.ge [sflag:s21], $0x800  }
0x179: {  	[sflag:s21] =	ssyncset.done $0x0  }
0x17a: {  	[sflag:s21] =	ssyncadd.s32 $0xFFFFF800  }
0x17b: {  	_ =	swait.ge [sflag:s10], $0x800  }
0x17c: {  	[sflag:s10] =	ssyncset.done $0x0  }
0x17d: {  	[sflag:s10] =	ssyncadd.s32 $0xFFFFF800  }
0x17e: {  	_ =	swait.ge [sflag:s13], $0x800  }
0x17f: {  	[sflag:s13] =	ssyncset.done $0x0  }
0x180: {  	[sflag:s13] =	ssyncadd.s32 $0xFFFFF800  }
0x181: {  	_ =	swait.ge [sflag:s12], $0x600  }
0x182: {  	[sflag:s12] =	ssyncset.done $0x0  }
0x183: {  	p1 =	seq.s32 s7, $0x900;
	[sflag:s12] =	ssyncadd.s32 $0xFFFFFA00  }
0x184: {  	s25 =	simm.s32 @!p1 $0x0;
	s24 =	sadd.s32 @!p1 s7, s17;
	_ =	swait.ge [sflag:s18], $0x600  }
0x185: {  	s26 =	simm.s32 @!p1 $0xC800;
	s24 =	sadd.s32 @!p1 $0x180, s24;
	[sflag:s18] =	ssyncset.done $0x0  }
0x186: {  	s7 =	sadd.s32 @!p1 s7, s20;
	s28 =	simm.s32 @!p1 $0xD400;
	[sflag:s18] =	ssyncadd.s32 $0xFFFFFA00  }
0x187: {  	[tilespmem:s26], [sflag:$0xD] =	stream.linear.gather @!p1 [hbm4b:s24+s25], $0x600, $0x38;
	[tilespmem:$0x1E000] =	vst v63  }
0x188: {  	s7 =	sadd.s32 @!p1 $0x180, s7  }
0x189: {  	[tilespmem:s28], [sflag:$0xF] =	stream.linear.gather @!p1 [hbm4b:s7+s25], $0x600, $0x38;
	[tilespmem:$0x1E000] =	vst v63  }
0x18a: {  	s26 =	simm.s32 $0x0;
	s28 =	simm.s32 $0x1A000;
	_ =	sdelay $0x1  }
0x18b: {  	[spmem:s22] =	stream.indirect.scatter.add.f32 [tilespmem:s28], [sflag:$0x7], $0x10, s23, s29, $0xb8;
	[tilespmem:$0x1E000] =	vst v63  }
0x18c: {  	s7 =	simm.s32 $0xDA80  }
0x18d: {  	[spmem:s22] =	stream.indirect.scatter.add.f32 [tilespmem:s28], [sflag:$0x8], $0x10, s7, s29, $0xb8;
	[tilespmem:$0x1E000] =	vst v63  }
0x18e: {  	s7 =	simm.s32 $0xDB00  }
0x18f: {  	[spmem:s22] =	stream.indirect.scatter.add.f32 [tilespmem:s28], [sflag:$0x9], $0x10, s7, s29, $0xb8;
	[tilespmem:$0x1E000] =	vst v63  }
0x190: {  	s7 =	simm.s32 $0xDB80  }
0x191: {  	[spmem:s22] =	stream.indirect.scatter.add.f32 [tilespmem:s28], [sflag:$0xA], $0x10, s7, s29, $0xb8;
	[tilespmem:$0x1E000] =	vst v63  }
0x192: {  	s7 =	simm.s32 $0xDC00  }
0x193: {  	[spmem:s22] =	stream.indirect.scatter.add.f32 [tilespmem:s28], [sflag:$0xB], $0x10, s7, s29, $0xb8;
	[tilespmem:$0x1E000] =	vst v63  }
0x194: {  	s7 =	simm.s32 $0xDC80  }
0x195: {  	[spmem:s22] =	stream.indirect.scatter.add.f32 [tilespmem:s28], [sflag:$0xC], $0x10, s7, s29, $0xb8;
	[tilespmem:$0x1E000] =	vst v63  }
0x196: {  	_ =	swait.ge [sflag:s8], $0x800  }
0x197: {  	[sflag:s8] =	ssyncset.done $0x0  }
0x198: {  	[sflag:s8] =	ssyncadd.s32 $0xFFFFF800  }
0x199: {  	_ =	swait.ge [sflag:s9], $0x800  }
0x19a: {  	[sflag:s9] =	ssyncset.done $0x0  }
0x19b: {  	[sflag:s9] =	ssyncadd.s32 $0xFFFFF800  }
0x19c: {  	_ =	swait.ge [sflag:s16], $0x800  }
0x19d: {  	[sflag:s16] =	ssyncset.done $0x0  }
0x19e: {  	[sflag:s16] =	ssyncadd.s32 $0xFFFFF800  }
0x19f: {  	_ =	swait.ge [sflag:s21], $0x800  }
0x1a0: {  	[sflag:s21] =	ssyncset.done $0x0  }
0x1a1: {  	[sflag:s21] =	ssyncadd.s32 $0xFFFFF800  }
0x1a2: {  	_ =	swait.ge [sflag:s10], $0x800  }
0x1a3: {  	[sflag:s10] =	ssyncset.done $0x0  }
0x1a4: {  	[sflag:s10] =	ssyncadd.s32 $0xFFFFF800  }
0x1a5: {  	_ =	swait.ge [sflag:s13], $0x800  }
0x1a6: {  	[sflag:s13] =	ssyncset.done $0x0  }
0x1a7: {  	s7 =	simm.s32 $0xDD00;
	[sflag:s13] =	ssyncadd.s32 $0xFFFFF800  }
0x1a8: {  	[spmem:s22] =	stream.indirect.scatter.add.f32 [tilespmem:s28], [sflag:$0x7], $0x10, s7, s29, $0xb8;
	[tilespmem:$0x1E000] =	vst v63  }
0x1a9: {  	s7 =	simm.s32 $0xDD80  }
0x1aa: {  	[spmem:s22] =	stream.indirect.scatter.add.f32 [tilespmem:s28], [sflag:$0x8], $0x10, s7, s29, $0xb8;
	[tilespmem:$0x1E000] =	vst v63  }
0x1ab: {  	s7 =	simm.s32 $0xDE00  }
0x1ac: {  	[spmem:s22] =	stream.indirect.scatter.add.f32 [tilespmem:s28], [sflag:$0x9], $0x10, s7, s29, $0xb8;
	[tilespmem:$0x1E000] =	vst v63  }
0x1ad: {  	s7 =	simm.s32 $0xDE80  }
0x1ae: {  	[spmem:s22] =	stream.indirect.scatter.add.f32 [tilespmem:s28], [sflag:$0xA], $0x10, s7, s29, $0xb8;
	[tilespmem:$0x1E000] =	vst v63  }
0x1af: {  	s7 =	simm.s32 $0xDF00  }
0x1b0: {  	[spmem:s22] =	stream.indirect.scatter.add.f32 [tilespmem:s28], [sflag:$0xB], $0x10, s7, s29, $0xb8;
	[tilespmem:$0x1E000] =	vst v63  }
0x1b1: {  	_ = 	snop  }
0x1b2: {  	[spmem:s22] =	stream.indirect.scatter.add.f32 [tilespmem:s28], [sflag:$0xC], $0x10, s30, s29, $0xb8;
	[tilespmem:$0x1E000] =	vst v63  }
0x1b3: {  	_ =	swait.ge [sflag:s8], $0x800  }
0x1b4: {  	[sflag:s8] =	ssyncset.done $0x0  }
0x1b5: {  	[sflag:s8] =	ssyncadd.s32 $0xFFFFF800  }
0x1b6: {  	_ =	swait.ge [sflag:s9], $0x800  }
0x1b7: {  	[sflag:s9] =	ssyncset.done $0x0  }
0x1b8: {  	[sflag:s9] =	ssyncadd.s32 $0xFFFFF800  }
0x1b9: {  	_ =	swait.ge [sflag:s16], $0x800  }
0x1ba: {  	[sflag:s16] =	ssyncset.done $0x0  }
0x1bb: {  	[sflag:s16] =	ssyncadd.s32 $0xFFFFF800  }
0x1bc: {  	_ =	swait.ge [sflag:s21], $0x800  }
0x1bd: {  	[sflag:s21] =	ssyncset.done $0x0  }
.Ltmp0:
0x1be: {  	[sflag:s21] =	ssyncadd.s32 $0xFFFFF800;
	(pc) =	sbr.rel @p0 .LBB2_2-.Ltmp0, $4  }
0x1bf: {  	_ =	swait.ge [sflag:s10], $0x800  }
0x1c0: {  	[sflag:s10] =	ssyncset.done $0x0  }
0x1c1: {  	[sflag:s10] =	ssyncadd.s32 $0xFFFFF800  }
0x1c2: {  	_ =	swait.ge [sflag:s13], $0x800  }
0x1c3: {  	[sflag:s13] =	ssyncset.done $0x0  }
0x1c4: {  	s14 =	simm.s32 $0x0;
	s25 =	simm.s32 $0x11;
	[sflag:s13] =	ssyncadd.s32 $0xFFFFF800  }
0x1c5: {  	s23 =	smov.u32 s20;
	s20 =	smov.u32 s17;
	[bflag:$0x0] =	sbarrier.arrive $0xFFFF  }
0x1c6: {  	s2 =	simm.s32 $0x1DC00;
	s12 =	simm.s32 $0x1CC00;
	s24 =	sld [smem:$0x7FD]  }
.LBB2_4:
0x1c7: {  	s4 =	sshll.u32 s14, $0xA  }
0x1c8: {  	s4 =	sand.u32 $0x3FFFFC00, s4  }
0x1c9: {  	s17 =	sadd.s32 s4, s24  }
0x1ca: {  	[tilespmem:s2], [sflag:$0x11] =	stream.linear.gather [spmem:s17], $0x400, $0x38;
	[tilespmem:$0x1E000] =	vst v63  }
0x1cb: {  	_ =	swait.ge [sflag:s25], $0x400  }
0x1cc: {  	[sflag:s25] =	ssyncset.done $0x0  }
0x1cd: {  	s7 =	simm.s32 $0x0;
	[sflag:s25] =	ssyncadd.s32 $0xFFFFFC00  }
0x1ce: {  	v0 =	vld [tilespmem:s7+$0x1DC90]  }
0x1cf: {  	v1 =	vld [tilespmem:s7+$0x1DCF0]  }
0x1d0: {  	v2 =	vld [tilespmem:s7+$0x1DC80]  }
0x1d1: {  	v3 =	vld [tilespmem:s7+$0x1DC60]  }
0x1d2: {  	v4 =	vld [tilespmem:s7+$0x1DC40]  }
0x1d3: {  	v14 =	vld [tilespmem:s7+$0x1DCA0]  }
0x1d4: {  	v13 =	vld [tilespmem:s7+$0x1DCB0]  }
0x1d5: {  	v25 =	vld [tilespmem:s7+$0x1DC30]  }
0x1d6: {  	v9 =	vmul.f32 $5.000000000e-01, v0  }
0x1d7: {  	v17 =	vld [tilespmem:s7+$0x1DCE0];
	v5 =	vshra.s32 v0, $0x1;
	v10 =	vmul.f32 $5.000000000e-01, v1;
	v15 =	vmul.f32 $5.000000000e-01, v2  }
0x1d8: {  	v31 =	vld [tilespmem:s7+$0x1DCC0];
	v16 =	vshra.s32 v1, $0x1;
	v8 =	vmul.f32 $5.000000000e-01, v3;
	v3 =	vshra.s32 v3, $0x1  }
0x1d9: {  	v2 =	vshra.s32 v2, $0x1;
	v7 =	vmul.f32 $5.000000000e-01, v4;
	v18 =	vshra.s32 v14, $0x1  }
0x1da: {  	v28 =	vmul.f32 $5.000000000e-01, v13;
	v4 =	vshra.s32 v4, $0x1;
	v33 =	vmul.f32 $5.000000000e-01, v25  }
0x1db: {  	v14 =	vmul.f32 $5.000000000e-01, v14;
	v0 =	vsub.s32 $0x5F3759DF, v5;
	v19 =	vsub.s32 $0x5F3759DF, v3  }
0x1dc: {  	v20 =	vsub.s32 $0x5F3759DF, v2;
	v18 =	vsub.s32 $0x5F3759DF, v18;
	v3 =	vmul.f32 $5.000000000e-01, v17  }
0x1dd: {  	v5 =	vld [tilespmem:s7+$0x1DC50];
	v60 =	vsub.s32 $0x5F3759DF, v4;
	v4 =	vmul.f32 $5.000000000e-01, v31;
	v6 =	vmul.f32 v0, v9  }
0x1de: {  	v16 =	vsub.s32 $0x5F3759DF, v16;
	v2 =	vmul.f32 v19, v8;
	v27 =	vmul.f32 v20, v15  }
0x1df: {  	v11 =	vld [tilespmem:s7+$0x1DC20];
	v31 =	vshra.s32 v31, $0x1;
	v35 =	vmul.f32 v60, v7;
	v63 =	vmul.f32 v18, v14  }
0x1e0: {  	v42 =	vmul.f32 v16, v10;
	v31 =	vsub.s32 $0x5F3759DF, v31;
	v1 =	vmul.f32 v0, v6  }
0x1e1: {  	v49 =	vmul.f32 v31, v4;
	v27 =	vmul.f32 v20, v27  }
0x1e2: {  	v24 =	vmul.f32 v19, v2;
	v1 =	vsub.f32 $1.500000000e+00, v1;
	v6 =	vmul.f32 $5.000000000e-01, v5  }
0x1e3: {  	v12 =	vld [tilespmem:s7+$0x1DC70];
	v21 =	vshra.s32 v5, $0x1;
	v5 =	vshra.s32 v13, $0x1;
	v27 =	vsub.f32 $1.500000000e+00, v27  }
0x1e4: {  	v22 =	vld [tilespmem:s7+$0x1DCD0];
	v5 =	vsub.s32 $0x5F3759DF, v5;
	v23 =	vmul.f32 v0, v1;
	v0 =	vmul.f32 $5.000000000e-01, v11  }
0x1e5: {  	v24 =	vsub.f32 $1.500000000e+00, v24;
	v32 =	vmul.f32 v5, v28;
	v20 =	vmul.f32 v20, v27  }
0x1e6: {  	v21 =	vsub.s32 $0x5F3759DF, v21;
	v27 =	vmul.f32 v60, v35;
	v2 =	vmul.f32 v23, v9  }
0x1e7: {  	v1 =	vshra.s32 v11, $0x1;
	v19 =	vmul.f32 v19, v24;
	v45 =	vmul.f32 v21, v6  }
0x1e8: {  	v11 =	vsub.s32 $0x5F3759DF, v1;
	v1 =	vmul.f32 $5.000000000e-01, v12;
	v2 =	vmul.f32 v2, v23  }
0x1e9: {  	v26 =	vld [tilespmem:s7+$0x1DC10];
	v29 =	vshra.s32 v22, $0x1;
	v13 =	vmul.f32 v11, v0;
	v59 =	vmul.f32 v5, v32  }
0x1ea: {  	v61 =	vmul.f32 v20, v15;
	v27 =	vsub.f32 $1.500000000e+00, v27;
	v30 =	vsub.f32 $1.500000000e+00, v2  }
0x1eb: {  	v25 =	vshra.s32 v25, $0x1;
	v38 =	vmul.f32 v19, v8;
	v13 =	vmul.f32 v11, v13  }
0x1ec: {  	v29 =	vsub.s32 $0x5F3759DF, v29;
	v27 =	vmul.f32 v60, v27;
	v23 =	vmul.f32 v30, v23  }
0x1ed: {  	v25 =	vsub.s32 $0x5F3759DF, v25;
	v51 =	vmul.f32 v38, v19;
	v2 =	vmul.f32 $5.000000000e-01, v22  }
0x1ee: {  	v22 =	vshra.s32 v26, $0x1;
	v26 =	vmul.f32 $5.000000000e-01, v26;
	v9 =	vmul.f32 v23, v9  }
0x1ef: {  	v39 =	vmul.f32 v27, v7;
	v22 =	vsub.s32 $0x5F3759DF, v22;
	v34 =	vmul.f32 v29, v2  }
0x1f0: {  	v30 =	vsub.f32 $1.500000000e+00, v59;
	v36 =	vmul.f32 v22, v26;
	v9 =	vmul.f32 v9, v23  }
0x1f1: {  	v47 =	vmul.f32 v39, v27;
	v59 =	vsub.f32 $1.500000000e+00, v13;
	v34 =	vmul.f32 v29, v34  }
0x1f2: {  	v30 =	vmul.f32 v5, v30;
	v5 =	vmul.f32 v22, v36;
	v9 =	vsub.f32 $1.500000000e+00, v9  }
0x1f3: {  	v36 =	vmul.f32 v21, v45;
	v55 =	vsub.f32 $1.500000000e+00, v47;
	v11 =	vmul.f32 v11, v59  }
0x1f4: {  	v5 =	vsub.f32 $1.500000000e+00, v5;
	v23 =	vmul.f32 v9, v23;
	v9 =	vshra.s32 v17, $0x1  }
0x1f5: {  	v27 =	vmul.f32 v55, v27;
	v62 =	vsub.s32 $0x5F3759DF, v9;
	v9 =	vmul.f32 v61, v20  }
0x1f6: {  	v22 =	vmul.f32 v22, v5;
	v17 =	vmul.f32 v25, v33  }
0x1f7: {  	v37 =	vld [tilespmem:s7+$0x1DC00];
	v40 =	vmul.f32 v62, v3;
	v5 =	vsub.f32 $1.500000000e+00, v9;
	v9 =	vmul.f32 v18, v63  }
0x1f8: {  	v24 =	vsub.f32 $1.500000000e+00, v34;
	v7 =	vmul.f32 v27, v7;
	[tilespmem:s7+$0x1DC90] =	vst v23;
	v23 =	vmul.f32 v11, v0  }
0x1f9: {  	v17 =	vmul.f32 v25, v17;
	v41 =	vmul.f32 v62, v40;
	v9 =	vsub.f32 $1.500000000e+00, v9  }
0x1fa: {  	v23 =	vmul.f32 v23, v11;
	v34 =	vmul.f32 v5, v20  }
0x1fb: {  	v17 =	vsub.f32 $1.500000000e+00, v17;
	v5 =	vmul.f32 v29, v24;
	v18 =	vmul.f32 v18, v9  }
0x1fc: {  	v43 =	vshra.s32 v37, $0x1;
	v20 =	vmul.f32 v22, v26;
	v29 =	vmul.f32 v16, v42  }
0x1fd: {  	v32 =	vsub.s32 $0x5F3759DF, v43;
	v17 =	vmul.f32 v25, v17;
	v44 =	vmul.f32 v18, v14  }
0x1fe: {  	v24 =	vsub.f32 $1.500000000e+00, v41;
	v15 =	vmul.f32 v34, v15;
	v20 =	vmul.f32 v20, v22  }
0x1ff: {  	v9 =	vmul.f32 $5.000000000e-01, v37;
	v29 =	vsub.f32 $1.500000000e+00, v29;
	v35 =	vmul.f32 v44, v18  }
0x200: {  	v52 =	vmul.f32 v5, v2;
	v24 =	vmul.f32 v62, v24;
	v20 =	vsub.f32 $1.500000000e+00, v20  }
0x201: {  	v46 =	vmul.f32 v17, v33;
	v25 =	vmul.f32 v32, v9;
	v35 =	vsub.f32 $1.500000000e+00, v35  }
0x202: {  	v20 =	vmul.f32 v20, v22;
	v22 =	vmul.f32 v30, v28  }
0x203: {  	v16 =	vmul.f32 v16, v29;
	v18 =	vmul.f32 v35, v18  }
0x204: {  	v26 =	vmul.f32 v20, v26;
	v22 =	vmul.f32 v22, v30  }
0x205: {  	v40 =	vmul.f32 v15, v34;
	v14 =	vmul.f32 v18, v14  }
0x206: {  	v48 =	vmul.f32 v46, v17;
	v26 =	vmul.f32 v26, v20;
	v22 =	vsub.f32 $1.500000000e+00, v22  }
0x207: {  	v15 =	vmul.f32 v24, v3;
	v14 =	vmul.f32 v14, v18  }
0x208: {  	v25 =	vmul.f32 v32, v25;
	v26 =	vsub.f32 $1.500000000e+00, v26;
	v22 =	vmul.f32 v22, v30  }
0x209: {  	v50 =	vmul.f32 v16, v10;
	v54 =	vmul.f32 v15, v24;
	v14 =	vsub.f32 $1.500000000e+00, v14  }
0x20a: {  	v25 =	vsub.f32 $1.500000000e+00, v25;
	v20 =	vmul.f32 v26, v20;
	v28 =	vmul.f32 v22, v28  }
0x20b: {  	v29 =	vsub.f32 $1.500000000e+00, v48;
	v26 =	vmul.f32 v14, v18;
	v14 =	vmul.f32 v50, v16  }
0x20c: {  	v25 =	vmul.f32 v32, v25;
	v28 =	vmul.f32 v28, v22;
	v18 =	vsub.f32 $1.500000000e+00, v36  }
0x20d: {  	v53 =	vsub.f32 $1.500000000e+00, v14;
	v14 =	vmul.f32 v29, v17;
	v17 =	vsub.f32 $1.500000000e+00, v51  }
0x20e: {  	v32 =	vmul.f32 v25, v9;
	v18 =	vmul.f32 v21, v18;
	v21 =	vsub.f32 $1.500000000e+00, v28  }
0x20f: {  	v16 =	vmul.f32 v53, v16;
	v15 =	vmul.f32 v17, v19  }
0x210: {  	v17 =	vmul.f32 v32, v25;
	v22 =	vmul.f32 v21, v22  }
0x211: {  	v19 =	vshra.s32 v12, $0x1;
	v12 =	vmul.f32 v52, v5;
	v21 =	vmul.f32 v31, v49  }
0x212: {  	v56 =	vmul.f32 v14, v33;
	v57 =	vsub.s32 $0x5F3759DF, v19;
	v19 =	vmul.f32 v18, v6  }
0x213: {  	v10 =	vmul.f32 v16, v10;
	v58 =	vmul.f32 v15, v8  }
0x214: {  	v8 =	vmul.f32 v57, v1;
	v21 =	vsub.f32 $1.500000000e+00, v21;
	v13 =	vmul.f32 v56, v14  }
0x215: {  	v19 =	vmul.f32 v19, v18;
	v10 =	vmul.f32 v10, v16  }
0x216: {  	v60 =	vmul.f32 v57, v8;
	v8 =	vmul.f32 v31, v21  }
0x217: {  	v62 =	vsub.f32 $1.500000000e+00, v17;
	v33 =	vmul.f32 v58, v15;
	v10 =	vsub.f32 $1.500000000e+00, v10  }
0x218: {  	v61 =	vsub.f32 $1.500000000e+00, v19;
	v30 =	vsub.f32 $1.500000000e+00, v60;
	v21 =	vmul.f32 v8, v4  }
0x219: {  	v19 =	vmul.f32 v10, v16;
	v10 =	vsub.f32 $1.500000000e+00, v54;
	v16 =	vmul.f32 v7, v27  }
0x21a: {  	v63 =	vsub.f32 $1.500000000e+00, v40;
	v7 =	vmul.f32 v61, v18;
	v17 =	vmul.f32 v57, v30  }
0x21b: {  	[tilespmem:s7+$0x1DC10] =	vst v20;
	v18 =	vmul.f32 v62, v25;
	v16 =	vsub.f32 $1.500000000e+00, v16;
	v10 =	vmul.f32 v10, v24  }
0x21c: {  	[tilespmem:s7+$0x1DCA0] =	vst v26;
	v24 =	vmul.f32 v17, v1;
	v6 =	vmul.f32 v7, v6  }
0x21d: {  	s4 =	simm.s32 $0x400;
	[tilespmem:s7+$0x1DCB0] =	vst v22;
	v22 =	vsub.f32 $1.500000000e+00, v33;
	v20 =	vmul.f32 v16, v27;
	v16 =	vmul.f32 v63, v34  }
.LBB2_5:
0x21e: {  	s26 =	sshra.s32 s4, $0x2;
	p0 =	sne.s32 s4, $0xC00;
	s4 =	sadd.s32 $0x400, s4;
	v25 =	vmul.f32 v18, v9;
	v24 =	vmul.f32 v24, v17;
	[tilespmem:s7+$0x1DCF0] =	vst v19  }
0x21f: {  	v19 =	vsub.f32 $1.500000000e+00, v23;
	v15 =	vmul.f32 v22, v15;
	v9 =	vld [tilespmem:s26+$0x1DCA0];
	[tilespmem:s7+$0x1DC80] =	vst v16;
	v16 =	vmul.f32 v21, v8  }
0x220: {  	v12 =	vsub.f32 $1.500000000e+00, v12;
	v3 =	vmul.f32 v10, v3;
	v21 =	vld [tilespmem:s26+$0x1DCF0];
	v22 =	vmul.f32 v25, v18  }
0x221: {  	v13 =	vsub.f32 $1.500000000e+00, v13;
	v6 =	vmul.f32 v6, v7;
	v24 =	vsub.f32 $1.500000000e+00, v24;
	v23 =	vld [tilespmem:s26+$0x1DC90]  }
0x222: {  	v11 =	vmul.f32 v19, v11;
	v12 =	vmul.f32 v12, v5;
	v25 =	vld [tilespmem:s26+$0x1DC80];
	v22 =	vsub.f32 $1.500000000e+00, v22  }
0x223: {  	v13 =	vmul.f32 v13, v14;
	v6 =	vsub.f32 $1.500000000e+00, v6;
	v14 =	vmul.f32 v24, v17;
	[tilespmem:s7+$0x1DC40] =	vst v20  }
0x224: {  	v0 =	vmul.f32 v11, v0;
	v19 =	vld [tilespmem:s26+$0x1DC40];
	v17 =	vmul.f32 v22, v18;
	[tilespmem:s7+$0x1DC60] =	vst v15;
	v15 =	vsub.f32 $1.500000000e+00, v16  }
0x225: {  	v3 =	vmul.f32 v3, v10;
	v1 =	vmul.f32 v14, v1;
	v16 =	vld [tilespmem:s26+$0x1DC60];
	v5 =	vshra.s32 v21, $0x1;
	[tilespmem:s7+$0x1DC30] =	vst v13  }
0x226: {  	v6 =	vmul.f32 v6, v7;
	v0 =	vmul.f32 v0, v11  }
0x227: {  	v2 =	vmul.f32 v12, v2;
	v3 =	vsub.f32 $1.500000000e+00, v3;
	v7 =	vmul.f32 $5.000000000e-01, v21;
	v18 =	vld [tilespmem:s26+$0x1DC30];
	[tilespmem:s7+$0x1DC00] =	vst v17  }
0x228: {  	v0 =	vsub.f32 $1.500000000e+00, v0;
	v1 =	vmul.f32 v1, v14;
	v20 =	vmul.f32 v15, v8;
	v13 =	vld [tilespmem:s26+$0x1DCB0];
	[tilespmem:s7+$0x1DC50] =	vst v6  }
0x229: {  	v2 =	vmul.f32 v2, v12;
	v15 =	vmul.f32 $5.000000000e-01, v25;
	v21 =	vld [tilespmem:s26+$0x1DC50]  }
0x22a: {  	v6 =	vshra.s32 v23, $0x1;
	v4 =	vmul.f32 v20, v4;
	v8 =	vmul.f32 $5.000000000e-01, v16  }
0x22b: {  	v3 =	vmul.f32 v3, v10;
	v1 =	vsub.f32 $1.500000000e+00, v1;
	v16 =	vshra.s32 v16, $0x1  }
0x22c: {  	v22 =	vshra.s32 v25, $0x1;
	v23 =	vmul.f32 $5.000000000e-01, v23;
	v0 =	vmul.f32 v0, v11;
	v17 =	vld [tilespmem:s26+$0x1DC00]  }
0x22d: {  	v2 =	vsub.f32 $1.500000000e+00, v2;
	v10 =	vmul.f32 $5.000000000e-01, v19;
	v11 =	vsub.s32 $0x5F3759DF, v6;
	[tilespmem:s7+$0x1DCE0] =	vst v3  }
0x22e: {  	v24 =	vshra.s32 v9, $0x1;
	v3 =	vmul.f32 v11, v23;
	[tilespmem:s7+$0x1DC20] =	vst v0;
	v0 =	vmul.f32 v1, v14  }
0x22f: {  	v4 =	vmul.f32 v4, v20;
	v16 =	vsub.s32 $0x5F3759DF, v16;
	v6 =	vmul.f32 $5.000000000e-01, v21;
	v1 =	vld [tilespmem:s26+$0x1DC20]  }
0x230: {  	v22 =	vsub.s32 $0x5F3759DF, v22;
	v3 =	vmul.f32 v11, v3;
	v25 =	vld [tilespmem:s26+$0x1DCE0];
	[tilespmem:s7+$0x1DC70] =	vst v0;
	v0 =	vmul.f32 v2, v12  }
0x231: {  	v4 =	vsub.f32 $1.500000000e+00, v4;
	v14 =	vshra.s32 v13, $0x1;
	v2 =	vshra.s32 v21, $0x1;
	v21 =	vld [tilespmem:s26+$0x1DC70]  }
0x232: {  	v26 =	vshra.s32 v17, $0x1;
	v3 =	vsub.f32 $1.500000000e+00, v3;
	[tilespmem:s7+$0x1DCD0] =	vst v0  }
0x233: {  	v24 =	vsub.s32 $0x5F3759DF, v24;
	v4 =	vmul.f32 v4, v20;
	v0 =	vmul.f32 v16, v8;
	v27 =	vld [tilespmem:s26+$0x1DCD0]  }
0x234: {  	v12 =	vsub.s32 $0x5F3759DF, v2;
	v28 =	vmul.f32 v11, v3;
	v20 =	vshra.s32 v1, $0x1  }
0x235: {  	v30 =	vsub.s32 $0x5F3759DF, v14;
	v29 =	vmul.f32 v16, v0;
	v3 =	vmul.f32 $5.000000000e-01, v25;
	[tilespmem:s7+$0x1DCC0] =	vst v4;
	s7 =	smov.u32 s26  }
0x236: {  	v0 =	vmul.f32 $5.000000000e-01, v1;
	v11 =	vsub.s32 $0x5F3759DF, v20;
	v1 =	vmul.f32 v28, v23  }
0x237: {  	v14 =	vmul.f32 $5.000000000e-01, v13;
	v2 =	vmul.f32 v22, v15;
	v20 =	vshra.s32 v21, $0x1;
	v4 =	vld [tilespmem:s7+$0x1DC10]  }
0x238: {  	v13 =	vmul.f32 v11, v0;
	v31 =	vmul.f32 v1, v28;
	v32 =	vshra.s32 v27, $0x1  }
0x239: {  	v19 =	vshra.s32 v19, $0x1;
	v1 =	vmul.f32 $5.000000000e-01, v21;
	v21 =	vmul.f32 v22, v2  }
0x23a: {  	v34 =	vmul.f32 v30, v14;
	v33 =	vmul.f32 v11, v13;
	v31 =	vsub.f32 $1.500000000e+00, v31;
	v35 =	vld [tilespmem:s7+$0x1DCC0]  }
0x23b: {  	v13 =	vmul.f32 $5.000000000e-01, v18;
	v2 =	vmul.f32 $5.000000000e-01, v27;
	v32 =	vsub.s32 $0x5F3759DF, v32  }
0x23c: {  	v21 =	vsub.f32 $1.500000000e+00, v21;
	v28 =	vmul.f32 v31, v28;
	v27 =	vshra.s32 v4, $0x1  }
0x23d: {  	v31 =	vmul.f32 $5.000000000e-01, v4;
	v4 =	vmul.f32 v30, v34;
	v27 =	vsub.s32 $0x5F3759DF, v27  }
0x23e: {  	v19 =	vsub.s32 $0x5F3759DF, v19;
	v34 =	vmul.f32 v32, v2;
	v23 =	vmul.f32 v28, v23  }
0x23f: {  	v36 =	vmul.f32 v19, v10;
	v37 =	vsub.f32 $1.500000000e+00, v4;
	v4 =	vmul.f32 $5.000000000e-01, v35  }
0x240: {  	v18 =	vshra.s32 v18, $0x1;
	v34 =	vmul.f32 v32, v34;
	v23 =	vmul.f32 v23, v28  }
0x241: {  	v29 =	vsub.f32 $1.500000000e+00, v29;
	v21 =	vmul.f32 v22, v21;
	v38 =	vmul.f32 v27, v31  }
0x242: {  	v22 =	vmul.f32 v19, v36;
	v34 =	vsub.f32 $1.500000000e+00, v34;
	v23 =	vsub.f32 $1.500000000e+00, v23  }
0x243: {  	v36 =	vsub.s32 $0x5F3759DF, v18;
	v18 =	vmul.f32 v21, v15;
	v30 =	vmul.f32 v30, v37  }
0x244: {  	v25 =	vshra.s32 v25, $0x1;
	v37 =	vmul.f32 v27, v38;
	v23 =	vmul.f32 v23, v28  }
0x245: {  	v25 =	vsub.s32 $0x5F3759DF, v25;
	v38 =	vmul.f32 $5.000000000e-01, v9;
	v28 =	vmul.f32 v36, v13  }
0x246: {  	v29 =	vmul.f32 v16, v29;
	v16 =	vmul.f32 v18, v21;
	v9 =	vsub.f32 $1.500000000e+00, v37;
	[tilespmem:s7+$0x1DC90] =	vst v23  }
0x247: {  	v18 =	vsub.f32 $1.500000000e+00, v22;
	v22 =	vmul.f32 v24, v38;
	v23 =	vmul.f32 v25, v3  }
0x248: {  	v39 =	vsub.s32 $0x5F3759DF, v5;
	v37 =	vmul.f32 v29, v8;
	v27 =	vmul.f32 v27, v9  }
0x249: {  	v5 =	vsub.f32 $1.500000000e+00, v16;
	v22 =	vmul.f32 v24, v22;
	v9 =	vmul.f32 v36, v28  }
0x24a: {  	v19 =	vmul.f32 v19, v18;
	v18 =	vsub.s32 $0x5F3759DF, v20;
	v20 =	vmul.f32 v25, v23  }
0x24b: {  	v16 =	vmul.f32 v5, v21;
	v5 =	vmul.f32 v32, v34;
	v21 =	vsub.f32 $1.500000000e+00, v22  }
0x24c: {  	v22 =	vmul.f32 v27, v31;
	v23 =	vmul.f32 v39, v7;
	v20 =	vsub.f32 $1.500000000e+00, v20  }
0x24d: {  	v15 =	vmul.f32 v16, v15;
	v28 =	vsub.f32 $1.500000000e+00, v9;
	v21 =	vmul.f32 v24, v21  }
0x24e: {  	v9 =	vmul.f32 $5.000000000e-01, v17;
	v17 =	vsub.f32 $1.500000000e+00, v33;
	v20 =	vmul.f32 v25, v20  }
0x24f: {  	v32 =	vshra.s32 v35, $0x1;
	v24 =	vmul.f32 v12, v6;
	v25 =	vmul.f32 v21, v38  }
0x250: {  	v26 =	vsub.s32 $0x5F3759DF, v26;
	v22 =	vmul.f32 v22, v27;
	v28 =	vmul.f32 v36, v28  }
0x251: {  	v33 =	vmul.f32 v26, v9;
	v25 =	vmul.f32 v25, v21  }
0x252: {  	v35 =	vmul.f32 v19, v10;
	v22 =	vsub.f32 $1.500000000e+00, v22;
	v34 =	vmul.f32 v28, v13  }
0x253: {  	v36 =	vmul.f32 v30, v14;
	v23 =	vmul.f32 v39, v23;
	v25 =	vsub.f32 $1.500000000e+00, v25  }
0x254: {  	v33 =	vmul.f32 v26, v33;
	v22 =	vmul.f32 v22, v27;
	v27 =	vsub.s32 $0x5F3759DF, v32  }
0x255: {  	v32 =	vmul.f32 v35, v19;
	v23 =	vsub.f32 $1.500000000e+00, v23;
	v21 =	vmul.f32 v25, v21  }
0x256: {  	v24 =	vmul.f32 v12, v24;
	v31 =	vmul.f32 v22, v31;
	v25 =	vsub.f32 $1.500000000e+00, v33  }
0x257: {  	v32 =	vsub.f32 $1.500000000e+00, v32;
	v33 =	vmul.f32 v34, v28;
	v34 =	vmul.f32 v21, v38  }
0x258: {  	v24 =	vsub.f32 $1.500000000e+00, v24;
	v23 =	vmul.f32 v39, v23;
	v31 =	vmul.f32 v31, v22  }
0x259: {  	v35 =	vmul.f32 v36, v30;
	v33 =	vsub.f32 $1.500000000e+00, v33;
	v34 =	vmul.f32 v34, v21  }
0x25a: {  	v36 =	vmul.f32 v27, v4;
	v31 =	vsub.f32 $1.500000000e+00, v31;
	v38 =	vmul.f32 v23, v7  }
0x25b: {  	v39 =	vmul.f32 v15, v16;
	v15 =	vsub.f32 $1.500000000e+00, v34;
	v34 =	vsub.f32 $1.500000000e+00, v35  }
0x25c: {  	v25 =	vmul.f32 v26, v25;
	v22 =	vmul.f32 v31, v22  }
0x25d: {  	v15 =	vmul.f32 v15, v21;
	v21 =	vmul.f32 v34, v30  }
0x25e: {  	v26 =	vmul.f32 v38, v23;
	[tilespmem:s7+$0x1DC10] =	vst v22;
	v22 =	vmul.f32 v20, v3  }
0x25f: {  	v30 =	vmul.f32 v37, v29;
	[tilespmem:s7+$0x1DCA0] =	vst v15;
	v15 =	vmul.f32 v21, v14  }
0x260: {  	v31 =	vmul.f32 v25, v9;
	v26 =	vsub.f32 $1.500000000e+00, v26;
	v34 =	vmul.f32 v5, v2  }
0x261: {  	v14 =	vmul.f32 v33, v28;
	v28 =	vsub.f32 $1.500000000e+00, v30;
	v30 =	vmul.f32 v15, v21  }
0x262: {  	v23 =	vmul.f32 v26, v23;
	v22 =	vmul.f32 v22, v20  }
0x263: {  	v24 =	vmul.f32 v12, v24;
	v15 =	vmul.f32 v28, v29;
	v12 =	vsub.f32 $1.500000000e+00, v30  }
0x264: {  	v26 =	vmul.f32 v31, v25;
	v7 =	vmul.f32 v23, v7;
	v28 =	vsub.f32 $1.500000000e+00, v22  }
0x265: {  	v21 =	vmul.f32 v12, v21;
	v12 =	vmul.f32 v34, v5  }
0x266: {  	v26 =	vsub.f32 $1.500000000e+00, v26;
	v7 =	vmul.f32 v7, v23;
	v22 =	vmul.f32 v27, v36  }
0x267: {  	v13 =	vmul.f32 v14, v13;
	v29 =	vmul.f32 v24, v6;
	[tilespmem:s7+$0x1DCB0] =	vst v21  }
0x268: {  	v22 =	vsub.f32 $1.500000000e+00, v22;
	v21 =	vmul.f32 v15, v8;
	v8 =	vmul.f32 v18, v1  }
0x269: {  	v30 =	vmul.f32 v32, v19;
	v19 =	vmul.f32 v29, v24  }
0x26a: {  	v13 =	vmul.f32 v13, v14;
	v29 =	vmul.f32 v18, v8  }
0x26b: {  	v7 =	vsub.f32 $1.500000000e+00, v7;
	v10 =	vmul.f32 v30, v10;
	v8 =	vmul.f32 v27, v22  }
0x26c: {  	v27 =	vsub.f32 $1.500000000e+00, v19;
	v22 =	vmul.f32 v21, v15;
	v29 =	vsub.f32 $1.500000000e+00, v29  }
0x26d: {  	v19 =	vmul.f32 v7, v23;
	v21 =	vmul.f32 v8, v4  }
0x26e: {  	v11 =	vmul.f32 v11, v17;
	v10 =	vmul.f32 v10, v30;
	v22 =	vsub.f32 $1.500000000e+00, v22  }
.Ltmp1:
0x26f: {  	v7 =	vmul.f32 v27, v24;
	v27 =	vsub.f32 $1.500000000e+00, v39;
	v17 =	vmul.f32 v18, v29;
	(pc) =	sbr.rel @p0 .LBB2_5-.Ltmp1, $4  }
0x270: {  	v23 =	vmul.f32 v11, v0;
	v29 =	vsub.f32 $1.500000000e+00, v10;
	v10 =	vmul.f32 v28, v20  }
0x271: {  	v18 =	vmul.f32 v26, v25;
	v24 =	vmul.f32 v17, v1  }
0x272: {  	v23 =	vmul.f32 v23, v11;
	v20 =	vmul.f32 v29, v30  }
0x273: {  	v6 =	vmul.f32 v7, v6;
	v16 =	vmul.f32 v27, v16  }
0x274: {  	v9 =	vmul.f32 v18, v9;
	v24 =	vmul.f32 v24, v17;
	v23 =	vsub.f32 $1.500000000e+00, v23  }
0x275: {  	v15 =	vmul.f32 v22, v15;
	v21 =	vmul.f32 v21, v8;
	v12 =	vsub.f32 $1.500000000e+00, v12  }
0x276: {  	v3 =	vmul.f32 v10, v3;
	v13 =	vsub.f32 $1.500000000e+00, v13;
	v6 =	vmul.f32 v6, v7  }
0x277: {  	v9 =	vmul.f32 v9, v18;
	v57 =	vsub.f32 $1.500000000e+00, v24;
	v11 =	vmul.f32 v23, v11  }
0x278: {  	v5 =	vmul.f32 v12, v5;
	v13 =	vmul.f32 v13, v14;
	v59 =	vsub.f32 $1.500000000e+00, v21  }
0x279: {  	v3 =	vmul.f32 v3, v10;
	v6 =	vsub.f32 $1.500000000e+00, v6;
	v58 =	vmul.f32 v57, v17  }
0x27a: {  	[tilespmem:s7+$0x1DCF0] =	vst v19;
	v0 =	vmul.f32 v11, v0;
	v60 =	vmul.f32 v59, v8  }
0x27b: {  	[tilespmem:s7+$0x1DC40] =	vst v20;
	v2 =	vmul.f32 v5, v2;
	v6 =	vmul.f32 v6, v7  }
0x27c: {  	[tilespmem:s7+$0x1DC80] =	vst v16;
	v9 =	vsub.f32 $1.500000000e+00, v9;
	v1 =	vmul.f32 v58, v1;
	v0 =	vmul.f32 v0, v11  }
0x27d: {  	[tilespmem:s7+$0x1DC60] =	vst v15;
	v3 =	vsub.f32 $1.500000000e+00, v3;
	v4 =	vmul.f32 v60, v4;
	v2 =	vmul.f32 v2, v5  }
0x27e: {  	[tilespmem:s7+$0x1DC30] =	vst v13;
	v9 =	vmul.f32 v9, v18;
	v1 =	vmul.f32 v1, v58;
	v0 =	vsub.f32 $1.500000000e+00, v0  }
0x27f: {  	v3 =	vmul.f32 v3, v10;
	[tilespmem:s7+$0x1DC50] =	vst v6;
	v4 =	vmul.f32 v4, v60;
	v2 =	vsub.f32 $1.500000000e+00, v2  }
0x280: {  	[tilespmem:s7+$0x1DC00] =	vst v9;
	v1 =	vsub.f32 $1.500000000e+00, v1;
	v0 =	vmul.f32 v0, v11  }
0x281: {  	[tilespmem:s7+$0x1DCE0] =	vst v3;
	v61 =	vsub.f32 $1.500000000e+00, v4;
	v62 =	vmul.f32 v2, v5  }
0x282: {  	v1 =	vmul.f32 v1, v58;
	[tilespmem:s7+$0x1DC20] =	vst v0  }
0x283: {  	s14 =	sadd.s32 $0x1, s14;
	v63 =	vmul.f32 v61, v60;
	[tilespmem:s7+$0x1DCD0] =	vst v62  }
0x284: {  	p0 =	sne.s32 s14, $0xA;
	[tilespmem:s7+$0x1DC70] =	vst v1  }
.Ltmp2:
0x285: {  	[tilespmem:s7+$0x1DCC0] =	vst v63;
	(pc) =	sbr.rel @p0 .LBB2_4-.Ltmp2, $4  }
0x286: {  	[spmem:s17] =	stream.linear.scatter [tilespmem:s2], [sflag:$0x11], $0x400, $0x38;
	[tilespmem:$0x1E000] =	vst v63  }
0x287: {  	_ =	swait.ge [sflag:s25], $0x400  }
0x288: {  	[sflag:s25] =	ssyncset.done $0x0  }
0x289: {  	s18 =	simm.s32 $0x0;
	[sflag:s25] =	ssyncadd.s32 $0xFFFFFC00  }
0x28a: {  	s7 =	simm.s32 $0x0;
	s17 =	simm.s32 $0x11  }
.LBB2_8:
0x28b: {  	s4 =	sld [smem:$0x7E7];
	_ =	sdelay $0x1  }
0x28c: {  	s25 =	sshll.u32 s7, $0x6  }
0x28d: {  	s26 =	rddreg [dreg:$0x1d];
	s24 =	sadd.s32 s4, s25  }
0x28e: {  	s30 =	rddreg [dreg:$0x1b];
	s24 =	sshll.u32 s24, $0x3  }
0x28f: {  	s25 =	sadd.s32 s26, s25;
	s26 =	sadd.s32 s30, s24  }
0x290: {  	[tilespmem:s12], [sflag:$0x11] =	stream.linear.gather [hbm4b:s26+s18], $0x1000, $0x38;
	[tilespmem:$0x1E000] =	vst v63  }
0x291: {  	s25 =	sshll.u32 s25, $0x4;
	_ =	swait.ge [sflag:s17], $0x1000  }
0x292: {  	s25 =	sand.u32 $0x3FFFFFF0, s25;
	[sflag:s17] =	ssyncset.done $0x0  }
0x293: {  	s25 =	sadd.s32 s25, s22;
	[sflag:s17] =	ssyncadd.s32 $0xFFFFF000  }
0x294: {  	[tilespmem:s2], [sflag:$0x11] =	stream.linear.gather [spmem:s25], $0x400, $0x38;
	[tilespmem:$0x1E000] =	vst v63  }
0x295: {  	_ =	swait.ge [sflag:s17], $0x400  }
0x296: {  	[sflag:s17] =	ssyncset.done $0x0  }
0x297: {  	s25 =	simm.s32 $0x1CC20;
	[sflag:s17] =	ssyncadd.s32 $0xFFFFFC00  }
0x298: {  	v0 =	vld [tilespmem:s25+$0xFFFFFFF0]  }
0x299: {  	v2 =	vld [tilespmem:s25+$0x10]  }
0x29a: {  	s31 =	simm.s32 $0x0;
	v1 =	vld [tilespmem:s25+$0xFFFFFFE0]  }
0x29b: {  	v4 =	vld [tilespmem:s31+$0x1DC00]  }
0x29c: {  	v5 =	vld [tilespmem:s25+$0x0];
	_ =	sdelay $0x3  }
0x29d: {  	v1 =	vmul.f32 v1, v4;
	v3 =	vmul.f32 v2, v4  }
0x29e: {  	s28 =	simm.s32 $0x1CC20;
	s26 =	simm.s32 $0x40;
	v2 =	vmul.f32 v0, v4;
	v0 =	vmul.f32 v5, v4  }
.LBB2_9:
0x29f: {  	p0 =	sne.s32 s26, $0xFC0  }
0x2a0: {  	[tilespmem:s25+$0x10] =	vst v3;
	s28 =	sadd.s32 $0x40, s28;
	s4 =	smov.u32 s26;
	s26 =	sadd.s32 $0x40, s26  }
0x2a1: {  	v4 =	vld [tilespmem:s28+$0xFFFFFFF0];
	[tilespmem:s25+$0xFFFFFFE0] =	vst v1  }
0x2a2: {  	v3 =	vld [tilespmem:s28+$0x10];
	[tilespmem:s25+$0xFFFFFFF0] =	vst v2  }
0x2a3: {  	s4 =	sshra.s32 s4, $0x2;
	v1 =	vld [tilespmem:s28+$0xFFFFFFE0];
	[tilespmem:s25+$0x0] =	vst v0;
	s25 =	smov.u32 s28  }
0x2a4: {  	v0 =	vld [tilespmem:s4+$0x1DC00]  }
0x2a5: {  	v5 =	vld [tilespmem:s28+$0x0]  }
.Ltmp3:
0x2a6: {  	(pc) =	sbr.rel @p0 .LBB2_9-.Ltmp3, $3  }
0x2a7: {  	_ =	sdelay $0x1  }
0x2a8: {  	v1 =	vmul.f32 v1, v0;
	v3 =	vmul.f32 v3, v0  }
0x2a9: {  	v2 =	vmul.f32 v4, v0;
	v0 =	vmul.f32 v5, v0  }
0x2aa: {  	[tilespmem:s25+$0x10] =	vst v3  }
0x2ab: {  	[tilespmem:s25+$0xFFFFFFE0] =	vst v1;
	s7 =	sadd.s32 $0x1, s7  }
0x2ac: {  	s4 =	sadd.s32 s11, s24;
	[tilespmem:s25+$0xFFFFFFF0] =	vst v2;
	p0 =	sne.s32 s7, $0xA  }
.Ltmp4:
0x2ad: {  	s28 =	simm.s32 $0x0;
	s17 =	simm.s32 $0x11;
	[tilespmem:s25+$0x0] =	vst v0;
	(pc) =	sbr.rel @p0 .LBB2_8-.Ltmp4, $4  }
0x2ae: {  	[hbm4b:s4+s28] =	stream.linear.scatter [tilespmem:s12], [sflag:$0x11], $0x1000, $0x38;
	[tilespmem:$0x1E000] =	vst v63  }
0x2af: {  	_ =	swait.ge [sflag:s17], $0x1000  }
0x2b0: {  	[sflag:s17] =	ssyncset.done $0x0  }
0x2b1: {  	[sflag:s17] =	ssyncadd.s32 $0xFFFFF000  }
0x2b2: {  	[bflag:$0x0] =	sbarrier.arrive $0xFFFF;
	s2 =	simm.s32 $0x0  }
.LBB2_12:
0x2b3: {  	s4 =	sld [smem:$0x7E8];
	_ =	sdelay $0x1  }
0x2b4: {  	s12 =	simm.s32 $0xC800;
	s22 =	simm.s32 $0x0  }
0x2b5: {  	[tilespmem:s12], [sflag:$0xD] =	stream.linear.gather [hbm4b:s4+s22], $0x600, $0x38;
	[tilespmem:$0x1E000] =	vst v63  }
0x2b6: {  	[smem:$0x7E4] =	sst s2;
	s18 =	simm.s32 $0xD400;
	s24 =	simm.s32 $0xD  }
0x2b7: {  	[tilespmem:s18], [sflag:$0xF] =	stream.linear.gather [hbm4b:s23+s22], $0x600, $0x38;
	[tilespmem:$0x1E000] =	vst v63  }
0x2b8: {  	_ =	swait.ge [sflag:s24], $0x600  }
0x2b9: {  	[sflag:s24] =	ssyncset.done $0x0  }
0x2ba: {  	s25 =	simm.s32 $0xF;
	[sflag:s24] =	ssyncadd.s32 $0xFFFFFA00  }
0x2bb: {  	_ =	swait.ge [sflag:s25], $0x600  }
0x2bc: {  	s26 =	sadd.s32 $0x0, s20;
	s7 =	sadd.s32 $0x0, s23;
	[sflag:s25] =	ssyncset.done $0x0  }
0x2bd: {  	s4 =	sadd.s32 $0xC0, s26;
	s26 =	simm.s32 $0xCE00;
	[sflag:s25] =	ssyncadd.s32 $0xFFFFFA00  }
0x2be: {  	[tilespmem:s26], [sflag:$0xE] =	stream.linear.gather [hbm4b:s4+s28], $0x600, $0x38;
	[tilespmem:$0x1E000] =	vst v63  }
0x2bf: {  	s2 =	sadd.s32 $0xC0, s7;
	s25 =	simm.s32 $0xDA00  }
0x2c0: {  	[tilespmem:s25], [sflag:$0x10] =	stream.linear.gather [hbm4b:s2+s28], $0x600, $0x38;
	[tilespmem:$0x1E000] =	vst v63  }
0x2c1: {  	s22 =	simm.s32 $0xE000  }
0x2c2: {  	[tilespmem:s22], [sflag:$0x1] =	stream.indirect.gather [hbm4b:s11+s29], $0x40, s12, s29, $0xb8;
	[tilespmem:$0x1E000] =	vst v63  }
0x2c3: {  	s14 =	smov.u32 s23;
	s23 =	simm.s32 $0x10000;
	s7 =	rddreg [dreg:$0x5]  }
0x2c4: {  	[tilespmem:s23], [sflag:$0x2] =	stream.indirect.gather [hbm4b:s11+s29], $0x40, s7, s29, $0xb8;
	[tilespmem:$0x1E000] =	vst v63  }
0x2c5: {  	s30 =	simm.s32 $0x12000;
	s17 =	rddreg [dreg:$0x6]  }
0x2c6: {  	[tilespmem:s30], [sflag:$0x3] =	stream.indirect.gather [hbm4b:s11+s29], $0x40, s17, s29, $0xb8;
	[tilespmem:$0x1E000] =	vst v63  }
0x2c7: {  	s31 =	simm.s32 $0x14000;
	s24 =	rddreg [dreg:$0x7]  }
0x2c8: {  	[tilespmem:s31], [sflag:$0x4] =	stream.indirect.gather [hbm4b:s11+s29], $0x40, s24, s29, $0xb8;
	[tilespmem:$0x1E000] =	vst v63  }
0x2c9: {  	s2 =	rddreg [dreg:$0x8];
	s17 =	simm.s32 $0x16000  }
0x2ca: {  	[tilespmem:s17], [sflag:$0x5] =	stream.indirect.gather [hbm4b:s11+s29], $0x40, s2, s29, $0xb8;
	[tilespmem:$0x1E000] =	vst v63  }
0x2cb: {  	s12 =	rddreg [dreg:$0x9];
	s2 =	simm.s32 $0x18000  }
0x2cc: {  	[tilespmem:s2], [sflag:$0x6] =	stream.indirect.gather [hbm4b:s11+s29], $0x40, s12, s29, $0xb8;
	[tilespmem:$0x1E000] =	vst v63  }
0x2cd: {  	_ =	swait.ge [sflag:s0], $0x2000  }
0x2ce: {  	[sflag:s0] =	ssyncset.done $0x0  }
0x2cf: {  	[sflag:s0] =	ssyncadd.s32 $0xFFFFE000  }
0x2d0: {  	[spmem:s3] =	stream.indirect.scatter.add.f32 [tilespmem:s22], [sflag:$0x7], $0x40, s18, s29, $0xb8;
	[tilespmem:$0x1E000] =	vst v63  }
0x2d1: {  	_ =	swait.ge [sflag:s1], $0x2000  }
0x2d2: {  	[sflag:s1] =	ssyncset.done $0x0  }
0x2d3: {  	s18 =	simm.s32 $0xD480;
	[sflag:s1] =	ssyncadd.s32 $0xFFFFE000  }
0x2d4: {  	[spmem:s3] =	stream.indirect.scatter.add.f32 [tilespmem:s23], [sflag:$0x8], $0x40, s18, s29, $0xb8;
	[tilespmem:$0x1E000] =	vst v63  }
0x2d5: {  	_ =	swait.ge [sflag:s6], $0x2000  }
0x2d6: {  	[sflag:s6] =	ssyncset.done $0x0  }
0x2d7: {  	s24 =	simm.s32 $0xD500;
	[sflag:s6] =	ssyncadd.s32 $0xFFFFE000  }
0x2d8: {  	[spmem:s3] =	stream.indirect.scatter.add.f32 [tilespmem:s30], [sflag:$0x9], $0x40, s24, s29, $0xb8;
	[tilespmem:$0x1E000] =	vst v63  }
0x2d9: {  	_ =	swait.ge [sflag:s15], $0x2000  }
0x2da: {  	[sflag:s15] =	ssyncset.done $0x0  }
0x2db: {  	s7 =	simm.s32 $0xD580;
	[sflag:s15] =	ssyncadd.s32 $0xFFFFE000  }
0x2dc: {  	[spmem:s3] =	stream.indirect.scatter.add.f32 [tilespmem:s31], [sflag:$0xA], $0x40, s7, s29, $0xb8;
	[tilespmem:$0x1E000] =	vst v63  }
0x2dd: {  	_ =	swait.ge [sflag:s19], $0x2000  }
0x2de: {  	[sflag:s19] =	ssyncset.done $0x0  }
0x2df: {  	s12 =	simm.s32 $0xD600;
	[sflag:s19] =	ssyncadd.s32 $0xFFFFE000  }
0x2e0: {  	[spmem:s3] =	stream.indirect.scatter.add.f32 [tilespmem:s17], [sflag:$0xB], $0x40, s12, s29, $0xb8;
	[tilespmem:$0x1E000] =	vst v63  }
0x2e1: {  	_ =	swait.ge [sflag:s5], $0x2000  }
0x2e2: {  	[sflag:s5] =	ssyncset.done $0x0  }
0x2e3: {  	s18 =	simm.s32 $0xD680;
	[sflag:s5] =	ssyncadd.s32 $0xFFFFE000  }
0x2e4: {  	[spmem:s3] =	stream.indirect.scatter.add.f32 [tilespmem:s2], [sflag:$0xC], $0x40, s18, s29, $0xb8;
	[tilespmem:$0x1E000] =	vst v63  }
0x2e5: {  	_ =	swait.ge [sflag:s8], $0x2000  }
0x2e6: {  	[sflag:s8] =	ssyncset.done $0x0  }
0x2e7: {  	s24 =	rddreg [dreg:$0xa];
	[sflag:s8] =	ssyncadd.s32 $0xFFFFE000  }
0x2e8: {  	[tilespmem:s22], [sflag:$0x1] =	stream.indirect.gather [hbm4b:s11+s29], $0x40, s24, s29, $0xb8;
	[tilespmem:$0x1E000] =	vst v63  }
0x2e9: {  	_ =	swait.ge [sflag:s9], $0x2000  }
0x2ea: {  	[sflag:s9] =	ssyncset.done $0x0  }
0x2eb: {  	s7 =	rddreg [dreg:$0xb];
	[sflag:s9] =	ssyncadd.s32 $0xFFFFE000  }
0x2ec: {  	[tilespmem:s23], [sflag:$0x2] =	stream.indirect.gather [hbm4b:s11+s29], $0x40, s7, s29, $0xb8;
	[tilespmem:$0x1E000] =	vst v63  }
0x2ed: {  	_ =	swait.ge [sflag:s16], $0x2000  }
0x2ee: {  	[sflag:s16] =	ssyncset.done $0x0  }
0x2ef: {  	s12 =	rddreg [dreg:$0xc];
	[sflag:s16] =	ssyncadd.s32 $0xFFFFE000  }
0x2f0: {  	[tilespmem:s30], [sflag:$0x3] =	stream.indirect.gather [hbm4b:s11+s29], $0x40, s12, s29, $0xb8;
	[tilespmem:$0x1E000] =	vst v63  }
0x2f1: {  	_ =	swait.ge [sflag:s21], $0x2000  }
0x2f2: {  	[sflag:s21] =	ssyncset.done $0x0  }
0x2f3: {  	s18 =	rddreg [dreg:$0xd];
	[sflag:s21] =	ssyncadd.s32 $0xFFFFE000  }
0x2f4: {  	[tilespmem:s31], [sflag:$0x4] =	stream.indirect.gather [hbm4b:s11+s29], $0x40, s18, s29, $0xb8;
	[tilespmem:$0x1E000] =	vst v63  }
0x2f5: {  	_ =	swait.ge [sflag:s10], $0x2000  }
0x2f6: {  	[sflag:s10] =	ssyncset.done $0x0  }
0x2f7: {  	s24 =	rddreg [dreg:$0xe];
	[sflag:s10] =	ssyncadd.s32 $0xFFFFE000  }
0x2f8: {  	[tilespmem:s17], [sflag:$0x5] =	stream.indirect.gather [hbm4b:s11+s29], $0x40, s24, s29, $0xb8;
	[tilespmem:$0x1E000] =	vst v63  }
0x2f9: {  	_ =	swait.ge [sflag:s13], $0x2000  }
0x2fa: {  	[sflag:s13] =	ssyncset.done $0x0  }
0x2fb: {  	s7 =	rddreg [dreg:$0xf];
	[sflag:s13] =	ssyncadd.s32 $0xFFFFE000  }
0x2fc: {  	[tilespmem:s2], [sflag:$0x6] =	stream.indirect.gather [hbm4b:s11+s29], $0x40, s7, s29, $0xb8;
	[tilespmem:$0x1E000] =	vst v63  }
0x2fd: {  	_ =	swait.ge [sflag:s0], $0x2000  }
0x2fe: {  	[sflag:s0] =	ssyncset.done $0x0  }
0x2ff: {  	s12 =	simm.s32 $0xD700;
	[sflag:s0] =	ssyncadd.s32 $0xFFFFE000  }
0x300: {  	[spmem:s3] =	stream.indirect.scatter.add.f32 [tilespmem:s22], [sflag:$0x7], $0x40, s12, s29, $0xb8;
	[tilespmem:$0x1E000] =	vst v63  }
0x301: {  	_ =	swait.ge [sflag:s1], $0x2000  }
0x302: {  	[sflag:s1] =	ssyncset.done $0x0  }
0x303: {  	s18 =	simm.s32 $0xD780;
	[sflag:s1] =	ssyncadd.s32 $0xFFFFE000  }
0x304: {  	[spmem:s3] =	stream.indirect.scatter.add.f32 [tilespmem:s23], [sflag:$0x8], $0x40, s18, s29, $0xb8;
	[tilespmem:$0x1E000] =	vst v63  }
0x305: {  	_ =	swait.ge [sflag:s6], $0x2000  }
0x306: {  	[sflag:s6] =	ssyncset.done $0x0  }
0x307: {  	s24 =	simm.s32 $0xD800;
	[sflag:s6] =	ssyncadd.s32 $0xFFFFE000  }
0x308: {  	[spmem:s3] =	stream.indirect.scatter.add.f32 [tilespmem:s30], [sflag:$0x9], $0x40, s24, s29, $0xb8;
	[tilespmem:$0x1E000] =	vst v63  }
0x309: {  	_ =	swait.ge [sflag:s15], $0x2000  }
0x30a: {  	[sflag:s15] =	ssyncset.done $0x0  }
0x30b: {  	s7 =	simm.s32 $0xD880;
	[sflag:s15] =	ssyncadd.s32 $0xFFFFE000  }
0x30c: {  	[spmem:s3] =	stream.indirect.scatter.add.f32 [tilespmem:s31], [sflag:$0xA], $0x40, s7, s29, $0xb8;
	[tilespmem:$0x1E000] =	vst v63  }
0x30d: {  	_ =	swait.ge [sflag:s19], $0x2000  }
0x30e: {  	[sflag:s19] =	ssyncset.done $0x0  }
0x30f: {  	s12 =	simm.s32 $0xD900;
	[sflag:s19] =	ssyncadd.s32 $0xFFFFE000  }
0x310: {  	[spmem:s3] =	stream.indirect.scatter.add.f32 [tilespmem:s17], [sflag:$0xB], $0x40, s12, s29, $0xb8;
	[tilespmem:$0x1E000] =	vst v63  }
0x311: {  	_ =	swait.ge [sflag:s5], $0x2000  }
0x312: {  	[sflag:s5] =	ssyncset.done $0x0  }
0x313: {  	s18 =	simm.s32 $0xD980;
	[sflag:s5] =	ssyncadd.s32 $0xFFFFE000  }
0x314: {  	[spmem:s3] =	stream.indirect.scatter.add.f32 [tilespmem:s2], [sflag:$0xC], $0x40, s18, s29, $0xb8;
	[tilespmem:$0x1E000] =	vst v63  }
0x315: {  	_ =	swait.ge [sflag:s8], $0x2000  }
0x316: {  	[sflag:s8] =	ssyncset.done $0x0  }
0x317: {  	[sflag:s8] =	ssyncadd.s32 $0xFFFFE000  }
0x318: {  	_ =	swait.ge [sflag:s9], $0x2000  }
0x319: {  	[sflag:s9] =	ssyncset.done $0x0  }
0x31a: {  	[sflag:s9] =	ssyncadd.s32 $0xFFFFE000  }
0x31b: {  	_ =	swait.ge [sflag:s16], $0x2000  }
0x31c: {  	[sflag:s16] =	ssyncset.done $0x0  }
0x31d: {  	[sflag:s16] =	ssyncadd.s32 $0xFFFFE000  }
0x31e: {  	_ =	swait.ge [sflag:s21], $0x2000  }
0x31f: {  	[sflag:s21] =	ssyncset.done $0x0  }
0x320: {  	[sflag:s21] =	ssyncadd.s32 $0xFFFFE000  }
0x321: {  	_ =	swait.ge [sflag:s10], $0x2000  }
0x322: {  	[sflag:s10] =	ssyncset.done $0x0  }
0x323: {  	[sflag:s10] =	ssyncadd.s32 $0xFFFFE000  }
0x324: {  	_ =	swait.ge [sflag:s13], $0x2000  }
0x325: {  	[sflag:s13] =	ssyncset.done $0x0  }
0x326: {  	s24 =	simm.s32 $0xE;
	[sflag:s13] =	ssyncadd.s32 $0xFFFFE000  }
0x327: {  	_ =	swait.ge [sflag:s24], $0x600  }
0x328: {  	[sflag:s24] =	ssyncset.done $0x0  }
0x329: {  	p0 =	por $0x0, $0x0;
	s18 =	simm.s32 $0x10;
	[sflag:s24] =	ssyncadd.s32 $0xFFFFFA00  }
0x32a: {  	s4 =	sadd.s32 @!p0 $0x0, s20;
	_ =	swait.ge [sflag:s18], $0x600  }
0x32b: {  	s4 =	sadd.s32 @!p0 $0x180, s4;
	[sflag:s18] =	ssyncset.done $0x0  }
0x32c: {  	s7 =	simm.s32 @!p0 $0x0;
	s24 =	simm.s32 @!p0 $0xC800;
	[sflag:s18] =	ssyncadd.s32 $0xFFFFFA00  }
0x32d: {  	[tilespmem:s24], [sflag:$0xD] =	stream.linear.gather @!p0 [hbm4b:s4+s7], $0x600, $0x38;
	[tilespmem:$0x1E000] =	vst v63  }
0x32e: {  	s4 =	sadd.s32 @!p0 $0x0, s14  }
0x32f: {  	s24 =	simm.s32 @!p0 $0xD400;
	s4 =	sadd.s32 @!p0 $0x180, s4  }
0x330: {  	[tilespmem:s24], [sflag:$0xF] =	stream.linear.gather @!p0 [hbm4b:s4+s7], $0x600, $0x38;
	[tilespmem:$0x1E000] =	vst v63  }
0x331: {  	_ = 	snop  }
0x332: {  	[tilespmem:s22], [sflag:$0x1] =	stream.indirect.gather [hbm4b:s11+s29], $0x40, s26, s29, $0xb8;
	[tilespmem:$0x1E000] =	vst v63  }
0x333: {  	s7 =	rddreg [dreg:$0x10]  }
0x334: {  	[tilespmem:s23], [sflag:$0x2] =	stream.indirect.gather [hbm4b:s11+s29], $0x40, s7, s29, $0xb8;
	[tilespmem:$0x1E000] =	vst v63  }
0x335: {  	s12 =	rddreg [dreg:$0x11]  }
0x336: {  	[tilespmem:s30], [sflag:$0x3] =	stream.indirect.gather [hbm4b:s11+s29], $0x40, s12, s29, $0xb8;
	[tilespmem:$0x1E000] =	vst v63  }
0x337: {  	s24 =	rddreg [dreg:$0x12]  }
0x338: {  	[tilespmem:s31], [sflag:$0x4] =	stream.indirect.gather [hbm4b:s11+s29], $0x40, s24, s29, $0xb8;
	[tilespmem:$0x1E000] =	vst v63  }
0x339: {  	s12 =	rddreg [dreg:$0x13]  }
0x33a: {  	[tilespmem:s17], [sflag:$0x5] =	stream.indirect.gather [hbm4b:s11+s29], $0x40, s12, s29, $0xb8;
	[tilespmem:$0x1E000] =	vst v63  }
0x33b: {  	s24 =	rddreg [dreg:$0x14]  }
0x33c: {  	[tilespmem:s2], [sflag:$0x6] =	stream.indirect.gather [hbm4b:s11+s29], $0x40, s24, s29, $0xb8;
	[tilespmem:$0x1E000] =	vst v63  }
0x33d: {  	_ =	swait.ge [sflag:s0], $0x2000  }
0x33e: {  	[sflag:s0] =	ssyncset.done $0x0  }
0x33f: {  	[sflag:s0] =	ssyncadd.s32 $0xFFFFE000  }
0x340: {  	[spmem:s3] =	stream.indirect.scatter.add.f32 [tilespmem:s22], [sflag:$0x7], $0x40, s25, s29, $0xb8;
	[tilespmem:$0x1E000] =	vst v63  }
0x341: {  	_ =	swait.ge [sflag:s1], $0x2000  }
0x342: {  	[sflag:s1] =	ssyncset.done $0x0  }
0x343: {  	s25 =	simm.s32 $0xDA80;
	[sflag:s1] =	ssyncadd.s32 $0xFFFFE000  }
0x344: {  	[spmem:s3] =	stream.indirect.scatter.add.f32 [tilespmem:s23], [sflag:$0x8], $0x40, s25, s29, $0xb8;
	[tilespmem:$0x1E000] =	vst v63  }
0x345: {  	_ =	swait.ge [sflag:s6], $0x2000  }
0x346: {  	[sflag:s6] =	ssyncset.done $0x0  }
0x347: {  	s7 =	simm.s32 $0xDB00;
	[sflag:s6] =	ssyncadd.s32 $0xFFFFE000  }
0x348: {  	[spmem:s3] =	stream.indirect.scatter.add.f32 [tilespmem:s30], [sflag:$0x9], $0x40, s7, s29, $0xb8;
	[tilespmem:$0x1E000] =	vst v63  }
0x349: {  	_ =	swait.ge [sflag:s15], $0x2000  }
0x34a: {  	[sflag:s15] =	ssyncset.done $0x0  }
0x34b: {  	s12 =	simm.s32 $0xDB80;
	[sflag:s15] =	ssyncadd.s32 $0xFFFFE000  }
0x34c: {  	[spmem:s3] =	stream.indirect.scatter.add.f32 [tilespmem:s31], [sflag:$0xA], $0x40, s12, s29, $0xb8;
	[tilespmem:$0x1E000] =	vst v63  }
0x34d: {  	_ =	swait.ge [sflag:s19], $0x2000  }
0x34e: {  	[sflag:s19] =	ssyncset.done $0x0  }
0x34f: {  	s24 =	simm.s32 $0xDC00;
	[sflag:s19] =	ssyncadd.s32 $0xFFFFE000  }
0x350: {  	[spmem:s3] =	stream.indirect.scatter.add.f32 [tilespmem:s17], [sflag:$0xB], $0x40, s24, s29, $0xb8;
	[tilespmem:$0x1E000] =	vst v63  }
0x351: {  	_ =	swait.ge [sflag:s5], $0x2000  }
0x352: {  	[sflag:s5] =	ssyncset.done $0x0  }
0x353: {  	s25 =	simm.s32 $0xDC80;
	[sflag:s5] =	ssyncadd.s32 $0xFFFFE000  }
0x354: {  	[spmem:s3] =	stream.indirect.scatter.add.f32 [tilespmem:s2], [sflag:$0xC], $0x40, s25, s29, $0xb8;
	[tilespmem:$0x1E000] =	vst v63  }
0x355: {  	_ =	swait.ge [sflag:s8], $0x2000  }
0x356: {  	[sflag:s8] =	ssyncset.done $0x0  }
0x357: {  	s7 =	rddreg [dreg:$0x15];
	[sflag:s8] =	ssyncadd.s32 $0xFFFFE000  }
0x358: {  	[tilespmem:s22], [sflag:$0x1] =	stream.indirect.gather [hbm4b:s11+s29], $0x40, s7, s29, $0xb8;
	[tilespmem:$0x1E000] =	vst v63  }
0x359: {  	_ =	swait.ge [sflag:s9], $0x2000  }
0x35a: {  	[sflag:s9] =	ssyncset.done $0x0  }
0x35b: {  	s12 =	rddreg [dreg:$0x16];
	[sflag:s9] =	ssyncadd.s32 $0xFFFFE000  }
0x35c: {  	[tilespmem:s23], [sflag:$0x2] =	stream.indirect.gather [hbm4b:s11+s29], $0x40, s12, s29, $0xb8;
	[tilespmem:$0x1E000] =	vst v63  }
0x35d: {  	_ =	swait.ge [sflag:s16], $0x2000  }
0x35e: {  	[sflag:s16] =	ssyncset.done $0x0  }
0x35f: {  	s24 =	rddreg [dreg:$0x17];
	[sflag:s16] =	ssyncadd.s32 $0xFFFFE000  }
0x360: {  	[tilespmem:s30], [sflag:$0x3] =	stream.indirect.gather [hbm4b:s11+s29], $0x40, s24, s29, $0xb8;
	[tilespmem:$0x1E000] =	vst v63  }
0x361: {  	_ =	swait.ge [sflag:s21], $0x2000  }
0x362: {  	[sflag:s21] =	ssyncset.done $0x0  }
0x363: {  	s25 =	rddreg [dreg:$0x18];
	[sflag:s21] =	ssyncadd.s32 $0xFFFFE000  }
0x364: {  	[tilespmem:s31], [sflag:$0x4] =	stream.indirect.gather [hbm4b:s11+s29], $0x40, s25, s29, $0xb8;
	[tilespmem:$0x1E000] =	vst v63  }
0x365: {  	_ =	swait.ge [sflag:s10], $0x2000  }
0x366: {  	[sflag:s10] =	ssyncset.done $0x0  }
0x367: {  	s7 =	rddreg [dreg:$0x19];
	[sflag:s10] =	ssyncadd.s32 $0xFFFFE000  }
0x368: {  	[tilespmem:s17], [sflag:$0x5] =	stream.indirect.gather [hbm4b:s11+s29], $0x40, s7, s29, $0xb8;
	[tilespmem:$0x1E000] =	vst v63  }
0x369: {  	_ =	swait.ge [sflag:s13], $0x2000  }
0x36a: {  	[sflag:s13] =	ssyncset.done $0x0  }
0x36b: {  	s12 =	rddreg [dreg:$0x1a];
	[sflag:s13] =	ssyncadd.s32 $0xFFFFE000  }
0x36c: {  	[tilespmem:s2], [sflag:$0x6] =	stream.indirect.gather [hbm4b:s11+s29], $0x40, s12, s29, $0xb8;
	[tilespmem:$0x1E000] =	vst v63  }
0x36d: {  	_ =	swait.ge [sflag:s0], $0x2000  }
0x36e: {  	[sflag:s0] =	ssyncset.done $0x0  }
0x36f: {  	s24 =	simm.s32 $0xDD00;
	[sflag:s0] =	ssyncadd.s32 $0xFFFFE000  }
0x370: {  	[spmem:s3] =	stream.indirect.scatter.add.f32 [tilespmem:s22], [sflag:$0x7], $0x40, s24, s29, $0xb8;
	[tilespmem:$0x1E000] =	vst v63  }
0x371: {  	_ =	swait.ge [sflag:s1], $0x2000  }
0x372: {  	[sflag:s1] =	ssyncset.done $0x0  }
0x373: {  	s25 =	simm.s32 $0xDD80;
	[sflag:s1] =	ssyncadd.s32 $0xFFFFE000  }
0x374: {  	[spmem:s3] =	stream.indirect.scatter.add.f32 [tilespmem:s23], [sflag:$0x8], $0x40, s25, s29, $0xb8;
	[tilespmem:$0x1E000] =	vst v63  }
0x375: {  	_ =	swait.ge [sflag:s6], $0x2000  }
0x376: {  	[sflag:s6] =	ssyncset.done $0x0  }
0x377: {  	s7 =	simm.s32 $0xDE00;
	[sflag:s6] =	ssyncadd.s32 $0xFFFFE000  }
0x378: {  	[spmem:s3] =	stream.indirect.scatter.add.f32 [tilespmem:s30], [sflag:$0x9], $0x40, s7, s29, $0xb8;
	[tilespmem:$0x1E000] =	vst v63  }
0x379: {  	_ =	swait.ge [sflag:s15], $0x2000  }
0x37a: {  	[sflag:s15] =	ssyncset.done $0x0  }
0x37b: {  	s12 =	simm.s32 $0xDE80;
	[sflag:s15] =	ssyncadd.s32 $0xFFFFE000  }
0x37c: {  	[spmem:s3] =	stream.indirect.scatter.add.f32 [tilespmem:s31], [sflag:$0xA], $0x40, s12, s29, $0xb8;
	[tilespmem:$0x1E000] =	vst v63  }
0x37d: {  	_ =	swait.ge [sflag:s19], $0x2000  }
0x37e: {  	[sflag:s19] =	ssyncset.done $0x0  }
0x37f: {  	s24 =	simm.s32 $0xDF00;
	[sflag:s19] =	ssyncadd.s32 $0xFFFFE000  }
0x380: {  	[spmem:s3] =	stream.indirect.scatter.add.f32 [tilespmem:s17], [sflag:$0xB], $0x40, s24, s29, $0xb8;
	[tilespmem:$0x1E000] =	vst v63  }
0x381: {  	_ =	swait.ge [sflag:s5], $0x2000  }
0x382: {  	[sflag:s5] =	ssyncset.done $0x0  }
0x383: {  	s25 =	simm.s32 $0xDF80;
	[sflag:s5] =	ssyncadd.s32 $0xFFFFE000  }
0x384: {  	[spmem:s3] =	stream.indirect.scatter.add.f32 [tilespmem:s2], [sflag:$0xC], $0x40, s25, s29, $0xb8;
	[tilespmem:$0x1E000] =	vst v63  }
0x385: {  	_ =	swait.ge [sflag:s8], $0x2000  }
0x386: {  	[sflag:s8] =	ssyncset.done $0x0  }
0x387: {  	[sflag:s8] =	ssyncadd.s32 $0xFFFFE000  }
0x388: {  	_ =	swait.ge [sflag:s9], $0x2000  }
0x389: {  	[sflag:s9] =	ssyncset.done $0x0  }
0x38a: {  	[sflag:s9] =	ssyncadd.s32 $0xFFFFE000  }
0x38b: {  	_ =	swait.ge [sflag:s16], $0x2000  }
0x38c: {  	[sflag:s16] =	ssyncset.done $0x0  }
0x38d: {  	[sflag:s16] =	ssyncadd.s32 $0xFFFFE000  }
0x38e: {  	_ =	swait.ge [sflag:s21], $0x2000  }
0x38f: {  	[sflag:s21] =	ssyncset.done $0x0  }
0x390: {  	[sflag:s21] =	ssyncadd.s32 $0xFFFFE000  }
0x391: {  	_ =	swait.ge [sflag:s10], $0x2000  }
0x392: {  	[sflag:s10] =	ssyncset.done $0x0  }
0x393: {  	[sflag:s10] =	ssyncadd.s32 $0xFFFFE000  }
0x394: {  	s7 =	simm.s32 $0x180;
	_ =	swait.ge [sflag:s13], $0x2000  }
.LBB2_13:
0x395: {  	[sflag:s13] =	ssyncset.done $0x0  }
0x396: {  	s24 =	simm.s32 $0xD;
	[sflag:s13] =	ssyncadd.s32 $0xFFFFE000  }
0x397: {  	_ =	swait.ge [sflag:s24], $0x600  }
0x398: {  	[sflag:s24] =	ssyncset.done $0x0  }
0x399: {  	s12 =	simm.s32 $0xF;
	[sflag:s24] =	ssyncadd.s32 $0xFFFFFA00  }
0x39a: {  	s4 =	smov.u32 s7;
	_ =	swait.ge [sflag:s12], $0x600  }
0x39b: {  	s25 =	sadd.s32 s4, s20;
	[sflag:s12] =	ssyncset.done $0x0  }
0x39c: {  	s24 =	sadd.s32 $0xC0, s25;
	s25 =	sadd.s32 s4, s14;
	[sflag:s12] =	ssyncadd.s32 $0xFFFFFA00  }
0x39d: {  	[tilespmem:s26], [sflag:$0xE] =	stream.linear.gather [hbm4b:s24+s28], $0x600, $0x38;
	[tilespmem:$0x1E000] =	vst v63  }
0x39e: {  	s25 =	sadd.s32 $0xC0, s25;
	s12 =	simm.s32 $0xDA00  }
0x39f: {  	[tilespmem:s12], [sflag:$0x10] =	stream.linear.gather [hbm4b:s25+s28], $0x600, $0x38;
	[tilespmem:$0x1E000] =	vst v63  }
0x3a0: {  	s26 =	simm.s32 $0xC800  }
0x3a1: {  	[tilespmem:s22], [sflag:$0x1] =	stream.indirect.gather [hbm4b:s11+s29], $0x40, s26, s29, $0xb8;
	[tilespmem:$0x1E000] =	vst v63  }
0x3a2: {  	s24 =	rddreg [dreg:$0x5]  }
0x3a3: {  	[tilespmem:s23], [sflag:$0x2] =	stream.indirect.gather [hbm4b:s11+s29], $0x40, s24, s29, $0xb8;
	[tilespmem:$0x1E000] =	vst v63  }
0x3a4: {  	s25 =	rddreg [dreg:$0x6]  }
0x3a5: {  	[tilespmem:s30], [sflag:$0x3] =	stream.indirect.gather [hbm4b:s11+s29], $0x40, s25, s29, $0xb8;
	[tilespmem:$0x1E000] =	vst v63  }
0x3a6: {  	s26 =	rddreg [dreg:$0x7]  }
0x3a7: {  	[tilespmem:s31], [sflag:$0x4] =	stream.indirect.gather [hbm4b:s11+s29], $0x40, s26, s29, $0xb8;
	[tilespmem:$0x1E000] =	vst v63  }
0x3a8: {  	s25 =	rddreg [dreg:$0x8]  }
0x3a9: {  	[tilespmem:s17], [sflag:$0x5] =	stream.indirect.gather [hbm4b:s11+s29], $0x40, s25, s29, $0xb8;
	[tilespmem:$0x1E000] =	vst v63  }
0x3aa: {  	s26 =	rddreg [dreg:$0x9]  }
0x3ab: {  	[tilespmem:s2], [sflag:$0x6] =	stream.indirect.gather [hbm4b:s11+s29], $0x40, s26, s29, $0xb8;
	[tilespmem:$0x1E000] =	vst v63  }
0x3ac: {  	_ =	swait.ge [sflag:s0], $0x2000  }
0x3ad: {  	[sflag:s0] =	ssyncset.done $0x0  }
0x3ae: {  	s26 =	simm.s32 $0xD400;
	[sflag:s0] =	ssyncadd.s32 $0xFFFFE000  }
0x3af: {  	[spmem:s3] =	stream.indirect.scatter.add.f32 [tilespmem:s22], [sflag:$0x7], $0x40, s26, s29, $0xb8;
	[tilespmem:$0x1E000] =	vst v63  }
0x3b0: {  	_ =	swait.ge [sflag:s1], $0x2000  }
0x3b1: {  	[sflag:s1] =	ssyncset.done $0x0  }
0x3b2: {  	s25 =	simm.s32 $0xD480;
	[sflag:s1] =	ssyncadd.s32 $0xFFFFE000  }
0x3b3: {  	[spmem:s3] =	stream.indirect.scatter.add.f32 [tilespmem:s23], [sflag:$0x8], $0x40, s25, s29, $0xb8;
	[tilespmem:$0x1E000] =	vst v63  }
0x3b4: {  	_ =	swait.ge [sflag:s6], $0x2000  }
0x3b5: {  	[sflag:s6] =	ssyncset.done $0x0  }
0x3b6: {  	s26 =	simm.s32 $0xD500;
	[sflag:s6] =	ssyncadd.s32 $0xFFFFE000  }
0x3b7: {  	[spmem:s3] =	stream.indirect.scatter.add.f32 [tilespmem:s30], [sflag:$0x9], $0x40, s26, s29, $0xb8;
	[tilespmem:$0x1E000] =	vst v63  }
0x3b8: {  	_ =	swait.ge [sflag:s15], $0x2000  }
0x3b9: {  	[sflag:s15] =	ssyncset.done $0x0  }
0x3ba: {  	s25 =	simm.s32 $0xD580;
	[sflag:s15] =	ssyncadd.s32 $0xFFFFE000  }
0x3bb: {  	[spmem:s3] =	stream.indirect.scatter.add.f32 [tilespmem:s31], [sflag:$0xA], $0x40, s25, s29, $0xb8;
	[tilespmem:$0x1E000] =	vst v63  }
0x3bc: {  	_ =	swait.ge [sflag:s19], $0x2000  }
0x3bd: {  	[sflag:s19] =	ssyncset.done $0x0  }
0x3be: {  	s26 =	simm.s32 $0xD600;
	[sflag:s19] =	ssyncadd.s32 $0xFFFFE000  }
0x3bf: {  	[spmem:s3] =	stream.indirect.scatter.add.f32 [tilespmem:s17], [sflag:$0xB], $0x40, s26, s29, $0xb8;
	[tilespmem:$0x1E000] =	vst v63  }
0x3c0: {  	_ =	swait.ge [sflag:s5], $0x2000  }
0x3c1: {  	[sflag:s5] =	ssyncset.done $0x0  }
0x3c2: {  	s25 =	simm.s32 $0xD680;
	[sflag:s5] =	ssyncadd.s32 $0xFFFFE000  }
0x3c3: {  	[spmem:s3] =	stream.indirect.scatter.add.f32 [tilespmem:s2], [sflag:$0xC], $0x40, s25, s29, $0xb8;
	[tilespmem:$0x1E000] =	vst v63  }
0x3c4: {  	_ =	swait.ge [sflag:s8], $0x2000  }
0x3c5: {  	[sflag:s8] =	ssyncset.done $0x0  }
0x3c6: {  	s26 =	rddreg [dreg:$0xa];
	[sflag:s8] =	ssyncadd.s32 $0xFFFFE000  }
0x3c7: {  	[tilespmem:s22], [sflag:$0x1] =	stream.indirect.gather [hbm4b:s11+s29], $0x40, s26, s29, $0xb8;
	[tilespmem:$0x1E000] =	vst v63  }
0x3c8: {  	_ =	swait.ge [sflag:s9], $0x2000  }
0x3c9: {  	[sflag:s9] =	ssyncset.done $0x0  }
0x3ca: {  	s25 =	rddreg [dreg:$0xb];
	[sflag:s9] =	ssyncadd.s32 $0xFFFFE000  }
0x3cb: {  	[tilespmem:s23], [sflag:$0x2] =	stream.indirect.gather [hbm4b:s11+s29], $0x40, s25, s29, $0xb8;
	[tilespmem:$0x1E000] =	vst v63  }
0x3cc: {  	_ =	swait.ge [sflag:s16], $0x2000  }
0x3cd: {  	[sflag:s16] =	ssyncset.done $0x0  }
0x3ce: {  	s26 =	rddreg [dreg:$0xc];
	[sflag:s16] =	ssyncadd.s32 $0xFFFFE000  }
0x3cf: {  	[tilespmem:s30], [sflag:$0x3] =	stream.indirect.gather [hbm4b:s11+s29], $0x40, s26, s29, $0xb8;
	[tilespmem:$0x1E000] =	vst v63  }
0x3d0: {  	_ =	swait.ge [sflag:s21], $0x2000  }
0x3d1: {  	[sflag:s21] =	ssyncset.done $0x0  }
0x3d2: {  	s25 =	rddreg [dreg:$0xd];
	[sflag:s21] =	ssyncadd.s32 $0xFFFFE000  }
0x3d3: {  	[tilespmem:s31], [sflag:$0x4] =	stream.indirect.gather [hbm4b:s11+s29], $0x40, s25, s29, $0xb8;
	[tilespmem:$0x1E000] =	vst v63  }
0x3d4: {  	_ =	swait.ge [sflag:s10], $0x2000  }
0x3d5: {  	[sflag:s10] =	ssyncset.done $0x0  }
0x3d6: {  	s26 =	rddreg [dreg:$0xe];
	[sflag:s10] =	ssyncadd.s32 $0xFFFFE000  }
0x3d7: {  	[tilespmem:s17], [sflag:$0x5] =	stream.indirect.gather [hbm4b:s11+s29], $0x40, s26, s29, $0xb8;
	[tilespmem:$0x1E000] =	vst v63  }
0x3d8: {  	_ =	swait.ge [sflag:s13], $0x2000  }
0x3d9: {  	[sflag:s13] =	ssyncset.done $0x0  }
0x3da: {  	s25 =	rddreg [dreg:$0xf];
	[sflag:s13] =	ssyncadd.s32 $0xFFFFE000  }
0x3db: {  	[tilespmem:s2], [sflag:$0x6] =	stream.indirect.gather [hbm4b:s11+s29], $0x40, s25, s29, $0xb8;
	[tilespmem:$0x1E000] =	vst v63  }
0x3dc: {  	_ =	swait.ge [sflag:s0], $0x2000  }
0x3dd: {  	[sflag:s0] =	ssyncset.done $0x0  }
0x3de: {  	s26 =	simm.s32 $0xD700;
	[sflag:s0] =	ssyncadd.s32 $0xFFFFE000  }
0x3df: {  	[spmem:s3] =	stream.indirect.scatter.add.f32 [tilespmem:s22], [sflag:$0x7], $0x40, s26, s29, $0xb8;
	[tilespmem:$0x1E000] =	vst v63  }
0x3e0: {  	_ =	swait.ge [sflag:s1], $0x2000  }
0x3e1: {  	[sflag:s1] =	ssyncset.done $0x0  }
0x3e2: {  	s25 =	simm.s32 $0xD780;
	[sflag:s1] =	ssyncadd.s32 $0xFFFFE000  }
0x3e3: {  	[spmem:s3] =	stream.indirect.scatter.add.f32 [tilespmem:s23], [sflag:$0x8], $0x40, s25, s29, $0xb8;
	[tilespmem:$0x1E000] =	vst v63  }
0x3e4: {  	_ =	swait.ge [sflag:s6], $0x2000  }
0x3e5: {  	[sflag:s6] =	ssyncset.done $0x0  }
0x3e6: {  	s26 =	simm.s32 $0xD800;
	[sflag:s6] =	ssyncadd.s32 $0xFFFFE000  }
0x3e7: {  	[spmem:s3] =	stream.indirect.scatter.add.f32 [tilespmem:s30], [sflag:$0x9], $0x40, s26, s29, $0xb8;
	[tilespmem:$0x1E000] =	vst v63  }
0x3e8: {  	_ =	swait.ge [sflag:s15], $0x2000  }
0x3e9: {  	[sflag:s15] =	ssyncset.done $0x0  }
0x3ea: {  	s25 =	simm.s32 $0xD880;
	[sflag:s15] =	ssyncadd.s32 $0xFFFFE000  }
0x3eb: {  	[spmem:s3] =	stream.indirect.scatter.add.f32 [tilespmem:s31], [sflag:$0xA], $0x40, s25, s29, $0xb8;
	[tilespmem:$0x1E000] =	vst v63  }
0x3ec: {  	_ =	swait.ge [sflag:s19], $0x2000  }
0x3ed: {  	[sflag:s19] =	ssyncset.done $0x0  }
0x3ee: {  	s26 =	simm.s32 $0xD900;
	[sflag:s19] =	ssyncadd.s32 $0xFFFFE000  }
0x3ef: {  	[spmem:s3] =	stream.indirect.scatter.add.f32 [tilespmem:s17], [sflag:$0xB], $0x40, s26, s29, $0xb8;
	[tilespmem:$0x1E000] =	vst v63  }
0x3f0: {  	_ =	swait.ge [sflag:s5], $0x2000  }
0x3f1: {  	[sflag:s5] =	ssyncset.done $0x0  }
0x3f2: {  	s25 =	simm.s32 $0xD980;
	[sflag:s5] =	ssyncadd.s32 $0xFFFFE000  }
0x3f3: {  	[spmem:s3] =	stream.indirect.scatter.add.f32 [tilespmem:s2], [sflag:$0xC], $0x40, s25, s29, $0xb8;
	[tilespmem:$0x1E000] =	vst v63  }
0x3f4: {  	_ =	swait.ge [sflag:s8], $0x2000  }
0x3f5: {  	[sflag:s8] =	ssyncset.done $0x0  }
0x3f6: {  	[sflag:s8] =	ssyncadd.s32 $0xFFFFE000  }
0x3f7: {  	_ =	swait.ge [sflag:s9], $0x2000  }
0x3f8: {  	[sflag:s9] =	ssyncset.done $0x0  }
0x3f9: {  	[sflag:s9] =	ssyncadd.s32 $0xFFFFE000  }
0x3fa: {  	_ =	swait.ge [sflag:s16], $0x2000  }
0x3fb: {  	[sflag:s16] =	ssyncset.done $0x0  }
0x3fc: {  	[sflag:s16] =	ssyncadd.s32 $0xFFFFE000  }
0x3fd: {  	_ =	swait.ge [sflag:s21], $0x2000  }
0x3fe: {  	[sflag:s21] =	ssyncset.done $0x0  }
0x3ff: {  	[sflag:s21] =	ssyncadd.s32 $0xFFFFE000  }
0x400: {  	_ =	swait.ge [sflag:s10], $0x2000  }
0x401: {  	[sflag:s10] =	ssyncset.done $0x0  }
0x402: {  	[sflag:s10] =	ssyncadd.s32 $0xFFFFE000  }
0x403: {  	_ =	swait.ge [sflag:s13], $0x2000  }
0x404: {  	[sflag:s13] =	ssyncset.done $0x0  }
0x405: {  	s26 =	simm.s32 $0xE;
	[sflag:s13] =	ssyncadd.s32 $0xFFFFE000  }
0x406: {  	_ =	swait.ge [sflag:s26], $0x600  }
0x407: {  	[sflag:s26] =	ssyncset.done $0x0  }
0x408: {  	p1 =	seq.s32 s4, $0x900;
	[sflag:s26] =	ssyncadd.s32 $0xFFFFFA00  }
0x409: {  	s24 =	sadd.s32 @!p1 s4, s20;
	_ =	swait.ge [sflag:s18], $0x600  }
0x40a: {  	s4 =	sadd.s32 @!p1 s4, s14;
	s24 =	sadd.s32 @!p1 $0x180, s24;
	[sflag:s18] =	ssyncset.done $0x0  }
0x40b: {  	s25 =	simm.s32 @!p1 $0x0;
	s26 =	simm.s32 @!p1 $0xC800;
	[sflag:s18] =	ssyncadd.s32 $0xFFFFFA00  }
0x40c: {  	[tilespmem:s26], [sflag:$0xD] =	stream.linear.gather @!p1 [hbm4b:s24+s25], $0x600, $0x38;
	[tilespmem:$0x1E000] =	vst v63  }
0x40d: {  	s28 =	simm.s32 @!p1 $0xD400;
	s4 =	sadd.s32 @!p1 $0x180, s4  }
0x40e: {  	[tilespmem:s28], [sflag:$0xF] =	stream.linear.gather @!p1 [hbm4b:s4+s25], $0x600, $0x38;
	[tilespmem:$0x1E000] =	vst v63  }
0x40f: {  	s26 =	simm.s32 $0xCE00  }
0x410: {  	[tilespmem:s22], [sflag:$0x1] =	stream.indirect.gather [hbm4b:s11+s29], $0x40, s26, s29, $0xb8;
	[tilespmem:$0x1E000] =	vst v63  }
0x411: {  	s25 =	rddreg [dreg:$0x10]  }
0x412: {  	[tilespmem:s23], [sflag:$0x2] =	stream.indirect.gather [hbm4b:s11+s29], $0x40, s25, s29, $0xb8;
	[tilespmem:$0x1E000] =	vst v63  }
0x413: {  	s24 =	rddreg [dreg:$0x11]  }
0x414: {  	[tilespmem:s30], [sflag:$0x3] =	stream.indirect.gather [hbm4b:s11+s29], $0x40, s24, s29, $0xb8;
	[tilespmem:$0x1E000] =	vst v63  }
0x415: {  	s25 =	rddreg [dreg:$0x12]  }
0x416: {  	[tilespmem:s31], [sflag:$0x4] =	stream.indirect.gather [hbm4b:s11+s29], $0x40, s25, s29, $0xb8;
	[tilespmem:$0x1E000] =	vst v63  }
0x417: {  	s24 =	rddreg [dreg:$0x13]  }
0x418: {  	[tilespmem:s17], [sflag:$0x5] =	stream.indirect.gather [hbm4b:s11+s29], $0x40, s24, s29, $0xb8;
	[tilespmem:$0x1E000] =	vst v63  }
0x419: {  	s25 =	rddreg [dreg:$0x14]  }
0x41a: {  	[tilespmem:s2], [sflag:$0x6] =	stream.indirect.gather [hbm4b:s11+s29], $0x40, s25, s29, $0xb8;
	[tilespmem:$0x1E000] =	vst v63  }
0x41b: {  	_ =	swait.ge [sflag:s0], $0x2000  }
0x41c: {  	[sflag:s0] =	ssyncset.done $0x0  }
0x41d: {  	[sflag:s0] =	ssyncadd.s32 $0xFFFFE000  }
0x41e: {  	[spmem:s3] =	stream.indirect.scatter.add.f32 [tilespmem:s22], [sflag:$0x7], $0x40, s12, s29, $0xb8;
	[tilespmem:$0x1E000] =	vst v63  }
0x41f: {  	_ =	swait.ge [sflag:s1], $0x2000  }
0x420: {  	[sflag:s1] =	ssyncset.done $0x0  }
0x421: {  	s24 =	simm.s32 $0xDA80;
	[sflag:s1] =	ssyncadd.s32 $0xFFFFE000  }
0x422: {  	[spmem:s3] =	stream.indirect.scatter.add.f32 [tilespmem:s23], [sflag:$0x8], $0x40, s24, s29, $0xb8;
	[tilespmem:$0x1E000] =	vst v63  }
0x423: {  	_ =	swait.ge [sflag:s6], $0x2000  }
0x424: {  	[sflag:s6] =	ssyncset.done $0x0  }
0x425: {  	s25 =	simm.s32 $0xDB00;
	[sflag:s6] =	ssyncadd.s32 $0xFFFFE000  }
0x426: {  	[spmem:s3] =	stream.indirect.scatter.add.f32 [tilespmem:s30], [sflag:$0x9], $0x40, s25, s29, $0xb8;
	[tilespmem:$0x1E000] =	vst v63  }
0x427: {  	_ =	swait.ge [sflag:s15], $0x2000  }
0x428: {  	[sflag:s15] =	ssyncset.done $0x0  }
0x429: {  	s12 =	simm.s32 $0xDB80;
	[sflag:s15] =	ssyncadd.s32 $0xFFFFE000  }
0x42a: {  	[spmem:s3] =	stream.indirect.scatter.add.f32 [tilespmem:s31], [sflag:$0xA], $0x40, s12, s29, $0xb8;
	[tilespmem:$0x1E000] =	vst v63  }
0x42b: {  	_ =	swait.ge [sflag:s19], $0x2000  }
0x42c: {  	[sflag:s19] =	ssyncset.done $0x0  }
0x42d: {  	s24 =	simm.s32 $0xDC00;
	[sflag:s19] =	ssyncadd.s32 $0xFFFFE000  }
0x42e: {  	[spmem:s3] =	stream.indirect.scatter.add.f32 [tilespmem:s17], [sflag:$0xB], $0x40, s24, s29, $0xb8;
	[tilespmem:$0x1E000] =	vst v63  }
0x42f: {  	_ =	swait.ge [sflag:s5], $0x2000  }
0x430: {  	[sflag:s5] =	ssyncset.done $0x0  }
0x431: {  	s25 =	simm.s32 $0xDC80;
	[sflag:s5] =	ssyncadd.s32 $0xFFFFE000  }
0x432: {  	[spmem:s3] =	stream.indirect.scatter.add.f32 [tilespmem:s2], [sflag:$0xC], $0x40, s25, s29, $0xb8;
	[tilespmem:$0x1E000] =	vst v63  }
0x433: {  	_ =	swait.ge [sflag:s8], $0x2000  }
0x434: {  	[sflag:s8] =	ssyncset.done $0x0  }
0x435: {  	s12 =	rddreg [dreg:$0x15];
	[sflag:s8] =	ssyncadd.s32 $0xFFFFE000  }
0x436: {  	[tilespmem:s22], [sflag:$0x1] =	stream.indirect.gather [hbm4b:s11+s29], $0x40, s12, s29, $0xb8;
	[tilespmem:$0x1E000] =	vst v63  }
0x437: {  	_ =	swait.ge [sflag:s9], $0x2000  }
0x438: {  	[sflag:s9] =	ssyncset.done $0x0  }
0x439: {  	s24 =	rddreg [dreg:$0x16];
	[sflag:s9] =	ssyncadd.s32 $0xFFFFE000  }
0x43a: {  	[tilespmem:s23], [sflag:$0x2] =	stream.indirect.gather [hbm4b:s11+s29], $0x40, s24, s29, $0xb8;
	[tilespmem:$0x1E000] =	vst v63  }
0x43b: {  	_ =	swait.ge [sflag:s16], $0x2000  }
0x43c: {  	[sflag:s16] =	ssyncset.done $0x0  }
0x43d: {  	s25 =	rddreg [dreg:$0x17];
	[sflag:s16] =	ssyncadd.s32 $0xFFFFE000  }
0x43e: {  	[tilespmem:s30], [sflag:$0x3] =	stream.indirect.gather [hbm4b:s11+s29], $0x40, s25, s29, $0xb8;
	[tilespmem:$0x1E000] =	vst v63  }
0x43f: {  	_ =	swait.ge [sflag:s21], $0x2000  }
0x440: {  	[sflag:s21] =	ssyncset.done $0x0  }
0x441: {  	s12 =	rddreg [dreg:$0x18];
	[sflag:s21] =	ssyncadd.s32 $0xFFFFE000  }
0x442: {  	[tilespmem:s31], [sflag:$0x4] =	stream.indirect.gather [hbm4b:s11+s29], $0x40, s12, s29, $0xb8;
	[tilespmem:$0x1E000] =	vst v63  }
0x443: {  	_ =	swait.ge [sflag:s10], $0x2000  }
0x444: {  	[sflag:s10] =	ssyncset.done $0x0  }
0x445: {  	s24 =	rddreg [dreg:$0x19];
	[sflag:s10] =	ssyncadd.s32 $0xFFFFE000  }
0x446: {  	[tilespmem:s17], [sflag:$0x5] =	stream.indirect.gather [hbm4b:s11+s29], $0x40, s24, s29, $0xb8;
	[tilespmem:$0x1E000] =	vst v63  }
0x447: {  	_ =	swait.ge [sflag:s13], $0x2000  }
0x448: {  	[sflag:s13] =	ssyncset.done $0x0  }
0x449: {  	s25 =	rddreg [dreg:$0x1a];
	[sflag:s13] =	ssyncadd.s32 $0xFFFFE000  }
0x44a: {  	[tilespmem:s2], [sflag:$0x6] =	stream.indirect.gather [hbm4b:s11+s29], $0x40, s25, s29, $0xb8;
	[tilespmem:$0x1E000] =	vst v63  }
0x44b: {  	_ =	swait.ge [sflag:s0], $0x2000  }
0x44c: {  	[sflag:s0] =	ssyncset.done $0x0  }
0x44d: {  	s12 =	simm.s32 $0xDD00;
	[sflag:s0] =	ssyncadd.s32 $0xFFFFE000  }
0x44e: {  	[spmem:s3] =	stream.indirect.scatter.add.f32 [tilespmem:s22], [sflag:$0x7], $0x40, s12, s29, $0xb8;
	[tilespmem:$0x1E000] =	vst v63  }
0x44f: {  	_ =	swait.ge [sflag:s1], $0x2000  }
0x450: {  	[sflag:s1] =	ssyncset.done $0x0  }
0x451: {  	s24 =	simm.s32 $0xDD80;
	[sflag:s1] =	ssyncadd.s32 $0xFFFFE000  }
0x452: {  	[spmem:s3] =	stream.indirect.scatter.add.f32 [tilespmem:s23], [sflag:$0x8], $0x40, s24, s29, $0xb8;
	[tilespmem:$0x1E000] =	vst v63  }
0x453: {  	_ =	swait.ge [sflag:s6], $0x2000  }
0x454: {  	[sflag:s6] =	ssyncset.done $0x0  }
0x455: {  	s25 =	simm.s32 $0xDE00;
	[sflag:s6] =	ssyncadd.s32 $0xFFFFE000  }
0x456: {  	[spmem:s3] =	stream.indirect.scatter.add.f32 [tilespmem:s30], [sflag:$0x9], $0x40, s25, s29, $0xb8;
	[tilespmem:$0x1E000] =	vst v63  }
0x457: {  	_ =	swait.ge [sflag:s15], $0x2000  }
0x458: {  	[sflag:s15] =	ssyncset.done $0x0  }
0x459: {  	s12 =	simm.s32 $0xDE80;
	[sflag:s15] =	ssyncadd.s32 $0xFFFFE000  }
0x45a: {  	[spmem:s3] =	stream.indirect.scatter.add.f32 [tilespmem:s31], [sflag:$0xA], $0x40, s12, s29, $0xb8;
	[tilespmem:$0x1E000] =	vst v63  }
0x45b: {  	_ =	swait.ge [sflag:s19], $0x2000  }
0x45c: {  	[sflag:s19] =	ssyncset.done $0x0  }
0x45d: {  	s24 =	simm.s32 $0xDF00;
	[sflag:s19] =	ssyncadd.s32 $0xFFFFE000  }
0x45e: {  	[spmem:s3] =	stream.indirect.scatter.add.f32 [tilespmem:s17], [sflag:$0xB], $0x40, s24, s29, $0xb8;
	[tilespmem:$0x1E000] =	vst v63  }
0x45f: {  	_ =	swait.ge [sflag:s5], $0x2000  }
0x460: {  	[sflag:s5] =	ssyncset.done $0x0  }
0x461: {  	s25 =	simm.s32 $0xDF80;
	[sflag:s5] =	ssyncadd.s32 $0xFFFFE000  }
0x462: {  	[spmem:s3] =	stream.indirect.scatter.add.f32 [tilespmem:s2], [sflag:$0xC], $0x40, s25, s29, $0xb8;
	[tilespmem:$0x1E000] =	vst v63  }
0x463: {  	_ =	swait.ge [sflag:s8], $0x2000  }
0x464: {  	[sflag:s8] =	ssyncset.done $0x0  }
0x465: {  	[sflag:s8] =	ssyncadd.s32 $0xFFFFE000  }
0x466: {  	_ =	swait.ge [sflag:s9], $0x2000  }
0x467: {  	[sflag:s9] =	ssyncset.done $0x0  }
0x468: {  	[sflag:s9] =	ssyncadd.s32 $0xFFFFE000  }
0x469: {  	_ =	swait.ge [sflag:s16], $0x2000  }
0x46a: {  	[sflag:s16] =	ssyncset.done $0x0  }
0x46b: {  	[sflag:s16] =	ssyncadd.s32 $0xFFFFE000  }
0x46c: {  	s7 =	sadd.s32 $0x180, s7;
	_ =	swait.ge [sflag:s21], $0x2000  }
0x46d: {  	p0 =	sne.s32 s7, $0xA80;
	[sflag:s21] =	ssyncset.done $0x0  }
.Ltmp5:
0x46e: {  	[sflag:s21] =	ssyncadd.s32 $0xFFFFE000;
	(pc) =	sbr.rel @p0 .LBB2_13-.Ltmp5, $4  }
0x46f: {  	_ =	swait.ge [sflag:s10], $0x2000  }
0x470: {  	[sflag:s10] =	ssyncset.done $0x0  }
0x471: {  	[sflag:s10] =	ssyncadd.s32 $0xFFFFE000  }
0x472: {  	s28 =	simm.s32 $0x0;
	_ =	swait.ge [sflag:s13], $0x2000  }
0x473: {  	[sflag:s13] =	ssyncset.done $0x0;
	s22 =	simm.s32 $0x0  }
0x474: {  	s7 =	simm.s32 $0x0;
	s17 =	simm.s32 $0x11;
	[sflag:s13] =	ssyncadd.s32 $0xFFFFE000  }
0x475: {  	s23 =	smov.u32 s14;
	s12 =	simm.s32 $0x1DC00;
	[bflag:$0x0] =	sbarrier.arrive $0xFFFF  }
0x476: {  	s14 =	simm.s32 $0x1CC00;
	s18 =	simm.s32 $0x1BC00;
	s2 =	rddreg [dreg:$0x2]  }
.LBB2_15:
0x477: {  	s4 =	sshll.u32 s7, $0x6;
	s24 =	rddreg [dreg:$0x1d]  }
0x478: {  	s24 =	sadd.s32 s24, s4  }
0x479: {  	s25 =	sshll.u32 s24, $0x6  }
0x47a: {  	s25 =	sand.u32 $0x3FFFFFC0, s25  }
0x47b: {  	s26 =	sadd.s32 s25, s3  }
0x47c: {  	[tilespmem:s18], [sflag:$0x11] =	stream.linear.gather [spmem:s26], $0x1000, $0x38;
	[tilespmem:$0x1E000] =	vst v63  }
0x47d: {  	_ =	swait.ge [sflag:s17], $0x1000  }
0x47e: {  	s31 =	sld [smem:$0x7E7];
	_ =	sdelay $0x2  }
0x47f: {  	s4 =	sadd.s32 s31, s4  }
0x480: {  	[sflag:s17] =	ssyncset.done $0x0;
	s30 =	rddreg [dreg:$0x1b];
	s4 =	sshll.u32 s4, $0x3  }
0x481: {  	[sflag:s17] =	ssyncadd.s32 $0xFFFFF000;
	s25 =	sadd.s32 s30, s4  }
0x482: {  	[tilespmem:s14], [sflag:$0x11] =	stream.linear.gather [hbm4b:s25+s22], $0x1000, $0x38;
	[tilespmem:$0x1E000] =	vst v63  }
0x483: {  	s24 =	sshll.u32 s24, $0x4;
	_ =	swait.ge [sflag:s17], $0x1000  }
0x484: {  	s24 =	sand.u32 $0x3FFFFFF0, s24;
	[sflag:s17] =	ssyncset.done $0x0  }
0x485: {  	s31 =	sadd.s32 s24, s2;
	s24 =	simm.s32 $0x1DC00;
	[sflag:s17] =	ssyncadd.s32 $0xFFFFF000  }
0x486: {  	[tilespmem:s24], [sflag:$0x11] =	stream.linear.gather [spmem:s31], $0x400, $0x38;
	[tilespmem:$0x1E000] =	vst v63  }
0x487: {  	_ =	swait.ge [sflag:s17], $0x400  }
0x488: {  	[sflag:s17] =	ssyncset.done $0x0  }
0x489: {  	s28 =	simm.s32 $0x0;
	[sflag:s17] =	ssyncadd.s32 $0xFFFFFC00  }
0x48a: {  	v2 =	vld [tilespmem:s28+$0x1CC10]  }
0x48b: {  	v5 =	vld [tilespmem:s28+$0x1CC20]  }
0x48c: {  	v9 =	vld [tilespmem:s28+$0x1CC00]  }
0x48d: {  	v0 =	vld [tilespmem:s24+$0x0]  }
0x48e: {  	v1 =	vld [tilespmem:s28+$0x1CC30]  }
0x48f: {  	v3 =	vld [tilespmem:s28+$0x1BC20]  }
0x490: {  	v4 =	vld [tilespmem:s28+$0x1BC30]  }
0x491: {  	v7 =	vld [tilespmem:s28+$0x1BC00]  }
0x492: {  	v8 =	vld [tilespmem:s28+$0x1BC10];
	v2 =	vmul.f32 $1.000000010e-01, v2;
	v6 =	vmul.f32 $1.000000010e-01, v5  }
0x493: {  	s25 =	simm.s32 $0x100;
	v5 =	vmul.f32 $1.000000010e-01, v9;
	v9 =	vmul.f32 $8.999999760e-01, v0  }
.LBB2_16:
0x494: {  	p0 =	sne.s32 s25, $0x3F00  }
0x495: {  	v1 =	vmul.f32 $1.000000010e-01, v1;
	s24 =	sadd.s32 $0x10, s24;
	s2 =	smov.u32 s25;
	s25 =	sadd.s32 $0x100, s25  }
0x496: {  	v3 =	vmul.f32 v3, v9;
	v4 =	vmul.f32 v4, v9  }
0x497: {  	v7 =	vmul.f32 v9, v7;
	v8 =	vmul.f32 v8, v9  }
0x498: {  	v3 =	vadd.f32 v6, v3;
	v4 =	vadd.f32 v1, v4  }
0x499: {  	s2 =	sshra.s32 s2, $0x2;
	v5 =	vadd.f32 v5, v7;
	v2 =	vadd.f32 v2, v8  }
0x49a: {  	v1 =	vld [tilespmem:s2+$0x1CC30];
	v3 =	vmul.f32 v3, v0;
	v4 =	vmul.f32 v4, v0  }
0x49b: {  	v5 =	vmul.f32 v5, v0;
	v6 =	vld [tilespmem:s2+$0x1CC10];
	v0 =	vmul.f32 v2, v0  }
0x49c: {  	v9 =	vld [tilespmem:s2+$0x1CC20];
	[tilespmem:s28+$0x1BC20] =	vst v3  }
0x49d: {  	v3 =	vld [tilespmem:s2+$0x1BC20];
	[tilespmem:s28+$0x1BC00] =	vst v5  }
0x49e: {  	v5 =	vld [tilespmem:s2+$0x1CC00];
	[tilespmem:s28+$0x1BC30] =	vst v4  }
0x49f: {  	[tilespmem:s28+$0x1BC10] =	vst v0;
	s28 =	smov.u32 s2  }
0x4a0: {  	v0 =	vld [tilespmem:s24+$0x0];
	v2 =	vmul.f32 $1.000000010e-01, v6  }
.Ltmp6:
0x4a1: {  	v4 =	vld [tilespmem:s28+$0x1BC30];
	(pc) =	sbr.rel @p0 .LBB2_16-.Ltmp6, $4  }
0x4a2: {  	v7 =	vld [tilespmem:s28+$0x1BC00]  }
0x4a3: {  	v6 =	vmul.f32 $1.000000010e-01, v9;
	v8 =	vld [tilespmem:s28+$0x1BC10]  }
0x4a4: {  	v5 =	vmul.f32 $1.000000010e-01, v5  }
0x4a5: {  	v9 =	vmul.f32 $8.999999760e-01, v0  }
0x4a6: {  	_ = 	snop  }
0x4a7: {  	v3 =	vmul.f32 v3, v9  }
0x4a8: {  	v7 =	vmul.f32 v9, v7  }
0x4a9: {  	v1 =	vmul.f32 $1.000000010e-01, v1;
	v4 =	vmul.f32 v4, v9;
	v3 =	vadd.f32 v6, v3  }
0x4aa: {  	v61 =	vmul.f32 v8, v9;
	v5 =	vadd.f32 v5, v7  }
0x4ab: {  	v1 =	vadd.f32 v1, v4;
	v3 =	vmul.f32 v3, v0  }
0x4ac: {  	v2 =	vadd.f32 v2, v61;
	v62 =	vmul.f32 v5, v0  }
0x4ad: {  	v1 =	vmul.f32 v1, v0;
	[tilespmem:s28+$0x1BC20] =	vst v3  }
0x4ae: {  	v63 =	vmul.f32 v2, v0;
	[tilespmem:s28+$0x1BC00] =	vst v62  }
0x4af: {  	[tilespmem:s28+$0x1BC30] =	vst v1  }
0x4b0: {  	s2 =	sadd.s32 s11, s4;
	s17 =	simm.s32 $0x11;
	[tilespmem:s28+$0x1BC10] =	vst v63;
	s28 =	simm.s32 $0x0  }
0x4b1: {  	[hbm4b:s2+s28] =	stream.linear.scatter [tilespmem:s18], [sflag:$0x11], $0x1000, $0x38;
	[tilespmem:$0x1E000] =	vst v63  }
0x4b2: {  	_ =	swait.ge [sflag:s17], $0x1000  }
0x4b3: {  	s7 =	sadd.s32 $0x1, s7;
	[sflag:s17] =	ssyncset.done $0x0  }
0x4b4: {  	s31 =	simm.s32 $0x1A800;
	p0 =	sne.s32 s7, $0xA;
	[sflag:s17] =	ssyncadd.s32 $0xFFFFF000  }
0x4b5: {  	[spmem:s26] =	stream.linear.scatter [tilespmem:s31], [sflag:$0x11], $0x1000, $0x38;
	[tilespmem:$0x1E000] =	vst v63  }
.Ltmp7:
0x4b6: {  	_ = 	snop;
	(pc) =	sbr.rel @p0 .LBB2_15-.Ltmp7, $4  }
0x4b7: {  	_ =	swait.ge [sflag:s17], $0x1000  }
0x4b8: {  	[sflag:s17] =	ssyncset.done $0x0  }
0x4b9: {  	[sflag:s17] =	ssyncadd.s32 $0xFFFFF000  }
0x4ba: {  	s2 =	rddreg [dreg:$0x2]  }
0x4bb: {  	s2 =	sld [smem:$0x7E4];
	_ =	sdelay $0x2  }
0x4bc: {  	s2 =	sadd.s32 $0x1, s2  }
0x4bd: {  	p0 =	sne.s32 s2, $0xA  }
.Ltmp8:
0x4be: {  	_ = 	snop;
	(pc) =	sbr.rel @p0 .LBB2_12-.Ltmp8, $3  }
0x4bf: {  	_ =	sdelay $0x1  }
0x4c0: {  	[bflag:$0x0] =	sbarrier.arrive $0xFFFF  }
0x4c1: {  	s4 =	simm.s32 $0x0  }
0x4c2: {  	s7 =	simm.s32 $0x0;
	s25 =	simm.s32 $0x11  }
.LBB2_20:
0x4c3: {  	s24 =	sld [smem:$0x7E7];
	_ =	sdelay $0x1  }
0x4c4: {  	s2 =	sshll.u32 s7, $0x6  }
0x4c5: {  	s24 =	sadd.s32 s24, s2  }
0x4c6: {  	s26 =	sshll.u32 s24, $0x3  }
0x4c7: {  	s22 =	sadd.s32 s11, s26  }
0x4c8: {  	[tilespmem:s14], [sflag:$0x11] =	stream.linear.gather [hbm4b:s22+s4], $0x1000, $0x38;
	[tilespmem:$0x1E000] =	vst v63  }
0x4c9: {  	s18 =	rddreg [dreg:$0x1d];
	_ =	swait.ge [sflag:s25], $0x1000  }
0x4ca: {  	s2 =	sadd.s32 s18, s2;
	[sflag:s25] =	ssyncset.done $0x0  }
0x4cb: {  	s2 =	sshll.u32 s2, $0x4;
	[sflag:s25] =	ssyncadd.s32 $0xFFFFF000  }
0x4cc: {  	s2 =	sand.u32 $0x3FFFFFF0, s2;
	s30 =	rddreg [dreg:$0x2]  }
0x4cd: {  	s2 =	sadd.s32 s2, s30  }
0x4ce: {  	[tilespmem:s12], [sflag:$0x11] =	stream.linear.gather [spmem:s2], $0x400, $0x38;
	[tilespmem:$0x1E000] =	vst v63  }
0x4cf: {  	_ =	swait.ge [sflag:s25], $0x400  }
0x4d0: {  	[sflag:s25] =	ssyncset.done $0x0  }
0x4d1: {  	s31 =	simm.s32 $0x0;
	[sflag:s25] =	ssyncadd.s32 $0xFFFFFC00  }
0x4d2: {  	v0 =	vld [tilespmem:s31+$0x1DC00];
	_ =	sdelay $0x4  }
0x4d3: {  	(erf) = vrcp.f32 v0;
	_ =	sdelay $0x3  }
0x4d4: {  	s24 =	simm.s32 $0x1CC20  }
0x4d5: {  	v62 =	vld [tilespmem:s24+$0xFFFFFFE0]  }
0x4d6: {  	v1 =	vld [tilespmem:s24+$0xFFFFFFF0]  }
0x4d7: {  	v2 =	vld [tilespmem:s24+$0x0]  }
0x4d8: {  	v3 =	vld [tilespmem:s24+$0x10]  }
0x4d9: {  	v4 =	vpop (erf)  }
0x4da: {  	v0 =	vmul.f32 v4, v62  }
0x4db: {  	v1 =	vmul.f32 v1, v4  }
0x4dc: {  	v2 =	vmul.f32 v2, v4;
	[tilespmem:s24+$0xFFFFFFE0] =	vst v0  }
0x4dd: {  	v63 =	vmul.f32 v3, v4;
	[tilespmem:s24+$0xFFFFFFF0] =	vst v1  }
0x4de: {  	[tilespmem:s24+$0x0] =	vst v2  }
0x4df: {  	s28 =	simm.s32 $0x10;
	s25 =	simm.s32 $0x80;
	[tilespmem:s24+$0x10] =	vst v63  }
.LBB2_21:
0x4e0: {  	p0 =	sne.s32 s25, $0xFC0;
	v0 =	vld [tilespmem:s28+$0x1DC00];
	_ =	sdelay $0x4  }
0x4e1: {  	(erf) = vrcp.f32 v0;
	_ =	sdelay $0x1  }
0x4e2: {  	s24 =	sadd.s32 $0x40, s24  }
0x4e3: {  	v0 =	vld [tilespmem:s24+$0xFFFFFFF0]  }
0x4e4: {  	v1 =	vld [tilespmem:s24+$0x10]  }
0x4e5: {  	v2 =	vld [tilespmem:s24+$0xFFFFFFE0]  }
0x4e6: {  	v3 =	vld [tilespmem:s24+$0x0];
	_ =	sdelay $0x2  }
0x4e7: {  	v4 =	vpop (erf)  }
0x4e8: {  	v2 =	vmul.f32 v4, v2;
	v0 =	vmul.f32 v0, v4  }
.Ltmp9:
0x4e9: {  	v1 =	vmul.f32 v1, v4;
	v3 =	vmul.f32 v3, v4;
	(pc) =	sbr.rel @p0 .LBB2_21-.Ltmp9, $4  }
0x4ea: {  	[tilespmem:s24+$0xFFFFFFE0] =	vst v2  }
0x4eb: {  	[tilespmem:s24+$0xFFFFFFF0] =	vst v0  }
0x4ec: {  	[tilespmem:s24+$0x0] =	vst v3  }
0x4ed: {  	s28 =	sshra.s32 s25, $0x2;
	s25 =	sadd.s32 $0x40, s25;
	[tilespmem:s24+$0x10] =	vst v1  }
0x4ee: {  	v0 =	vld [tilespmem:s28+$0x1DC00];
	_ =	sdelay $0x4  }
0x4ef: {  	(erf) = vrcp.f32 v0;
	_ =	sdelay $0x3  }
0x4f0: {  	s2 =	sadd.s32 $0x40, s24  }
0x4f1: {  	v62 =	vld [tilespmem:s2+$0xFFFFFFE0]  }
0x4f2: {  	v1 =	vld [tilespmem:s2+$0xFFFFFFF0]  }
0x4f3: {  	v2 =	vld [tilespmem:s2+$0x0]  }
0x4f4: {  	v3 =	vld [tilespmem:s2+$0x10]  }
0x4f5: {  	v4 =	vpop (erf)  }
0x4f6: {  	v0 =	vmul.f32 v4, v62  }
0x4f7: {  	v1 =	vmul.f32 v1, v4  }
0x4f8: {  	s31 =	sld [smem:$0x7E6];
	v2 =	vmul.f32 v2, v4;
	[tilespmem:s2+$0xFFFFFFE0] =	vst v0  }
0x4f9: {  	s7 =	sadd.s32 $0x1, s7;
	v63 =	vmul.f32 v3, v4;
	[tilespmem:s2+$0xFFFFFFF0] =	vst v1  }
0x4fa: {  	s25 =	simm.s32 $0x11;
	p0 =	sne.s32 s7, $0xA;
	[tilespmem:s2+$0x0] =	vst v2  }
.Ltmp10:
0x4fb: {  	[tilespmem:s2+$0x10] =	vst v63;
	s2 =	sadd.s32 s31, s26;
	s26 =	simm.s32 $0x0;
	(pc) =	sbr.rel @p0 .LBB2_20-.Ltmp10, $4  }
0x4fc: {  	[hbm4b:s2+s26] =	stream.linear.scatter [tilespmem:s14], [sflag:$0x11], $0x1000, $0x38;
	[tilespmem:$0x1E000] =	vst v63  }
0x4fd: {  	_ =	swait.ge [sflag:s25], $0x1000  }
0x4fe: {  	[sflag:s25] =	ssyncset.done $0x0  }
0x4ff: {  	[sflag:s25] =	ssyncadd.s32 $0xFFFFF000  }
0x500: {  	s4 =	sld [smem:$0x7E5]  }
0x501: {  	s2 =	sld [smem:$0x7E9];
	_ =	sdelay $0x1  }
0x502: {  	s4 =	sadd.s32 $0x1, s4  }
0x503: {  	p0 =	sne.s32 s4, s2  }
.Ltmp11:
0x504: {  	_ = 	snop;
	(pc) =	sbr.rel @p0 .LBB2_1-.Ltmp11, $3  }
0x505: {  	_ =	sdelay $0x1  }
0x506: {  	s22 =	rddreg [dreg:$0x2]  }
0x507: {  	s24 =	sld [smem:$0x7FD];
	s28 =	simm.s32 $0x1A000  }
0x508: {  	_ =	sfence.sel $0x180000  }
0x509: {  	[bflag:$0x0] =	sbarrier.arrive $0xFFFF  }
0x50a: {  	_ =	strace $0x90000047  }
0x50b: {  	s0 =	stileid.u32;
	[bflag:$0x2] =	sbarrier.arrive $0xFFFF  }
0x50c: {  	p0 =	sne.s32 s0, $0x0;
	s0 =	rddreg [dreg:$0x4]  }
0x50d: {  	s0 =	sadd.s32 @!p0 $0x100000, s0  }
0x50e: {  	[sflag:s0] =	ssyncadd.tile.s32 @!p0 $0x1;
	_ =	shalt  }
.Lfunc_end2:
_tile_overlayer_lowered:
.L_overlay_start_2:
0x50f: {  	(tag) =	ssettag $0x2  }
0x510: {  	s0 =	rddreg [dreg:$0x0];
	s2 =	stileid.u32  }
0x511: {  	s1 =	rddreg [dreg:$0x1];
	p0 =	sne.s32 s2, $0x0  }
0x512: {  	s3 =	rddreg [dreg:$0x2];
	[bflag:$0x3] =	sbarrier.arrive $0xFFFF;
	s2 =	simm.s32 @!p0 $0x1C11  }
0x513: {  	[timem:s3], [sflag:s2] =	dma.local @!p0 [hbm:s0], s1  }
0x514: {  	s0 =	simm.s32 @!p0 $0x11  }
0x515: {  	_ =	swait.ge @!p0 [sflag:s0], s1  }
0x516: {  	s1 =	ssub.s32 @!p0 $0x0, s1;
	[sflag:s0] =	ssyncset.done @!p0 $0x0  }
0x517: {  	[sflag:s0] =	ssyncadd.s32 @!p0 s1  }
0x518: {  	[bflag:$0x3] =	sbarrier.arrive $0xFFFF  }
0x519: {  	_ =	shalt  }

</sc_bundles>
